<compile_context>
chip_gen: v7x
topology: tpu7x:2x2x1
jax: 0.10.2.dev20260603
libtpu: 0.0.44.dev20260713+nightly
codegen_flags: <defaults>
</compile_context>

<pallas_src>
import jax
import jax.numpy as jnp
from jax import lax
from jax.experimental import pallas as pl
from jax.experimental.pallas import tpu as pltpu, tpu_sc as plsc

V = 100000
F = 26
D = 16
B = 4096
G = 25
NPAIR = G * (G - 1) // 2
IW = 32

NC, NS = 2, 16
NW = NC * NS
B_PER_W = B // NW


def _ffm_body(idx_hbm, vals_hbm, emb_hbm, fw_hbm, out_hbm,
              idx_v, vals_v, rows_v, fo_v, out_v, pair_s, vs_s, sem0, sem1):
    wid = lax.axis_index("s") * NC + lax.axis_index("c")
    base = wid * B_PER_W
    lane = lax.broadcasted_iota(jnp.int32, (D,), 0)

    pltpu.sync_copy(idx_hbm.at[pl.ds(base, B_PER_W), pl.ds(0, IW)], idx_v)
    pltpu.sync_copy(vals_hbm.at[pl.ds(base, B_PER_W), pl.ds(0, IW)], vals_v)

    def pt_outer(i, p):
        def pt_inner(j, p):
            pair_s[p] = i * IW + j
            return p + 1

        return lax.fori_loop(i + 1, G, pt_inner, p)

    lax.fori_loop(0, G, pt_outer, 0)

    def fire(b, bk, sem):
        idx_row = idx_v.at[b]
        for i in range(G):
            pltpu.async_copy(emb_hbm.at[i].at[idx_row], rows_v.at[bk, i], sem)
        pltpu.async_copy(fw_hbm.at[idx_row], fo_v.at[bk], sem)

    def drain(bk, sem):
        idx_row = idx_v.at[0]
        for i in range(G):
            pltpu.make_async_copy(
                emb_hbm.at[i].at[idx_row], rows_v.at[bk, i], sem
            ).wait()
        pltpu.make_async_copy(fw_hbm.at[idx_row], fo_v.at[bk], sem).wait()

    def compute(b, bk, res):
        v0 = vals_v[b, pl.ds(0, D)]
        v1 = vals_v[b, pl.ds(D, D)]
        for f in range(F):
            vs_s[f] = (v0 if f < D else v1)[f % D]
        facc = fo_v[bk, pl.ds(0, D)] * v0 + fo_v[bk, pl.ds(D, D)] * v1

        def pk(k, accs):
            out = []
            for u in range(4):
                pa = pair_s[4 * k + u]
                iu = pa // IW
                ju = pa % IW
                out.append(accs[u] + (rows_v[bk, iu, ju, :]
                                      * rows_v[bk, ju, iu, :]
                                      * (vs_s[iu] * vs_s[ju])))
            return tuple(out)

        z = jnp.zeros((D,), jnp.float32)
        acc0, acc1, acc2, acc3 = lax.fori_loop(
            0, NPAIR // 4, pk, (facc, z, z, z))
        acc = (acc0 + acc1) + (acc2 + acc3)
        for sh in (8, 4, 2, 1):
            acc = acc + acc.at[lane ^ sh].get(mode="promise_in_bounds")
        return jnp.where(lane == (b & (D - 1)), acc, res)

    fire(0, 0, sem0)

    def step(m, res):
        b0 = 2 * m
        fire(b0 + 1, 1, sem1)
        drain(0, sem0)
        res = compute(b0, 0, res)

        @pl.when(m < B_PER_W // 2 - 1)
        def _():
            fire(b0 + 2, 0, sem0)

        drain(1, sem1)
        res = compute(b0 + 1, 1, res)

        @pl.when((b0 + 1) & (D - 1) == D - 1)
        def _():
            out_v[pl.ds(b0 + 1 - (D - 1), D)] = res

        return jnp.where((b0 + 1) & (D - 1) == D - 1,
                         jnp.zeros((D,), jnp.float32), res)

    lax.fori_loop(0, B_PER_W // 2, step, jnp.zeros((D,), jnp.float32))

    def sig(k, _):
        x = out_v[pl.ds(k * D, D)]
        out_v[pl.ds(k * D, D)] = 1.0 / (1.0 + jnp.exp(-x))
        return 0

    lax.fori_loop(0, B_PER_W // D, sig, 0)
    pltpu.sync_copy(out_v, out_hbm.at[pl.ds(base, B_PER_W)])


@jax.jit
def _ffm_call(idx32, vals32, emb_tables, fw_flat):
    mesh = plsc.VectorSubcoreMesh(core_axis_name="c", subcore_axis_name="s")
    return pl.kernel(
        _ffm_body,
        out_type=jax.ShapeDtypeStruct((B,), jnp.float32),
        mesh=mesh,
        compiler_params=pltpu.CompilerParams(use_tc_tiling_on_sc=False),
        scratch_types=[
            pltpu.VMEM((B_PER_W, IW), jnp.int32),
            pltpu.VMEM((B_PER_W, IW), jnp.float32),
            pltpu.VMEM((2, G, IW, D), jnp.float32),
            pltpu.VMEM((2, IW), jnp.float32),
            pltpu.VMEM((B_PER_W,), jnp.float32),
            pltpu.SMEM((NPAIR,), jnp.int32),
            pltpu.SMEM((IW,), jnp.float32),
            pltpu.SemaphoreType.DMA,
            pltpu.SemaphoreType.DMA,
        ],
    )(idx32, vals32, emb_tables, fw_flat)


def kernel(idxs, vals, emb_tables, first_w):
    idx32 = jnp.pad(idxs, ((0, 0), (0, 128 - F)))
    vals32 = jnp.pad(vals, ((0, 0), (0, 128 - F)))
    return _ffm_call(idx32, vals32, emb_tables, first_w.reshape(V))

# --- scband reference (transcript-rebuilt; emitter-appended) ---
"""Pipeline reference for scband-ffm-73169062855073 (READ-ONLY COPY).

The authoritative reference and input builder live on the scoring server;
editing this copy changes nothing except your own understanding.
"""

import jax, jax.numpy as jnp
import numpy as np

FEATURE_SIZE = 100000
FIELD_SIZE = 26
EMBED_DIM = 16
BATCH = 4096


def setup_inputs(seed: int = 0) -> dict:
    key = jax.random.key(seed)
    k1, k2, k3, k4 = jax.random.split(key, 4)
    idxs = jax.random.randint(k1, (BATCH, FIELD_SIZE), 0, FEATURE_SIZE, dtype=jnp.int64 if jax.config.jax_enable_x64 else jnp.int32).astype(jnp.int32)
    vals = jax.random.uniform(k2, (BATCH, FIELD_SIZE), dtype=jnp.float32)
    # learned params: one embedding table per field (stacked), plus first-order weights
    emb_tables = jax.random.normal(k3, (FIELD_SIZE, FEATURE_SIZE, EMBED_DIM), dtype=jnp.float32) * 0.01
    first_w = jax.random.normal(k4, (FEATURE_SIZE, 1), dtype=jnp.float32) * 0.01
    return {"idxs": idxs, "vals": vals, "emb_tables": emb_tables, "first_w": first_w}


def reference(idxs, vals, emb_tables, first_w):
    # first order: Embedding(feature_size, 1) lookup -> [B, F, 1]
    fo = jnp.take(first_w, idxs, axis=0)  # [B, F, 1]
    fo = fo * vals[..., None]             # [B, F, 1]
    fm_first_order = jnp.sum(fo[..., 0], axis=1)  # [B]
    # field-aware second-order embeddings: one full lookup per field table
    embs = []
    for i in range(FIELD_SIZE):
        e = jnp.take(emb_tables[i], idxs, axis=0) * vals[..., None]  # [B, F, D]
        embs.append(e)
    terms = []
    for i in range(FIELD_SIZE - 1):
        for j in range(i + 1, FIELD_SIZE - 1):  # faithful to original loop bounds
            terms.append(embs[i][:, j] * embs[j][:, i])  # [B, D]
    second = jnp.concatenate(terms, axis=1)  # [B, D * n_pairs]
    fm_second_order = jnp.sum(second, axis=1)  # [B]
    return jax.nn.sigmoid(fm_first_order + fm_second_order)

if __name__ == "__main__":
    import jax
    _d = setup_inputs()
    print(jax.jit(kernel)(*tuple(_d.values())))

</pallas_src>

<mosaic_0001>
#map = affine_map<(d0, d1) -> (0, 0)>
#map1 = affine_map<(d0, d1) -> (0, 0, 0)>
#map2 = affine_map<(d0, d1) -> (0)>
module attributes {stable_mosaic.version = 14 : i64} {
  func.func @_ffm_body(%arg0: i32, %arg1: i32, %arg2: memref<4096x128xi32, #tpu.memory_space<hbm>>, %arg3: memref<4096x128xf32, #tpu.memory_space<hbm>>, %arg4: memref<26x100000x16xf32, #tpu.memory_space<hbm>>, %arg5: memref<100000xf32, #tpu.memory_space<hbm>>, %arg6: memref<4096xf32, #tpu.memory_space<hbm>>, %arg7: memref<128x32xi32, #tpu.memory_space<vmem>>, %arg8: memref<128x32xf32, #tpu.memory_space<vmem>>, %arg9: memref<2x25x32x16xf32, #tpu.memory_space<vmem>>, %arg10: memref<2x32xf32, #tpu.memory_space<vmem>>, %arg11: memref<128xf32, #tpu.memory_space<vmem>>, %arg12: memref<300xi32, #tpu.memory_space<smem>>, %arg13: memref<32xf32, #tpu.memory_space<smem>>, %arg14: memref<!tpu.dma_semaphore, #tpu.memory_space<semaphore_mem>>, %arg15: memref<!tpu.dma_semaphore, #tpu.memory_space<semaphore_mem>>) attributes {dimension_semantics = [#tpu.dimension_semantics<core_parallel>, #tpu.dimension_semantics<subcore_parallel>], iteration_bounds = array<i64: 2, 16>, scalar_prefetch = 0 : i64, scratch_operands = 9 : i64, tpu.core_type = #tpu.core_type<sc_vector_subcore>, window_params = [{transform_indices = #map}, {transform_indices = #map}, {transform_indices = #map1}, {transform_indices = #map2}, {transform_indices = #map2}]} {
    %mul3A = arith.constant 2 : i32
    %mul3A_0 = arith.muli %arg1, %mul3A : i32
    %add3A = arith.addi %mul3A_0, %arg0 : i32
    %mul3A_1 = arith.constant 128 : i32
    %mul3A_2 = arith.muli %add3A, %mul3A_1 : i32
    %iota3A = tpu.iota {dimensions = array<i32: 0>} : vector<16xi32>
    "tpu.region"() ({
      %run_scoped3A = tpu.sem_alloc : memref<!tpu.dma_semaphore, #tpu.memory_space<semaphore_mem>>
      %dma_start3A_482 = arith.constant 0 : i32
      %dma_start3A_483 = tpu.memref_slice %arg2[%mul3A_2, %dma_start3A_482] : memref<4096x128xi32, #tpu.memory_space<hbm>> -> memref<128x32xi32, #tpu.memory_space<hbm>>
      %dma_start3A_484 = arith.constant 0 : i32
      %dma_start3A_485 = tpu.memref_slice %arg2[%mul3A_2, %dma_start3A_484] : memref<4096x128xi32, #tpu.memory_space<hbm>> -> memref<128x32xi32, #tpu.memory_space<hbm>>
      tpu.enqueue_dma source(%dma_start3A_485 : memref<128x32xi32, #tpu.memory_space<hbm>>) target(%arg7 : memref<128x32xi32, #tpu.memory_space<vmem>>) target_semaphore(%run_scoped3A : memref<!tpu.dma_semaphore, #tpu.memory_space<semaphore_mem>>)
      %dma_wait3A = arith.constant 0 : i32
      %dma_wait3A_486 = tpu.memref_slice %arg2[%mul3A_2, %dma_wait3A] : memref<4096x128xi32, #tpu.memory_space<hbm>> -> memref<128x32xi32, #tpu.memory_space<hbm>>
      %dma_wait3A_487 = arith.constant 0 : i32
      %dma_wait3A_488 = tpu.memref_slice %arg2[%mul3A_2, %dma_wait3A_487] : memref<4096x128xi32, #tpu.memory_space<hbm>> -> memref<128x32xi32, #tpu.memory_space<hbm>>
      tpu.wait_dma2 semaphore(%run_scoped3A : memref<!tpu.dma_semaphore, #tpu.memory_space<semaphore_mem>>) src(%dma_wait3A_488 : memref<128x32xi32, #tpu.memory_space<hbm>>) dst(%arg7 : memref<128x32xi32, #tpu.memory_space<vmem>>)
      tpu.yield
    }) : () -> ()
    "tpu.region"() ({
      %run_scoped3A = tpu.sem_alloc : memref<!tpu.dma_semaphore, #tpu.memory_space<semaphore_mem>>
      %dma_start3A_482 = arith.constant 0 : i32
      %dma_start3A_483 = tpu.memref_slice %arg3[%mul3A_2, %dma_start3A_482] : memref<4096x128xf32, #tpu.memory_space<hbm>> -> memref<128x32xf32, #tpu.memory_space<hbm>>
      %dma_start3A_484 = arith.constant 0 : i32
      %dma_start3A_485 = tpu.memref_slice %arg3[%mul3A_2, %dma_start3A_484] : memref<4096x128xf32, #tpu.memory_space<hbm>> -> memref<128x32xf32, #tpu.memory_space<hbm>>
      tpu.enqueue_dma source(%dma_start3A_485 : memref<128x32xf32, #tpu.memory_space<hbm>>) target(%arg8 : memref<128x32xf32, #tpu.memory_space<vmem>>) target_semaphore(%run_scoped3A : memref<!tpu.dma_semaphore, #tpu.memory_space<semaphore_mem>>)
      %dma_wait3A = arith.constant 0 : i32
      %dma_wait3A_486 = tpu.memref_slice %arg3[%mul3A_2, %dma_wait3A] : memref<4096x128xf32, #tpu.memory_space<hbm>> -> memref<128x32xf32, #tpu.memory_space<hbm>>
      %dma_wait3A_487 = arith.constant 0 : i32
      %dma_wait3A_488 = tpu.memref_slice %arg3[%mul3A_2, %dma_wait3A_487] : memref<4096x128xf32, #tpu.memory_space<hbm>> -> memref<128x32xf32, #tpu.memory_space<hbm>>
      tpu.wait_dma2 semaphore(%run_scoped3A : memref<!tpu.dma_semaphore, #tpu.memory_space<semaphore_mem>>) src(%dma_wait3A_488 : memref<128x32xf32, #tpu.memory_space<hbm>>) dst(%arg8 : memref<128x32xf32, #tpu.memory_space<vmem>>)
      tpu.yield
    }) : () -> ()
    %scan3A = arith.constant 0 : i32
    %scan3A_3 = arith.constant 0 : i32
    %scan3A_4 = arith.constant 25 : i32
    %scan3A_5 = arith.addi %scan3A_3, %scan3A_4 : i32
    %scan3A_6 = arith.constant 1 : i32
    %scan3A_7 = scf.for %scan3A_482 = %scan3A_3 to %scan3A_5 step %scan3A_6 iter_args(%scan3A_483 = %scan3A) -> (i32)  : i32 {
      %add3A_484 = arith.constant 1 : i32
      %add3A_485 = arith.addi %scan3A_482, %add3A_484 : i32
      %while3A = arith.constant 25 : i32
      %while3A_486 = arith.subi %while3A, %add3A_485 : i32
      %while3A_487 = arith.addi %add3A_485, %while3A_486 : i32
      %while3A_488 = arith.constant 1 : i32
      %while3A_489 = arith.divsi %while3A_486, %while3A_488 : i32
      %while3A_490 = arith.muli %while3A_489, %while3A_488 : i32
      %while3A_491 = arith.addi %add3A_485, %while3A_490 : i32
      %while3A_492 = arith.constant 1 : i32
      %while3A_493 = scf.for %while3A_496 = %add3A_485 to %while3A_491 step %while3A_492 iter_args(%while3A_497 = %scan3A_483) -> (i32)  : i32 {
        %mul3A_498 = arith.constant 32 : i32
        %mul3A_499 = arith.muli %scan3A_482, %mul3A_498 : i32
        %add3A_500 = arith.addi %mul3A_499, %while3A_496 : i32
        %swap3A = arith.index_cast %while3A_497 : i32 to index
        %swap3A_501 = memref.load %arg12[%swap3A] : memref<300xi32, #tpu.memory_space<smem>>
        memref.store %add3A_500, %arg12[%swap3A] : memref<300xi32, #tpu.memory_space<smem>>
        %add3A_502 = arith.constant 1 : i32
        %add3A_503 = arith.addi %while3A_497, %add3A_502 : i32
        scf.yield %add3A_503 : i32
      }
      %while3A_494 = arith.constant 1 : i32
      %while3A_495 = scf.for %while3A_496 = %while3A_491 to %while3A_487 step %while3A_494 iter_args(%while3A_497 = %while3A_493) -> (i32)  : i32 {
        %mul3A_498 = arith.constant 32 : i32
        %mul3A_499 = arith.muli %scan3A_482, %mul3A_498 : i32
        %add3A_500 = arith.addi %mul3A_499, %while3A_496 : i32
        %swap3A = arith.index_cast %while3A_497 : i32 to index
        %swap3A_501 = memref.load %arg12[%swap3A] : memref<300xi32, #tpu.memory_space<smem>>
        memref.store %add3A_500, %arg12[%swap3A] : memref<300xi32, #tpu.memory_space<smem>>
        %add3A_502 = arith.constant 1 : i32
        %add3A_503 = arith.addi %while3A_497, %add3A_502 : i32
        scf.yield %add3A_503 : i32
      }
      scf.yield %while3A_495 : i32
    }
    %scan3A_8 = arith.constant 25 : i32
    %dma_start3A = arith.constant 0 : i32
    %dma_start3A_9 = arith.constant 0 : i32
    %dma_start3A_10 = arith.constant 0 : i32
    %dma_start3A_11 = arith.constant 0 : i32
    %dma_start3A_12 = arith.constant 0 : i32
    %dma_start3A_13 = arith.constant 0 : i32
    %dma_start3A_14 = tpu.memref_slice %arg9[%dma_start3A_10, %dma_start3A_11, %dma_start3A_12, %dma_start3A_13] : memref<2x25x32x16xf32, #tpu.memory_space<vmem>> -> memref<1x1x32x16xf32, #tpu.memory_space<vmem>>
    %dma_start3A_15 = tpu.memref_squeeze %dma_start3A_14 : memref<1x1x32x16xf32, #tpu.memory_space<vmem>> -> memref<32x16xf32, #tpu.memory_space<vmem>>
    %dma_start3A_16 = arith.constant 0 : i32
    %dma_start3A_17 = tpu.memref_slice %arg7[%dma_start3A_9, %dma_start3A_16] : memref<128x32xi32, #tpu.memory_space<vmem>> -> memref<1x32xi32, #tpu.memory_space<vmem>>
    %dma_start3A_18 = tpu.memref_squeeze %dma_start3A_17 : memref<1x32xi32, #tpu.memory_space<vmem>> -> memref<32xi32, #tpu.memory_space<vmem>>
    %dma_start3A_19 = arith.constant 0 : i32
    %dma_start3A_20 = arith.constant 0 : i32
    %dma_start3A_21 = tpu.memref_slice %arg4[%dma_start3A, %dma_start3A_19, %dma_start3A_20] : memref<26x100000x16xf32, #tpu.memory_space<hbm>> -> memref<1x100000x16xf32, #tpu.memory_space<hbm>>
    %dma_start3A_22 = tpu.memref_squeeze %dma_start3A_21 : memref<1x100000x16xf32, #tpu.memory_space<hbm>> -> memref<100000x16xf32, #tpu.memory_space<hbm>>
    %dma_start3A_23 = arith.constant 0 : i32
    %dma_start3A_24 = arith.constant 0 : i32
    %dma_start3A_25 = tpu.memref_slice %dma_start3A_22[%dma_start3A_23, %dma_start3A_24] : memref<100000x16xf32, #tpu.memory_space<hbm>> -> memref<100000x16xf32, #tpu.memory_space<hbm>>
    tpu.enqueue_indirect_dma source(%dma_start3A_25 : memref<100000x16xf32, #tpu.memory_space<hbm>>) target(%dma_start3A_15 : memref<32x16xf32, #tpu.memory_space<vmem>>) offsets(%dma_start3A_18 : memref<32xi32, #tpu.memory_space<vmem>>) semaphore(%arg14 : memref<!tpu.dma_semaphore, #tpu.memory_space<semaphore_mem>>)
    %dma_start3A_26 = arith.constant 1 : i32
    %dma_start3A_27 = arith.constant 0 : i32
    %dma_start3A_28 = arith.constant 0 : i32
    %dma_start3A_29 = arith.constant 1 : i32
    %dma_start3A_30 = arith.constant 0 : i32
    %dma_start3A_31 = arith.constant 0 : i32
    %dma_start3A_32 = tpu.memref_slice %arg9[%dma_start3A_28, %dma_start3A_29, %dma_start3A_30, %dma_start3A_31] : memref<2x25x32x16xf32, #tpu.memory_space<vmem>> -> memref<1x1x32x16xf32, #tpu.memory_space<vmem>>
    %dma_start3A_33 = tpu.memref_squeeze %dma_start3A_32 : memref<1x1x32x16xf32, #tpu.memory_space<vmem>> -> memref<32x16xf32, #tpu.memory_space<vmem>>
    %dma_start3A_34 = arith.constant 0 : i32
    %dma_start3A_35 = tpu.memref_slice %arg7[%dma_start3A_27, %dma_start3A_34] : memref<128x32xi32, #tpu.memory_space<vmem>> -> memref<1x32xi32, #tpu.memory_space<vmem>>
    %dma_start3A_36 = tpu.memref_squeeze %dma_start3A_35 : memref<1x32xi32, #tpu.memory_space<vmem>> -> memref<32xi32, #tpu.memory_space<vmem>>
    %dma_start3A_37 = arith.constant 0 : i32
    %dma_start3A_38 = arith.constant 0 : i32
    %dma_start3A_39 = tpu.memref_slice %arg4[%dma_start3A_26, %dma_start3A_37, %dma_start3A_38] : memref<26x100000x16xf32, #tpu.memory_space<hbm>> -> memref<1x100000x16xf32, #tpu.memory_space<hbm>>
    %dma_start3A_40 = tpu.memref_squeeze %dma_start3A_39 : memref<1x100000x16xf32, #tpu.memory_space<hbm>> -> memref<100000x16xf32, #tpu.memory_space<hbm>>
    %dma_start3A_41 = arith.constant 0 : i32
    %dma_start3A_42 = arith.constant 0 : i32
    %dma_start3A_43 = tpu.memref_slice %dma_start3A_40[%dma_start3A_41, %dma_start3A_42] : memref<100000x16xf32, #tpu.memory_space<hbm>> -> memref<100000x16xf32, #tpu.memory_space<hbm>>
    tpu.enqueue_indirect_dma source(%dma_start3A_43 : memref<100000x16xf32, #tpu.memory_space<hbm>>) target(%dma_start3A_33 : memref<32x16xf32, #tpu.memory_space<vmem>>) offsets(%dma_start3A_36 : memref<32xi32, #tpu.memory_space<vmem>>) semaphore(%arg14 : memref<!tpu.dma_semaphore, #tpu.memory_space<semaphore_mem>>)
    %dma_start3A_44 = arith.constant 2 : i32
    %dma_start3A_45 = arith.constant 0 : i32
    %dma_start3A_46 = arith.constant 0 : i32
    %dma_start3A_47 = arith.constant 2 : i32
    %dma_start3A_48 = arith.constant 0 : i32
    %dma_start3A_49 = arith.constant 0 : i32
    %dma_start3A_50 = tpu.memref_slice %arg9[%dma_start3A_46, %dma_start3A_47, %dma_start3A_48, %dma_start3A_49] : memref<2x25x32x16xf32, #tpu.memory_space<vmem>> -> memref<1x1x32x16xf32, #tpu.memory_space<vmem>>
    %dma_start3A_51 = tpu.memref_squeeze %dma_start3A_50 : memref<1x1x32x16xf32, #tpu.memory_space<vmem>> -> memref<32x16xf32, #tpu.memory_space<vmem>>
    %dma_start3A_52 = arith.constant 0 : i32
    %dma_start3A_53 = tpu.memref_slice %arg7[%dma_start3A_45, %dma_start3A_52] : memref<128x32xi32, #tpu.memory_space<vmem>> -> memref<1x32xi32, #tpu.memory_space<vmem>>
    %dma_start3A_54 = tpu.memref_squeeze %dma_start3A_53 : memref<1x32xi32, #tpu.memory_space<vmem>> -> memref<32xi32, #tpu.memory_space<vmem>>
    %dma_start3A_55 = arith.constant 0 : i32
    %dma_start3A_56 = arith.constant 0 : i32
    %dma_start3A_57 = tpu.memref_slice %arg4[%dma_start3A_44, %dma_start3A_55, %dma_start3A_56] : memref<26x100000x16xf32, #tpu.memory_space<hbm>> -> memref<1x100000x16xf32, #tpu.memory_space<hbm>>
    %dma_start3A_58 = tpu.memref_squeeze %dma_start3A_57 : memref<1x100000x16xf32, #tpu.memory_space<hbm>> -> memref<100000x16xf32, #tpu.memory_space<hbm>>
    %dma_start3A_59 = arith.constant 0 : i32
    %dma_start3A_60 = arith.constant 0 : i32
    %dma_start3A_61 = tpu.memref_slice %dma_start3A_58[%dma_start3A_59, %dma_start3A_60] : memref<100000x16xf32, #tpu.memory_space<hbm>> -> memref<100000x16xf32, #tpu.memory_space<hbm>>
    tpu.enqueue_indirect_dma source(%dma_start3A_61 : memref<100000x16xf32, #tpu.memory_space<hbm>>) target(%dma_start3A_51 : memref<32x16xf32, #tpu.memory_space<vmem>>) offsets(%dma_start3A_54 : memref<32xi32, #tpu.memory_space<vmem>>) semaphore(%arg14 : memref<!tpu.dma_semaphore, #tpu.memory_space<semaphore_mem>>)
    %dma_start3A_62 = arith.constant 3 : i32
    %dma_start3A_63 = arith.constant 0 : i32
    %dma_start3A_64 = arith.constant 0 : i32
    %dma_start3A_65 = arith.constant 3 : i32
    %dma_start3A_66 = arith.constant 0 : i32
    %dma_start3A_67 = arith.constant 0 : i32
    %dma_start3A_68 = tpu.memref_slice %arg9[%dma_start3A_64, %dma_start3A_65, %dma_start3A_66, %dma_start3A_67] : memref<2x25x32x16xf32, #tpu.memory_space<vmem>> -> memref<1x1x32x16xf32, #tpu.memory_space<vmem>>
    %dma_start3A_69 = tpu.memref_squeeze %dma_start3A_68 : memref<1x1x32x16xf32, #tpu.memory_space<vmem>> -> memref<32x16xf32, #tpu.memory_space<vmem>>
    %dma_start3A_70 = arith.constant 0 : i32
    %dma_start3A_71 = tpu.memref_slice %arg7[%dma_start3A_63, %dma_start3A_70] : memref<128x32xi32, #tpu.memory_space<vmem>> -> memref<1x32xi32, #tpu.memory_space<vmem>>
    %dma_start3A_72 = tpu.memref_squeeze %dma_start3A_71 : memref<1x32xi32, #tpu.memory_space<vmem>> -> memref<32xi32, #tpu.memory_space<vmem>>
    %dma_start3A_73 = arith.constant 0 : i32
    %dma_start3A_74 = arith.constant 0 : i32
    %dma_start3A_75 = tpu.memref_slice %arg4[%dma_start3A_62, %dma_start3A_73, %dma_start3A_74] : memref<26x100000x16xf32, #tpu.memory_space<hbm>> -> memref<1x100000x16xf32, #tpu.memory_space<hbm>>
    %dma_start3A_76 = tpu.memref_squeeze %dma_start3A_75 : memref<1x100000x16xf32, #tpu.memory_space<hbm>> -> memref<100000x16xf32, #tpu.memory_space<hbm>>
    %dma_start3A_77 = arith.constant 0 : i32
    %dma_start3A_78 = arith.constant 0 : i32
    %dma_start3A_79 = tpu.memref_slice %dma_start3A_76[%dma_start3A_77, %dma_start3A_78] : memref<100000x16xf32, #tpu.memory_space<hbm>> -> memref<100000x16xf32, #tpu.memory_space<hbm>>
    tpu.enqueue_indirect_dma source(%dma_start3A_79 : memref<100000x16xf32, #tpu.memory_space<hbm>>) target(%dma_start3A_69 : memref<32x16xf32, #tpu.memory_space<vmem>>) offsets(%dma_start3A_72 : memref<32xi32, #tpu.memory_space<vmem>>) semaphore(%arg14 : memref<!tpu.dma_semaphore, #tpu.memory_space<semaphore_mem>>)
    %dma_start3A_80 = arith.constant 4 : i32
    %dma_start3A_81 = arith.constant 0 : i32
    %dma_start3A_82 = arith.constant 0 : i32
    %dma_start3A_83 = arith.constant 4 : i32
    %dma_start3A_84 = arith.constant 0 : i32
    %dma_start3A_85 = arith.constant 0 : i32
    %dma_start3A_86 = tpu.memref_slice %arg9[%dma_start3A_82, %dma_start3A_83, %dma_start3A_84, %dma_start3A_85] : memref<2x25x32x16xf32, #tpu.memory_space<vmem>> -> memref<1x1x32x16xf32, #tpu.memory_space<vmem>>
    %dma_start3A_87 = tpu.memref_squeeze %dma_start3A_86 : memref<1x1x32x16xf32, #tpu.memory_space<vmem>> -> memref<32x16xf32, #tpu.memory_space<vmem>>
    %dma_start3A_88 = arith.constant 0 : i32
    %dma_start3A_89 = tpu.memref_slice %arg7[%dma_start3A_81, %dma_start3A_88] : memref<128x32xi32, #tpu.memory_space<vmem>> -> memref<1x32xi32, #tpu.memory_space<vmem>>
    %dma_start3A_90 = tpu.memref_squeeze %dma_start3A_89 : memref<1x32xi32, #tpu.memory_space<vmem>> -> memref<32xi32, #tpu.memory_space<vmem>>
    %dma_start3A_91 = arith.constant 0 : i32
    %dma_start3A_92 = arith.constant 0 : i32
    %dma_start3A_93 = tpu.memref_slice %arg4[%dma_start3A_80, %dma_start3A_91, %dma_start3A_92] : memref<26x100000x16xf32, #tpu.memory_space<hbm>> -> memref<1x100000x16xf32, #tpu.memory_space<hbm>>
    %dma_start3A_94 = tpu.memref_squeeze %dma_start3A_93 : memref<1x100000x16xf32, #tpu.memory_space<hbm>> -> memref<100000x16xf32, #tpu.memory_space<hbm>>
    %dma_start3A_95 = arith.constant 0 : i32
    %dma_start3A_96 = arith.constant 0 : i32
    %dma_start3A_97 = tpu.memref_slice %dma_start3A_94[%dma_start3A_95, %dma_start3A_96] : memref<100000x16xf32, #tpu.memory_space<hbm>> -> memref<100000x16xf32, #tpu.memory_space<hbm>>
    tpu.enqueue_indirect_dma source(%dma_start3A_97 : memref<100000x16xf32, #tpu.memory_space<hbm>>) target(%dma_start3A_87 : memref<32x16xf32, #tpu.memory_space<vmem>>) offsets(%dma_start3A_90 : memref<32xi32, #tpu.memory_space<vmem>>) semaphore(%arg14 : memref<!tpu.dma_semaphore, #tpu.memory_space<semaphore_mem>>)
    %dma_start3A_98 = arith.constant 5 : i32
    %dma_start3A_99 = arith.constant 0 : i32
    %dma_start3A_100 = arith.constant 0 : i32
    %dma_start3A_101 = arith.constant 5 : i32
    %dma_start3A_102 = arith.constant 0 : i32
    %dma_start3A_103 = arith.constant 0 : i32
    %dma_start3A_104 = tpu.memref_slice %arg9[%dma_start3A_100, %dma_start3A_101, %dma_start3A_102, %dma_start3A_103] : memref<2x25x32x16xf32, #tpu.memory_space<vmem>> -> memref<1x1x32x16xf32, #tpu.memory_space<vmem>>
    %dma_start3A_105 = tpu.memref_squeeze %dma_start3A_104 : memref<1x1x32x16xf32, #tpu.memory_space<vmem>> -> memref<32x16xf32, #tpu.memory_space<vmem>>
    %dma_start3A_106 = arith.constant 0 : i32
    %dma_start3A_107 = tpu.memref_slice %arg7[%dma_start3A_99, %dma_start3A_106] : memref<128x32xi32, #tpu.memory_space<vmem>> -> memref<1x32xi32, #tpu.memory_space<vmem>>
    %dma_start3A_108 = tpu.memref_squeeze %dma_start3A_107 : memref<1x32xi32, #tpu.memory_space<vmem>> -> memref<32xi32, #tpu.memory_space<vmem>>
    %dma_start3A_109 = arith.constant 0 : i32
    %dma_start3A_110 = arith.constant 0 : i32
    %dma_start3A_111 = tpu.memref_slice %arg4[%dma_start3A_98, %dma_start3A_109, %dma_start3A_110] : memref<26x100000x16xf32, #tpu.memory_space<hbm>> -> memref<1x100000x16xf32, #tpu.memory_space<hbm>>
    %dma_start3A_112 = tpu.memref_squeeze %dma_start3A_111 : memref<1x100000x16xf32, #tpu.memory_space<hbm>> -> memref<100000x16xf32, #tpu.memory_space<hbm>>
    %dma_start3A_113 = arith.constant 0 : i32
    %dma_start3A_114 = arith.constant 0 : i32
    %dma_start3A_115 = tpu.memref_slice %dma_start3A_112[%dma_start3A_113, %dma_start3A_114] : memref<100000x16xf32, #tpu.memory_space<hbm>> -> memref<100000x16xf32, #tpu.memory_space<hbm>>
    tpu.enqueue_indirect_dma source(%dma_start3A_115 : memref<100000x16xf32, #tpu.memory_space<hbm>>) target(%dma_start3A_105 : memref<32x16xf32, #tpu.memory_space<vmem>>) offsets(%dma_start3A_108 : memref<32xi32, #tpu.memory_space<vmem>>) semaphore(%arg14 : memref<!tpu.dma_semaphore, #tpu.memory_space<semaphore_mem>>)
    %dma_start3A_116 = arith.constant 6 : i32
    %dma_start3A_117 = arith.constant 0 : i32
    %dma_start3A_118 = arith.constant 0 : i32
    %dma_start3A_119 = arith.constant 6 : i32
    %dma_start3A_120 = arith.constant 0 : i32
    %dma_start3A_121 = arith.constant 0 : i32
    %dma_start3A_122 = tpu.memref_slice %arg9[%dma_start3A_118, %dma_start3A_119, %dma_start3A_120, %dma_start3A_121] : memref<2x25x32x16xf32, #tpu.memory_space<vmem>> -> memref<1x1x32x16xf32, #tpu.memory_space<vmem>>
    %dma_start3A_123 = tpu.memref_squeeze %dma_start3A_122 : memref<1x1x32x16xf32, #tpu.memory_space<vmem>> -> memref<32x16xf32, #tpu.memory_space<vmem>>
    %dma_start3A_124 = arith.constant 0 : i32
    %dma_start3A_125 = tpu.memref_slice %arg7[%dma_start3A_117, %dma_start3A_124] : memref<128x32xi32, #tpu.memory_space<vmem>> -> memref<1x32xi32, #tpu.memory_space<vmem>>
    %dma_start3A_126 = tpu.memref_squeeze %dma_start3A_125 : memref<1x32xi32, #tpu.memory_space<vmem>> -> memref<32xi32, #tpu.memory_space<vmem>>
    %dma_start3A_127 = arith.constant 0 : i32
    %dma_start3A_128 = arith.constant 0 : i32
    %dma_start3A_129 = tpu.memref_slice %arg4[%dma_start3A_116, %dma_start3A_127, %dma_start3A_128] : memref<26x100000x16xf32, #tpu.memory_space<hbm>> -> memref<1x100000x16xf32, #tpu.memory_space<hbm>>
    %dma_start3A_130 = tpu.memref_squeeze %dma_start3A_129 : memref<1x100000x16xf32, #tpu.memory_space<hbm>> -> memref<100000x16xf32, #tpu.memory_space<hbm>>
    %dma_start3A_131 = arith.constant 0 : i32
    %dma_start3A_132 = arith.constant 0 : i32
    %dma_start3A_133 = tpu.memref_slice %dma_start3A_130[%dma_start3A_131, %dma_start3A_132] : memref<100000x16xf32, #tpu.memory_space<hbm>> -> memref<100000x16xf32, #tpu.memory_space<hbm>>
    tpu.enqueue_indirect_dma source(%dma_start3A_133 : memref<100000x16xf32, #tpu.memory_space<hbm>>) target(%dma_start3A_123 : memref<32x16xf32, #tpu.memory_space<vmem>>) offsets(%dma_start3A_126 : memref<32xi32, #tpu.memory_space<vmem>>) semaphore(%arg14 : memref<!tpu.dma_semaphore, #tpu.memory_space<semaphore_mem>>)
    %dma_start3A_134 = arith.constant 7 : i32
    %dma_start3A_135 = arith.constant 0 : i32
    %dma_start3A_136 = arith.constant 0 : i32
    %dma_start3A_137 = arith.constant 7 : i32
    %dma_start3A_138 = arith.constant 0 : i32
    %dma_start3A_139 = arith.constant 0 : i32
    %dma_start3A_140 = tpu.memref_slice %arg9[%dma_start3A_136, %dma_start3A_137, %dma_start3A_138, %dma_start3A_139] : memref<2x25x32x16xf32, #tpu.memory_space<vmem>> -> memref<1x1x32x16xf32, #tpu.memory_space<vmem>>
    %dma_start3A_141 = tpu.memref_squeeze %dma_start3A_140 : memref<1x1x32x16xf32, #tpu.memory_space<vmem>> -> memref<32x16xf32, #tpu.memory_space<vmem>>
    %dma_start3A_142 = arith.constant 0 : i32
    %dma_start3A_143 = tpu.memref_slice %arg7[%dma_start3A_135, %dma_start3A_142] : memref<128x32xi32, #tpu.memory_space<vmem>> -> memref<1x32xi32, #tpu.memory_space<vmem>>
    %dma_start3A_144 = tpu.memref_squeeze %dma_start3A_143 : memref<1x32xi32, #tpu.memory_space<vmem>> -> memref<32xi32, #tpu.memory_space<vmem>>
    %dma_start3A_145 = arith.constant 0 : i32
    %dma_start3A_146 = arith.constant 0 : i32
    %dma_start3A_147 = tpu.memref_slice %arg4[%dma_start3A_134, %dma_start3A_145, %dma_start3A_146] : memref<26x100000x16xf32, #tpu.memory_space<hbm>> -> memref<1x100000x16xf32, #tpu.memory_space<hbm>>
    %dma_start3A_148 = tpu.memref_squeeze %dma_start3A_147 : memref<1x100000x16xf32, #tpu.memory_space<hbm>> -> memref<100000x16xf32, #tpu.memory_space<hbm>>
    %dma_start3A_149 = arith.constant 0 : i32
    %dma_start3A_150 = arith.constant 0 : i32
    %dma_start3A_151 = tpu.memref_slice %dma_start3A_148[%dma_start3A_149, %dma_start3A_150] : memref<100000x16xf32, #tpu.memory_space<hbm>> -> memref<100000x16xf32, #tpu.memory_space<hbm>>
    tpu.enqueue_indirect_dma source(%dma_start3A_151 : memref<100000x16xf32, #tpu.memory_space<hbm>>) target(%dma_start3A_141 : memref<32x16xf32, #tpu.memory_space<vmem>>) offsets(%dma_start3A_144 : memref<32xi32, #tpu.memory_space<vmem>>) semaphore(%arg14 : memref<!tpu.dma_semaphore, #tpu.memory_space<semaphore_mem>>)
    %dma_start3A_152 = arith.constant 8 : i32
    %dma_start3A_153 = arith.constant 0 : i32
    %dma_start3A_154 = arith.constant 0 : i32
    %dma_start3A_155 = arith.constant 8 : i32
    %dma_start3A_156 = arith.constant 0 : i32
    %dma_start3A_157 = arith.constant 0 : i32
    %dma_start3A_158 = tpu.memref_slice %arg9[%dma_start3A_154, %dma_start3A_155, %dma_start3A_156, %dma_start3A_157] : memref<2x25x32x16xf32, #tpu.memory_space<vmem>> -> memref<1x1x32x16xf32, #tpu.memory_space<vmem>>
    %dma_start3A_159 = tpu.memref_squeeze %dma_start3A_158 : memref<1x1x32x16xf32, #tpu.memory_space<vmem>> -> memref<32x16xf32, #tpu.memory_space<vmem>>
    %dma_start3A_160 = arith.constant 0 : i32
    %dma_start3A_161 = tpu.memref_slice %arg7[%dma_start3A_153, %dma_start3A_160] : memref<128x32xi32, #tpu.memory_space<vmem>> -> memref<1x32xi32, #tpu.memory_space<vmem>>
    %dma_start3A_162 = tpu.memref_squeeze %dma_start3A_161 : memref<1x32xi32, #tpu.memory_space<vmem>> -> memref<32xi32, #tpu.memory_space<vmem>>
    %dma_start3A_163 = arith.constant 0 : i32
    %dma_start3A_164 = arith.constant 0 : i32
    %dma_start3A_165 = tpu.memref_slice %arg4[%dma_start3A_152, %dma_start3A_163, %dma_start3A_164] : memref<26x100000x16xf32, #tpu.memory_space<hbm>> -> memref<1x100000x16xf32, #tpu.memory_space<hbm>>
    %dma_start3A_166 = tpu.memref_squeeze %dma_start3A_165 : memref<1x100000x16xf32, #tpu.memory_space<hbm>> -> memref<100000x16xf32, #tpu.memory_space<hbm>>
    %dma_start3A_167 = arith.constant 0 : i32
    %dma_start3A_168 = arith.constant 0 : i32
    %dma_start3A_169 = tpu.memref_slice %dma_start3A_166[%dma_start3A_167, %dma_start3A_168] : memref<100000x16xf32, #tpu.memory_space<hbm>> -> memref<100000x16xf32, #tpu.memory_space<hbm>>
    tpu.enqueue_indirect_dma source(%dma_start3A_169 : memref<100000x16xf32, #tpu.memory_space<hbm>>) target(%dma_start3A_159 : memref<32x16xf32, #tpu.memory_space<vmem>>) offsets(%dma_start3A_162 : memref<32xi32, #tpu.memory_space<vmem>>) semaphore(%arg14 : memref<!tpu.dma_semaphore, #tpu.memory_space<semaphore_mem>>)
    %dma_start3A_170 = arith.constant 9 : i32
    %dma_start3A_171 = arith.constant 0 : i32
    %dma_start3A_172 = arith.constant 0 : i32
    %dma_start3A_173 = arith.constant 9 : i32
    %dma_start3A_174 = arith.constant 0 : i32
    %dma_start3A_175 = arith.constant 0 : i32
    %dma_start3A_176 = tpu.memref_slice %arg9[%dma_start3A_172, %dma_start3A_173, %dma_start3A_174, %dma_start3A_175] : memref<2x25x32x16xf32, #tpu.memory_space<vmem>> -> memref<1x1x32x16xf32, #tpu.memory_space<vmem>>
    %dma_start3A_177 = tpu.memref_squeeze %dma_start3A_176 : memref<1x1x32x16xf32, #tpu.memory_space<vmem>> -> memref<32x16xf32, #tpu.memory_space<vmem>>
    %dma_start3A_178 = arith.constant 0 : i32
    %dma_start3A_179 = tpu.memref_slice %arg7[%dma_start3A_171, %dma_start3A_178] : memref<128x32xi32, #tpu.memory_space<vmem>> -> memref<1x32xi32, #tpu.memory_space<vmem>>
    %dma_start3A_180 = tpu.memref_squeeze %dma_start3A_179 : memref<1x32xi32, #tpu.memory_space<vmem>> -> memref<32xi32, #tpu.memory_space<vmem>>
    %dma_start3A_181 = arith.constant 0 : i32
    %dma_start3A_182 = arith.constant 0 : i32
    %dma_start3A_183 = tpu.memref_slice %arg4[%dma_start3A_170, %dma_start3A_181, %dma_start3A_182] : memref<26x100000x16xf32, #tpu.memory_space<hbm>> -> memref<1x100000x16xf32, #tpu.memory_space<hbm>>
    %dma_start3A_184 = tpu.memref_squeeze %dma_start3A_183 : memref<1x100000x16xf32, #tpu.memory_space<hbm>> -> memref<100000x16xf32, #tpu.memory_space<hbm>>
    %dma_start3A_185 = arith.constant 0 : i32
    %dma_start3A_186 = arith.constant 0 : i32
    %dma_start3A_187 = tpu.memref_slice %dma_start3A_184[%dma_start3A_185, %dma_start3A_186] : memref<100000x16xf32, #tpu.memory_space<hbm>> -> memref<100000x16xf32, #tpu.memory_space<hbm>>
    tpu.enqueue_indirect_dma source(%dma_start3A_187 : memref<100000x16xf32, #tpu.memory_space<hbm>>) target(%dma_start3A_177 : memref<32x16xf32, #tpu.memory_space<vmem>>) offsets(%dma_start3A_180 : memref<32xi32, #tpu.memory_space<vmem>>) semaphore(%arg14 : memref<!tpu.dma_semaphore, #tpu.memory_space<semaphore_mem>>)
    %dma_start3A_188 = arith.constant 10 : i32
    %dma_start3A_189 = arith.constant 0 : i32
    %dma_start3A_190 = arith.constant 0 : i32
    %dma_start3A_191 = arith.constant 10 : i32
    %dma_start3A_192 = arith.constant 0 : i32
    %dma_start3A_193 = arith.constant 0 : i32
    %dma_start3A_194 = tpu.memref_slice %arg9[%dma_start3A_190, %dma_start3A_191, %dma_start3A_192, %dma_start3A_193] : memref<2x25x32x16xf32, #tpu.memory_space<vmem>> -> memref<1x1x32x16xf32, #tpu.memory_space<vmem>>
    %dma_start3A_195 = tpu.memref_squeeze %dma_start3A_194 : memref<1x1x32x16xf32, #tpu.memory_space<vmem>> -> memref<32x16xf32, #tpu.memory_space<vmem>>
    %dma_start3A_196 = arith.constant 0 : i32
    %dma_start3A_197 = tpu.memref_slice %arg7[%dma_start3A_189, %dma_start3A_196] : memref<128x32xi32, #tpu.memory_space<vmem>> -> memref<1x32xi32, #tpu.memory_space<vmem>>
    %dma_start3A_198 = tpu.memref_squeeze %dma_start3A_197 : memref<1x32xi32, #tpu.memory_space<vmem>> -> memref<32xi32, #tpu.memory_space<vmem>>
    %dma_start3A_199 = arith.constant 0 : i32
    %dma_start3A_200 = arith.constant 0 : i32
    %dma_start3A_201 = tpu.memref_slice %arg4[%dma_start3A_188, %dma_start3A_199, %dma_start3A_200] : memref<26x100000x16xf32, #tpu.memory_space<hbm>> -> memref<1x100000x16xf32, #tpu.memory_space<hbm>>
    %dma_start3A_202 = tpu.memref_squeeze %dma_start3A_201 : memref<1x100000x16xf32, #tpu.memory_space<hbm>> -> memref<100000x16xf32, #tpu.memory_space<hbm>>
    %dma_start3A_203 = arith.constant 0 : i32
    %dma_start3A_204 = arith.constant 0 : i32
    %dma_start3A_205 = tpu.memref_slice %dma_start3A_202[%dma_start3A_203, %dma_start3A_204] : memref<100000x16xf32, #tpu.memory_space<hbm>> -> memref<100000x16xf32, #tpu.memory_space<hbm>>
    tpu.enqueue_indirect_dma source(%dma_start3A_205 : memref<100000x16xf32, #tpu.memory_space<hbm>>) target(%dma_start3A_195 : memref<32x16xf32, #tpu.memory_space<vmem>>) offsets(%dma_start3A_198 : memref<32xi32, #tpu.memory_space<vmem>>) semaphore(%arg14 : memref<!tpu.dma_semaphore, #tpu.memory_space<semaphore_mem>>)
    %dma_start3A_206 = arith.constant 11 : i32
    %dma_start3A_207 = arith.constant 0 : i32
    %dma_start3A_208 = arith.constant 0 : i32
    %dma_start3A_209 = arith.constant 11 : i32
    %dma_start3A_210 = arith.constant 0 : i32
    %dma_start3A_211 = arith.constant 0 : i32
    %dma_start3A_212 = tpu.memref_slice %arg9[%dma_start3A_208, %dma_start3A_209, %dma_start3A_210, %dma_start3A_211] : memref<2x25x32x16xf32, #tpu.memory_space<vmem>> -> memref<1x1x32x16xf32, #tpu.memory_space<vmem>>
    %dma_start3A_213 = tpu.memref_squeeze %dma_start3A_212 : memref<1x1x32x16xf32, #tpu.memory_space<vmem>> -> memref<32x16xf32, #tpu.memory_space<vmem>>
    %dma_start3A_214 = arith.constant 0 : i32
    %dma_start3A_215 = tpu.memref_slice %arg7[%dma_start3A_207, %dma_start3A_214] : memref<128x32xi32, #tpu.memory_space<vmem>> -> memref<1x32xi32, #tpu.memory_space<vmem>>
    %dma_start3A_216 = tpu.memref_squeeze %dma_start3A_215 : memref<1x32xi32, #tpu.memory_space<vmem>> -> memref<32xi32, #tpu.memory_space<vmem>>
    %dma_start3A_217 = arith.constant 0 : i32
    %dma_start3A_218 = arith.constant 0 : i32
    %dma_start3A_219 = tpu.memref_slice %arg4[%dma_start3A_206, %dma_start3A_217, %dma_start3A_218] : memref<26x100000x16xf32, #tpu.memory_space<hbm>> -> memref<1x100000x16xf32, #tpu.memory_space<hbm>>
    %dma_start3A_220 = tpu.memref_squeeze %dma_start3A_219 : memref<1x100000x16xf32, #tpu.memory_space<hbm>> -> memref<100000x16xf32, #tpu.memory_space<hbm>>
    %dma_start3A_221 = arith.constant 0 : i32
    %dma_start3A_222 = arith.constant 0 : i32
    %dma_start3A_223 = tpu.memref_slice %dma_start3A_220[%dma_start3A_221, %dma_start3A_222] : memref<100000x16xf32, #tpu.memory_space<hbm>> -> memref<100000x16xf32, #tpu.memory_space<hbm>>
    tpu.enqueue_indirect_dma source(%dma_start3A_223 : memref<100000x16xf32, #tpu.memory_space<hbm>>) target(%dma_start3A_213 : memref<32x16xf32, #tpu.memory_space<vmem>>) offsets(%dma_start3A_216 : memref<32xi32, #tpu.memory_space<vmem>>) semaphore(%arg14 : memref<!tpu.dma_semaphore, #tpu.memory_space<semaphore_mem>>)
    %dma_start3A_224 = arith.constant 12 : i32
    %dma_start3A_225 = arith.constant 0 : i32
    %dma_start3A_226 = arith.constant 0 : i32
    %dma_start3A_227 = arith.constant 12 : i32
    %dma_start3A_228 = arith.constant 0 : i32
    %dma_start3A_229 = arith.constant 0 : i32
    %dma_start3A_230 = tpu.memref_slice %arg9[%dma_start3A_226, %dma_start3A_227, %dma_start3A_228, %dma_start3A_229] : memref<2x25x32x16xf32, #tpu.memory_space<vmem>> -> memref<1x1x32x16xf32, #tpu.memory_space<vmem>>
    %dma_start3A_231 = tpu.memref_squeeze %dma_start3A_230 : memref<1x1x32x16xf32, #tpu.memory_space<vmem>> -> memref<32x16xf32, #tpu.memory_space<vmem>>
    %dma_start3A_232 = arith.constant 0 : i32
    %dma_start3A_233 = tpu.memref_slice %arg7[%dma_start3A_225, %dma_start3A_232] : memref<128x32xi32, #tpu.memory_space<vmem>> -> memref<1x32xi32, #tpu.memory_space<vmem>>
    %dma_start3A_234 = tpu.memref_squeeze %dma_start3A_233 : memref<1x32xi32, #tpu.memory_space<vmem>> -> memref<32xi32, #tpu.memory_space<vmem>>
    %dma_start3A_235 = arith.constant 0 : i32
    %dma_start3A_236 = arith.constant 0 : i32
    %dma_start3A_237 = tpu.memref_slice %arg4[%dma_start3A_224, %dma_start3A_235, %dma_start3A_236] : memref<26x100000x16xf32, #tpu.memory_space<hbm>> -> memref<1x100000x16xf32, #tpu.memory_space<hbm>>
    %dma_start3A_238 = tpu.memref_squeeze %dma_start3A_237 : memref<1x100000x16xf32, #tpu.memory_space<hbm>> -> memref<100000x16xf32, #tpu.memory_space<hbm>>
    %dma_start3A_239 = arith.constant 0 : i32
    %dma_start3A_240 = arith.constant 0 : i32
    %dma_start3A_241 = tpu.memref_slice %dma_start3A_238[%dma_start3A_239, %dma_start3A_240] : memref<100000x16xf32, #tpu.memory_space<hbm>> -> memref<100000x16xf32, #tpu.memory_space<hbm>>
    tpu.enqueue_indirect_dma source(%dma_start3A_241 : memref<100000x16xf32, #tpu.memory_space<hbm>>) target(%dma_start3A_231 : memref<32x16xf32, #tpu.memory_space<vmem>>) offsets(%dma_start3A_234 : memref<32xi32, #tpu.memory_space<vmem>>) semaphore(%arg14 : memref<!tpu.dma_semaphore, #tpu.memory_space<semaphore_mem>>)
    %dma_start3A_242 = arith.constant 13 : i32
    %dma_start3A_243 = arith.constant 0 : i32
    %dma_start3A_244 = arith.constant 0 : i32
    %dma_start3A_245 = arith.constant 13 : i32
    %dma_start3A_246 = arith.constant 0 : i32
    %dma_start3A_247 = arith.constant 0 : i32
    %dma_start3A_248 = tpu.memref_slice %arg9[%dma_start3A_244, %dma_start3A_245, %dma_start3A_246, %dma_start3A_247] : memref<2x25x32x16xf32, #tpu.memory_space<vmem>> -> memref<1x1x32x16xf32, #tpu.memory_space<vmem>>
    %dma_start3A_249 = tpu.memref_squeeze %dma_start3A_248 : memref<1x1x32x16xf32, #tpu.memory_space<vmem>> -> memref<32x16xf32, #tpu.memory_space<vmem>>
    %dma_start3A_250 = arith.constant 0 : i32
    %dma_start3A_251 = tpu.memref_slice %arg7[%dma_start3A_243, %dma_start3A_250] : memref<128x32xi32, #tpu.memory_space<vmem>> -> memref<1x32xi32, #tpu.memory_space<vmem>>
    %dma_start3A_252 = tpu.memref_squeeze %dma_start3A_251 : memref<1x32xi32, #tpu.memory_space<vmem>> -> memref<32xi32, #tpu.memory_space<vmem>>
    %dma_start3A_253 = arith.constant 0 : i32
    %dma_start3A_254 = arith.constant 0 : i32
    %dma_start3A_255 = tpu.memref_slice %arg4[%dma_start3A_242, %dma_start3A_253, %dma_start3A_254] : memref<26x100000x16xf32, #tpu.memory_space<hbm>> -> memref<1x100000x16xf32, #tpu.memory_space<hbm>>
    %dma_start3A_256 = tpu.memref_squeeze %dma_start3A_255 : memref<1x100000x16xf32, #tpu.memory_space<hbm>> -> memref<100000x16xf32, #tpu.memory_space<hbm>>
    %dma_start3A_257 = arith.constant 0 : i32
    %dma_start3A_258 = arith.constant 0 : i32
    %dma_start3A_259 = tpu.memref_slice %dma_start3A_256[%dma_start3A_257, %dma_start3A_258] : memref<100000x16xf32, #tpu.memory_space<hbm>> -> memref<100000x16xf32, #tpu.memory_space<hbm>>
    tpu.enqueue_indirect_dma source(%dma_start3A_259 : memref<100000x16xf32, #tpu.memory_space<hbm>>) target(%dma_start3A_249 : memref<32x16xf32, #tpu.memory_space<vmem>>) offsets(%dma_start3A_252 : memref<32xi32, #tpu.memory_space<vmem>>) semaphore(%arg14 : memref<!tpu.dma_semaphore, #tpu.memory_space<semaphore_mem>>)
    %dma_start3A_260 = arith.constant 14 : i32
    %dma_start3A_261 = arith.constant 0 : i32
    %dma_start3A_262 = arith.constant 0 : i32
    %dma_start3A_263 = arith.constant 14 : i32
    %dma_start3A_264 = arith.constant 0 : i32
    %dma_start3A_265 = arith.constant 0 : i32
    %dma_start3A_266 = tpu.memref_slice %arg9[%dma_start3A_262, %dma_start3A_263, %dma_start3A_264, %dma_start3A_265] : memref<2x25x32x16xf32, #tpu.memory_space<vmem>> -> memref<1x1x32x16xf32, #tpu.memory_space<vmem>>
    %dma_start3A_267 = tpu.memref_squeeze %dma_start3A_266 : memref<1x1x32x16xf32, #tpu.memory_space<vmem>> -> memref<32x16xf32, #tpu.memory_space<vmem>>
    %dma_start3A_268 = arith.constant 0 : i32
    %dma_start3A_269 = tpu.memref_slice %arg7[%dma_start3A_261, %dma_start3A_268] : memref<128x32xi32, #tpu.memory_space<vmem>> -> memref<1x32xi32, #tpu.memory_space<vmem>>
    %dma_start3A_270 = tpu.memref_squeeze %dma_start3A_269 : memref<1x32xi32, #tpu.memory_space<vmem>> -> memref<32xi32, #tpu.memory_space<vmem>>
    %dma_start3A_271 = arith.constant 0 : i32
    %dma_start3A_272 = arith.constant 0 : i32
    %dma_start3A_273 = tpu.memref_slice %arg4[%dma_start3A_260, %dma_start3A_271, %dma_start3A_272] : memref<26x100000x16xf32, #tpu.memory_space<hbm>> -> memref<1x100000x16xf32, #tpu.memory_space<hbm>>
    %dma_start3A_274 = tpu.memref_squeeze %dma_start3A_273 : memref<1x100000x16xf32, #tpu.memory_space<hbm>> -> memref<100000x16xf32, #tpu.memory_space<hbm>>
    %dma_start3A_275 = arith.constant 0 : i32
    %dma_start3A_276 = arith.constant 0 : i32
    %dma_start3A_277 = tpu.memref_slice %dma_start3A_274[%dma_start3A_275, %dma_start3A_276] : memref<100000x16xf32, #tpu.memory_space<hbm>> -> memref<100000x16xf32, #tpu.memory_space<hbm>>
    tpu.enqueue_indirect_dma source(%dma_start3A_277 : memref<100000x16xf32, #tpu.memory_space<hbm>>) target(%dma_start3A_267 : memref<32x16xf32, #tpu.memory_space<vmem>>) offsets(%dma_start3A_270 : memref<32xi32, #tpu.memory_space<vmem>>) semaphore(%arg14 : memref<!tpu.dma_semaphore, #tpu.memory_space<semaphore_mem>>)
    %dma_start3A_278 = arith.constant 15 : i32
    %dma_start3A_279 = arith.constant 0 : i32
    %dma_start3A_280 = arith.constant 0 : i32
    %dma_start3A_281 = arith.constant 15 : i32
    %dma_start3A_282 = arith.constant 0 : i32
    %dma_start3A_283 = arith.constant 0 : i32
    %dma_start3A_284 = tpu.memref_slice %arg9[%dma_start3A_280, %dma_start3A_281, %dma_start3A_282, %dma_start3A_283] : memref<2x25x32x16xf32, #tpu.memory_space<vmem>> -> memref<1x1x32x16xf32, #tpu.memory_space<vmem>>
    %dma_start3A_285 = tpu.memref_squeeze %dma_start3A_284 : memref<1x1x32x16xf32, #tpu.memory_space<vmem>> -> memref<32x16xf32, #tpu.memory_space<vmem>>
    %dma_start3A_286 = arith.constant 0 : i32
    %dma_start3A_287 = tpu.memref_slice %arg7[%dma_start3A_279, %dma_start3A_286] : memref<128x32xi32, #tpu.memory_space<vmem>> -> memref<1x32xi32, #tpu.memory_space<vmem>>
    %dma_start3A_288 = tpu.memref_squeeze %dma_start3A_287 : memref<1x32xi32, #tpu.memory_space<vmem>> -> memref<32xi32, #tpu.memory_space<vmem>>
    %dma_start3A_289 = arith.constant 0 : i32
    %dma_start3A_290 = arith.constant 0 : i32
    %dma_start3A_291 = tpu.memref_slice %arg4[%dma_start3A_278, %dma_start3A_289, %dma_start3A_290] : memref<26x100000x16xf32, #tpu.memory_space<hbm>> -> memref<1x100000x16xf32, #tpu.memory_space<hbm>>
    %dma_start3A_292 = tpu.memref_squeeze %dma_start3A_291 : memref<1x100000x16xf32, #tpu.memory_space<hbm>> -> memref<100000x16xf32, #tpu.memory_space<hbm>>
    %dma_start3A_293 = arith.constant 0 : i32
    %dma_start3A_294 = arith.constant 0 : i32
    %dma_start3A_295 = tpu.memref_slice %dma_start3A_292[%dma_start3A_293, %dma_start3A_294] : memref<100000x16xf32, #tpu.memory_space<hbm>> -> memref<100000x16xf32, #tpu.memory_space<hbm>>
    tpu.enqueue_indirect_dma source(%dma_start3A_295 : memref<100000x16xf32, #tpu.memory_space<hbm>>) target(%dma_start3A_285 : memref<32x16xf32, #tpu.memory_space<vmem>>) offsets(%dma_start3A_288 : memref<32xi32, #tpu.memory_space<vmem>>) semaphore(%arg14 : memref<!tpu.dma_semaphore, #tpu.memory_space<semaphore_mem>>)
    %dma_start3A_296 = arith.constant 16 : i32
    %dma_start3A_297 = arith.constant 0 : i32
    %dma_start3A_298 = arith.constant 0 : i32
    %dma_start3A_299 = arith.constant 16 : i32
    %dma_start3A_300 = arith.constant 0 : i32
    %dma_start3A_301 = arith.constant 0 : i32
    %dma_start3A_302 = tpu.memref_slice %arg9[%dma_start3A_298, %dma_start3A_299, %dma_start3A_300, %dma_start3A_301] : memref<2x25x32x16xf32, #tpu.memory_space<vmem>> -> memref<1x1x32x16xf32, #tpu.memory_space<vmem>>
    %dma_start3A_303 = tpu.memref_squeeze %dma_start3A_302 : memref<1x1x32x16xf32, #tpu.memory_space<vmem>> -> memref<32x16xf32, #tpu.memory_space<vmem>>
    %dma_start3A_304 = arith.constant 0 : i32
    %dma_start3A_305 = tpu.memref_slice %arg7[%dma_start3A_297, %dma_start3A_304] : memref<128x32xi32, #tpu.memory_space<vmem>> -> memref<1x32xi32, #tpu.memory_space<vmem>>
    %dma_start3A_306 = tpu.memref_squeeze %dma_start3A_305 : memref<1x32xi32, #tpu.memory_space<vmem>> -> memref<32xi32, #tpu.memory_space<vmem>>
    %dma_start3A_307 = arith.constant 0 : i32
    %dma_start3A_308 = arith.constant 0 : i32
    %dma_start3A_309 = tpu.memref_slice %arg4[%dma_start3A_296, %dma_start3A_307, %dma_start3A_308] : memref<26x100000x16xf32, #tpu.memory_space<hbm>> -> memref<1x100000x16xf32, #tpu.memory_space<hbm>>
    %dma_start3A_310 = tpu.memref_squeeze %dma_start3A_309 : memref<1x100000x16xf32, #tpu.memory_space<hbm>> -> memref<100000x16xf32, #tpu.memory_space<hbm>>
    %dma_start3A_311 = arith.constant 0 : i32
    %dma_start3A_312 = arith.constant 0 : i32
    %dma_start3A_313 = tpu.memref_slice %dma_start3A_310[%dma_start3A_311, %dma_start3A_312] : memref<100000x16xf32, #tpu.memory_space<hbm>> -> memref<100000x16xf32, #tpu.memory_space<hbm>>
    tpu.enqueue_indirect_dma source(%dma_start3A_313 : memref<100000x16xf32, #tpu.memory_space<hbm>>) target(%dma_start3A_303 : memref<32x16xf32, #tpu.memory_space<vmem>>) offsets(%dma_start3A_306 : memref<32xi32, #tpu.memory_space<vmem>>) semaphore(%arg14 : memref<!tpu.dma_semaphore, #tpu.memory_space<semaphore_mem>>)
    %dma_start3A_314 = arith.constant 17 : i32
    %dma_start3A_315 = arith.constant 0 : i32
    %dma_start3A_316 = arith.constant 0 : i32
    %dma_start3A_317 = arith.constant 17 : i32
    %dma_start3A_318 = arith.constant 0 : i32
    %dma_start3A_319 = arith.constant 0 : i32
    %dma_start3A_320 = tpu.memref_slice %arg9[%dma_start3A_316, %dma_start3A_317, %dma_start3A_318, %dma_start3A_319] : memref<2x25x32x16xf32, #tpu.memory_space<vmem>> -> memref<1x1x32x16xf32, #tpu.memory_space<vmem>>
    %dma_start3A_321 = tpu.memref_squeeze %dma_start3A_320 : memref<1x1x32x16xf32, #tpu.memory_space<vmem>> -> memref<32x16xf32, #tpu.memory_space<vmem>>
    %dma_start3A_322 = arith.constant 0 : i32
    %dma_start3A_323 = tpu.memref_slice %arg7[%dma_start3A_315, %dma_start3A_322] : memref<128x32xi32, #tpu.memory_space<vmem>> -> memref<1x32xi32, #tpu.memory_space<vmem>>
    %dma_start3A_324 = tpu.memref_squeeze %dma_start3A_323 : memref<1x32xi32, #tpu.memory_space<vmem>> -> memref<32xi32, #tpu.memory_space<vmem>>
    %dma_start3A_325 = arith.constant 0 : i32
    %dma_start3A_326 = arith.constant 0 : i32
    %dma_start3A_327 = tpu.memref_slice %arg4[%dma_start3A_314, %dma_start3A_325, %dma_start3A_326] : memref<26x100000x16xf32, #tpu.memory_space<hbm>> -> memref<1x100000x16xf32, #tpu.memory_space<hbm>>
    %dma_start3A_328 = tpu.memref_squeeze %dma_start3A_327 : memref<1x100000x16xf32, #tpu.memory_space<hbm>> -> memref<100000x16xf32, #tpu.memory_space<hbm>>
    %dma_start3A_329 = arith.constant 0 : i32
    %dma_start3A_330 = arith.constant 0 : i32
    %dma_start3A_331 = tpu.memref_slice %dma_start3A_328[%dma_start3A_329, %dma_start3A_330] : memref<100000x16xf32, #tpu.memory_space<hbm>> -> memref<100000x16xf32, #tpu.memory_space<hbm>>
    tpu.enqueue_indirect_dma source(%dma_start3A_331 : memref<100000x16xf32, #tpu.memory_space<hbm>>) target(%dma_start3A_321 : memref<32x16xf32, #tpu.memory_space<vmem>>) offsets(%dma_start3A_324 : memref<32xi32, #tpu.memory_space<vmem>>) semaphore(%arg14 : memref<!tpu.dma_semaphore, #tpu.memory_space<semaphore_mem>>)
    %dma_start3A_332 = arith.constant 18 : i32
    %dma_start3A_333 = arith.constant 0 : i32
    %dma_start3A_334 = arith.constant 0 : i32
    %dma_start3A_335 = arith.constant 18 : i32
    %dma_start3A_336 = arith.constant 0 : i32
    %dma_start3A_337 = arith.constant 0 : i32
    %dma_start3A_338 = tpu.memref_slice %arg9[%dma_start3A_334, %dma_start3A_335, %dma_start3A_336, %dma_start3A_337] : memref<2x25x32x16xf32, #tpu.memory_space<vmem>> -> memref<1x1x32x16xf32, #tpu.memory_space<vmem>>
    %dma_start3A_339 = tpu.memref_squeeze %dma_start3A_338 : memref<1x1x32x16xf32, #tpu.memory_space<vmem>> -> memref<32x16xf32, #tpu.memory_space<vmem>>
    %dma_start3A_340 = arith.constant 0 : i32
    %dma_start3A_341 = tpu.memref_slice %arg7[%dma_start3A_333, %dma_start3A_340] : memref<128x32xi32, #tpu.memory_space<vmem>> -> memref<1x32xi32, #tpu.memory_space<vmem>>
    %dma_start3A_342 = tpu.memref_squeeze %dma_start3A_341 : memref<1x32xi32, #tpu.memory_space<vmem>> -> memref<32xi32, #tpu.memory_space<vmem>>
    %dma_start3A_343 = arith.constant 0 : i32
    %dma_start3A_344 = arith.constant 0 : i32
    %dma_start3A_345 = tpu.memref_slice %arg4[%dma_start3A_332, %dma_start3A_343, %dma_start3A_344] : memref<26x100000x16xf32, #tpu.memory_space<hbm>> -> memref<1x100000x16xf32, #tpu.memory_space<hbm>>
    %dma_start3A_346 = tpu.memref_squeeze %dma_start3A_345 : memref<1x100000x16xf32, #tpu.memory_space<hbm>> -> memref<100000x16xf32, #tpu.memory_space<hbm>>
    %dma_start3A_347 = arith.constant 0 : i32
    %dma_start3A_348 = arith.constant 0 : i32
    %dma_start3A_349 = tpu.memref_slice %dma_start3A_346[%dma_start3A_347, %dma_start3A_348] : memref<100000x16xf32, #tpu.memory_space<hbm>> -> memref<100000x16xf32, #tpu.memory_space<hbm>>
    tpu.enqueue_indirect_dma source(%dma_start3A_349 : memref<100000x16xf32, #tpu.memory_space<hbm>>) target(%dma_start3A_339 : memref<32x16xf32, #tpu.memory_space<vmem>>) offsets(%dma_start3A_342 : memref<32xi32, #tpu.memory_space<vmem>>) semaphore(%arg14 : memref<!tpu.dma_semaphore, #tpu.memory_space<semaphore_mem>>)
    %dma_start3A_350 = arith.constant 19 : i32
    %dma_start3A_351 = arith.constant 0 : i32
    %dma_start3A_352 = arith.constant 0 : i32
    %dma_start3A_353 = arith.constant 19 : i32
    %dma_start3A_354 = arith.constant 0 : i32
    %dma_start3A_355 = arith.constant 0 : i32
    %dma_start3A_356 = tpu.memref_slice %arg9[%dma_start3A_352, %dma_start3A_353, %dma_start3A_354, %dma_start3A_355] : memref<2x25x32x16xf32, #tpu.memory_space<vmem>> -> memref<1x1x32x16xf32, #tpu.memory_space<vmem>>
    %dma_start3A_357 = tpu.memref_squeeze %dma_start3A_356 : memref<1x1x32x16xf32, #tpu.memory_space<vmem>> -> memref<32x16xf32, #tpu.memory_space<vmem>>
    %dma_start3A_358 = arith.constant 0 : i32
    %dma_start3A_359 = tpu.memref_slice %arg7[%dma_start3A_351, %dma_start3A_358] : memref<128x32xi32, #tpu.memory_space<vmem>> -> memref<1x32xi32, #tpu.memory_space<vmem>>
    %dma_start3A_360 = tpu.memref_squeeze %dma_start3A_359 : memref<1x32xi32, #tpu.memory_space<vmem>> -> memref<32xi32, #tpu.memory_space<vmem>>
    %dma_start3A_361 = arith.constant 0 : i32
    %dma_start3A_362 = arith.constant 0 : i32
    %dma_start3A_363 = tpu.memref_slice %arg4[%dma_start3A_350, %dma_start3A_361, %dma_start3A_362] : memref<26x100000x16xf32, #tpu.memory_space<hbm>> -> memref<1x100000x16xf32, #tpu.memory_space<hbm>>
    %dma_start3A_364 = tpu.memref_squeeze %dma_start3A_363 : memref<1x100000x16xf32, #tpu.memory_space<hbm>> -> memref<100000x16xf32, #tpu.memory_space<hbm>>
    %dma_start3A_365 = arith.constant 0 : i32
    %dma_start3A_366 = arith.constant 0 : i32
    %dma_start3A_367 = tpu.memref_slice %dma_start3A_364[%dma_start3A_365, %dma_start3A_366] : memref<100000x16xf32, #tpu.memory_space<hbm>> -> memref<100000x16xf32, #tpu.memory_space<hbm>>
    tpu.enqueue_indirect_dma source(%dma_start3A_367 : memref<100000x16xf32, #tpu.memory_space<hbm>>) target(%dma_start3A_357 : memref<32x16xf32, #tpu.memory_space<vmem>>) offsets(%dma_start3A_360 : memref<32xi32, #tpu.memory_space<vmem>>) semaphore(%arg14 : memref<!tpu.dma_semaphore, #tpu.memory_space<semaphore_mem>>)
    %dma_start3A_368 = arith.constant 20 : i32
    %dma_start3A_369 = arith.constant 0 : i32
    %dma_start3A_370 = arith.constant 0 : i32
    %dma_start3A_371 = arith.constant 20 : i32
    %dma_start3A_372 = arith.constant 0 : i32
    %dma_start3A_373 = arith.constant 0 : i32
    %dma_start3A_374 = tpu.memref_slice %arg9[%dma_start3A_370, %dma_start3A_371, %dma_start3A_372, %dma_start3A_373] : memref<2x25x32x16xf32, #tpu.memory_space<vmem>> -> memref<1x1x32x16xf32, #tpu.memory_space<vmem>>
    %dma_start3A_375 = tpu.memref_squeeze %dma_start3A_374 : memref<1x1x32x16xf32, #tpu.memory_space<vmem>> -> memref<32x16xf32, #tpu.memory_space<vmem>>
    %dma_start3A_376 = arith.constant 0 : i32
    %dma_start3A_377 = tpu.memref_slice %arg7[%dma_start3A_369, %dma_start3A_376] : memref<128x32xi32, #tpu.memory_space<vmem>> -> memref<1x32xi32, #tpu.memory_space<vmem>>
    %dma_start3A_378 = tpu.memref_squeeze %dma_start3A_377 : memref<1x32xi32, #tpu.memory_space<vmem>> -> memref<32xi32, #tpu.memory_space<vmem>>
    %dma_start3A_379 = arith.constant 0 : i32
    %dma_start3A_380 = arith.constant 0 : i32
    %dma_start3A_381 = tpu.memref_slice %arg4[%dma_start3A_368, %dma_start3A_379, %dma_start3A_380] : memref<26x100000x16xf32, #tpu.memory_space<hbm>> -> memref<1x100000x16xf32, #tpu.memory_space<hbm>>
    %dma_start3A_382 = tpu.memref_squeeze %dma_start3A_381 : memref<1x100000x16xf32, #tpu.memory_space<hbm>> -> memref<100000x16xf32, #tpu.memory_space<hbm>>
    %dma_start3A_383 = arith.constant 0 : i32
    %dma_start3A_384 = arith.constant 0 : i32
    %dma_start3A_385 = tpu.memref_slice %dma_start3A_382[%dma_start3A_383, %dma_start3A_384] : memref<100000x16xf32, #tpu.memory_space<hbm>> -> memref<100000x16xf32, #tpu.memory_space<hbm>>
    tpu.enqueue_indirect_dma source(%dma_start3A_385 : memref<100000x16xf32, #tpu.memory_space<hbm>>) target(%dma_start3A_375 : memref<32x16xf32, #tpu.memory_space<vmem>>) offsets(%dma_start3A_378 : memref<32xi32, #tpu.memory_space<vmem>>) semaphore(%arg14 : memref<!tpu.dma_semaphore, #tpu.memory_space<semaphore_mem>>)
    %dma_start3A_386 = arith.constant 21 : i32
    %dma_start3A_387 = arith.constant 0 : i32
    %dma_start3A_388 = arith.constant 0 : i32
    %dma_start3A_389 = arith.constant 21 : i32
    %dma_start3A_390 = arith.constant 0 : i32
    %dma_start3A_391 = arith.constant 0 : i32
    %dma_start3A_392 = tpu.memref_slice %arg9[%dma_start3A_388, %dma_start3A_389, %dma_start3A_390, %dma_start3A_391] : memref<2x25x32x16xf32, #tpu.memory_space<vmem>> -> memref<1x1x32x16xf32, #tpu.memory_space<vmem>>
    %dma_start3A_393 = tpu.memref_squeeze %dma_start3A_392 : memref<1x1x32x16xf32, #tpu.memory_space<vmem>> -> memref<32x16xf32, #tpu.memory_space<vmem>>
    %dma_start3A_394 = arith.constant 0 : i32
    %dma_start3A_395 = tpu.memref_slice %arg7[%dma_start3A_387, %dma_start3A_394] : memref<128x32xi32, #tpu.memory_space<vmem>> -> memref<1x32xi32, #tpu.memory_space<vmem>>
    %dma_start3A_396 = tpu.memref_squeeze %dma_start3A_395 : memref<1x32xi32, #tpu.memory_space<vmem>> -> memref<32xi32, #tpu.memory_space<vmem>>
    %dma_start3A_397 = arith.constant 0 : i32
    %dma_start3A_398 = arith.constant 0 : i32
    %dma_start3A_399 = tpu.memref_slice %arg4[%dma_start3A_386, %dma_start3A_397, %dma_start3A_398] : memref<26x100000x16xf32, #tpu.memory_space<hbm>> -> memref<1x100000x16xf32, #tpu.memory_space<hbm>>
    %dma_start3A_400 = tpu.memref_squeeze %dma_start3A_399 : memref<1x100000x16xf32, #tpu.memory_space<hbm>> -> memref<100000x16xf32, #tpu.memory_space<hbm>>
    %dma_start3A_401 = arith.constant 0 : i32
    %dma_start3A_402 = arith.constant 0 : i32
    %dma_start3A_403 = tpu.memref_slice %dma_start3A_400[%dma_start3A_401, %dma_start3A_402] : memref<100000x16xf32, #tpu.memory_space<hbm>> -> memref<100000x16xf32, #tpu.memory_space<hbm>>
    tpu.enqueue_indirect_dma source(%dma_start3A_403 : memref<100000x16xf32, #tpu.memory_space<hbm>>) target(%dma_start3A_393 : memref<32x16xf32, #tpu.memory_space<vmem>>) offsets(%dma_start3A_396 : memref<32xi32, #tpu.memory_space<vmem>>) semaphore(%arg14 : memref<!tpu.dma_semaphore, #tpu.memory_space<semaphore_mem>>)
    %dma_start3A_404 = arith.constant 22 : i32
    %dma_start3A_405 = arith.constant 0 : i32
    %dma_start3A_406 = arith.constant 0 : i32
    %dma_start3A_407 = arith.constant 22 : i32
    %dma_start3A_408 = arith.constant 0 : i32
    %dma_start3A_409 = arith.constant 0 : i32
    %dma_start3A_410 = tpu.memref_slice %arg9[%dma_start3A_406, %dma_start3A_407, %dma_start3A_408, %dma_start3A_409] : memref<2x25x32x16xf32, #tpu.memory_space<vmem>> -> memref<1x1x32x16xf32, #tpu.memory_space<vmem>>
    %dma_start3A_411 = tpu.memref_squeeze %dma_start3A_410 : memref<1x1x32x16xf32, #tpu.memory_space<vmem>> -> memref<32x16xf32, #tpu.memory_space<vmem>>
    %dma_start3A_412 = arith.constant 0 : i32
    %dma_start3A_413 = tpu.memref_slice %arg7[%dma_start3A_405, %dma_start3A_412] : memref<128x32xi32, #tpu.memory_space<vmem>> -> memref<1x32xi32, #tpu.memory_space<vmem>>
    %dma_start3A_414 = tpu.memref_squeeze %dma_start3A_413 : memref<1x32xi32, #tpu.memory_space<vmem>> -> memref<32xi32, #tpu.memory_space<vmem>>
    %dma_start3A_415 = arith.constant 0 : i32
    %dma_start3A_416 = arith.constant 0 : i32
    %dma_start3A_417 = tpu.memref_slice %arg4[%dma_start3A_404, %dma_start3A_415, %dma_start3A_416] : memref<26x100000x16xf32, #tpu.memory_space<hbm>> -> memref<1x100000x16xf32, #tpu.memory_space<hbm>>
    %dma_start3A_418 = tpu.memref_squeeze %dma_start3A_417 : memref<1x100000x16xf32, #tpu.memory_space<hbm>> -> memref<100000x16xf32, #tpu.memory_space<hbm>>
    %dma_start3A_419 = arith.constant 0 : i32
    %dma_start3A_420 = arith.constant 0 : i32
    %dma_start3A_421 = tpu.memref_slice %dma_start3A_418[%dma_start3A_419, %dma_start3A_420] : memref<100000x16xf32, #tpu.memory_space<hbm>> -> memref<100000x16xf32, #tpu.memory_space<hbm>>
    tpu.enqueue_indirect_dma source(%dma_start3A_421 : memref<100000x16xf32, #tpu.memory_space<hbm>>) target(%dma_start3A_411 : memref<32x16xf32, #tpu.memory_space<vmem>>) offsets(%dma_start3A_414 : memref<32xi32, #tpu.memory_space<vmem>>) semaphore(%arg14 : memref<!tpu.dma_semaphore, #tpu.memory_space<semaphore_mem>>)
    %dma_start3A_422 = arith.constant 23 : i32
    %dma_start3A_423 = arith.constant 0 : i32
    %dma_start3A_424 = arith.constant 0 : i32
    %dma_start3A_425 = arith.constant 23 : i32
    %dma_start3A_426 = arith.constant 0 : i32
    %dma_start3A_427 = arith.constant 0 : i32
    %dma_start3A_428 = tpu.memref_slice %arg9[%dma_start3A_424, %dma_start3A_425, %dma_start3A_426, %dma_start3A_427] : memref<2x25x32x16xf32, #tpu.memory_space<vmem>> -> memref<1x1x32x16xf32, #tpu.memory_space<vmem>>
    %dma_start3A_429 = tpu.memref_squeeze %dma_start3A_428 : memref<1x1x32x16xf32, #tpu.memory_space<vmem>> -> memref<32x16xf32, #tpu.memory_space<vmem>>
    %dma_start3A_430 = arith.constant 0 : i32
    %dma_start3A_431 = tpu.memref_slice %arg7[%dma_start3A_423, %dma_start3A_430] : memref<128x32xi32, #tpu.memory_space<vmem>> -> memref<1x32xi32, #tpu.memory_space<vmem>>
    %dma_start3A_432 = tpu.memref_squeeze %dma_start3A_431 : memref<1x32xi32, #tpu.memory_space<vmem>> -> memref<32xi32, #tpu.memory_space<vmem>>
    %dma_start3A_433 = arith.constant 0 : i32
    %dma_start3A_434 = arith.constant 0 : i32
    %dma_start3A_435 = tpu.memref_slice %arg4[%dma_start3A_422, %dma_start3A_433, %dma_start3A_434] : memref<26x100000x16xf32, #tpu.memory_space<hbm>> -> memref<1x100000x16xf32, #tpu.memory_space<hbm>>
    %dma_start3A_436 = tpu.memref_squeeze %dma_start3A_435 : memref<1x100000x16xf32, #tpu.memory_space<hbm>> -> memref<100000x16xf32, #tpu.memory_space<hbm>>
    %dma_start3A_437 = arith.constant 0 : i32
    %dma_start3A_438 = arith.constant 0 : i32
    %dma_start3A_439 = tpu.memref_slice %dma_start3A_436[%dma_start3A_437, %dma_start3A_438] : memref<100000x16xf32, #tpu.memory_space<hbm>> -> memref<100000x16xf32, #tpu.memory_space<hbm>>
    tpu.enqueue_indirect_dma source(%dma_start3A_439 : memref<100000x16xf32, #tpu.memory_space<hbm>>) target(%dma_start3A_429 : memref<32x16xf32, #tpu.memory_space<vmem>>) offsets(%dma_start3A_432 : memref<32xi32, #tpu.memory_space<vmem>>) semaphore(%arg14 : memref<!tpu.dma_semaphore, #tpu.memory_space<semaphore_mem>>)
    %dma_start3A_440 = arith.constant 24 : i32
    %dma_start3A_441 = arith.constant 0 : i32
    %dma_start3A_442 = arith.constant 0 : i32
    %dma_start3A_443 = arith.constant 24 : i32
    %dma_start3A_444 = arith.constant 0 : i32
    %dma_start3A_445 = arith.constant 0 : i32
    %dma_start3A_446 = tpu.memref_slice %arg9[%dma_start3A_442, %dma_start3A_443, %dma_start3A_444, %dma_start3A_445] : memref<2x25x32x16xf32, #tpu.memory_space<vmem>> -> memref<1x1x32x16xf32, #tpu.memory_space<vmem>>
    %dma_start3A_447 = tpu.memref_squeeze %dma_start3A_446 : memref<1x1x32x16xf32, #tpu.memory_space<vmem>> -> memref<32x16xf32, #tpu.memory_space<vmem>>
    %dma_start3A_448 = arith.constant 0 : i32
    %dma_start3A_449 = tpu.memref_slice %arg7[%dma_start3A_441, %dma_start3A_448] : memref<128x32xi32, #tpu.memory_space<vmem>> -> memref<1x32xi32, #tpu.memory_space<vmem>>
    %dma_start3A_450 = tpu.memref_squeeze %dma_start3A_449 : memref<1x32xi32, #tpu.memory_space<vmem>> -> memref<32xi32, #tpu.memory_space<vmem>>
    %dma_start3A_451 = arith.constant 0 : i32
    %dma_start3A_452 = arith.constant 0 : i32
    %dma_start3A_453 = tpu.memref_slice %arg4[%dma_start3A_440, %dma_start3A_451, %dma_start3A_452] : memref<26x100000x16xf32, #tpu.memory_space<hbm>> -> memref<1x100000x16xf32, #tpu.memory_space<hbm>>
    %dma_start3A_454 = tpu.memref_squeeze %dma_start3A_453 : memref<1x100000x16xf32, #tpu.memory_space<hbm>> -> memref<100000x16xf32, #tpu.memory_space<hbm>>
    %dma_start3A_455 = arith.constant 0 : i32
    %dma_start3A_456 = arith.constant 0 : i32
    %dma_start3A_457 = tpu.memref_slice %dma_start3A_454[%dma_start3A_455, %dma_start3A_456] : memref<100000x16xf32, #tpu.memory_space<hbm>> -> memref<100000x16xf32, #tpu.memory_space<hbm>>
    tpu.enqueue_indirect_dma source(%dma_start3A_457 : memref<100000x16xf32, #tpu.memory_space<hbm>>) target(%dma_start3A_447 : memref<32x16xf32, #tpu.memory_space<vmem>>) offsets(%dma_start3A_450 : memref<32xi32, #tpu.memory_space<vmem>>) semaphore(%arg14 : memref<!tpu.dma_semaphore, #tpu.memory_space<semaphore_mem>>)
    %dma_start3A_458 = arith.constant 0 : i32
    %dma_start3A_459 = arith.constant 0 : i32
    %dma_start3A_460 = arith.constant 0 : i32
    %dma_start3A_461 = tpu.memref_slice %arg10[%dma_start3A_459, %dma_start3A_460] : memref<2x32xf32, #tpu.memory_space<vmem>> -> memref<1x32xf32, #tpu.memory_space<vmem>>
    %dma_start3A_462 = tpu.memref_squeeze %dma_start3A_461 : memref<1x32xf32, #tpu.memory_space<vmem>> -> memref<32xf32, #tpu.memory_space<vmem>>
    %dma_start3A_463 = arith.constant 0 : i32
    %dma_start3A_464 = tpu.memref_slice %arg7[%dma_start3A_458, %dma_start3A_463] : memref<128x32xi32, #tpu.memory_space<vmem>> -> memref<1x32xi32, #tpu.memory_space<vmem>>
    %dma_start3A_465 = tpu.memref_squeeze %dma_start3A_464 : memref<1x32xi32, #tpu.memory_space<vmem>> -> memref<32xi32, #tpu.memory_space<vmem>>
    %dma_start3A_466 = arith.constant 0 : i32
    %dma_start3A_467 = tpu.memref_slice %arg5[%dma_start3A_466] : memref<100000xf32, #tpu.memory_space<hbm>> -> memref<100000xf32, #tpu.memory_space<hbm>>
    tpu.enqueue_indirect_dma source(%dma_start3A_467 : memref<100000xf32, #tpu.memory_space<hbm>>) target(%dma_start3A_462 : memref<32xf32, #tpu.memory_space<vmem>>) offsets(%dma_start3A_465 : memref<32xi32, #tpu.memory_space<vmem>>) semaphore(%arg14 : memref<!tpu.dma_semaphore, #tpu.memory_space<semaphore_mem>>)
    %broadcast_in_dim3A = arith.constant 0.000000e+00 : f32
    %broadcast_in_dim3A_468 = vector.broadcast %broadcast_in_dim3A : f32 to vector<16xf32>
    %scan3A_469 = arith.constant 0 : i32
    %scan3A_470 = arith.constant 64 : i32
    %scan3A_471 = arith.addi %scan3A_469, %scan3A_470 : i32
    %scan3A_472 = arith.constant 1 : i32
    %scan3A_473 = scf.for %scan3A_482 = %scan3A_469 to %scan3A_471 step %scan3A_472 iter_args(%scan3A_483 = %broadcast_in_dim3A_468) -> (vector<16xf32>)  : i32 {
      %mul3A_484 = arith.constant 2 : i32
      %mul3A_485 = arith.muli %mul3A_484, %scan3A_482 : i32
      %add3A_486 = arith.constant 1 : i32
      %add3A_487 = arith.addi %mul3A_485, %add3A_486 : i32
      %dma_start3A_488 = arith.constant 0 : i32
      %dma_start3A_489 = arith.constant 1 : i32
      %dma_start3A_490 = arith.constant 0 : i32
      %dma_start3A_491 = arith.constant 0 : i32
      %dma_start3A_492 = arith.constant 0 : i32
      %dma_start3A_493 = tpu.memref_slice %arg9[%dma_start3A_489, %dma_start3A_490, %dma_start3A_491, %dma_start3A_492] : memref<2x25x32x16xf32, #tpu.memory_space<vmem>> -> memref<1x1x32x16xf32, #tpu.memory_space<vmem>>
      %dma_start3A_494 = tpu.memref_squeeze %dma_start3A_493 : memref<1x1x32x16xf32, #tpu.memory_space<vmem>> -> memref<32x16xf32, #tpu.memory_space<vmem>>
      %dma_start3A_495 = arith.constant 0 : i32
      %dma_start3A_496 = tpu.memref_slice %arg7[%add3A_487, %dma_start3A_495] : memref<128x32xi32, #tpu.memory_space<vmem>> -> memref<1x32xi32, #tpu.memory_space<vmem>>
      %dma_start3A_497 = tpu.memref_squeeze %dma_start3A_496 : memref<1x32xi32, #tpu.memory_space<vmem>> -> memref<32xi32, #tpu.memory_space<vmem>>
      %dma_start3A_498 = arith.constant 0 : i32
      %dma_start3A_499 = arith.constant 0 : i32
      %dma_start3A_500 = tpu.memref_slice %arg4[%dma_start3A_488, %dma_start3A_498, %dma_start3A_499] : memref<26x100000x16xf32, #tpu.memory_space<hbm>> -> memref<1x100000x16xf32, #tpu.memory_space<hbm>>
      %dma_start3A_501 = tpu.memref_squeeze %dma_start3A_500 : memref<1x100000x16xf32, #tpu.memory_space<hbm>> -> memref<100000x16xf32, #tpu.memory_space<hbm>>
      %dma_start3A_502 = arith.constant 0 : i32
      %dma_start3A_503 = arith.constant 0 : i32
      %dma_start3A_504 = tpu.memref_slice %dma_start3A_501[%dma_start3A_502, %dma_start3A_503] : memref<100000x16xf32, #tpu.memory_space<hbm>> -> memref<100000x16xf32, #tpu.memory_space<hbm>>
      tpu.enqueue_indirect_dma source(%dma_start3A_504 : memref<100000x16xf32, #tpu.memory_space<hbm>>) target(%dma_start3A_494 : memref<32x16xf32, #tpu.memory_space<vmem>>) offsets(%dma_start3A_497 : memref<32xi32, #tpu.memory_space<vmem>>) semaphore(%arg15 : memref<!tpu.dma_semaphore, #tpu.memory_space<semaphore_mem>>)
      %dma_start3A_505 = arith.constant 1 : i32
      %dma_start3A_506 = arith.constant 1 : i32
      %dma_start3A_507 = arith.constant 1 : i32
      %dma_start3A_508 = arith.constant 0 : i32
      %dma_start3A_509 = arith.constant 0 : i32
      %dma_start3A_510 = tpu.memref_slice %arg9[%dma_start3A_506, %dma_start3A_507, %dma_start3A_508, %dma_start3A_509] : memref<2x25x32x16xf32, #tpu.memory_space<vmem>> -> memref<1x1x32x16xf32, #tpu.memory_space<vmem>>
      %dma_start3A_511 = tpu.memref_squeeze %dma_start3A_510 : memref<1x1x32x16xf32, #tpu.memory_space<vmem>> -> memref<32x16xf32, #tpu.memory_space<vmem>>
      %dma_start3A_512 = arith.constant 0 : i32
      %dma_start3A_513 = tpu.memref_slice %arg7[%add3A_487, %dma_start3A_512] : memref<128x32xi32, #tpu.memory_space<vmem>> -> memref<1x32xi32, #tpu.memory_space<vmem>>
      %dma_start3A_514 = tpu.memref_squeeze %dma_start3A_513 : memref<1x32xi32, #tpu.memory_space<vmem>> -> memref<32xi32, #tpu.memory_space<vmem>>
      %dma_start3A_515 = arith.constant 0 : i32
      %dma_start3A_516 = arith.constant 0 : i32
      %dma_start3A_517 = tpu.memref_slice %arg4[%dma_start3A_505, %dma_start3A_515, %dma_start3A_516] : memref<26x100000x16xf32, #tpu.memory_space<hbm>> -> memref<1x100000x16xf32, #tpu.memory_space<hbm>>
      %dma_start3A_518 = tpu.memref_squeeze %dma_start3A_517 : memref<1x100000x16xf32, #tpu.memory_space<hbm>> -> memref<100000x16xf32, #tpu.memory_space<hbm>>
      %dma_start3A_519 = arith.constant 0 : i32
      %dma_start3A_520 = arith.constant 0 : i32
      %dma_start3A_521 = tpu.memref_slice %dma_start3A_518[%dma_start3A_519, %dma_start3A_520] : memref<100000x16xf32, #tpu.memory_space<hbm>> -> memref<100000x16xf32, #tpu.memory_space<hbm>>
      tpu.enqueue_indirect_dma source(%dma_start3A_521 : memref<100000x16xf32, #tpu.memory_space<hbm>>) target(%dma_start3A_511 : memref<32x16xf32, #tpu.memory_space<vmem>>) offsets(%dma_start3A_514 : memref<32xi32, #tpu.memory_space<vmem>>) semaphore(%arg15 : memref<!tpu.dma_semaphore, #tpu.memory_space<semaphore_mem>>)
      %dma_start3A_522 = arith.constant 2 : i32
      %dma_start3A_523 = arith.constant 1 : i32
      %dma_start3A_524 = arith.constant 2 : i32
      %dma_start3A_525 = arith.constant 0 : i32
      %dma_start3A_526 = arith.constant 0 : i32
      %dma_start3A_527 = tpu.memref_slice %arg9[%dma_start3A_523, %dma_start3A_524, %dma_start3A_525, %dma_start3A_526] : memref<2x25x32x16xf32, #tpu.memory_space<vmem>> -> memref<1x1x32x16xf32, #tpu.memory_space<vmem>>
      %dma_start3A_528 = tpu.memref_squeeze %dma_start3A_527 : memref<1x1x32x16xf32, #tpu.memory_space<vmem>> -> memref<32x16xf32, #tpu.memory_space<vmem>>
      %dma_start3A_529 = arith.constant 0 : i32
      %dma_start3A_530 = tpu.memref_slice %arg7[%add3A_487, %dma_start3A_529] : memref<128x32xi32, #tpu.memory_space<vmem>> -> memref<1x32xi32, #tpu.memory_space<vmem>>
      %dma_start3A_531 = tpu.memref_squeeze %dma_start3A_530 : memref<1x32xi32, #tpu.memory_space<vmem>> -> memref<32xi32, #tpu.memory_space<vmem>>
      %dma_start3A_532 = arith.constant 0 : i32
      %dma_start3A_533 = arith.constant 0 : i32
      %dma_start3A_534 = tpu.memref_slice %arg4[%dma_start3A_522, %dma_start3A_532, %dma_start3A_533] : memref<26x100000x16xf32, #tpu.memory_space<hbm>> -> memref<1x100000x16xf32, #tpu.memory_space<hbm>>
      %dma_start3A_535 = tpu.memref_squeeze %dma_start3A_534 : memref<1x100000x16xf32, #tpu.memory_space<hbm>> -> memref<100000x16xf32, #tpu.memory_space<hbm>>
      %dma_start3A_536 = arith.constant 0 : i32
      %dma_start3A_537 = arith.constant 0 : i32
      %dma_start3A_538 = tpu.memref_slice %dma_start3A_535[%dma_start3A_536, %dma_start3A_537] : memref<100000x16xf32, #tpu.memory_space<hbm>> -> memref<100000x16xf32, #tpu.memory_space<hbm>>
      tpu.enqueue_indirect_dma source(%dma_start3A_538 : memref<100000x16xf32, #tpu.memory_space<hbm>>) target(%dma_start3A_528 : memref<32x16xf32, #tpu.memory_space<vmem>>) offsets(%dma_start3A_531 : memref<32xi32, #tpu.memory_space<vmem>>) semaphore(%arg15 : memref<!tpu.dma_semaphore, #tpu.memory_space<semaphore_mem>>)
      %dma_start3A_539 = arith.constant 3 : i32
      %dma_start3A_540 = arith.constant 1 : i32
      %dma_start3A_541 = arith.constant 3 : i32
      %dma_start3A_542 = arith.constant 0 : i32
      %dma_start3A_543 = arith.constant 0 : i32
      %dma_start3A_544 = tpu.memref_slice %arg9[%dma_start3A_540, %dma_start3A_541, %dma_start3A_542, %dma_start3A_543] : memref<2x25x32x16xf32, #tpu.memory_space<vmem>> -> memref<1x1x32x16xf32, #tpu.memory_space<vmem>>
      %dma_start3A_545 = tpu.memref_squeeze %dma_start3A_544 : memref<1x1x32x16xf32, #tpu.memory_space<vmem>> -> memref<32x16xf32, #tpu.memory_space<vmem>>
      %dma_start3A_546 = arith.constant 0 : i32
      %dma_start3A_547 = tpu.memref_slice %arg7[%add3A_487, %dma_start3A_546] : memref<128x32xi32, #tpu.memory_space<vmem>> -> memref<1x32xi32, #tpu.memory_space<vmem>>
      %dma_start3A_548 = tpu.memref_squeeze %dma_start3A_547 : memref<1x32xi32, #tpu.memory_space<vmem>> -> memref<32xi32, #tpu.memory_space<vmem>>
      %dma_start3A_549 = arith.constant 0 : i32
      %dma_start3A_550 = arith.constant 0 : i32
      %dma_start3A_551 = tpu.memref_slice %arg4[%dma_start3A_539, %dma_start3A_549, %dma_start3A_550] : memref<26x100000x16xf32, #tpu.memory_space<hbm>> -> memref<1x100000x16xf32, #tpu.memory_space<hbm>>
      %dma_start3A_552 = tpu.memref_squeeze %dma_start3A_551 : memref<1x100000x16xf32, #tpu.memory_space<hbm>> -> memref<100000x16xf32, #tpu.memory_space<hbm>>
      %dma_start3A_553 = arith.constant 0 : i32
      %dma_start3A_554 = arith.constant 0 : i32
      %dma_start3A_555 = tpu.memref_slice %dma_start3A_552[%dma_start3A_553, %dma_start3A_554] : memref<100000x16xf32, #tpu.memory_space<hbm>> -> memref<100000x16xf32, #tpu.memory_space<hbm>>
      tpu.enqueue_indirect_dma source(%dma_start3A_555 : memref<100000x16xf32, #tpu.memory_space<hbm>>) target(%dma_start3A_545 : memref<32x16xf32, #tpu.memory_space<vmem>>) offsets(%dma_start3A_548 : memref<32xi32, #tpu.memory_space<vmem>>) semaphore(%arg15 : memref<!tpu.dma_semaphore, #tpu.memory_space<semaphore_mem>>)
      %dma_start3A_556 = arith.constant 4 : i32
      %dma_start3A_557 = arith.constant 1 : i32
      %dma_start3A_558 = arith.constant 4 : i32
      %dma_start3A_559 = arith.constant 0 : i32
      %dma_start3A_560 = arith.constant 0 : i32
      %dma_start3A_561 = tpu.memref_slice %arg9[%dma_start3A_557, %dma_start3A_558, %dma_start3A_559, %dma_start3A_560] : memref<2x25x32x16xf32, #tpu.memory_space<vmem>> -> memref<1x1x32x16xf32, #tpu.memory_space<vmem>>
      %dma_start3A_562 = tpu.memref_squeeze %dma_start3A_561 : memref<1x1x32x16xf32, #tpu.memory_space<vmem>> -> memref<32x16xf32, #tpu.memory_space<vmem>>
      %dma_start3A_563 = arith.constant 0 : i32
      %dma_start3A_564 = tpu.memref_slice %arg7[%add3A_487, %dma_start3A_563] : memref<128x32xi32, #tpu.memory_space<vmem>> -> memref<1x32xi32, #tpu.memory_space<vmem>>
      %dma_start3A_565 = tpu.memref_squeeze %dma_start3A_564 : memref<1x32xi32, #tpu.memory_space<vmem>> -> memref<32xi32, #tpu.memory_space<vmem>>
      %dma_start3A_566 = arith.constant 0 : i32
      %dma_start3A_567 = arith.constant 0 : i32
      %dma_start3A_568 = tpu.memref_slice %arg4[%dma_start3A_556, %dma_start3A_566, %dma_start3A_567] : memref<26x100000x16xf32, #tpu.memory_space<hbm>> -> memref<1x100000x16xf32, #tpu.memory_space<hbm>>
      %dma_start3A_569 = tpu.memref_squeeze %dma_start3A_568 : memref<1x100000x16xf32, #tpu.memory_space<hbm>> -> memref<100000x16xf32, #tpu.memory_space<hbm>>
      %dma_start3A_570 = arith.constant 0 : i32
      %dma_start3A_571 = arith.constant 0 : i32
      %dma_start3A_572 = tpu.memref_slice %dma_start3A_569[%dma_start3A_570, %dma_start3A_571] : memref<100000x16xf32, #tpu.memory_space<hbm>> -> memref<100000x16xf32, #tpu.memory_space<hbm>>
      tpu.enqueue_indirect_dma source(%dma_start3A_572 : memref<100000x16xf32, #tpu.memory_space<hbm>>) target(%dma_start3A_562 : memref<32x16xf32, #tpu.memory_space<vmem>>) offsets(%dma_start3A_565 : memref<32xi32, #tpu.memory_space<vmem>>) semaphore(%arg15 : memref<!tpu.dma_semaphore, #tpu.memory_space<semaphore_mem>>)
      %dma_start3A_573 = arith.constant 5 : i32
      %dma_start3A_574 = arith.constant 1 : i32
      %dma_start3A_575 = arith.constant 5 : i32
      %dma_start3A_576 = arith.constant 0 : i32
      %dma_start3A_577 = arith.constant 0 : i32
      %dma_start3A_578 = tpu.memref_slice %arg9[%dma_start3A_574, %dma_start3A_575, %dma_start3A_576, %dma_start3A_577] : memref<2x25x32x16xf32, #tpu.memory_space<vmem>> -> memref<1x1x32x16xf32, #tpu.memory_space<vmem>>
      %dma_start3A_579 = tpu.memref_squeeze %dma_start3A_578 : memref<1x1x32x16xf32, #tpu.memory_space<vmem>> -> memref<32x16xf32, #tpu.memory_space<vmem>>
      %dma_start3A_580 = arith.constant 0 : i32
      %dma_start3A_581 = tpu.memref_slice %arg7[%add3A_487, %dma_start3A_580] : memref<128x32xi32, #tpu.memory_space<vmem>> -> memref<1x32xi32, #tpu.memory_space<vmem>>
      %dma_start3A_582 = tpu.memref_squeeze %dma_start3A_581 : memref<1x32xi32, #tpu.memory_space<vmem>> -> memref<32xi32, #tpu.memory_space<vmem>>
      %dma_start3A_583 = arith.constant 0 : i32
      %dma_start3A_584 = arith.constant 0 : i32
      %dma_start3A_585 = tpu.memref_slice %arg4[%dma_start3A_573, %dma_start3A_583, %dma_start3A_584] : memref<26x100000x16xf32, #tpu.memory_space<hbm>> -> memref<1x100000x16xf32, #tpu.memory_space<hbm>>
      %dma_start3A_586 = tpu.memref_squeeze %dma_start3A_585 : memref<1x100000x16xf32, #tpu.memory_space<hbm>> -> memref<100000x16xf32, #tpu.memory_space<hbm>>
      %dma_start3A_587 = arith.constant 0 : i32
      %dma_start3A_588 = arith.constant 0 : i32
      %dma_start3A_589 = tpu.memref_slice %dma_start3A_586[%dma_start3A_587, %dma_start3A_588] : memref<100000x16xf32, #tpu.memory_space<hbm>> -> memref<100000x16xf32, #tpu.memory_space<hbm>>
      tpu.enqueue_indirect_dma source(%dma_start3A_589 : memref<100000x16xf32, #tpu.memory_space<hbm>>) target(%dma_start3A_579 : memref<32x16xf32, #tpu.memory_space<vmem>>) offsets(%dma_start3A_582 : memref<32xi32, #tpu.memory_space<vmem>>) semaphore(%arg15 : memref<!tpu.dma_semaphore, #tpu.memory_space<semaphore_mem>>)
      %dma_start3A_590 = arith.constant 6 : i32
      %dma_start3A_591 = arith.constant 1 : i32
      %dma_start3A_592 = arith.constant 6 : i32
      %dma_start3A_593 = arith.constant 0 : i32
      %dma_start3A_594 = arith.constant 0 : i32
      %dma_start3A_595 = tpu.memref_slice %arg9[%dma_start3A_591, %dma_start3A_592, %dma_start3A_593, %dma_start3A_594] : memref<2x25x32x16xf32, #tpu.memory_space<vmem>> -> memref<1x1x32x16xf32, #tpu.memory_space<vmem>>
      %dma_start3A_596 = tpu.memref_squeeze %dma_start3A_595 : memref<1x1x32x16xf32, #tpu.memory_space<vmem>> -> memref<32x16xf32, #tpu.memory_space<vmem>>
      %dma_start3A_597 = arith.constant 0 : i32
      %dma_start3A_598 = tpu.memref_slice %arg7[%add3A_487, %dma_start3A_597] : memref<128x32xi32, #tpu.memory_space<vmem>> -> memref<1x32xi32, #tpu.memory_space<vmem>>
      %dma_start3A_599 = tpu.memref_squeeze %dma_start3A_598 : memref<1x32xi32, #tpu.memory_space<vmem>> -> memref<32xi32, #tpu.memory_space<vmem>>
      %dma_start3A_600 = arith.constant 0 : i32
      %dma_start3A_601 = arith.constant 0 : i32
      %dma_start3A_602 = tpu.memref_slice %arg4[%dma_start3A_590, %dma_start3A_600, %dma_start3A_601] : memref<26x100000x16xf32, #tpu.memory_space<hbm>> -> memref<1x100000x16xf32, #tpu.memory_space<hbm>>
      %dma_start3A_603 = tpu.memref_squeeze %dma_start3A_602 : memref<1x100000x16xf32, #tpu.memory_space<hbm>> -> memref<100000x16xf32, #tpu.memory_space<hbm>>
      %dma_start3A_604 = arith.constant 0 : i32
      %dma_start3A_605 = arith.constant 0 : i32
      %dma_start3A_606 = tpu.memref_slice %dma_start3A_603[%dma_start3A_604, %dma_start3A_605] : memref<100000x16xf32, #tpu.memory_space<hbm>> -> memref<100000x16xf32, #tpu.memory_space<hbm>>
      tpu.enqueue_indirect_dma source(%dma_start3A_606 : memref<100000x16xf32, #tpu.memory_space<hbm>>) target(%dma_start3A_596 : memref<32x16xf32, #tpu.memory_space<vmem>>) offsets(%dma_start3A_599 : memref<32xi32, #tpu.memory_space<vmem>>) semaphore(%arg15 : memref<!tpu.dma_semaphore, #tpu.memory_space<semaphore_mem>>)
      %dma_start3A_607 = arith.constant 7 : i32
      %dma_start3A_608 = arith.constant 1 : i32
      %dma_start3A_609 = arith.constant 7 : i32
      %dma_start3A_610 = arith.constant 0 : i32
      %dma_start3A_611 = arith.constant 0 : i32
      %dma_start3A_612 = tpu.memref_slice %arg9[%dma_start3A_608, %dma_start3A_609, %dma_start3A_610, %dma_start3A_611] : memref<2x25x32x16xf32, #tpu.memory_space<vmem>> -> memref<1x1x32x16xf32, #tpu.memory_space<vmem>>
      %dma_start3A_613 = tpu.memref_squeeze %dma_start3A_612 : memref<1x1x32x16xf32, #tpu.memory_space<vmem>> -> memref<32x16xf32, #tpu.memory_space<vmem>>
      %dma_start3A_614 = arith.constant 0 : i32
      %dma_start3A_615 = tpu.memref_slice %arg7[%add3A_487, %dma_start3A_614] : memref<128x32xi32, #tpu.memory_space<vmem>> -> memref<1x32xi32, #tpu.memory_space<vmem>>
      %dma_start3A_616 = tpu.memref_squeeze %dma_start3A_615 : memref<1x32xi32, #tpu.memory_space<vmem>> -> memref<32xi32, #tpu.memory_space<vmem>>
      %dma_start3A_617 = arith.constant 0 : i32
      %dma_start3A_618 = arith.constant 0 : i32
      %dma_start3A_619 = tpu.memref_slice %arg4[%dma_start3A_607, %dma_start3A_617, %dma_start3A_618] : memref<26x100000x16xf32, #tpu.memory_space<hbm>> -> memref<1x100000x16xf32, #tpu.memory_space<hbm>>
      %dma_start3A_620 = tpu.memref_squeeze %dma_start3A_619 : memref<1x100000x16xf32, #tpu.memory_space<hbm>> -> memref<100000x16xf32, #tpu.memory_space<hbm>>
      %dma_start3A_621 = arith.constant 0 : i32
      %dma_start3A_622 = arith.constant 0 : i32
      %dma_start3A_623 = tpu.memref_slice %dma_start3A_620[%dma_start3A_621, %dma_start3A_622] : memref<100000x16xf32, #tpu.memory_space<hbm>> -> memref<100000x16xf32, #tpu.memory_space<hbm>>
      tpu.enqueue_indirect_dma source(%dma_start3A_623 : memref<100000x16xf32, #tpu.memory_space<hbm>>) target(%dma_start3A_613 : memref<32x16xf32, #tpu.memory_space<vmem>>) offsets(%dma_start3A_616 : memref<32xi32, #tpu.memory_space<vmem>>) semaphore(%arg15 : memref<!tpu.dma_semaphore, #tpu.memory_space<semaphore_mem>>)
      %dma_start3A_624 = arith.constant 8 : i32
      %dma_start3A_625 = arith.constant 1 : i32
      %dma_start3A_626 = arith.constant 8 : i32
      %dma_start3A_627 = arith.constant 0 : i32
      %dma_start3A_628 = arith.constant 0 : i32
      %dma_start3A_629 = tpu.memref_slice %arg9[%dma_start3A_625, %dma_start3A_626, %dma_start3A_627, %dma_start3A_628] : memref<2x25x32x16xf32, #tpu.memory_space<vmem>> -> memref<1x1x32x16xf32, #tpu.memory_space<vmem>>
      %dma_start3A_630 = tpu.memref_squeeze %dma_start3A_629 : memref<1x1x32x16xf32, #tpu.memory_space<vmem>> -> memref<32x16xf32, #tpu.memory_space<vmem>>
      %dma_start3A_631 = arith.constant 0 : i32
      %dma_start3A_632 = tpu.memref_slice %arg7[%add3A_487, %dma_start3A_631] : memref<128x32xi32, #tpu.memory_space<vmem>> -> memref<1x32xi32, #tpu.memory_space<vmem>>
      %dma_start3A_633 = tpu.memref_squeeze %dma_start3A_632 : memref<1x32xi32, #tpu.memory_space<vmem>> -> memref<32xi32, #tpu.memory_space<vmem>>
      %dma_start3A_634 = arith.constant 0 : i32
      %dma_start3A_635 = arith.constant 0 : i32
      %dma_start3A_636 = tpu.memref_slice %arg4[%dma_start3A_624, %dma_start3A_634, %dma_start3A_635] : memref<26x100000x16xf32, #tpu.memory_space<hbm>> -> memref<1x100000x16xf32, #tpu.memory_space<hbm>>
      %dma_start3A_637 = tpu.memref_squeeze %dma_start3A_636 : memref<1x100000x16xf32, #tpu.memory_space<hbm>> -> memref<100000x16xf32, #tpu.memory_space<hbm>>
      %dma_start3A_638 = arith.constant 0 : i32
      %dma_start3A_639 = arith.constant 0 : i32
      %dma_start3A_640 = tpu.memref_slice %dma_start3A_637[%dma_start3A_638, %dma_start3A_639] : memref<100000x16xf32, #tpu.memory_space<hbm>> -> memref<100000x16xf32, #tpu.memory_space<hbm>>
      tpu.enqueue_indirect_dma source(%dma_start3A_640 : memref<100000x16xf32, #tpu.memory_space<hbm>>) target(%dma_start3A_630 : memref<32x16xf32, #tpu.memory_space<vmem>>) offsets(%dma_start3A_633 : memref<32xi32, #tpu.memory_space<vmem>>) semaphore(%arg15 : memref<!tpu.dma_semaphore, #tpu.memory_space<semaphore_mem>>)
      %dma_start3A_641 = arith.constant 9 : i32
      %dma_start3A_642 = arith.constant 1 : i32
      %dma_start3A_643 = arith.constant 9 : i32
      %dma_start3A_644 = arith.constant 0 : i32
      %dma_start3A_645 = arith.constant 0 : i32
      %dma_start3A_646 = tpu.memref_slice %arg9[%dma_start3A_642, %dma_start3A_643, %dma_start3A_644, %dma_start3A_645] : memref<2x25x32x16xf32, #tpu.memory_space<vmem>> -> memref<1x1x32x16xf32, #tpu.memory_space<vmem>>
      %dma_start3A_647 = tpu.memref_squeeze %dma_start3A_646 : memref<1x1x32x16xf32, #tpu.memory_space<vmem>> -> memref<32x16xf32, #tpu.memory_space<vmem>>
      %dma_start3A_648 = arith.constant 0 : i32
      %dma_start3A_649 = tpu.memref_slice %arg7[%add3A_487, %dma_start3A_648] : memref<128x32xi32, #tpu.memory_space<vmem>> -> memref<1x32xi32, #tpu.memory_space<vmem>>
      %dma_start3A_650 = tpu.memref_squeeze %dma_start3A_649 : memref<1x32xi32, #tpu.memory_space<vmem>> -> memref<32xi32, #tpu.memory_space<vmem>>
      %dma_start3A_651 = arith.constant 0 : i32
      %dma_start3A_652 = arith.constant 0 : i32
      %dma_start3A_653 = tpu.memref_slice %arg4[%dma_start3A_641, %dma_start3A_651, %dma_start3A_652] : memref<26x100000x16xf32, #tpu.memory_space<hbm>> -> memref<1x100000x16xf32, #tpu.memory_space<hbm>>
      %dma_start3A_654 = tpu.memref_squeeze %dma_start3A_653 : memref<1x100000x16xf32, #tpu.memory_space<hbm>> -> memref<100000x16xf32, #tpu.memory_space<hbm>>
      %dma_start3A_655 = arith.constant 0 : i32
      %dma_start3A_656 = arith.constant 0 : i32
      %dma_start3A_657 = tpu.memref_slice %dma_start3A_654[%dma_start3A_655, %dma_start3A_656] : memref<100000x16xf32, #tpu.memory_space<hbm>> -> memref<100000x16xf32, #tpu.memory_space<hbm>>
      tpu.enqueue_indirect_dma source(%dma_start3A_657 : memref<100000x16xf32, #tpu.memory_space<hbm>>) target(%dma_start3A_647 : memref<32x16xf32, #tpu.memory_space<vmem>>) offsets(%dma_start3A_650 : memref<32xi32, #tpu.memory_space<vmem>>) semaphore(%arg15 : memref<!tpu.dma_semaphore, #tpu.memory_space<semaphore_mem>>)
      %dma_start3A_658 = arith.constant 10 : i32
      %dma_start3A_659 = arith.constant 1 : i32
      %dma_start3A_660 = arith.constant 10 : i32
      %dma_start3A_661 = arith.constant 0 : i32
      %dma_start3A_662 = arith.constant 0 : i32
      %dma_start3A_663 = tpu.memref_slice %arg9[%dma_start3A_659, %dma_start3A_660, %dma_start3A_661, %dma_start3A_662] : memref<2x25x32x16xf32, #tpu.memory_space<vmem>> -> memref<1x1x32x16xf32, #tpu.memory_space<vmem>>
      %dma_start3A_664 = tpu.memref_squeeze %dma_start3A_663 : memref<1x1x32x16xf32, #tpu.memory_space<vmem>> -> memref<32x16xf32, #tpu.memory_space<vmem>>
      %dma_start3A_665 = arith.constant 0 : i32
      %dma_start3A_666 = tpu.memref_slice %arg7[%add3A_487, %dma_start3A_665] : memref<128x32xi32, #tpu.memory_space<vmem>> -> memref<1x32xi32, #tpu.memory_space<vmem>>
      %dma_start3A_667 = tpu.memref_squeeze %dma_start3A_666 : memref<1x32xi32, #tpu.memory_space<vmem>> -> memref<32xi32, #tpu.memory_space<vmem>>
      %dma_start3A_668 = arith.constant 0 : i32
      %dma_start3A_669 = arith.constant 0 : i32
      %dma_start3A_670 = tpu.memref_slice %arg4[%dma_start3A_658, %dma_start3A_668, %dma_start3A_669] : memref<26x100000x16xf32, #tpu.memory_space<hbm>> -> memref<1x100000x16xf32, #tpu.memory_space<hbm>>
      %dma_start3A_671 = tpu.memref_squeeze %dma_start3A_670 : memref<1x100000x16xf32, #tpu.memory_space<hbm>> -> memref<100000x16xf32, #tpu.memory_space<hbm>>
      %dma_start3A_672 = arith.constant 0 : i32
      %dma_start3A_673 = arith.constant 0 : i32
      %dma_start3A_674 = tpu.memref_slice %dma_start3A_671[%dma_start3A_672, %dma_start3A_673] : memref<100000x16xf32, #tpu.memory_space<hbm>> -> memref<100000x16xf32, #tpu.memory_space<hbm>>
      tpu.enqueue_indirect_dma source(%dma_start3A_674 : memref<100000x16xf32, #tpu.memory_space<hbm>>) target(%dma_start3A_664 : memref<32x16xf32, #tpu.memory_space<vmem>>) offsets(%dma_start3A_667 : memref<32xi32, #tpu.memory_space<vmem>>) semaphore(%arg15 : memref<!tpu.dma_semaphore, #tpu.memory_space<semaphore_mem>>)
      %dma_start3A_675 = arith.constant 11 : i32
      %dma_start3A_676 = arith.constant 1 : i32
      %dma_start3A_677 = arith.constant 11 : i32
      %dma_start3A_678 = arith.constant 0 : i32
      %dma_start3A_679 = arith.constant 0 : i32
      %dma_start3A_680 = tpu.memref_slice %arg9[%dma_start3A_676, %dma_start3A_677, %dma_start3A_678, %dma_start3A_679] : memref<2x25x32x16xf32, #tpu.memory_space<vmem>> -> memref<1x1x32x16xf32, #tpu.memory_space<vmem>>
      %dma_start3A_681 = tpu.memref_squeeze %dma_start3A_680 : memref<1x1x32x16xf32, #tpu.memory_space<vmem>> -> memref<32x16xf32, #tpu.memory_space<vmem>>
      %dma_start3A_682 = arith.constant 0 : i32
      %dma_start3A_683 = tpu.memref_slice %arg7[%add3A_487, %dma_start3A_682] : memref<128x32xi32, #tpu.memory_space<vmem>> -> memref<1x32xi32, #tpu.memory_space<vmem>>
      %dma_start3A_684 = tpu.memref_squeeze %dma_start3A_683 : memref<1x32xi32, #tpu.memory_space<vmem>> -> memref<32xi32, #tpu.memory_space<vmem>>
      %dma_start3A_685 = arith.constant 0 : i32
      %dma_start3A_686 = arith.constant 0 : i32
      %dma_start3A_687 = tpu.memref_slice %arg4[%dma_start3A_675, %dma_start3A_685, %dma_start3A_686] : memref<26x100000x16xf32, #tpu.memory_space<hbm>> -> memref<1x100000x16xf32, #tpu.memory_space<hbm>>
      %dma_start3A_688 = tpu.memref_squeeze %dma_start3A_687 : memref<1x100000x16xf32, #tpu.memory_space<hbm>> -> memref<100000x16xf32, #tpu.memory_space<hbm>>
      %dma_start3A_689 = arith.constant 0 : i32
      %dma_start3A_690 = arith.constant 0 : i32
      %dma_start3A_691 = tpu.memref_slice %dma_start3A_688[%dma_start3A_689, %dma_start3A_690] : memref<100000x16xf32, #tpu.memory_space<hbm>> -> memref<100000x16xf32, #tpu.memory_space<hbm>>
      tpu.enqueue_indirect_dma source(%dma_start3A_691 : memref<100000x16xf32, #tpu.memory_space<hbm>>) target(%dma_start3A_681 : memref<32x16xf32, #tpu.memory_space<vmem>>) offsets(%dma_start3A_684 : memref<32xi32, #tpu.memory_space<vmem>>) semaphore(%arg15 : memref<!tpu.dma_semaphore, #tpu.memory_space<semaphore_mem>>)
      %dma_start3A_692 = arith.constant 12 : i32
      %dma_start3A_693 = arith.constant 1 : i32
      %dma_start3A_694 = arith.constant 12 : i32
      %dma_start3A_695 = arith.constant 0 : i32
      %dma_start3A_696 = arith.constant 0 : i32
      %dma_start3A_697 = tpu.memref_slice %arg9[%dma_start3A_693, %dma_start3A_694, %dma_start3A_695, %dma_start3A_696] : memref<2x25x32x16xf32, #tpu.memory_space<vmem>> -> memref<1x1x32x16xf32, #tpu.memory_space<vmem>>
      %dma_start3A_698 = tpu.memref_squeeze %dma_start3A_697 : memref<1x1x32x16xf32, #tpu.memory_space<vmem>> -> memref<32x16xf32, #tpu.memory_space<vmem>>
      %dma_start3A_699 = arith.constant 0 : i32
      %dma_start3A_700 = tpu.memref_slice %arg7[%add3A_487, %dma_start3A_699] : memref<128x32xi32, #tpu.memory_space<vmem>> -> memref<1x32xi32, #tpu.memory_space<vmem>>
      %dma_start3A_701 = tpu.memref_squeeze %dma_start3A_700 : memref<1x32xi32, #tpu.memory_space<vmem>> -> memref<32xi32, #tpu.memory_space<vmem>>
      %dma_start3A_702 = arith.constant 0 : i32
      %dma_start3A_703 = arith.constant 0 : i32
      %dma_start3A_704 = tpu.memref_slice %arg4[%dma_start3A_692, %dma_start3A_702, %dma_start3A_703] : memref<26x100000x16xf32, #tpu.memory_space<hbm>> -> memref<1x100000x16xf32, #tpu.memory_space<hbm>>
      %dma_start3A_705 = tpu.memref_squeeze %dma_start3A_704 : memref<1x100000x16xf32, #tpu.memory_space<hbm>> -> memref<100000x16xf32, #tpu.memory_space<hbm>>
      %dma_start3A_706 = arith.constant 0 : i32
      %dma_start3A_707 = arith.constant 0 : i32
      %dma_start3A_708 = tpu.memref_slice %dma_start3A_705[%dma_start3A_706, %dma_start3A_707] : memref<100000x16xf32, #tpu.memory_space<hbm>> -> memref<100000x16xf32, #tpu.memory_space<hbm>>
      tpu.enqueue_indirect_dma source(%dma_start3A_708 : memref<100000x16xf32, #tpu.memory_space<hbm>>) target(%dma_start3A_698 : memref<32x16xf32, #tpu.memory_space<vmem>>) offsets(%dma_start3A_701 : memref<32xi32, #tpu.memory_space<vmem>>) semaphore(%arg15 : memref<!tpu.dma_semaphore, #tpu.memory_space<semaphore_mem>>)
      %dma_start3A_709 = arith.constant 13 : i32
      %dma_start3A_710 = arith.constant 1 : i32
      %dma_start3A_711 = arith.constant 13 : i32
      %dma_start3A_712 = arith.constant 0 : i32
      %dma_start3A_713 = arith.constant 0 : i32
      %dma_start3A_714 = tpu.memref_slice %arg9[%dma_start3A_710, %dma_start3A_711, %dma_start3A_712, %dma_start3A_713] : memref<2x25x32x16xf32, #tpu.memory_space<vmem>> -> memref<1x1x32x16xf32, #tpu.memory_space<vmem>>
      %dma_start3A_715 = tpu.memref_squeeze %dma_start3A_714 : memref<1x1x32x16xf32, #tpu.memory_space<vmem>> -> memref<32x16xf32, #tpu.memory_space<vmem>>
      %dma_start3A_716 = arith.constant 0 : i32
      %dma_start3A_717 = tpu.memref_slice %arg7[%add3A_487, %dma_start3A_716] : memref<128x32xi32, #tpu.memory_space<vmem>> -> memref<1x32xi32, #tpu.memory_space<vmem>>
      %dma_start3A_718 = tpu.memref_squeeze %dma_start3A_717 : memref<1x32xi32, #tpu.memory_space<vmem>> -> memref<32xi32, #tpu.memory_space<vmem>>
      %dma_start3A_719 = arith.constant 0 : i32
      %dma_start3A_720 = arith.constant 0 : i32
      %dma_start3A_721 = tpu.memref_slice %arg4[%dma_start3A_709, %dma_start3A_719, %dma_start3A_720] : memref<26x100000x16xf32, #tpu.memory_space<hbm>> -> memref<1x100000x16xf32, #tpu.memory_space<hbm>>
      %dma_start3A_722 = tpu.memref_squeeze %dma_start3A_721 : memref<1x100000x16xf32, #tpu.memory_space<hbm>> -> memref<100000x16xf32, #tpu.memory_space<hbm>>
      %dma_start3A_723 = arith.constant 0 : i32
      %dma_start3A_724 = arith.constant 0 : i32
      %dma_start3A_725 = tpu.memref_slice %dma_start3A_722[%dma_start3A_723, %dma_start3A_724] : memref<100000x16xf32, #tpu.memory_space<hbm>> -> memref<100000x16xf32, #tpu.memory_space<hbm>>
      tpu.enqueue_indirect_dma source(%dma_start3A_725 : memref<100000x16xf32, #tpu.memory_space<hbm>>) target(%dma_start3A_715 : memref<32x16xf32, #tpu.memory_space<vmem>>) offsets(%dma_start3A_718 : memref<32xi32, #tpu.memory_space<vmem>>) semaphore(%arg15 : memref<!tpu.dma_semaphore, #tpu.memory_space<semaphore_mem>>)
      %dma_start3A_726 = arith.constant 14 : i32
      %dma_start3A_727 = arith.constant 1 : i32
      %dma_start3A_728 = arith.constant 14 : i32
      %dma_start3A_729 = arith.constant 0 : i32
      %dma_start3A_730 = arith.constant 0 : i32
      %dma_start3A_731 = tpu.memref_slice %arg9[%dma_start3A_727, %dma_start3A_728, %dma_start3A_729, %dma_start3A_730] : memref<2x25x32x16xf32, #tpu.memory_space<vmem>> -> memref<1x1x32x16xf32, #tpu.memory_space<vmem>>
      %dma_start3A_732 = tpu.memref_squeeze %dma_start3A_731 : memref<1x1x32x16xf32, #tpu.memory_space<vmem>> -> memref<32x16xf32, #tpu.memory_space<vmem>>
      %dma_start3A_733 = arith.constant 0 : i32
      %dma_start3A_734 = tpu.memref_slice %arg7[%add3A_487, %dma_start3A_733] : memref<128x32xi32, #tpu.memory_space<vmem>> -> memref<1x32xi32, #tpu.memory_space<vmem>>
      %dma_start3A_735 = tpu.memref_squeeze %dma_start3A_734 : memref<1x32xi32, #tpu.memory_space<vmem>> -> memref<32xi32, #tpu.memory_space<vmem>>
      %dma_start3A_736 = arith.constant 0 : i32
      %dma_start3A_737 = arith.constant 0 : i32
      %dma_start3A_738 = tpu.memref_slice %arg4[%dma_start3A_726, %dma_start3A_736, %dma_start3A_737] : memref<26x100000x16xf32, #tpu.memory_space<hbm>> -> memref<1x100000x16xf32, #tpu.memory_space<hbm>>
      %dma_start3A_739 = tpu.memref_squeeze %dma_start3A_738 : memref<1x100000x16xf32, #tpu.memory_space<hbm>> -> memref<100000x16xf32, #tpu.memory_space<hbm>>
      %dma_start3A_740 = arith.constant 0 : i32
      %dma_start3A_741 = arith.constant 0 : i32
      %dma_start3A_742 = tpu.memref_slice %dma_start3A_739[%dma_start3A_740, %dma_start3A_741] : memref<100000x16xf32, #tpu.memory_space<hbm>> -> memref<100000x16xf32, #tpu.memory_space<hbm>>
      tpu.enqueue_indirect_dma source(%dma_start3A_742 : memref<100000x16xf32, #tpu.memory_space<hbm>>) target(%dma_start3A_732 : memref<32x16xf32, #tpu.memory_space<vmem>>) offsets(%dma_start3A_735 : memref<32xi32, #tpu.memory_space<vmem>>) semaphore(%arg15 : memref<!tpu.dma_semaphore, #tpu.memory_space<semaphore_mem>>)
      %dma_start3A_743 = arith.constant 15 : i32
      %dma_start3A_744 = arith.constant 1 : i32
      %dma_start3A_745 = arith.constant 15 : i32
      %dma_start3A_746 = arith.constant 0 : i32
      %dma_start3A_747 = arith.constant 0 : i32
      %dma_start3A_748 = tpu.memref_slice %arg9[%dma_start3A_744, %dma_start3A_745, %dma_start3A_746, %dma_start3A_747] : memref<2x25x32x16xf32, #tpu.memory_space<vmem>> -> memref<1x1x32x16xf32, #tpu.memory_space<vmem>>
      %dma_start3A_749 = tpu.memref_squeeze %dma_start3A_748 : memref<1x1x32x16xf32, #tpu.memory_space<vmem>> -> memref<32x16xf32, #tpu.memory_space<vmem>>
      %dma_start3A_750 = arith.constant 0 : i32
      %dma_start3A_751 = tpu.memref_slice %arg7[%add3A_487, %dma_start3A_750] : memref<128x32xi32, #tpu.memory_space<vmem>> -> memref<1x32xi32, #tpu.memory_space<vmem>>
      %dma_start3A_752 = tpu.memref_squeeze %dma_start3A_751 : memref<1x32xi32, #tpu.memory_space<vmem>> -> memref<32xi32, #tpu.memory_space<vmem>>
      %dma_start3A_753 = arith.constant 0 : i32
      %dma_start3A_754 = arith.constant 0 : i32
      %dma_start3A_755 = tpu.memref_slice %arg4[%dma_start3A_743, %dma_start3A_753, %dma_start3A_754] : memref<26x100000x16xf32, #tpu.memory_space<hbm>> -> memref<1x100000x16xf32, #tpu.memory_space<hbm>>
      %dma_start3A_756 = tpu.memref_squeeze %dma_start3A_755 : memref<1x100000x16xf32, #tpu.memory_space<hbm>> -> memref<100000x16xf32, #tpu.memory_space<hbm>>
      %dma_start3A_757 = arith.constant 0 : i32
      %dma_start3A_758 = arith.constant 0 : i32
      %dma_start3A_759 = tpu.memref_slice %dma_start3A_756[%dma_start3A_757, %dma_start3A_758] : memref<100000x16xf32, #tpu.memory_space<hbm>> -> memref<100000x16xf32, #tpu.memory_space<hbm>>
      tpu.enqueue_indirect_dma source(%dma_start3A_759 : memref<100000x16xf32, #tpu.memory_space<hbm>>) target(%dma_start3A_749 : memref<32x16xf32, #tpu.memory_space<vmem>>) offsets(%dma_start3A_752 : memref<32xi32, #tpu.memory_space<vmem>>) semaphore(%arg15 : memref<!tpu.dma_semaphore, #tpu.memory_space<semaphore_mem>>)
      %dma_start3A_760 = arith.constant 16 : i32
      %dma_start3A_761 = arith.constant 1 : i32
      %dma_start3A_762 = arith.constant 16 : i32
      %dma_start3A_763 = arith.constant 0 : i32
      %dma_start3A_764 = arith.constant 0 : i32
      %dma_start3A_765 = tpu.memref_slice %arg9[%dma_start3A_761, %dma_start3A_762, %dma_start3A_763, %dma_start3A_764] : memref<2x25x32x16xf32, #tpu.memory_space<vmem>> -> memref<1x1x32x16xf32, #tpu.memory_space<vmem>>
      %dma_start3A_766 = tpu.memref_squeeze %dma_start3A_765 : memref<1x1x32x16xf32, #tpu.memory_space<vmem>> -> memref<32x16xf32, #tpu.memory_space<vmem>>
      %dma_start3A_767 = arith.constant 0 : i32
      %dma_start3A_768 = tpu.memref_slice %arg7[%add3A_487, %dma_start3A_767] : memref<128x32xi32, #tpu.memory_space<vmem>> -> memref<1x32xi32, #tpu.memory_space<vmem>>
      %dma_start3A_769 = tpu.memref_squeeze %dma_start3A_768 : memref<1x32xi32, #tpu.memory_space<vmem>> -> memref<32xi32, #tpu.memory_space<vmem>>
      %dma_start3A_770 = arith.constant 0 : i32
      %dma_start3A_771 = arith.constant 0 : i32
      %dma_start3A_772 = tpu.memref_slice %arg4[%dma_start3A_760, %dma_start3A_770, %dma_start3A_771] : memref<26x100000x16xf32, #tpu.memory_space<hbm>> -> memref<1x100000x16xf32, #tpu.memory_space<hbm>>
      %dma_start3A_773 = tpu.memref_squeeze %dma_start3A_772 : memref<1x100000x16xf32, #tpu.memory_space<hbm>> -> memref<100000x16xf32, #tpu.memory_space<hbm>>
      %dma_start3A_774 = arith.constant 0 : i32
      %dma_start3A_775 = arith.constant 0 : i32
      %dma_start3A_776 = tpu.memref_slice %dma_start3A_773[%dma_start3A_774, %dma_start3A_775] : memref<100000x16xf32, #tpu.memory_space<hbm>> -> memref<100000x16xf32, #tpu.memory_space<hbm>>
      tpu.enqueue_indirect_dma source(%dma_start3A_776 : memref<100000x16xf32, #tpu.memory_space<hbm>>) target(%dma_start3A_766 : memref<32x16xf32, #tpu.memory_space<vmem>>) offsets(%dma_start3A_769 : memref<32xi32, #tpu.memory_space<vmem>>) semaphore(%arg15 : memref<!tpu.dma_semaphore, #tpu.memory_space<semaphore_mem>>)
      %dma_start3A_777 = arith.constant 17 : i32
      %dma_start3A_778 = arith.constant 1 : i32
      %dma_start3A_779 = arith.constant 17 : i32
      %dma_start3A_780 = arith.constant 0 : i32
      %dma_start3A_781 = arith.constant 0 : i32
      %dma_start3A_782 = tpu.memref_slice %arg9[%dma_start3A_778, %dma_start3A_779, %dma_start3A_780, %dma_start3A_781] : memref<2x25x32x16xf32, #tpu.memory_space<vmem>> -> memref<1x1x32x16xf32, #tpu.memory_space<vmem>>
      %dma_start3A_783 = tpu.memref_squeeze %dma_start3A_782 : memref<1x1x32x16xf32, #tpu.memory_space<vmem>> -> memref<32x16xf32, #tpu.memory_space<vmem>>
      %dma_start3A_784 = arith.constant 0 : i32
      %dma_start3A_785 = tpu.memref_slice %arg7[%add3A_487, %dma_start3A_784] : memref<128x32xi32, #tpu.memory_space<vmem>> -> memref<1x32xi32, #tpu.memory_space<vmem>>
      %dma_start3A_786 = tpu.memref_squeeze %dma_start3A_785 : memref<1x32xi32, #tpu.memory_space<vmem>> -> memref<32xi32, #tpu.memory_space<vmem>>
      %dma_start3A_787 = arith.constant 0 : i32
      %dma_start3A_788 = arith.constant 0 : i32
      %dma_start3A_789 = tpu.memref_slice %arg4[%dma_start3A_777, %dma_start3A_787, %dma_start3A_788] : memref<26x100000x16xf32, #tpu.memory_space<hbm>> -> memref<1x100000x16xf32, #tpu.memory_space<hbm>>
      %dma_start3A_790 = tpu.memref_squeeze %dma_start3A_789 : memref<1x100000x16xf32, #tpu.memory_space<hbm>> -> memref<100000x16xf32, #tpu.memory_space<hbm>>
      %dma_start3A_791 = arith.constant 0 : i32
      %dma_start3A_792 = arith.constant 0 : i32
      %dma_start3A_793 = tpu.memref_slice %dma_start3A_790[%dma_start3A_791, %dma_start3A_792] : memref<100000x16xf32, #tpu.memory_space<hbm>> -> memref<100000x16xf32, #tpu.memory_space<hbm>>
      tpu.enqueue_indirect_dma source(%dma_start3A_793 : memref<100000x16xf32, #tpu.memory_space<hbm>>) target(%dma_start3A_783 : memref<32x16xf32, #tpu.memory_space<vmem>>) offsets(%dma_start3A_786 : memref<32xi32, #tpu.memory_space<vmem>>) semaphore(%arg15 : memref<!tpu.dma_semaphore, #tpu.memory_space<semaphore_mem>>)
      %dma_start3A_794 = arith.constant 18 : i32
      %dma_start3A_795 = arith.constant 1 : i32
      %dma_start3A_796 = arith.constant 18 : i32
      %dma_start3A_797 = arith.constant 0 : i32
      %dma_start3A_798 = arith.constant 0 : i32
      %dma_start3A_799 = tpu.memref_slice %arg9[%dma_start3A_795, %dma_start3A_796, %dma_start3A_797, %dma_start3A_798] : memref<2x25x32x16xf32, #tpu.memory_space<vmem>> -> memref<1x1x32x16xf32, #tpu.memory_space<vmem>>
      %dma_start3A_800 = tpu.memref_squeeze %dma_start3A_799 : memref<1x1x32x16xf32, #tpu.memory_space<vmem>> -> memref<32x16xf32, #tpu.memory_space<vmem>>
      %dma_start3A_801 = arith.constant 0 : i32
      %dma_start3A_802 = tpu.memref_slice %arg7[%add3A_487, %dma_start3A_801] : memref<128x32xi32, #tpu.memory_space<vmem>> -> memref<1x32xi32, #tpu.memory_space<vmem>>
      %dma_start3A_803 = tpu.memref_squeeze %dma_start3A_802 : memref<1x32xi32, #tpu.memory_space<vmem>> -> memref<32xi32, #tpu.memory_space<vmem>>
      %dma_start3A_804 = arith.constant 0 : i32
      %dma_start3A_805 = arith.constant 0 : i32
      %dma_start3A_806 = tpu.memref_slice %arg4[%dma_start3A_794, %dma_start3A_804, %dma_start3A_805] : memref<26x100000x16xf32, #tpu.memory_space<hbm>> -> memref<1x100000x16xf32, #tpu.memory_space<hbm>>
      %dma_start3A_807 = tpu.memref_squeeze %dma_start3A_806 : memref<1x100000x16xf32, #tpu.memory_space<hbm>> -> memref<100000x16xf32, #tpu.memory_space<hbm>>
      %dma_start3A_808 = arith.constant 0 : i32
      %dma_start3A_809 = arith.constant 0 : i32
      %dma_start3A_810 = tpu.memref_slice %dma_start3A_807[%dma_start3A_808, %dma_start3A_809] : memref<100000x16xf32, #tpu.memory_space<hbm>> -> memref<100000x16xf32, #tpu.memory_space<hbm>>
      tpu.enqueue_indirect_dma source(%dma_start3A_810 : memref<100000x16xf32, #tpu.memory_space<hbm>>) target(%dma_start3A_800 : memref<32x16xf32, #tpu.memory_space<vmem>>) offsets(%dma_start3A_803 : memref<32xi32, #tpu.memory_space<vmem>>) semaphore(%arg15 : memref<!tpu.dma_semaphore, #tpu.memory_space<semaphore_mem>>)
      %dma_start3A_811 = arith.constant 19 : i32
      %dma_start3A_812 = arith.constant 1 : i32
      %dma_start3A_813 = arith.constant 19 : i32
      %dma_start3A_814 = arith.constant 0 : i32
      %dma_start3A_815 = arith.constant 0 : i32
      %dma_start3A_816 = tpu.memref_slice %arg9[%dma_start3A_812, %dma_start3A_813, %dma_start3A_814, %dma_start3A_815] : memref<2x25x32x16xf32, #tpu.memory_space<vmem>> -> memref<1x1x32x16xf32, #tpu.memory_space<vmem>>
      %dma_start3A_817 = tpu.memref_squeeze %dma_start3A_816 : memref<1x1x32x16xf32, #tpu.memory_space<vmem>> -> memref<32x16xf32, #tpu.memory_space<vmem>>
      %dma_start3A_818 = arith.constant 0 : i32
      %dma_start3A_819 = tpu.memref_slice %arg7[%add3A_487, %dma_start3A_818] : memref<128x32xi32, #tpu.memory_space<vmem>> -> memref<1x32xi32, #tpu.memory_space<vmem>>
      %dma_start3A_820 = tpu.memref_squeeze %dma_start3A_819 : memref<1x32xi32, #tpu.memory_space<vmem>> -> memref<32xi32, #tpu.memory_space<vmem>>
      %dma_start3A_821 = arith.constant 0 : i32
      %dma_start3A_822 = arith.constant 0 : i32
      %dma_start3A_823 = tpu.memref_slice %arg4[%dma_start3A_811, %dma_start3A_821, %dma_start3A_822] : memref<26x100000x16xf32, #tpu.memory_space<hbm>> -> memref<1x100000x16xf32, #tpu.memory_space<hbm>>
      %dma_start3A_824 = tpu.memref_squeeze %dma_start3A_823 : memref<1x100000x16xf32, #tpu.memory_space<hbm>> -> memref<100000x16xf32, #tpu.memory_space<hbm>>
      %dma_start3A_825 = arith.constant 0 : i32
      %dma_start3A_826 = arith.constant 0 : i32
      %dma_start3A_827 = tpu.memref_slice %dma_start3A_824[%dma_start3A_825, %dma_start3A_826] : memref<100000x16xf32, #tpu.memory_space<hbm>> -> memref<100000x16xf32, #tpu.memory_space<hbm>>
      tpu.enqueue_indirect_dma source(%dma_start3A_827 : memref<100000x16xf32, #tpu.memory_space<hbm>>) target(%dma_start3A_817 : memref<32x16xf32, #tpu.memory_space<vmem>>) offsets(%dma_start3A_820 : memref<32xi32, #tpu.memory_space<vmem>>) semaphore(%arg15 : memref<!tpu.dma_semaphore, #tpu.memory_space<semaphore_mem>>)
      %dma_start3A_828 = arith.constant 20 : i32
      %dma_start3A_829 = arith.constant 1 : i32
      %dma_start3A_830 = arith.constant 20 : i32
      %dma_start3A_831 = arith.constant 0 : i32
      %dma_start3A_832 = arith.constant 0 : i32
      %dma_start3A_833 = tpu.memref_slice %arg9[%dma_start3A_829, %dma_start3A_830, %dma_start3A_831, %dma_start3A_832] : memref<2x25x32x16xf32, #tpu.memory_space<vmem>> -> memref<1x1x32x16xf32, #tpu.memory_space<vmem>>
      %dma_start3A_834 = tpu.memref_squeeze %dma_start3A_833 : memref<1x1x32x16xf32, #tpu.memory_space<vmem>> -> memref<32x16xf32, #tpu.memory_space<vmem>>
      %dma_start3A_835 = arith.constant 0 : i32
      %dma_start3A_836 = tpu.memref_slice %arg7[%add3A_487, %dma_start3A_835] : memref<128x32xi32, #tpu.memory_space<vmem>> -> memref<1x32xi32, #tpu.memory_space<vmem>>
      %dma_start3A_837 = tpu.memref_squeeze %dma_start3A_836 : memref<1x32xi32, #tpu.memory_space<vmem>> -> memref<32xi32, #tpu.memory_space<vmem>>
      %dma_start3A_838 = arith.constant 0 : i32
      %dma_start3A_839 = arith.constant 0 : i32
      %dma_start3A_840 = tpu.memref_slice %arg4[%dma_start3A_828, %dma_start3A_838, %dma_start3A_839] : memref<26x100000x16xf32, #tpu.memory_space<hbm>> -> memref<1x100000x16xf32, #tpu.memory_space<hbm>>
      %dma_start3A_841 = tpu.memref_squeeze %dma_start3A_840 : memref<1x100000x16xf32, #tpu.memory_space<hbm>> -> memref<100000x16xf32, #tpu.memory_space<hbm>>
      %dma_start3A_842 = arith.constant 0 : i32
      %dma_start3A_843 = arith.constant 0 : i32
      %dma_start3A_844 = tpu.memref_slice %dma_start3A_841[%dma_start3A_842, %dma_start3A_843] : memref<100000x16xf32, #tpu.memory_space<hbm>> -> memref<100000x16xf32, #tpu.memory_space<hbm>>
      tpu.enqueue_indirect_dma source(%dma_start3A_844 : memref<100000x16xf32, #tpu.memory_space<hbm>>) target(%dma_start3A_834 : memref<32x16xf32, #tpu.memory_space<vmem>>) offsets(%dma_start3A_837 : memref<32xi32, #tpu.memory_space<vmem>>) semaphore(%arg15 : memref<!tpu.dma_semaphore, #tpu.memory_space<semaphore_mem>>)
      %dma_start3A_845 = arith.constant 21 : i32
      %dma_start3A_846 = arith.constant 1 : i32
      %dma_start3A_847 = arith.constant 21 : i32
      %dma_start3A_848 = arith.constant 0 : i32
      %dma_start3A_849 = arith.constant 0 : i32
      %dma_start3A_850 = tpu.memref_slice %arg9[%dma_start3A_846, %dma_start3A_847, %dma_start3A_848, %dma_start3A_849] : memref<2x25x32x16xf32, #tpu.memory_space<vmem>> -> memref<1x1x32x16xf32, #tpu.memory_space<vmem>>
      %dma_start3A_851 = tpu.memref_squeeze %dma_start3A_850 : memref<1x1x32x16xf32, #tpu.memory_space<vmem>> -> memref<32x16xf32, #tpu.memory_space<vmem>>
      %dma_start3A_852 = arith.constant 0 : i32
      %dma_start3A_853 = tpu.memref_slice %arg7[%add3A_487, %dma_start3A_852] : memref<128x32xi32, #tpu.memory_space<vmem>> -> memref<1x32xi32, #tpu.memory_space<vmem>>
      %dma_start3A_854 = tpu.memref_squeeze %dma_start3A_853 : memref<1x32xi32, #tpu.memory_space<vmem>> -> memref<32xi32, #tpu.memory_space<vmem>>
      %dma_start3A_855 = arith.constant 0 : i32
      %dma_start3A_856 = arith.constant 0 : i32
      %dma_start3A_857 = tpu.memref_slice %arg4[%dma_start3A_845, %dma_start3A_855, %dma_start3A_856] : memref<26x100000x16xf32, #tpu.memory_space<hbm>> -> memref<1x100000x16xf32, #tpu.memory_space<hbm>>
      %dma_start3A_858 = tpu.memref_squeeze %dma_start3A_857 : memref<1x100000x16xf32, #tpu.memory_space<hbm>> -> memref<100000x16xf32, #tpu.memory_space<hbm>>
      %dma_start3A_859 = arith.constant 0 : i32
      %dma_start3A_860 = arith.constant 0 : i32
      %dma_start3A_861 = tpu.memref_slice %dma_start3A_858[%dma_start3A_859, %dma_start3A_860] : memref<100000x16xf32, #tpu.memory_space<hbm>> -> memref<100000x16xf32, #tpu.memory_space<hbm>>
      tpu.enqueue_indirect_dma source(%dma_start3A_861 : memref<100000x16xf32, #tpu.memory_space<hbm>>) target(%dma_start3A_851 : memref<32x16xf32, #tpu.memory_space<vmem>>) offsets(%dma_start3A_854 : memref<32xi32, #tpu.memory_space<vmem>>) semaphore(%arg15 : memref<!tpu.dma_semaphore, #tpu.memory_space<semaphore_mem>>)
      %dma_start3A_862 = arith.constant 22 : i32
      %dma_start3A_863 = arith.constant 1 : i32
      %dma_start3A_864 = arith.constant 22 : i32
      %dma_start3A_865 = arith.constant 0 : i32
      %dma_start3A_866 = arith.constant 0 : i32
      %dma_start3A_867 = tpu.memref_slice %arg9[%dma_start3A_863, %dma_start3A_864, %dma_start3A_865, %dma_start3A_866] : memref<2x25x32x16xf32, #tpu.memory_space<vmem>> -> memref<1x1x32x16xf32, #tpu.memory_space<vmem>>
      %dma_start3A_868 = tpu.memref_squeeze %dma_start3A_867 : memref<1x1x32x16xf32, #tpu.memory_space<vmem>> -> memref<32x16xf32, #tpu.memory_space<vmem>>
      %dma_start3A_869 = arith.constant 0 : i32
      %dma_start3A_870 = tpu.memref_slice %arg7[%add3A_487, %dma_start3A_869] : memref<128x32xi32, #tpu.memory_space<vmem>> -> memref<1x32xi32, #tpu.memory_space<vmem>>
      %dma_start3A_871 = tpu.memref_squeeze %dma_start3A_870 : memref<1x32xi32, #tpu.memory_space<vmem>> -> memref<32xi32, #tpu.memory_space<vmem>>
      %dma_start3A_872 = arith.constant 0 : i32
      %dma_start3A_873 = arith.constant 0 : i32
      %dma_start3A_874 = tpu.memref_slice %arg4[%dma_start3A_862, %dma_start3A_872, %dma_start3A_873] : memref<26x100000x16xf32, #tpu.memory_space<hbm>> -> memref<1x100000x16xf32, #tpu.memory_space<hbm>>
      %dma_start3A_875 = tpu.memref_squeeze %dma_start3A_874 : memref<1x100000x16xf32, #tpu.memory_space<hbm>> -> memref<100000x16xf32, #tpu.memory_space<hbm>>
      %dma_start3A_876 = arith.constant 0 : i32
      %dma_start3A_877 = arith.constant 0 : i32
      %dma_start3A_878 = tpu.memref_slice %dma_start3A_875[%dma_start3A_876, %dma_start3A_877] : memref<100000x16xf32, #tpu.memory_space<hbm>> -> memref<100000x16xf32, #tpu.memory_space<hbm>>
      tpu.enqueue_indirect_dma source(%dma_start3A_878 : memref<100000x16xf32, #tpu.memory_space<hbm>>) target(%dma_start3A_868 : memref<32x16xf32, #tpu.memory_space<vmem>>) offsets(%dma_start3A_871 : memref<32xi32, #tpu.memory_space<vmem>>) semaphore(%arg15 : memref<!tpu.dma_semaphore, #tpu.memory_space<semaphore_mem>>)
      %dma_start3A_879 = arith.constant 23 : i32
      %dma_start3A_880 = arith.constant 1 : i32
      %dma_start3A_881 = arith.constant 23 : i32
      %dma_start3A_882 = arith.constant 0 : i32
      %dma_start3A_883 = arith.constant 0 : i32
      %dma_start3A_884 = tpu.memref_slice %arg9[%dma_start3A_880, %dma_start3A_881, %dma_start3A_882, %dma_start3A_883] : memref<2x25x32x16xf32, #tpu.memory_space<vmem>> -> memref<1x1x32x16xf32, #tpu.memory_space<vmem>>
      %dma_start3A_885 = tpu.memref_squeeze %dma_start3A_884 : memref<1x1x32x16xf32, #tpu.memory_space<vmem>> -> memref<32x16xf32, #tpu.memory_space<vmem>>
      %dma_start3A_886 = arith.constant 0 : i32
      %dma_start3A_887 = tpu.memref_slice %arg7[%add3A_487, %dma_start3A_886] : memref<128x32xi32, #tpu.memory_space<vmem>> -> memref<1x32xi32, #tpu.memory_space<vmem>>
      %dma_start3A_888 = tpu.memref_squeeze %dma_start3A_887 : memref<1x32xi32, #tpu.memory_space<vmem>> -> memref<32xi32, #tpu.memory_space<vmem>>
      %dma_start3A_889 = arith.constant 0 : i32
      %dma_start3A_890 = arith.constant 0 : i32
      %dma_start3A_891 = tpu.memref_slice %arg4[%dma_start3A_879, %dma_start3A_889, %dma_start3A_890] : memref<26x100000x16xf32, #tpu.memory_space<hbm>> -> memref<1x100000x16xf32, #tpu.memory_space<hbm>>
      %dma_start3A_892 = tpu.memref_squeeze %dma_start3A_891 : memref<1x100000x16xf32, #tpu.memory_space<hbm>> -> memref<100000x16xf32, #tpu.memory_space<hbm>>
      %dma_start3A_893 = arith.constant 0 : i32
      %dma_start3A_894 = arith.constant 0 : i32
      %dma_start3A_895 = tpu.memref_slice %dma_start3A_892[%dma_start3A_893, %dma_start3A_894] : memref<100000x16xf32, #tpu.memory_space<hbm>> -> memref<100000x16xf32, #tpu.memory_space<hbm>>
      tpu.enqueue_indirect_dma source(%dma_start3A_895 : memref<100000x16xf32, #tpu.memory_space<hbm>>) target(%dma_start3A_885 : memref<32x16xf32, #tpu.memory_space<vmem>>) offsets(%dma_start3A_888 : memref<32xi32, #tpu.memory_space<vmem>>) semaphore(%arg15 : memref<!tpu.dma_semaphore, #tpu.memory_space<semaphore_mem>>)
      %dma_start3A_896 = arith.constant 24 : i32
      %dma_start3A_897 = arith.constant 1 : i32
      %dma_start3A_898 = arith.constant 24 : i32
      %dma_start3A_899 = arith.constant 0 : i32
      %dma_start3A_900 = arith.constant 0 : i32
      %dma_start3A_901 = tpu.memref_slice %arg9[%dma_start3A_897, %dma_start3A_898, %dma_start3A_899, %dma_start3A_900] : memref<2x25x32x16xf32, #tpu.memory_space<vmem>> -> memref<1x1x32x16xf32, #tpu.memory_space<vmem>>
      %dma_start3A_902 = tpu.memref_squeeze %dma_start3A_901 : memref<1x1x32x16xf32, #tpu.memory_space<vmem>> -> memref<32x16xf32, #tpu.memory_space<vmem>>
      %dma_start3A_903 = arith.constant 0 : i32
      %dma_start3A_904 = tpu.memref_slice %arg7[%add3A_487, %dma_start3A_903] : memref<128x32xi32, #tpu.memory_space<vmem>> -> memref<1x32xi32, #tpu.memory_space<vmem>>
      %dma_start3A_905 = tpu.memref_squeeze %dma_start3A_904 : memref<1x32xi32, #tpu.memory_space<vmem>> -> memref<32xi32, #tpu.memory_space<vmem>>
      %dma_start3A_906 = arith.constant 0 : i32
      %dma_start3A_907 = arith.constant 0 : i32
      %dma_start3A_908 = tpu.memref_slice %arg4[%dma_start3A_896, %dma_start3A_906, %dma_start3A_907] : memref<26x100000x16xf32, #tpu.memory_space<hbm>> -> memref<1x100000x16xf32, #tpu.memory_space<hbm>>
      %dma_start3A_909 = tpu.memref_squeeze %dma_start3A_908 : memref<1x100000x16xf32, #tpu.memory_space<hbm>> -> memref<100000x16xf32, #tpu.memory_space<hbm>>
      %dma_start3A_910 = arith.constant 0 : i32
      %dma_start3A_911 = arith.constant 0 : i32
      %dma_start3A_912 = tpu.memref_slice %dma_start3A_909[%dma_start3A_910, %dma_start3A_911] : memref<100000x16xf32, #tpu.memory_space<hbm>> -> memref<100000x16xf32, #tpu.memory_space<hbm>>
      tpu.enqueue_indirect_dma source(%dma_start3A_912 : memref<100000x16xf32, #tpu.memory_space<hbm>>) target(%dma_start3A_902 : memref<32x16xf32, #tpu.memory_space<vmem>>) offsets(%dma_start3A_905 : memref<32xi32, #tpu.memory_space<vmem>>) semaphore(%arg15 : memref<!tpu.dma_semaphore, #tpu.memory_space<semaphore_mem>>)
      %dma_start3A_913 = arith.constant 1 : i32
      %dma_start3A_914 = arith.constant 0 : i32
      %dma_start3A_915 = tpu.memref_slice %arg10[%dma_start3A_913, %dma_start3A_914] : memref<2x32xf32, #tpu.memory_space<vmem>> -> memref<1x32xf32, #tpu.memory_space<vmem>>
      %dma_start3A_916 = tpu.memref_squeeze %dma_start3A_915 : memref<1x32xf32, #tpu.memory_space<vmem>> -> memref<32xf32, #tpu.memory_space<vmem>>
      %dma_start3A_917 = arith.constant 0 : i32
      %dma_start3A_918 = tpu.memref_slice %arg7[%add3A_487, %dma_start3A_917] : memref<128x32xi32, #tpu.memory_space<vmem>> -> memref<1x32xi32, #tpu.memory_space<vmem>>
      %dma_start3A_919 = tpu.memref_squeeze %dma_start3A_918 : memref<1x32xi32, #tpu.memory_space<vmem>> -> memref<32xi32, #tpu.memory_space<vmem>>
      %dma_start3A_920 = arith.constant 0 : i32
      %dma_start3A_921 = tpu.memref_slice %arg5[%dma_start3A_920] : memref<100000xf32, #tpu.memory_space<hbm>> -> memref<100000xf32, #tpu.memory_space<hbm>>
      tpu.enqueue_indirect_dma source(%dma_start3A_921 : memref<100000xf32, #tpu.memory_space<hbm>>) target(%dma_start3A_916 : memref<32xf32, #tpu.memory_space<vmem>>) offsets(%dma_start3A_919 : memref<32xi32, #tpu.memory_space<vmem>>) semaphore(%arg15 : memref<!tpu.dma_semaphore, #tpu.memory_space<semaphore_mem>>)
      %dma_wait3A = arith.constant 0 : i32
      %dma_wait3A_922 = arith.constant 0 : i32
      %dma_wait3A_923 = arith.constant 0 : i32
      %dma_wait3A_924 = arith.constant 0 : i32
      %dma_wait3A_925 = arith.constant 0 : i32
      %dma_wait3A_926 = arith.constant 0 : i32
      %dma_wait3A_927 = tpu.memref_slice %arg9[%dma_wait3A_923, %dma_wait3A_924, %dma_wait3A_925, %dma_wait3A_926] : memref<2x25x32x16xf32, #tpu.memory_space<vmem>> -> memref<1x1x32x16xf32, #tpu.memory_space<vmem>>
      %dma_wait3A_928 = tpu.memref_squeeze %dma_wait3A_927 : memref<1x1x32x16xf32, #tpu.memory_space<vmem>> -> memref<32x16xf32, #tpu.memory_space<vmem>>
      %dma_wait3A_929 = arith.constant 0 : i32
      %dma_wait3A_930 = tpu.memref_slice %arg7[%dma_wait3A_922, %dma_wait3A_929] : memref<128x32xi32, #tpu.memory_space<vmem>> -> memref<1x32xi32, #tpu.memory_space<vmem>>
      %dma_wait3A_931 = tpu.memref_squeeze %dma_wait3A_930 : memref<1x32xi32, #tpu.memory_space<vmem>> -> memref<32xi32, #tpu.memory_space<vmem>>
      %dma_wait3A_932 = arith.constant 0 : i32
      %dma_wait3A_933 = arith.constant 0 : i32
      %dma_wait3A_934 = tpu.memref_slice %arg4[%dma_wait3A, %dma_wait3A_932, %dma_wait3A_933] : memref<26x100000x16xf32, #tpu.memory_space<hbm>> -> memref<1x100000x16xf32, #tpu.memory_space<hbm>>
      %dma_wait3A_935 = tpu.memref_squeeze %dma_wait3A_934 : memref<1x100000x16xf32, #tpu.memory_space<hbm>> -> memref<100000x16xf32, #tpu.memory_space<hbm>>
      %dma_wait3A_936 = arith.constant 0 : i32
      %dma_wait3A_937 = arith.constant 0 : i32
      %dma_wait3A_938 = tpu.memref_slice %dma_wait3A_935[%dma_wait3A_936, %dma_wait3A_937] : memref<100000x16xf32, #tpu.memory_space<hbm>> -> memref<100000x16xf32, #tpu.memory_space<hbm>>
      tpu.wait_indirect_dma semaphore(%arg14 : memref<!tpu.dma_semaphore, #tpu.memory_space<semaphore_mem>>) src(%dma_wait3A_938 : memref<100000x16xf32, #tpu.memory_space<hbm>>) dst(%dma_wait3A_928 : memref<32x16xf32, #tpu.memory_space<vmem>>)
      %dma_wait3A_939 = arith.constant 1 : i32
      %dma_wait3A_940 = arith.constant 0 : i32
      %dma_wait3A_941 = arith.constant 0 : i32
      %dma_wait3A_942 = arith.constant 1 : i32
      %dma_wait3A_943 = arith.constant 0 : i32
      %dma_wait3A_944 = arith.constant 0 : i32
      %dma_wait3A_945 = tpu.memref_slice %arg9[%dma_wait3A_941, %dma_wait3A_942, %dma_wait3A_943, %dma_wait3A_944] : memref<2x25x32x16xf32, #tpu.memory_space<vmem>> -> memref<1x1x32x16xf32, #tpu.memory_space<vmem>>
      %dma_wait3A_946 = tpu.memref_squeeze %dma_wait3A_945 : memref<1x1x32x16xf32, #tpu.memory_space<vmem>> -> memref<32x16xf32, #tpu.memory_space<vmem>>
      %dma_wait3A_947 = arith.constant 0 : i32
      %dma_wait3A_948 = tpu.memref_slice %arg7[%dma_wait3A_940, %dma_wait3A_947] : memref<128x32xi32, #tpu.memory_space<vmem>> -> memref<1x32xi32, #tpu.memory_space<vmem>>
      %dma_wait3A_949 = tpu.memref_squeeze %dma_wait3A_948 : memref<1x32xi32, #tpu.memory_space<vmem>> -> memref<32xi32, #tpu.memory_space<vmem>>
      %dma_wait3A_950 = arith.constant 0 : i32
      %dma_wait3A_951 = arith.constant 0 : i32
      %dma_wait3A_952 = tpu.memref_slice %arg4[%dma_wait3A_939, %dma_wait3A_950, %dma_wait3A_951] : memref<26x100000x16xf32, #tpu.memory_space<hbm>> -> memref<1x100000x16xf32, #tpu.memory_space<hbm>>
      %dma_wait3A_953 = tpu.memref_squeeze %dma_wait3A_952 : memref<1x100000x16xf32, #tpu.memory_space<hbm>> -> memref<100000x16xf32, #tpu.memory_space<hbm>>
      %dma_wait3A_954 = arith.constant 0 : i32
      %dma_wait3A_955 = arith.constant 0 : i32
      %dma_wait3A_956 = tpu.memref_slice %dma_wait3A_953[%dma_wait3A_954, %dma_wait3A_955] : memref<100000x16xf32, #tpu.memory_space<hbm>> -> memref<100000x16xf32, #tpu.memory_space<hbm>>
      tpu.wait_indirect_dma semaphore(%arg14 : memref<!tpu.dma_semaphore, #tpu.memory_space<semaphore_mem>>) src(%dma_wait3A_956 : memref<100000x16xf32, #tpu.memory_space<hbm>>) dst(%dma_wait3A_946 : memref<32x16xf32, #tpu.memory_space<vmem>>)
      %dma_wait3A_957 = arith.constant 2 : i32
      %dma_wait3A_958 = arith.constant 0 : i32
      %dma_wait3A_959 = arith.constant 0 : i32
      %dma_wait3A_960 = arith.constant 2 : i32
      %dma_wait3A_961 = arith.constant 0 : i32
      %dma_wait3A_962 = arith.constant 0 : i32
      %dma_wait3A_963 = tpu.memref_slice %arg9[%dma_wait3A_959, %dma_wait3A_960, %dma_wait3A_961, %dma_wait3A_962] : memref<2x25x32x16xf32, #tpu.memory_space<vmem>> -> memref<1x1x32x16xf32, #tpu.memory_space<vmem>>
      %dma_wait3A_964 = tpu.memref_squeeze %dma_wait3A_963 : memref<1x1x32x16xf32, #tpu.memory_space<vmem>> -> memref<32x16xf32, #tpu.memory_space<vmem>>
      %dma_wait3A_965 = arith.constant 0 : i32
      %dma_wait3A_966 = tpu.memref_slice %arg7[%dma_wait3A_958, %dma_wait3A_965] : memref<128x32xi32, #tpu.memory_space<vmem>> -> memref<1x32xi32, #tpu.memory_space<vmem>>
      %dma_wait3A_967 = tpu.memref_squeeze %dma_wait3A_966 : memref<1x32xi32, #tpu.memory_space<vmem>> -> memref<32xi32, #tpu.memory_space<vmem>>
      %dma_wait3A_968 = arith.constant 0 : i32
      %dma_wait3A_969 = arith.constant 0 : i32
      %dma_wait3A_970 = tpu.memref_slice %arg4[%dma_wait3A_957, %dma_wait3A_968, %dma_wait3A_969] : memref<26x100000x16xf32, #tpu.memory_space<hbm>> -> memref<1x100000x16xf32, #tpu.memory_space<hbm>>
      %dma_wait3A_971 = tpu.memref_squeeze %dma_wait3A_970 : memref<1x100000x16xf32, #tpu.memory_space<hbm>> -> memref<100000x16xf32, #tpu.memory_space<hbm>>
      %dma_wait3A_972 = arith.constant 0 : i32
      %dma_wait3A_973 = arith.constant 0 : i32
      %dma_wait3A_974 = tpu.memref_slice %dma_wait3A_971[%dma_wait3A_972, %dma_wait3A_973] : memref<100000x16xf32, #tpu.memory_space<hbm>> -> memref<100000x16xf32, #tpu.memory_space<hbm>>
      tpu.wait_indirect_dma semaphore(%arg14 : memref<!tpu.dma_semaphore, #tpu.memory_space<semaphore_mem>>) src(%dma_wait3A_974 : memref<100000x16xf32, #tpu.memory_space<hbm>>) dst(%dma_wait3A_964 : memref<32x16xf32, #tpu.memory_space<vmem>>)
      %dma_wait3A_975 = arith.constant 3 : i32
      %dma_wait3A_976 = arith.constant 0 : i32
      %dma_wait3A_977 = arith.constant 0 : i32
      %dma_wait3A_978 = arith.constant 3 : i32
      %dma_wait3A_979 = arith.constant 0 : i32
      %dma_wait3A_980 = arith.constant 0 : i32
      %dma_wait3A_981 = tpu.memref_slice %arg9[%dma_wait3A_977, %dma_wait3A_978, %dma_wait3A_979, %dma_wait3A_980] : memref<2x25x32x16xf32, #tpu.memory_space<vmem>> -> memref<1x1x32x16xf32, #tpu.memory_space<vmem>>
      %dma_wait3A_982 = tpu.memref_squeeze %dma_wait3A_981 : memref<1x1x32x16xf32, #tpu.memory_space<vmem>> -> memref<32x16xf32, #tpu.memory_space<vmem>>
      %dma_wait3A_983 = arith.constant 0 : i32
      %dma_wait3A_984 = tpu.memref_slice %arg7[%dma_wait3A_976, %dma_wait3A_983] : memref<128x32xi32, #tpu.memory_space<vmem>> -> memref<1x32xi32, #tpu.memory_space<vmem>>
      %dma_wait3A_985 = tpu.memref_squeeze %dma_wait3A_984 : memref<1x32xi32, #tpu.memory_space<vmem>> -> memref<32xi32, #tpu.memory_space<vmem>>
      %dma_wait3A_986 = arith.constant 0 : i32
      %dma_wait3A_987 = arith.constant 0 : i32
      %dma_wait3A_988 = tpu.memref_slice %arg4[%dma_wait3A_975, %dma_wait3A_986, %dma_wait3A_987] : memref<26x100000x16xf32, #tpu.memory_space<hbm>> -> memref<1x100000x16xf32, #tpu.memory_space<hbm>>
      %dma_wait3A_989 = tpu.memref_squeeze %dma_wait3A_988 : memref<1x100000x16xf32, #tpu.memory_space<hbm>> -> memref<100000x16xf32, #tpu.memory_space<hbm>>
      %dma_wait3A_990 = arith.constant 0 : i32
      %dma_wait3A_991 = arith.constant 0 : i32
      %dma_wait3A_992 = tpu.memref_slice %dma_wait3A_989[%dma_wait3A_990, %dma_wait3A_991] : memref<100000x16xf32, #tpu.memory_space<hbm>> -> memref<100000x16xf32, #tpu.memory_space<hbm>>
      tpu.wait_indirect_dma semaphore(%arg14 : memref<!tpu.dma_semaphore, #tpu.memory_space<semaphore_mem>>) src(%dma_wait3A_992 : memref<100000x16xf32, #tpu.memory_space<hbm>>) dst(%dma_wait3A_982 : memref<32x16xf32, #tpu.memory_space<vmem>>)
      %dma_wait3A_993 = arith.constant 4 : i32
      %dma_wait3A_994 = arith.constant 0 : i32
      %dma_wait3A_995 = arith.constant 0 : i32
      %dma_wait3A_996 = arith.constant 4 : i32
      %dma_wait3A_997 = arith.constant 0 : i32
      %dma_wait3A_998 = arith.constant 0 : i32
      %dma_wait3A_999 = tpu.memref_slice %arg9[%dma_wait3A_995, %dma_wait3A_996, %dma_wait3A_997, %dma_wait3A_998] : memref<2x25x32x16xf32, #tpu.memory_space<vmem>> -> memref<1x1x32x16xf32, #tpu.memory_space<vmem>>
      %dma_wait3A_1000 = tpu.memref_squeeze %dma_wait3A_999 : memref<1x1x32x16xf32, #tpu.memory_space<vmem>> -> memref<32x16xf32, #tpu.memory_space<vmem>>
      %dma_wait3A_1001 = arith.constant 0 : i32
      %dma_wait3A_1002 = tpu.memref_slice %arg7[%dma_wait3A_994, %dma_wait3A_1001] : memref<128x32xi32, #tpu.memory_space<vmem>> -> memref<1x32xi32, #tpu.memory_space<vmem>>
      %dma_wait3A_1003 = tpu.memref_squeeze %dma_wait3A_1002 : memref<1x32xi32, #tpu.memory_space<vmem>> -> memref<32xi32, #tpu.memory_space<vmem>>
      %dma_wait3A_1004 = arith.constant 0 : i32
      %dma_wait3A_1005 = arith.constant 0 : i32
      %dma_wait3A_1006 = tpu.memref_slice %arg4[%dma_wait3A_993, %dma_wait3A_1004, %dma_wait3A_1005] : memref<26x100000x16xf32, #tpu.memory_space<hbm>> -> memref<1x100000x16xf32, #tpu.memory_space<hbm>>
      %dma_wait3A_1007 = tpu.memref_squeeze %dma_wait3A_1006 : memref<1x100000x16xf32, #tpu.memory_space<hbm>> -> memref<100000x16xf32, #tpu.memory_space<hbm>>
      %dma_wait3A_1008 = arith.constant 0 : i32
      %dma_wait3A_1009 = arith.constant 0 : i32
      %dma_wait3A_1010 = tpu.memref_slice %dma_wait3A_1007[%dma_wait3A_1008, %dma_wait3A_1009] : memref<100000x16xf32, #tpu.memory_space<hbm>> -> memref<100000x16xf32, #tpu.memory_space<hbm>>
      tpu.wait_indirect_dma semaphore(%arg14 : memref<!tpu.dma_semaphore, #tpu.memory_space<semaphore_mem>>) src(%dma_wait3A_1010 : memref<100000x16xf32, #tpu.memory_space<hbm>>) dst(%dma_wait3A_1000 : memref<32x16xf32, #tpu.memory_space<vmem>>)
      %dma_wait3A_1011 = arith.constant 5 : i32
      %dma_wait3A_1012 = arith.constant 0 : i32
      %dma_wait3A_1013 = arith.constant 0 : i32
      %dma_wait3A_1014 = arith.constant 5 : i32
      %dma_wait3A_1015 = arith.constant 0 : i32
      %dma_wait3A_1016 = arith.constant 0 : i32
      %dma_wait3A_1017 = tpu.memref_slice %arg9[%dma_wait3A_1013, %dma_wait3A_1014, %dma_wait3A_1015, %dma_wait3A_1016] : memref<2x25x32x16xf32, #tpu.memory_space<vmem>> -> memref<1x1x32x16xf32, #tpu.memory_space<vmem>>
      %dma_wait3A_1018 = tpu.memref_squeeze %dma_wait3A_1017 : memref<1x1x32x16xf32, #tpu.memory_space<vmem>> -> memref<32x16xf32, #tpu.memory_space<vmem>>
      %dma_wait3A_1019 = arith.constant 0 : i32
      %dma_wait3A_1020 = tpu.memref_slice %arg7[%dma_wait3A_1012, %dma_wait3A_1019] : memref<128x32xi32, #tpu.memory_space<vmem>> -> memref<1x32xi32, #tpu.memory_space<vmem>>
      %dma_wait3A_1021 = tpu.memref_squeeze %dma_wait3A_1020 : memref<1x32xi32, #tpu.memory_space<vmem>> -> memref<32xi32, #tpu.memory_space<vmem>>
      %dma_wait3A_1022 = arith.constant 0 : i32
      %dma_wait3A_1023 = arith.constant 0 : i32
      %dma_wait3A_1024 = tpu.memref_slice %arg4[%dma_wait3A_1011, %dma_wait3A_1022, %dma_wait3A_1023] : memref<26x100000x16xf32, #tpu.memory_space<hbm>> -> memref<1x100000x16xf32, #tpu.memory_space<hbm>>
      %dma_wait3A_1025 = tpu.memref_squeeze %dma_wait3A_1024 : memref<1x100000x16xf32, #tpu.memory_space<hbm>> -> memref<100000x16xf32, #tpu.memory_space<hbm>>
      %dma_wait3A_1026 = arith.constant 0 : i32
      %dma_wait3A_1027 = arith.constant 0 : i32
      %dma_wait3A_1028 = tpu.memref_slice %dma_wait3A_1025[%dma_wait3A_1026, %dma_wait3A_1027] : memref<100000x16xf32, #tpu.memory_space<hbm>> -> memref<100000x16xf32, #tpu.memory_space<hbm>>
      tpu.wait_indirect_dma semaphore(%arg14 : memref<!tpu.dma_semaphore, #tpu.memory_space<semaphore_mem>>) src(%dma_wait3A_1028 : memref<100000x16xf32, #tpu.memory_space<hbm>>) dst(%dma_wait3A_1018 : memref<32x16xf32, #tpu.memory_space<vmem>>)
      %dma_wait3A_1029 = arith.constant 6 : i32
      %dma_wait3A_1030 = arith.constant 0 : i32
      %dma_wait3A_1031 = arith.constant 0 : i32
      %dma_wait3A_1032 = arith.constant 6 : i32
      %dma_wait3A_1033 = arith.constant 0 : i32
      %dma_wait3A_1034 = arith.constant 0 : i32
      %dma_wait3A_1035 = tpu.memref_slice %arg9[%dma_wait3A_1031, %dma_wait3A_1032, %dma_wait3A_1033, %dma_wait3A_1034] : memref<2x25x32x16xf32, #tpu.memory_space<vmem>> -> memref<1x1x32x16xf32, #tpu.memory_space<vmem>>
      %dma_wait3A_1036 = tpu.memref_squeeze %dma_wait3A_1035 : memref<1x1x32x16xf32, #tpu.memory_space<vmem>> -> memref<32x16xf32, #tpu.memory_space<vmem>>
      %dma_wait3A_1037 = arith.constant 0 : i32
      %dma_wait3A_1038 = tpu.memref_slice %arg7[%dma_wait3A_1030, %dma_wait3A_1037] : memref<128x32xi32, #tpu.memory_space<vmem>> -> memref<1x32xi32, #tpu.memory_space<vmem>>
      %dma_wait3A_1039 = tpu.memref_squeeze %dma_wait3A_1038 : memref<1x32xi32, #tpu.memory_space<vmem>> -> memref<32xi32, #tpu.memory_space<vmem>>
      %dma_wait3A_1040 = arith.constant 0 : i32
      %dma_wait3A_1041 = arith.constant 0 : i32
      %dma_wait3A_1042 = tpu.memref_slice %arg4[%dma_wait3A_1029, %dma_wait3A_1040, %dma_wait3A_1041] : memref<26x100000x16xf32, #tpu.memory_space<hbm>> -> memref<1x100000x16xf32, #tpu.memory_space<hbm>>
      %dma_wait3A_1043 = tpu.memref_squeeze %dma_wait3A_1042 : memref<1x100000x16xf32, #tpu.memory_space<hbm>> -> memref<100000x16xf32, #tpu.memory_space<hbm>>
      %dma_wait3A_1044 = arith.constant 0 : i32
      %dma_wait3A_1045 = arith.constant 0 : i32
      %dma_wait3A_1046 = tpu.memref_slice %dma_wait3A_1043[%dma_wait3A_1044, %dma_wait3A_1045] : memref<100000x16xf32, #tpu.memory_space<hbm>> -> memref<100000x16xf32, #tpu.memory_space<hbm>>
      tpu.wait_indirect_dma semaphore(%arg14 : memref<!tpu.dma_semaphore, #tpu.memory_space<semaphore_mem>>) src(%dma_wait3A_1046 : memref<100000x16xf32, #tpu.memory_space<hbm>>) dst(%dma_wait3A_1036 : memref<32x16xf32, #tpu.memory_space<vmem>>)
      %dma_wait3A_1047 = arith.constant 7 : i32
      %dma_wait3A_1048 = arith.constant 0 : i32
      %dma_wait3A_1049 = arith.constant 0 : i32
      %dma_wait3A_1050 = arith.constant 7 : i32
      %dma_wait3A_1051 = arith.constant 0 : i32
      %dma_wait3A_1052 = arith.constant 0 : i32
      %dma_wait3A_1053 = tpu.memref_slice %arg9[%dma_wait3A_1049, %dma_wait3A_1050, %dma_wait3A_1051, %dma_wait3A_1052] : memref<2x25x32x16xf32, #tpu.memory_space<vmem>> -> memref<1x1x32x16xf32, #tpu.memory_space<vmem>>
      %dma_wait3A_1054 = tpu.memref_squeeze %dma_wait3A_1053 : memref<1x1x32x16xf32, #tpu.memory_space<vmem>> -> memref<32x16xf32, #tpu.memory_space<vmem>>
      %dma_wait3A_1055 = arith.constant 0 : i32
      %dma_wait3A_1056 = tpu.memref_slice %arg7[%dma_wait3A_1048, %dma_wait3A_1055] : memref<128x32xi32, #tpu.memory_space<vmem>> -> memref<1x32xi32, #tpu.memory_space<vmem>>
      %dma_wait3A_1057 = tpu.memref_squeeze %dma_wait3A_1056 : memref<1x32xi32, #tpu.memory_space<vmem>> -> memref<32xi32, #tpu.memory_space<vmem>>
      %dma_wait3A_1058 = arith.constant 0 : i32
      %dma_wait3A_1059 = arith.constant 0 : i32
      %dma_wait3A_1060 = tpu.memref_slice %arg4[%dma_wait3A_1047, %dma_wait3A_1058, %dma_wait3A_1059] : memref<26x100000x16xf32, #tpu.memory_space<hbm>> -> memref<1x100000x16xf32, #tpu.memory_space<hbm>>
      %dma_wait3A_1061 = tpu.memref_squeeze %dma_wait3A_1060 : memref<1x100000x16xf32, #tpu.memory_space<hbm>> -> memref<100000x16xf32, #tpu.memory_space<hbm>>
      %dma_wait3A_1062 = arith.constant 0 : i32
      %dma_wait3A_1063 = arith.constant 0 : i32
      %dma_wait3A_1064 = tpu.memref_slice %dma_wait3A_1061[%dma_wait3A_1062, %dma_wait3A_1063] : memref<100000x16xf32, #tpu.memory_space<hbm>> -> memref<100000x16xf32, #tpu.memory_space<hbm>>
      tpu.wait_indirect_dma semaphore(%arg14 : memref<!tpu.dma_semaphore, #tpu.memory_space<semaphore_mem>>) src(%dma_wait3A_1064 : memref<100000x16xf32, #tpu.memory_space<hbm>>) dst(%dma_wait3A_1054 : memref<32x16xf32, #tpu.memory_space<vmem>>)
      %dma_wait3A_1065 = arith.constant 8 : i32
      %dma_wait3A_1066 = arith.constant 0 : i32
      %dma_wait3A_1067 = arith.constant 0 : i32
      %dma_wait3A_1068 = arith.constant 8 : i32
      %dma_wait3A_1069 = arith.constant 0 : i32
      %dma_wait3A_1070 = arith.constant 0 : i32
      %dma_wait3A_1071 = tpu.memref_slice %arg9[%dma_wait3A_1067, %dma_wait3A_1068, %dma_wait3A_1069, %dma_wait3A_1070] : memref<2x25x32x16xf32, #tpu.memory_space<vmem>> -> memref<1x1x32x16xf32, #tpu.memory_space<vmem>>
      %dma_wait3A_1072 = tpu.memref_squeeze %dma_wait3A_1071 : memref<1x1x32x16xf32, #tpu.memory_space<vmem>> -> memref<32x16xf32, #tpu.memory_space<vmem>>
      %dma_wait3A_1073 = arith.constant 0 : i32
      %dma_wait3A_1074 = tpu.memref_slice %arg7[%dma_wait3A_1066, %dma_wait3A_1073] : memref<128x32xi32, #tpu.memory_space<vmem>> -> memref<1x32xi32, #tpu.memory_space<vmem>>
      %dma_wait3A_1075 = tpu.memref_squeeze %dma_wait3A_1074 : memref<1x32xi32, #tpu.memory_space<vmem>> -> memref<32xi32, #tpu.memory_space<vmem>>
      %dma_wait3A_1076 = arith.constant 0 : i32
      %dma_wait3A_1077 = arith.constant 0 : i32
      %dma_wait3A_1078 = tpu.memref_slice %arg4[%dma_wait3A_1065, %dma_wait3A_1076, %dma_wait3A_1077] : memref<26x100000x16xf32, #tpu.memory_space<hbm>> -> memref<1x100000x16xf32, #tpu.memory_space<hbm>>
      %dma_wait3A_1079 = tpu.memref_squeeze %dma_wait3A_1078 : memref<1x100000x16xf32, #tpu.memory_space<hbm>> -> memref<100000x16xf32, #tpu.memory_space<hbm>>
      %dma_wait3A_1080 = arith.constant 0 : i32
      %dma_wait3A_1081 = arith.constant 0 : i32
      %dma_wait3A_1082 = tpu.memref_slice %dma_wait3A_1079[%dma_wait3A_1080, %dma_wait3A_1081] : memref<100000x16xf32, #tpu.memory_space<hbm>> -> memref<100000x16xf32, #tpu.memory_space<hbm>>
      tpu.wait_indirect_dma semaphore(%arg14 : memref<!tpu.dma_semaphore, #tpu.memory_space<semaphore_mem>>) src(%dma_wait3A_1082 : memref<100000x16xf32, #tpu.memory_space<hbm>>) dst(%dma_wait3A_1072 : memref<32x16xf32, #tpu.memory_space<vmem>>)
      %dma_wait3A_1083 = arith.constant 9 : i32
      %dma_wait3A_1084 = arith.constant 0 : i32
      %dma_wait3A_1085 = arith.constant 0 : i32
      %dma_wait3A_1086 = arith.constant 9 : i32
      %dma_wait3A_1087 = arith.constant 0 : i32
      %dma_wait3A_1088 = arith.constant 0 : i32
      %dma_wait3A_1089 = tpu.memref_slice %arg9[%dma_wait3A_1085, %dma_wait3A_1086, %dma_wait3A_1087, %dma_wait3A_1088] : memref<2x25x32x16xf32, #tpu.memory_space<vmem>> -> memref<1x1x32x16xf32, #tpu.memory_space<vmem>>
      %dma_wait3A_1090 = tpu.memref_squeeze %dma_wait3A_1089 : memref<1x1x32x16xf32, #tpu.memory_space<vmem>> -> memref<32x16xf32, #tpu.memory_space<vmem>>
      %dma_wait3A_1091 = arith.constant 0 : i32
      %dma_wait3A_1092 = tpu.memref_slice %arg7[%dma_wait3A_1084, %dma_wait3A_1091] : memref<128x32xi32, #tpu.memory_space<vmem>> -> memref<1x32xi32, #tpu.memory_space<vmem>>
      %dma_wait3A_1093 = tpu.memref_squeeze %dma_wait3A_1092 : memref<1x32xi32, #tpu.memory_space<vmem>> -> memref<32xi32, #tpu.memory_space<vmem>>
      %dma_wait3A_1094 = arith.constant 0 : i32
      %dma_wait3A_1095 = arith.constant 0 : i32
      %dma_wait3A_1096 = tpu.memref_slice %arg4[%dma_wait3A_1083, %dma_wait3A_1094, %dma_wait3A_1095] : memref<26x100000x16xf32, #tpu.memory_space<hbm>> -> memref<1x100000x16xf32, #tpu.memory_space<hbm>>
      %dma_wait3A_1097 = tpu.memref_squeeze %dma_wait3A_1096 : memref<1x100000x16xf32, #tpu.memory_space<hbm>> -> memref<100000x16xf32, #tpu.memory_space<hbm>>
      %dma_wait3A_1098 = arith.constant 0 : i32
      %dma_wait3A_1099 = arith.constant 0 : i32
      %dma_wait3A_1100 = tpu.memref_slice %dma_wait3A_1097[%dma_wait3A_1098, %dma_wait3A_1099] : memref<100000x16xf32, #tpu.memory_space<hbm>> -> memref<100000x16xf32, #tpu.memory_space<hbm>>
      tpu.wait_indirect_dma semaphore(%arg14 : memref<!tpu.dma_semaphore, #tpu.memory_space<semaphore_mem>>) src(%dma_wait3A_1100 : memref<100000x16xf32, #tpu.memory_space<hbm>>) dst(%dma_wait3A_1090 : memref<32x16xf32, #tpu.memory_space<vmem>>)
      %dma_wait3A_1101 = arith.constant 10 : i32
      %dma_wait3A_1102 = arith.constant 0 : i32
      %dma_wait3A_1103 = arith.constant 0 : i32
      %dma_wait3A_1104 = arith.constant 10 : i32
      %dma_wait3A_1105 = arith.constant 0 : i32
      %dma_wait3A_1106 = arith.constant 0 : i32
      %dma_wait3A_1107 = tpu.memref_slice %arg9[%dma_wait3A_1103, %dma_wait3A_1104, %dma_wait3A_1105, %dma_wait3A_1106] : memref<2x25x32x16xf32, #tpu.memory_space<vmem>> -> memref<1x1x32x16xf32, #tpu.memory_space<vmem>>
      %dma_wait3A_1108 = tpu.memref_squeeze %dma_wait3A_1107 : memref<1x1x32x16xf32, #tpu.memory_space<vmem>> -> memref<32x16xf32, #tpu.memory_space<vmem>>
      %dma_wait3A_1109 = arith.constant 0 : i32
      %dma_wait3A_1110 = tpu.memref_slice %arg7[%dma_wait3A_1102, %dma_wait3A_1109] : memref<128x32xi32, #tpu.memory_space<vmem>> -> memref<1x32xi32, #tpu.memory_space<vmem>>
      %dma_wait3A_1111 = tpu.memref_squeeze %dma_wait3A_1110 : memref<1x32xi32, #tpu.memory_space<vmem>> -> memref<32xi32, #tpu.memory_space<vmem>>
      %dma_wait3A_1112 = arith.constant 0 : i32
      %dma_wait3A_1113 = arith.constant 0 : i32
      %dma_wait3A_1114 = tpu.memref_slice %arg4[%dma_wait3A_1101, %dma_wait3A_1112, %dma_wait3A_1113] : memref<26x100000x16xf32, #tpu.memory_space<hbm>> -> memref<1x100000x16xf32, #tpu.memory_space<hbm>>
      %dma_wait3A_1115 = tpu.memref_squeeze %dma_wait3A_1114 : memref<1x100000x16xf32, #tpu.memory_space<hbm>> -> memref<100000x16xf32, #tpu.memory_space<hbm>>
      %dma_wait3A_1116 = arith.constant 0 : i32
      %dma_wait3A_1117 = arith.constant 0 : i32
      %dma_wait3A_1118 = tpu.memref_slice %dma_wait3A_1115[%dma_wait3A_1116, %dma_wait3A_1117] : memref<100000x16xf32, #tpu.memory_space<hbm>> -> memref<100000x16xf32, #tpu.memory_space<hbm>>
      tpu.wait_indirect_dma semaphore(%arg14 : memref<!tpu.dma_semaphore, #tpu.memory_space<semaphore_mem>>) src(%dma_wait3A_1118 : memref<100000x16xf32, #tpu.memory_space<hbm>>) dst(%dma_wait3A_1108 : memref<32x16xf32, #tpu.memory_space<vmem>>)
      %dma_wait3A_1119 = arith.constant 11 : i32
      %dma_wait3A_1120 = arith.constant 0 : i32
      %dma_wait3A_1121 = arith.constant 0 : i32
      %dma_wait3A_1122 = arith.constant 11 : i32
      %dma_wait3A_1123 = arith.constant 0 : i32
      %dma_wait3A_1124 = arith.constant 0 : i32
      %dma_wait3A_1125 = tpu.memref_slice %arg9[%dma_wait3A_1121, %dma_wait3A_1122, %dma_wait3A_1123, %dma_wait3A_1124] : memref<2x25x32x16xf32, #tpu.memory_space<vmem>> -> memref<1x1x32x16xf32, #tpu.memory_space<vmem>>
      %dma_wait3A_1126 = tpu.memref_squeeze %dma_wait3A_1125 : memref<1x1x32x16xf32, #tpu.memory_space<vmem>> -> memref<32x16xf32, #tpu.memory_space<vmem>>
      %dma_wait3A_1127 = arith.constant 0 : i32
      %dma_wait3A_1128 = tpu.memref_slice %arg7[%dma_wait3A_1120, %dma_wait3A_1127] : memref<128x32xi32, #tpu.memory_space<vmem>> -> memref<1x32xi32, #tpu.memory_space<vmem>>
      %dma_wait3A_1129 = tpu.memref_squeeze %dma_wait3A_1128 : memref<1x32xi32, #tpu.memory_space<vmem>> -> memref<32xi32, #tpu.memory_space<vmem>>
      %dma_wait3A_1130 = arith.constant 0 : i32
      %dma_wait3A_1131 = arith.constant 0 : i32
      %dma_wait3A_1132 = tpu.memref_slice %arg4[%dma_wait3A_1119, %dma_wait3A_1130, %dma_wait3A_1131] : memref<26x100000x16xf32, #tpu.memory_space<hbm>> -> memref<1x100000x16xf32, #tpu.memory_space<hbm>>
      %dma_wait3A_1133 = tpu.memref_squeeze %dma_wait3A_1132 : memref<1x100000x16xf32, #tpu.memory_space<hbm>> -> memref<100000x16xf32, #tpu.memory_space<hbm>>
      %dma_wait3A_1134 = arith.constant 0 : i32
      %dma_wait3A_1135 = arith.constant 0 : i32
      %dma_wait3A_1136 = tpu.memref_slice %dma_wait3A_1133[%dma_wait3A_1134, %dma_wait3A_1135] : memref<100000x16xf32, #tpu.memory_space<hbm>> -> memref<100000x16xf32, #tpu.memory_space<hbm>>
      tpu.wait_indirect_dma semaphore(%arg14 : memref<!tpu.dma_semaphore, #tpu.memory_space<semaphore_mem>>) src(%dma_wait3A_1136 : memref<100000x16xf32, #tpu.memory_space<hbm>>) dst(%dma_wait3A_1126 : memref<32x16xf32, #tpu.memory_space<vmem>>)
      %dma_wait3A_1137 = arith.constant 12 : i32
      %dma_wait3A_1138 = arith.constant 0 : i32
      %dma_wait3A_1139 = arith.constant 0 : i32
      %dma_wait3A_1140 = arith.constant 12 : i32
      %dma_wait3A_1141 = arith.constant 0 : i32
      %dma_wait3A_1142 = arith.constant 0 : i32
      %dma_wait3A_1143 = tpu.memref_slice %arg9[%dma_wait3A_1139, %dma_wait3A_1140, %dma_wait3A_1141, %dma_wait3A_1142] : memref<2x25x32x16xf32, #tpu.memory_space<vmem>> -> memref<1x1x32x16xf32, #tpu.memory_space<vmem>>
      %dma_wait3A_1144 = tpu.memref_squeeze %dma_wait3A_1143 : memref<1x1x32x16xf32, #tpu.memory_space<vmem>> -> memref<32x16xf32, #tpu.memory_space<vmem>>
      %dma_wait3A_1145 = arith.constant 0 : i32
      %dma_wait3A_1146 = tpu.memref_slice %arg7[%dma_wait3A_1138, %dma_wait3A_1145] : memref<128x32xi32, #tpu.memory_space<vmem>> -> memref<1x32xi32, #tpu.memory_space<vmem>>
      %dma_wait3A_1147 = tpu.memref_squeeze %dma_wait3A_1146 : memref<1x32xi32, #tpu.memory_space<vmem>> -> memref<32xi32, #tpu.memory_space<vmem>>
      %dma_wait3A_1148 = arith.constant 0 : i32
      %dma_wait3A_1149 = arith.constant 0 : i32
      %dma_wait3A_1150 = tpu.memref_slice %arg4[%dma_wait3A_1137, %dma_wait3A_1148, %dma_wait3A_1149] : memref<26x100000x16xf32, #tpu.memory_space<hbm>> -> memref<1x100000x16xf32, #tpu.memory_space<hbm>>
      %dma_wait3A_1151 = tpu.memref_squeeze %dma_wait3A_1150 : memref<1x100000x16xf32, #tpu.memory_space<hbm>> -> memref<100000x16xf32, #tpu.memory_space<hbm>>
      %dma_wait3A_1152 = arith.constant 0 : i32
      %dma_wait3A_1153 = arith.constant 0 : i32
      %dma_wait3A_1154 = tpu.memref_slice %dma_wait3A_1151[%dma_wait3A_1152, %dma_wait3A_1153] : memref<100000x16xf32, #tpu.memory_space<hbm>> -> memref<100000x16xf32, #tpu.memory_space<hbm>>
      tpu.wait_indirect_dma semaphore(%arg14 : memref<!tpu.dma_semaphore, #tpu.memory_space<semaphore_mem>>) src(%dma_wait3A_1154 : memref<100000x16xf32, #tpu.memory_space<hbm>>) dst(%dma_wait3A_1144 : memref<32x16xf32, #tpu.memory_space<vmem>>)
      %dma_wait3A_1155 = arith.constant 13 : i32
      %dma_wait3A_1156 = arith.constant 0 : i32
      %dma_wait3A_1157 = arith.constant 0 : i32
      %dma_wait3A_1158 = arith.constant 13 : i32
      %dma_wait3A_1159 = arith.constant 0 : i32
      %dma_wait3A_1160 = arith.constant 0 : i32
      %dma_wait3A_1161 = tpu.memref_slice %arg9[%dma_wait3A_1157, %dma_wait3A_1158, %dma_wait3A_1159, %dma_wait3A_1160] : memref<2x25x32x16xf32, #tpu.memory_space<vmem>> -> memref<1x1x32x16xf32, #tpu.memory_space<vmem>>
      %dma_wait3A_1162 = tpu.memref_squeeze %dma_wait3A_1161 : memref<1x1x32x16xf32, #tpu.memory_space<vmem>> -> memref<32x16xf32, #tpu.memory_space<vmem>>
      %dma_wait3A_1163 = arith.constant 0 : i32
      %dma_wait3A_1164 = tpu.memref_slice %arg7[%dma_wait3A_1156, %dma_wait3A_1163] : memref<128x32xi32, #tpu.memory_space<vmem>> -> memref<1x32xi32, #tpu.memory_space<vmem>>
      %dma_wait3A_1165 = tpu.memref_squeeze %dma_wait3A_1164 : memref<1x32xi32, #tpu.memory_space<vmem>> -> memref<32xi32, #tpu.memory_space<vmem>>
      %dma_wait3A_1166 = arith.constant 0 : i32
      %dma_wait3A_1167 = arith.constant 0 : i32
      %dma_wait3A_1168 = tpu.memref_slice %arg4[%dma_wait3A_1155, %dma_wait3A_1166, %dma_wait3A_1167] : memref<26x100000x16xf32, #tpu.memory_space<hbm>> -> memref<1x100000x16xf32, #tpu.memory_space<hbm>>
      %dma_wait3A_1169 = tpu.memref_squeeze %dma_wait3A_1168 : memref<1x100000x16xf32, #tpu.memory_space<hbm>> -> memref<100000x16xf32, #tpu.memory_space<hbm>>
      %dma_wait3A_1170 = arith.constant 0 : i32
      %dma_wait3A_1171 = arith.constant 0 : i32
      %dma_wait3A_1172 = tpu.memref_slice %dma_wait3A_1169[%dma_wait3A_1170, %dma_wait3A_1171] : memref<100000x16xf32, #tpu.memory_space<hbm>> -> memref<100000x16xf32, #tpu.memory_space<hbm>>
      tpu.wait_indirect_dma semaphore(%arg14 : memref<!tpu.dma_semaphore, #tpu.memory_space<semaphore_mem>>) src(%dma_wait3A_1172 : memref<100000x16xf32, #tpu.memory_space<hbm>>) dst(%dma_wait3A_1162 : memref<32x16xf32, #tpu.memory_space<vmem>>)
      %dma_wait3A_1173 = arith.constant 14 : i32
      %dma_wait3A_1174 = arith.constant 0 : i32
      %dma_wait3A_1175 = arith.constant 0 : i32
      %dma_wait3A_1176 = arith.constant 14 : i32
      %dma_wait3A_1177 = arith.constant 0 : i32
      %dma_wait3A_1178 = arith.constant 0 : i32
      %dma_wait3A_1179 = tpu.memref_slice %arg9[%dma_wait3A_1175, %dma_wait3A_1176, %dma_wait3A_1177, %dma_wait3A_1178] : memref<2x25x32x16xf32, #tpu.memory_space<vmem>> -> memref<1x1x32x16xf32, #tpu.memory_space<vmem>>
      %dma_wait3A_1180 = tpu.memref_squeeze %dma_wait3A_1179 : memref<1x1x32x16xf32, #tpu.memory_space<vmem>> -> memref<32x16xf32, #tpu.memory_space<vmem>>
      %dma_wait3A_1181 = arith.constant 0 : i32
      %dma_wait3A_1182 = tpu.memref_slice %arg7[%dma_wait3A_1174, %dma_wait3A_1181] : memref<128x32xi32, #tpu.memory_space<vmem>> -> memref<1x32xi32, #tpu.memory_space<vmem>>
      %dma_wait3A_1183 = tpu.memref_squeeze %dma_wait3A_1182 : memref<1x32xi32, #tpu.memory_space<vmem>> -> memref<32xi32, #tpu.memory_space<vmem>>
      %dma_wait3A_1184 = arith.constant 0 : i32
      %dma_wait3A_1185 = arith.constant 0 : i32
      %dma_wait3A_1186 = tpu.memref_slice %arg4[%dma_wait3A_1173, %dma_wait3A_1184, %dma_wait3A_1185] : memref<26x100000x16xf32, #tpu.memory_space<hbm>> -> memref<1x100000x16xf32, #tpu.memory_space<hbm>>
      %dma_wait3A_1187 = tpu.memref_squeeze %dma_wait3A_1186 : memref<1x100000x16xf32, #tpu.memory_space<hbm>> -> memref<100000x16xf32, #tpu.memory_space<hbm>>
      %dma_wait3A_1188 = arith.constant 0 : i32
      %dma_wait3A_1189 = arith.constant 0 : i32
      %dma_wait3A_1190 = tpu.memref_slice %dma_wait3A_1187[%dma_wait3A_1188, %dma_wait3A_1189] : memref<100000x16xf32, #tpu.memory_space<hbm>> -> memref<100000x16xf32, #tpu.memory_space<hbm>>
      tpu.wait_indirect_dma semaphore(%arg14 : memref<!tpu.dma_semaphore, #tpu.memory_space<semaphore_mem>>) src(%dma_wait3A_1190 : memref<100000x16xf32, #tpu.memory_space<hbm>>) dst(%dma_wait3A_1180 : memref<32x16xf32, #tpu.memory_space<vmem>>)
      %dma_wait3A_1191 = arith.constant 15 : i32
      %dma_wait3A_1192 = arith.constant 0 : i32
      %dma_wait3A_1193 = arith.constant 0 : i32
      %dma_wait3A_1194 = arith.constant 15 : i32
      %dma_wait3A_1195 = arith.constant 0 : i32
      %dma_wait3A_1196 = arith.constant 0 : i32
      %dma_wait3A_1197 = tpu.memref_slice %arg9[%dma_wait3A_1193, %dma_wait3A_1194, %dma_wait3A_1195, %dma_wait3A_1196] : memref<2x25x32x16xf32, #tpu.memory_space<vmem>> -> memref<1x1x32x16xf32, #tpu.memory_space<vmem>>
      %dma_wait3A_1198 = tpu.memref_squeeze %dma_wait3A_1197 : memref<1x1x32x16xf32, #tpu.memory_space<vmem>> -> memref<32x16xf32, #tpu.memory_space<vmem>>
      %dma_wait3A_1199 = arith.constant 0 : i32
      %dma_wait3A_1200 = tpu.memref_slice %arg7[%dma_wait3A_1192, %dma_wait3A_1199] : memref<128x32xi32, #tpu.memory_space<vmem>> -> memref<1x32xi32, #tpu.memory_space<vmem>>
      %dma_wait3A_1201 = tpu.memref_squeeze %dma_wait3A_1200 : memref<1x32xi32, #tpu.memory_space<vmem>> -> memref<32xi32, #tpu.memory_space<vmem>>
      %dma_wait3A_1202 = arith.constant 0 : i32
      %dma_wait3A_1203 = arith.constant 0 : i32
      %dma_wait3A_1204 = tpu.memref_slice %arg4[%dma_wait3A_1191, %dma_wait3A_1202, %dma_wait3A_1203] : memref<26x100000x16xf32, #tpu.memory_space<hbm>> -> memref<1x100000x16xf32, #tpu.memory_space<hbm>>
      %dma_wait3A_1205 = tpu.memref_squeeze %dma_wait3A_1204 : memref<1x100000x16xf32, #tpu.memory_space<hbm>> -> memref<100000x16xf32, #tpu.memory_space<hbm>>
      %dma_wait3A_1206 = arith.constant 0 : i32
      %dma_wait3A_1207 = arith.constant 0 : i32
      %dma_wait3A_1208 = tpu.memref_slice %dma_wait3A_1205[%dma_wait3A_1206, %dma_wait3A_1207] : memref<100000x16xf32, #tpu.memory_space<hbm>> -> memref<100000x16xf32, #tpu.memory_space<hbm>>
      tpu.wait_indirect_dma semaphore(%arg14 : memref<!tpu.dma_semaphore, #tpu.memory_space<semaphore_mem>>) src(%dma_wait3A_1208 : memref<100000x16xf32, #tpu.memory_space<hbm>>) dst(%dma_wait3A_1198 : memref<32x16xf32, #tpu.memory_space<vmem>>)
      %dma_wait3A_1209 = arith.constant 16 : i32
      %dma_wait3A_1210 = arith.constant 0 : i32
      %dma_wait3A_1211 = arith.constant 0 : i32
      %dma_wait3A_1212 = arith.constant 16 : i32
      %dma_wait3A_1213 = arith.constant 0 : i32
      %dma_wait3A_1214 = arith.constant 0 : i32
      %dma_wait3A_1215 = tpu.memref_slice %arg9[%dma_wait3A_1211, %dma_wait3A_1212, %dma_wait3A_1213, %dma_wait3A_1214] : memref<2x25x32x16xf32, #tpu.memory_space<vmem>> -> memref<1x1x32x16xf32, #tpu.memory_space<vmem>>
      %dma_wait3A_1216 = tpu.memref_squeeze %dma_wait3A_1215 : memref<1x1x32x16xf32, #tpu.memory_space<vmem>> -> memref<32x16xf32, #tpu.memory_space<vmem>>
      %dma_wait3A_1217 = arith.constant 0 : i32
      %dma_wait3A_1218 = tpu.memref_slice %arg7[%dma_wait3A_1210, %dma_wait3A_1217] : memref<128x32xi32, #tpu.memory_space<vmem>> -> memref<1x32xi32, #tpu.memory_space<vmem>>
      %dma_wait3A_1219 = tpu.memref_squeeze %dma_wait3A_1218 : memref<1x32xi32, #tpu.memory_space<vmem>> -> memref<32xi32, #tpu.memory_space<vmem>>
      %dma_wait3A_1220 = arith.constant 0 : i32
      %dma_wait3A_1221 = arith.constant 0 : i32
      %dma_wait3A_1222 = tpu.memref_slice %arg4[%dma_wait3A_1209, %dma_wait3A_1220, %dma_wait3A_1221] : memref<26x100000x16xf32, #tpu.memory_space<hbm>> -> memref<1x100000x16xf32, #tpu.memory_space<hbm>>
      %dma_wait3A_1223 = tpu.memref_squeeze %dma_wait3A_1222 : memref<1x100000x16xf32, #tpu.memory_space<hbm>> -> memref<100000x16xf32, #tpu.memory_space<hbm>>
      %dma_wait3A_1224 = arith.constant 0 : i32
      %dma_wait3A_1225 = arith.constant 0 : i32
      %dma_wait3A_1226 = tpu.memref_slice %dma_wait3A_1223[%dma_wait3A_1224, %dma_wait3A_1225] : memref<100000x16xf32, #tpu.memory_space<hbm>> -> memref<100000x16xf32, #tpu.memory_space<hbm>>
      tpu.wait_indirect_dma semaphore(%arg14 : memref<!tpu.dma_semaphore, #tpu.memory_space<semaphore_mem>>) src(%dma_wait3A_1226 : memref<100000x16xf32, #tpu.memory_space<hbm>>) dst(%dma_wait3A_1216 : memref<32x16xf32, #tpu.memory_space<vmem>>)
      %dma_wait3A_1227 = arith.constant 17 : i32
      %dma_wait3A_1228 = arith.constant 0 : i32
      %dma_wait3A_1229 = arith.constant 0 : i32
      %dma_wait3A_1230 = arith.constant 17 : i32
      %dma_wait3A_1231 = arith.constant 0 : i32
      %dma_wait3A_1232 = arith.constant 0 : i32
      %dma_wait3A_1233 = tpu.memref_slice %arg9[%dma_wait3A_1229, %dma_wait3A_1230, %dma_wait3A_1231, %dma_wait3A_1232] : memref<2x25x32x16xf32, #tpu.memory_space<vmem>> -> memref<1x1x32x16xf32, #tpu.memory_space<vmem>>
      %dma_wait3A_1234 = tpu.memref_squeeze %dma_wait3A_1233 : memref<1x1x32x16xf32, #tpu.memory_space<vmem>> -> memref<32x16xf32, #tpu.memory_space<vmem>>
      %dma_wait3A_1235 = arith.constant 0 : i32
      %dma_wait3A_1236 = tpu.memref_slice %arg7[%dma_wait3A_1228, %dma_wait3A_1235] : memref<128x32xi32, #tpu.memory_space<vmem>> -> memref<1x32xi32, #tpu.memory_space<vmem>>
      %dma_wait3A_1237 = tpu.memref_squeeze %dma_wait3A_1236 : memref<1x32xi32, #tpu.memory_space<vmem>> -> memref<32xi32, #tpu.memory_space<vmem>>
      %dma_wait3A_1238 = arith.constant 0 : i32
      %dma_wait3A_1239 = arith.constant 0 : i32
      %dma_wait3A_1240 = tpu.memref_slice %arg4[%dma_wait3A_1227, %dma_wait3A_1238, %dma_wait3A_1239] : memref<26x100000x16xf32, #tpu.memory_space<hbm>> -> memref<1x100000x16xf32, #tpu.memory_space<hbm>>
      %dma_wait3A_1241 = tpu.memref_squeeze %dma_wait3A_1240 : memref<1x100000x16xf32, #tpu.memory_space<hbm>> -> memref<100000x16xf32, #tpu.memory_space<hbm>>
      %dma_wait3A_1242 = arith.constant 0 : i32
      %dma_wait3A_1243 = arith.constant 0 : i32
      %dma_wait3A_1244 = tpu.memref_slice %dma_wait3A_1241[%dma_wait3A_1242, %dma_wait3A_1243] : memref<100000x16xf32, #tpu.memory_space<hbm>> -> memref<100000x16xf32, #tpu.memory_space<hbm>>
      tpu.wait_indirect_dma semaphore(%arg14 : memref<!tpu.dma_semaphore, #tpu.memory_space<semaphore_mem>>) src(%dma_wait3A_1244 : memref<100000x16xf32, #tpu.memory_space<hbm>>) dst(%dma_wait3A_1234 : memref<32x16xf32, #tpu.memory_space<vmem>>)
      %dma_wait3A_1245 = arith.constant 18 : i32
      %dma_wait3A_1246 = arith.constant 0 : i32
      %dma_wait3A_1247 = arith.constant 0 : i32
      %dma_wait3A_1248 = arith.constant 18 : i32
      %dma_wait3A_1249 = arith.constant 0 : i32
      %dma_wait3A_1250 = arith.constant 0 : i32
      %dma_wait3A_1251 = tpu.memref_slice %arg9[%dma_wait3A_1247, %dma_wait3A_1248, %dma_wait3A_1249, %dma_wait3A_1250] : memref<2x25x32x16xf32, #tpu.memory_space<vmem>> -> memref<1x1x32x16xf32, #tpu.memory_space<vmem>>
      %dma_wait3A_1252 = tpu.memref_squeeze %dma_wait3A_1251 : memref<1x1x32x16xf32, #tpu.memory_space<vmem>> -> memref<32x16xf32, #tpu.memory_space<vmem>>
      %dma_wait3A_1253 = arith.constant 0 : i32
      %dma_wait3A_1254 = tpu.memref_slice %arg7[%dma_wait3A_1246, %dma_wait3A_1253] : memref<128x32xi32, #tpu.memory_space<vmem>> -> memref<1x32xi32, #tpu.memory_space<vmem>>
      %dma_wait3A_1255 = tpu.memref_squeeze %dma_wait3A_1254 : memref<1x32xi32, #tpu.memory_space<vmem>> -> memref<32xi32, #tpu.memory_space<vmem>>
      %dma_wait3A_1256 = arith.constant 0 : i32
      %dma_wait3A_1257 = arith.constant 0 : i32
      %dma_wait3A_1258 = tpu.memref_slice %arg4[%dma_wait3A_1245, %dma_wait3A_1256, %dma_wait3A_1257] : memref<26x100000x16xf32, #tpu.memory_space<hbm>> -> memref<1x100000x16xf32, #tpu.memory_space<hbm>>
      %dma_wait3A_1259 = tpu.memref_squeeze %dma_wait3A_1258 : memref<1x100000x16xf32, #tpu.memory_space<hbm>> -> memref<100000x16xf32, #tpu.memory_space<hbm>>
      %dma_wait3A_1260 = arith.constant 0 : i32
      %dma_wait3A_1261 = arith.constant 0 : i32
      %dma_wait3A_1262 = tpu.memref_slice %dma_wait3A_1259[%dma_wait3A_1260, %dma_wait3A_1261] : memref<100000x16xf32, #tpu.memory_space<hbm>> -> memref<100000x16xf32, #tpu.memory_space<hbm>>
      tpu.wait_indirect_dma semaphore(%arg14 : memref<!tpu.dma_semaphore, #tpu.memory_space<semaphore_mem>>) src(%dma_wait3A_1262 : memref<100000x16xf32, #tpu.memory_space<hbm>>) dst(%dma_wait3A_1252 : memref<32x16xf32, #tpu.memory_space<vmem>>)
      %dma_wait3A_1263 = arith.constant 19 : i32
      %dma_wait3A_1264 = arith.constant 0 : i32
      %dma_wait3A_1265 = arith.constant 0 : i32
      %dma_wait3A_1266 = arith.constant 19 : i32
      %dma_wait3A_1267 = arith.constant 0 : i32
      %dma_wait3A_1268 = arith.constant 0 : i32
      %dma_wait3A_1269 = tpu.memref_slice %arg9[%dma_wait3A_1265, %dma_wait3A_1266, %dma_wait3A_1267, %dma_wait3A_1268] : memref<2x25x32x16xf32, #tpu.memory_space<vmem>> -> memref<1x1x32x16xf32, #tpu.memory_space<vmem>>
      %dma_wait3A_1270 = tpu.memref_squeeze %dma_wait3A_1269 : memref<1x1x32x16xf32, #tpu.memory_space<vmem>> -> memref<32x16xf32, #tpu.memory_space<vmem>>
      %dma_wait3A_1271 = arith.constant 0 : i32
      %dma_wait3A_1272 = tpu.memref_slice %arg7[%dma_wait3A_1264, %dma_wait3A_1271] : memref<128x32xi32, #tpu.memory_space<vmem>> -> memref<1x32xi32, #tpu.memory_space<vmem>>
      %dma_wait3A_1273 = tpu.memref_squeeze %dma_wait3A_1272 : memref<1x32xi32, #tpu.memory_space<vmem>> -> memref<32xi32, #tpu.memory_space<vmem>>
      %dma_wait3A_1274 = arith.constant 0 : i32
      %dma_wait3A_1275 = arith.constant 0 : i32
      %dma_wait3A_1276 = tpu.memref_slice %arg4[%dma_wait3A_1263, %dma_wait3A_1274, %dma_wait3A_1275] : memref<26x100000x16xf32, #tpu.memory_space<hbm>> -> memref<1x100000x16xf32, #tpu.memory_space<hbm>>
      %dma_wait3A_1277 = tpu.memref_squeeze %dma_wait3A_1276 : memref<1x100000x16xf32, #tpu.memory_space<hbm>> -> memref<100000x16xf32, #tpu.memory_space<hbm>>
      %dma_wait3A_1278 = arith.constant 0 : i32
      %dma_wait3A_1279 = arith.constant 0 : i32
      %dma_wait3A_1280 = tpu.memref_slice %dma_wait3A_1277[%dma_wait3A_1278, %dma_wait3A_1279] : memref<100000x16xf32, #tpu.memory_space<hbm>> -> memref<100000x16xf32, #tpu.memory_space<hbm>>
      tpu.wait_indirect_dma semaphore(%arg14 : memref<!tpu.dma_semaphore, #tpu.memory_space<semaphore_mem>>) src(%dma_wait3A_1280 : memref<100000x16xf32, #tpu.memory_space<hbm>>) dst(%dma_wait3A_1270 : memref<32x16xf32, #tpu.memory_space<vmem>>)
      %dma_wait3A_1281 = arith.constant 20 : i32
      %dma_wait3A_1282 = arith.constant 0 : i32
      %dma_wait3A_1283 = arith.constant 0 : i32
      %dma_wait3A_1284 = arith.constant 20 : i32
      %dma_wait3A_1285 = arith.constant 0 : i32
      %dma_wait3A_1286 = arith.constant 0 : i32
      %dma_wait3A_1287 = tpu.memref_slice %arg9[%dma_wait3A_1283, %dma_wait3A_1284, %dma_wait3A_1285, %dma_wait3A_1286] : memref<2x25x32x16xf32, #tpu.memory_space<vmem>> -> memref<1x1x32x16xf32, #tpu.memory_space<vmem>>
      %dma_wait3A_1288 = tpu.memref_squeeze %dma_wait3A_1287 : memref<1x1x32x16xf32, #tpu.memory_space<vmem>> -> memref<32x16xf32, #tpu.memory_space<vmem>>
      %dma_wait3A_1289 = arith.constant 0 : i32
      %dma_wait3A_1290 = tpu.memref_slice %arg7[%dma_wait3A_1282, %dma_wait3A_1289] : memref<128x32xi32, #tpu.memory_space<vmem>> -> memref<1x32xi32, #tpu.memory_space<vmem>>
      %dma_wait3A_1291 = tpu.memref_squeeze %dma_wait3A_1290 : memref<1x32xi32, #tpu.memory_space<vmem>> -> memref<32xi32, #tpu.memory_space<vmem>>
      %dma_wait3A_1292 = arith.constant 0 : i32
      %dma_wait3A_1293 = arith.constant 0 : i32
      %dma_wait3A_1294 = tpu.memref_slice %arg4[%dma_wait3A_1281, %dma_wait3A_1292, %dma_wait3A_1293] : memref<26x100000x16xf32, #tpu.memory_space<hbm>> -> memref<1x100000x16xf32, #tpu.memory_space<hbm>>
      %dma_wait3A_1295 = tpu.memref_squeeze %dma_wait3A_1294 : memref<1x100000x16xf32, #tpu.memory_space<hbm>> -> memref<100000x16xf32, #tpu.memory_space<hbm>>
      %dma_wait3A_1296 = arith.constant 0 : i32
      %dma_wait3A_1297 = arith.constant 0 : i32
      %dma_wait3A_1298 = tpu.memref_slice %dma_wait3A_1295[%dma_wait3A_1296, %dma_wait3A_1297] : memref<100000x16xf32, #tpu.memory_space<hbm>> -> memref<100000x16xf32, #tpu.memory_space<hbm>>
      tpu.wait_indirect_dma semaphore(%arg14 : memref<!tpu.dma_semaphore, #tpu.memory_space<semaphore_mem>>) src(%dma_wait3A_1298 : memref<100000x16xf32, #tpu.memory_space<hbm>>) dst(%dma_wait3A_1288 : memref<32x16xf32, #tpu.memory_space<vmem>>)
      %dma_wait3A_1299 = arith.constant 21 : i32
      %dma_wait3A_1300 = arith.constant 0 : i32
      %dma_wait3A_1301 = arith.constant 0 : i32
      %dma_wait3A_1302 = arith.constant 21 : i32
      %dma_wait3A_1303 = arith.constant 0 : i32
      %dma_wait3A_1304 = arith.constant 0 : i32
      %dma_wait3A_1305 = tpu.memref_slice %arg9[%dma_wait3A_1301, %dma_wait3A_1302, %dma_wait3A_1303, %dma_wait3A_1304] : memref<2x25x32x16xf32, #tpu.memory_space<vmem>> -> memref<1x1x32x16xf32, #tpu.memory_space<vmem>>
      %dma_wait3A_1306 = tpu.memref_squeeze %dma_wait3A_1305 : memref<1x1x32x16xf32, #tpu.memory_space<vmem>> -> memref<32x16xf32, #tpu.memory_space<vmem>>
      %dma_wait3A_1307 = arith.constant 0 : i32
      %dma_wait3A_1308 = tpu.memref_slice %arg7[%dma_wait3A_1300, %dma_wait3A_1307] : memref<128x32xi32, #tpu.memory_space<vmem>> -> memref<1x32xi32, #tpu.memory_space<vmem>>
      %dma_wait3A_1309 = tpu.memref_squeeze %dma_wait3A_1308 : memref<1x32xi32, #tpu.memory_space<vmem>> -> memref<32xi32, #tpu.memory_space<vmem>>
      %dma_wait3A_1310 = arith.constant 0 : i32
      %dma_wait3A_1311 = arith.constant 0 : i32
      %dma_wait3A_1312 = tpu.memref_slice %arg4[%dma_wait3A_1299, %dma_wait3A_1310, %dma_wait3A_1311] : memref<26x100000x16xf32, #tpu.memory_space<hbm>> -> memref<1x100000x16xf32, #tpu.memory_space<hbm>>
      %dma_wait3A_1313 = tpu.memref_squeeze %dma_wait3A_1312 : memref<1x100000x16xf32, #tpu.memory_space<hbm>> -> memref<100000x16xf32, #tpu.memory_space<hbm>>
      %dma_wait3A_1314 = arith.constant 0 : i32
      %dma_wait3A_1315 = arith.constant 0 : i32
      %dma_wait3A_1316 = tpu.memref_slice %dma_wait3A_1313[%dma_wait3A_1314, %dma_wait3A_1315] : memref<100000x16xf32, #tpu.memory_space<hbm>> -> memref<100000x16xf32, #tpu.memory_space<hbm>>
      tpu.wait_indirect_dma semaphore(%arg14 : memref<!tpu.dma_semaphore, #tpu.memory_space<semaphore_mem>>) src(%dma_wait3A_1316 : memref<100000x16xf32, #tpu.memory_space<hbm>>) dst(%dma_wait3A_1306 : memref<32x16xf32, #tpu.memory_space<vmem>>)
      %dma_wait3A_1317 = arith.constant 22 : i32
      %dma_wait3A_1318 = arith.constant 0 : i32
      %dma_wait3A_1319 = arith.constant 0 : i32
      %dma_wait3A_1320 = arith.constant 22 : i32
      %dma_wait3A_1321 = arith.constant 0 : i32
      %dma_wait3A_1322 = arith.constant 0 : i32
      %dma_wait3A_1323 = tpu.memref_slice %arg9[%dma_wait3A_1319, %dma_wait3A_1320, %dma_wait3A_1321, %dma_wait3A_1322] : memref<2x25x32x16xf32, #tpu.memory_space<vmem>> -> memref<1x1x32x16xf32, #tpu.memory_space<vmem>>
      %dma_wait3A_1324 = tpu.memref_squeeze %dma_wait3A_1323 : memref<1x1x32x16xf32, #tpu.memory_space<vmem>> -> memref<32x16xf32, #tpu.memory_space<vmem>>
      %dma_wait3A_1325 = arith.constant 0 : i32
      %dma_wait3A_1326 = tpu.memref_slice %arg7[%dma_wait3A_1318, %dma_wait3A_1325] : memref<128x32xi32, #tpu.memory_space<vmem>> -> memref<1x32xi32, #tpu.memory_space<vmem>>
      %dma_wait3A_1327 = tpu.memref_squeeze %dma_wait3A_1326 : memref<1x32xi32, #tpu.memory_space<vmem>> -> memref<32xi32, #tpu.memory_space<vmem>>
      %dma_wait3A_1328 = arith.constant 0 : i32
      %dma_wait3A_1329 = arith.constant 0 : i32
      %dma_wait3A_1330 = tpu.memref_slice %arg4[%dma_wait3A_1317, %dma_wait3A_1328, %dma_wait3A_1329] : memref<26x100000x16xf32, #tpu.memory_space<hbm>> -> memref<1x100000x16xf32, #tpu.memory_space<hbm>>
      %dma_wait3A_1331 = tpu.memref_squeeze %dma_wait3A_1330 : memref<1x100000x16xf32, #tpu.memory_space<hbm>> -> memref<100000x16xf32, #tpu.memory_space<hbm>>
      %dma_wait3A_1332 = arith.constant 0 : i32
      %dma_wait3A_1333 = arith.constant 0 : i32
      %dma_wait3A_1334 = tpu.memref_slice %dma_wait3A_1331[%dma_wait3A_1332, %dma_wait3A_1333] : memref<100000x16xf32, #tpu.memory_space<hbm>> -> memref<100000x16xf32, #tpu.memory_space<hbm>>
      tpu.wait_indirect_dma semaphore(%arg14 : memref<!tpu.dma_semaphore, #tpu.memory_space<semaphore_mem>>) src(%dma_wait3A_1334 : memref<100000x16xf32, #tpu.memory_space<hbm>>) dst(%dma_wait3A_1324 : memref<32x16xf32, #tpu.memory_space<vmem>>)
      %dma_wait3A_1335 = arith.constant 23 : i32
      %dma_wait3A_1336 = arith.constant 0 : i32
      %dma_wait3A_1337 = arith.constant 0 : i32
      %dma_wait3A_1338 = arith.constant 23 : i32
      %dma_wait3A_1339 = arith.constant 0 : i32
      %dma_wait3A_1340 = arith.constant 0 : i32
      %dma_wait3A_1341 = tpu.memref_slice %arg9[%dma_wait3A_1337, %dma_wait3A_1338, %dma_wait3A_1339, %dma_wait3A_1340] : memref<2x25x32x16xf32, #tpu.memory_space<vmem>> -> memref<1x1x32x16xf32, #tpu.memory_space<vmem>>
      %dma_wait3A_1342 = tpu.memref_squeeze %dma_wait3A_1341 : memref<1x1x32x16xf32, #tpu.memory_space<vmem>> -> memref<32x16xf32, #tpu.memory_space<vmem>>
      %dma_wait3A_1343 = arith.constant 0 : i32
      %dma_wait3A_1344 = tpu.memref_slice %arg7[%dma_wait3A_1336, %dma_wait3A_1343] : memref<128x32xi32, #tpu.memory_space<vmem>> -> memref<1x32xi32, #tpu.memory_space<vmem>>
      %dma_wait3A_1345 = tpu.memref_squeeze %dma_wait3A_1344 : memref<1x32xi32, #tpu.memory_space<vmem>> -> memref<32xi32, #tpu.memory_space<vmem>>
      %dma_wait3A_1346 = arith.constant 0 : i32
      %dma_wait3A_1347 = arith.constant 0 : i32
      %dma_wait3A_1348 = tpu.memref_slice %arg4[%dma_wait3A_1335, %dma_wait3A_1346, %dma_wait3A_1347] : memref<26x100000x16xf32, #tpu.memory_space<hbm>> -> memref<1x100000x16xf32, #tpu.memory_space<hbm>>
      %dma_wait3A_1349 = tpu.memref_squeeze %dma_wait3A_1348 : memref<1x100000x16xf32, #tpu.memory_space<hbm>> -> memref<100000x16xf32, #tpu.memory_space<hbm>>
      %dma_wait3A_1350 = arith.constant 0 : i32
      %dma_wait3A_1351 = arith.constant 0 : i32
      %dma_wait3A_1352 = tpu.memref_slice %dma_wait3A_1349[%dma_wait3A_1350, %dma_wait3A_1351] : memref<100000x16xf32, #tpu.memory_space<hbm>> -> memref<100000x16xf32, #tpu.memory_space<hbm>>
      tpu.wait_indirect_dma semaphore(%arg14 : memref<!tpu.dma_semaphore, #tpu.memory_space<semaphore_mem>>) src(%dma_wait3A_1352 : memref<100000x16xf32, #tpu.memory_space<hbm>>) dst(%dma_wait3A_1342 : memref<32x16xf32, #tpu.memory_space<vmem>>)
      %dma_wait3A_1353 = arith.constant 24 : i32
      %dma_wait3A_1354 = arith.constant 0 : i32
      %dma_wait3A_1355 = arith.constant 0 : i32
      %dma_wait3A_1356 = arith.constant 24 : i32
      %dma_wait3A_1357 = arith.constant 0 : i32
      %dma_wait3A_1358 = arith.constant 0 : i32
      %dma_wait3A_1359 = tpu.memref_slice %arg9[%dma_wait3A_1355, %dma_wait3A_1356, %dma_wait3A_1357, %dma_wait3A_1358] : memref<2x25x32x16xf32, #tpu.memory_space<vmem>> -> memref<1x1x32x16xf32, #tpu.memory_space<vmem>>
      %dma_wait3A_1360 = tpu.memref_squeeze %dma_wait3A_1359 : memref<1x1x32x16xf32, #tpu.memory_space<vmem>> -> memref<32x16xf32, #tpu.memory_space<vmem>>
      %dma_wait3A_1361 = arith.constant 0 : i32
      %dma_wait3A_1362 = tpu.memref_slice %arg7[%dma_wait3A_1354, %dma_wait3A_1361] : memref<128x32xi32, #tpu.memory_space<vmem>> -> memref<1x32xi32, #tpu.memory_space<vmem>>
      %dma_wait3A_1363 = tpu.memref_squeeze %dma_wait3A_1362 : memref<1x32xi32, #tpu.memory_space<vmem>> -> memref<32xi32, #tpu.memory_space<vmem>>
      %dma_wait3A_1364 = arith.constant 0 : i32
      %dma_wait3A_1365 = arith.constant 0 : i32
      %dma_wait3A_1366 = tpu.memref_slice %arg4[%dma_wait3A_1353, %dma_wait3A_1364, %dma_wait3A_1365] : memref<26x100000x16xf32, #tpu.memory_space<hbm>> -> memref<1x100000x16xf32, #tpu.memory_space<hbm>>
      %dma_wait3A_1367 = tpu.memref_squeeze %dma_wait3A_1366 : memref<1x100000x16xf32, #tpu.memory_space<hbm>> -> memref<100000x16xf32, #tpu.memory_space<hbm>>
      %dma_wait3A_1368 = arith.constant 0 : i32
      %dma_wait3A_1369 = arith.constant 0 : i32
      %dma_wait3A_1370 = tpu.memref_slice %dma_wait3A_1367[%dma_wait3A_1368, %dma_wait3A_1369] : memref<100000x16xf32, #tpu.memory_space<hbm>> -> memref<100000x16xf32, #tpu.memory_space<hbm>>
      tpu.wait_indirect_dma semaphore(%arg14 : memref<!tpu.dma_semaphore, #tpu.memory_space<semaphore_mem>>) src(%dma_wait3A_1370 : memref<100000x16xf32, #tpu.memory_space<hbm>>) dst(%dma_wait3A_1360 : memref<32x16xf32, #tpu.memory_space<vmem>>)
      %dma_wait3A_1371 = arith.constant 0 : i32
      %dma_wait3A_1372 = arith.constant 0 : i32
      %dma_wait3A_1373 = arith.constant 0 : i32
      %dma_wait3A_1374 = tpu.memref_slice %arg10[%dma_wait3A_1372, %dma_wait3A_1373] : memref<2x32xf32, #tpu.memory_space<vmem>> -> memref<1x32xf32, #tpu.memory_space<vmem>>
      %dma_wait3A_1375 = tpu.memref_squeeze %dma_wait3A_1374 : memref<1x32xf32, #tpu.memory_space<vmem>> -> memref<32xf32, #tpu.memory_space<vmem>>
      %dma_wait3A_1376 = arith.constant 0 : i32
      %dma_wait3A_1377 = tpu.memref_slice %arg7[%dma_wait3A_1371, %dma_wait3A_1376] : memref<128x32xi32, #tpu.memory_space<vmem>> -> memref<1x32xi32, #tpu.memory_space<vmem>>
      %dma_wait3A_1378 = tpu.memref_squeeze %dma_wait3A_1377 : memref<1x32xi32, #tpu.memory_space<vmem>> -> memref<32xi32, #tpu.memory_space<vmem>>
      %dma_wait3A_1379 = arith.constant 0 : i32
      %dma_wait3A_1380 = tpu.memref_slice %arg5[%dma_wait3A_1379] : memref<100000xf32, #tpu.memory_space<hbm>> -> memref<100000xf32, #tpu.memory_space<hbm>>
      tpu.wait_indirect_dma semaphore(%arg14 : memref<!tpu.dma_semaphore, #tpu.memory_space<semaphore_mem>>) src(%dma_wait3A_1380 : memref<100000xf32, #tpu.memory_space<hbm>>) dst(%dma_wait3A_1375 : memref<32xf32, #tpu.memory_space<vmem>>)
      %get3A = arith.index_cast %mul3A_485 : i32 to index
      %get3A_1381 = arith.constant 0 : index
      %get3A_1382 = tpu.vector_load %arg8[%get3A, %get3A_1381] {strides = array<i32>} : memref<128x32xf32, #tpu.memory_space<vmem>>, vector<1x16xf32>,
      %get3A_1383 = vector.shape_cast %get3A_1382 : vector<1x16xf32> to vector<16xf32>
      %get3A_1384 = arith.index_cast %mul3A_485 : i32 to index
      %get3A_1385 = arith.constant 16 : index
      %get3A_1386 = tpu.vector_load %arg8[%get3A_1384, %get3A_1385] {strides = array<i32>} : memref<128x32xf32, #tpu.memory_space<vmem>>, vector<1x16xf32>,
      %get3A_1387 = vector.shape_cast %get3A_1386 : vector<1x16xf32> to vector<16xf32>
      %slice3A = vector.extract_strided_slice %get3A_1383 {offsets = [0], sizes = [1], strides = [1]} : vector<16xf32> to vector<1xf32>
      %squeeze3A = vector.extract %slice3A[0] : f32 from vector<1xf32>
      %swap3A = arith.constant 0 : i32
      %swap3A_1388 = arith.index_cast %swap3A : i32 to index
      %swap3A_1389 = memref.load %arg13[%swap3A_1388] : memref<32xf32, #tpu.memory_space<smem>>
      memref.store %squeeze3A, %arg13[%swap3A_1388] : memref<32xf32, #tpu.memory_space<smem>>
      %slice3A_1390 = vector.extract_strided_slice %get3A_1383 {offsets = [1], sizes = [1], strides = [1]} : vector<16xf32> to vector<1xf32>
      %squeeze3A_1391 = vector.extract %slice3A_1390[0] : f32 from vector<1xf32>
      %swap3A_1392 = arith.constant 1 : i32
      %swap3A_1393 = arith.index_cast %swap3A_1392 : i32 to index
      %swap3A_1394 = memref.load %arg13[%swap3A_1393] : memref<32xf32, #tpu.memory_space<smem>>
      memref.store %squeeze3A_1391, %arg13[%swap3A_1393] : memref<32xf32, #tpu.memory_space<smem>>
      %slice3A_1395 = vector.extract_strided_slice %get3A_1383 {offsets = [2], sizes = [1], strides = [1]} : vector<16xf32> to vector<1xf32>
      %squeeze3A_1396 = vector.extract %slice3A_1395[0] : f32 from vector<1xf32>
      %swap3A_1397 = arith.constant 2 : i32
      %swap3A_1398 = arith.index_cast %swap3A_1397 : i32 to index
      %swap3A_1399 = memref.load %arg13[%swap3A_1398] : memref<32xf32, #tpu.memory_space<smem>>
      memref.store %squeeze3A_1396, %arg13[%swap3A_1398] : memref<32xf32, #tpu.memory_space<smem>>
      %slice3A_1400 = vector.extract_strided_slice %get3A_1383 {offsets = [3], sizes = [1], strides = [1]} : vector<16xf32> to vector<1xf32>
      %squeeze3A_1401 = vector.extract %slice3A_1400[0] : f32 from vector<1xf32>
      %swap3A_1402 = arith.constant 3 : i32
      %swap3A_1403 = arith.index_cast %swap3A_1402 : i32 to index
      %swap3A_1404 = memref.load %arg13[%swap3A_1403] : memref<32xf32, #tpu.memory_space<smem>>
      memref.store %squeeze3A_1401, %arg13[%swap3A_1403] : memref<32xf32, #tpu.memory_space<smem>>
      %slice3A_1405 = vector.extract_strided_slice %get3A_1383 {offsets = [4], sizes = [1], strides = [1]} : vector<16xf32> to vector<1xf32>
      %squeeze3A_1406 = vector.extract %slice3A_1405[0] : f32 from vector<1xf32>
      %swap3A_1407 = arith.constant 4 : i32
      %swap3A_1408 = arith.index_cast %swap3A_1407 : i32 to index
      %swap3A_1409 = memref.load %arg13[%swap3A_1408] : memref<32xf32, #tpu.memory_space<smem>>
      memref.store %squeeze3A_1406, %arg13[%swap3A_1408] : memref<32xf32, #tpu.memory_space<smem>>
      %slice3A_1410 = vector.extract_strided_slice %get3A_1383 {offsets = [5], sizes = [1], strides = [1]} : vector<16xf32> to vector<1xf32>
      %squeeze3A_1411 = vector.extract %slice3A_1410[0] : f32 from vector<1xf32>
      %swap3A_1412 = arith.constant 5 : i32
      %swap3A_1413 = arith.index_cast %swap3A_1412 : i32 to index
      %swap3A_1414 = memref.load %arg13[%swap3A_1413] : memref<32xf32, #tpu.memory_space<smem>>
      memref.store %squeeze3A_1411, %arg13[%swap3A_1413] : memref<32xf32, #tpu.memory_space<smem>>
      %slice3A_1415 = vector.extract_strided_slice %get3A_1383 {offsets = [6], sizes = [1], strides = [1]} : vector<16xf32> to vector<1xf32>
      %squeeze3A_1416 = vector.extract %slice3A_1415[0] : f32 from vector<1xf32>
      %swap3A_1417 = arith.constant 6 : i32
      %swap3A_1418 = arith.index_cast %swap3A_1417 : i32 to index
      %swap3A_1419 = memref.load %arg13[%swap3A_1418] : memref<32xf32, #tpu.memory_space<smem>>
      memref.store %squeeze3A_1416, %arg13[%swap3A_1418] : memref<32xf32, #tpu.memory_space<smem>>
      %slice3A_1420 = vector.extract_strided_slice %get3A_1383 {offsets = [7], sizes = [1], strides = [1]} : vector<16xf32> to vector<1xf32>
      %squeeze3A_1421 = vector.extract %slice3A_1420[0] : f32 from vector<1xf32>
      %swap3A_1422 = arith.constant 7 : i32
      %swap3A_1423 = arith.index_cast %swap3A_1422 : i32 to index
      %swap3A_1424 = memref.load %arg13[%swap3A_1423] : memref<32xf32, #tpu.memory_space<smem>>
      memref.store %squeeze3A_1421, %arg13[%swap3A_1423] : memref<32xf32, #tpu.memory_space<smem>>
      %slice3A_1425 = vector.extract_strided_slice %get3A_1383 {offsets = [8], sizes = [1], strides = [1]} : vector<16xf32> to vector<1xf32>
      %squeeze3A_1426 = vector.extract %slice3A_1425[0] : f32 from vector<1xf32>
      %swap3A_1427 = arith.constant 8 : i32
      %swap3A_1428 = arith.index_cast %swap3A_1427 : i32 to index
      %swap3A_1429 = memref.load %arg13[%swap3A_1428] : memref<32xf32, #tpu.memory_space<smem>>
      memref.store %squeeze3A_1426, %arg13[%swap3A_1428] : memref<32xf32, #tpu.memory_space<smem>>
      %slice3A_1430 = vector.extract_strided_slice %get3A_1383 {offsets = [9], sizes = [1], strides = [1]} : vector<16xf32> to vector<1xf32>
      %squeeze3A_1431 = vector.extract %slice3A_1430[0] : f32 from vector<1xf32>
      %swap3A_1432 = arith.constant 9 : i32
      %swap3A_1433 = arith.index_cast %swap3A_1432 : i32 to index
      %swap3A_1434 = memref.load %arg13[%swap3A_1433] : memref<32xf32, #tpu.memory_space<smem>>
      memref.store %squeeze3A_1431, %arg13[%swap3A_1433] : memref<32xf32, #tpu.memory_space<smem>>
      %slice3A_1435 = vector.extract_strided_slice %get3A_1383 {offsets = [10], sizes = [1], strides = [1]} : vector<16xf32> to vector<1xf32>
      %squeeze3A_1436 = vector.extract %slice3A_1435[0] : f32 from vector<1xf32>
      %swap3A_1437 = arith.constant 10 : i32
      %swap3A_1438 = arith.index_cast %swap3A_1437 : i32 to index
      %swap3A_1439 = memref.load %arg13[%swap3A_1438] : memref<32xf32, #tpu.memory_space<smem>>
      memref.store %squeeze3A_1436, %arg13[%swap3A_1438] : memref<32xf32, #tpu.memory_space<smem>>
      %slice3A_1440 = vector.extract_strided_slice %get3A_1383 {offsets = [11], sizes = [1], strides = [1]} : vector<16xf32> to vector<1xf32>
      %squeeze3A_1441 = vector.extract %slice3A_1440[0] : f32 from vector<1xf32>
      %swap3A_1442 = arith.constant 11 : i32
      %swap3A_1443 = arith.index_cast %swap3A_1442 : i32 to index
      %swap3A_1444 = memref.load %arg13[%swap3A_1443] : memref<32xf32, #tpu.memory_space<smem>>
      memref.store %squeeze3A_1441, %arg13[%swap3A_1443] : memref<32xf32, #tpu.memory_space<smem>>
      %slice3A_1445 = vector.extract_strided_slice %get3A_1383 {offsets = [12], sizes = [1], strides = [1]} : vector<16xf32> to vector<1xf32>
      %squeeze3A_1446 = vector.extract %slice3A_1445[0] : f32 from vector<1xf32>
      %swap3A_1447 = arith.constant 12 : i32
      %swap3A_1448 = arith.index_cast %swap3A_1447 : i32 to index
      %swap3A_1449 = memref.load %arg13[%swap3A_1448] : memref<32xf32, #tpu.memory_space<smem>>
      memref.store %squeeze3A_1446, %arg13[%swap3A_1448] : memref<32xf32, #tpu.memory_space<smem>>
      %slice3A_1450 = vector.extract_strided_slice %get3A_1383 {offsets = [13], sizes = [1], strides = [1]} : vector<16xf32> to vector<1xf32>
      %squeeze3A_1451 = vector.extract %slice3A_1450[0] : f32 from vector<1xf32>
      %swap3A_1452 = arith.constant 13 : i32
      %swap3A_1453 = arith.index_cast %swap3A_1452 : i32 to index
      %swap3A_1454 = memref.load %arg13[%swap3A_1453] : memref<32xf32, #tpu.memory_space<smem>>
      memref.store %squeeze3A_1451, %arg13[%swap3A_1453] : memref<32xf32, #tpu.memory_space<smem>>
      %slice3A_1455 = vector.extract_strided_slice %get3A_1383 {offsets = [14], sizes = [1], strides = [1]} : vector<16xf32> to vector<1xf32>
      %squeeze3A_1456 = vector.extract %slice3A_1455[0] : f32 from vector<1xf32>
      %swap3A_1457 = arith.constant 14 : i32
      %swap3A_1458 = arith.index_cast %swap3A_1457 : i32 to index
      %swap3A_1459 = memref.load %arg13[%swap3A_1458] : memref<32xf32, #tpu.memory_space<smem>>
      memref.store %squeeze3A_1456, %arg13[%swap3A_1458] : memref<32xf32, #tpu.memory_space<smem>>
      %slice3A_1460 = vector.extract_strided_slice %get3A_1383 {offsets = [15], sizes = [1], strides = [1]} : vector<16xf32> to vector<1xf32>
      %squeeze3A_1461 = vector.extract %slice3A_1460[0] : f32 from vector<1xf32>
      %swap3A_1462 = arith.constant 15 : i32
      %swap3A_1463 = arith.index_cast %swap3A_1462 : i32 to index
      %swap3A_1464 = memref.load %arg13[%swap3A_1463] : memref<32xf32, #tpu.memory_space<smem>>
      memref.store %squeeze3A_1461, %arg13[%swap3A_1463] : memref<32xf32, #tpu.memory_space<smem>>
      %slice3A_1465 = vector.extract_strided_slice %get3A_1387 {offsets = [0], sizes = [1], strides = [1]} : vector<16xf32> to vector<1xf32>
      %squeeze3A_1466 = vector.extract %slice3A_1465[0] : f32 from vector<1xf32>
      %swap3A_1467 = arith.constant 16 : i32
      %swap3A_1468 = arith.index_cast %swap3A_1467 : i32 to index
      %swap3A_1469 = memref.load %arg13[%swap3A_1468] : memref<32xf32, #tpu.memory_space<smem>>
      memref.store %squeeze3A_1466, %arg13[%swap3A_1468] : memref<32xf32, #tpu.memory_space<smem>>
      %slice3A_1470 = vector.extract_strided_slice %get3A_1387 {offsets = [1], sizes = [1], strides = [1]} : vector<16xf32> to vector<1xf32>
      %squeeze3A_1471 = vector.extract %slice3A_1470[0] : f32 from vector<1xf32>
      %swap3A_1472 = arith.constant 17 : i32
      %swap3A_1473 = arith.index_cast %swap3A_1472 : i32 to index
      %swap3A_1474 = memref.load %arg13[%swap3A_1473] : memref<32xf32, #tpu.memory_space<smem>>
      memref.store %squeeze3A_1471, %arg13[%swap3A_1473] : memref<32xf32, #tpu.memory_space<smem>>
      %slice3A_1475 = vector.extract_strided_slice %get3A_1387 {offsets = [2], sizes = [1], strides = [1]} : vector<16xf32> to vector<1xf32>
      %squeeze3A_1476 = vector.extract %slice3A_1475[0] : f32 from vector<1xf32>
      %swap3A_1477 = arith.constant 18 : i32
      %swap3A_1478 = arith.index_cast %swap3A_1477 : i32 to index
      %swap3A_1479 = memref.load %arg13[%swap3A_1478] : memref<32xf32, #tpu.memory_space<smem>>
      memref.store %squeeze3A_1476, %arg13[%swap3A_1478] : memref<32xf32, #tpu.memory_space<smem>>
      %slice3A_1480 = vector.extract_strided_slice %get3A_1387 {offsets = [3], sizes = [1], strides = [1]} : vector<16xf32> to vector<1xf32>
      %squeeze3A_1481 = vector.extract %slice3A_1480[0] : f32 from vector<1xf32>
      %swap3A_1482 = arith.constant 19 : i32
      %swap3A_1483 = arith.index_cast %swap3A_1482 : i32 to index
      %swap3A_1484 = memref.load %arg13[%swap3A_1483] : memref<32xf32, #tpu.memory_space<smem>>
      memref.store %squeeze3A_1481, %arg13[%swap3A_1483] : memref<32xf32, #tpu.memory_space<smem>>
      %slice3A_1485 = vector.extract_strided_slice %get3A_1387 {offsets = [4], sizes = [1], strides = [1]} : vector<16xf32> to vector<1xf32>
      %squeeze3A_1486 = vector.extract %slice3A_1485[0] : f32 from vector<1xf32>
      %swap3A_1487 = arith.constant 20 : i32
      %swap3A_1488 = arith.index_cast %swap3A_1487 : i32 to index
      %swap3A_1489 = memref.load %arg13[%swap3A_1488] : memref<32xf32, #tpu.memory_space<smem>>
      memref.store %squeeze3A_1486, %arg13[%swap3A_1488] : memref<32xf32, #tpu.memory_space<smem>>
      %slice3A_1490 = vector.extract_strided_slice %get3A_1387 {offsets = [5], sizes = [1], strides = [1]} : vector<16xf32> to vector<1xf32>
      %squeeze3A_1491 = vector.extract %slice3A_1490[0] : f32 from vector<1xf32>
      %swap3A_1492 = arith.constant 21 : i32
      %swap3A_1493 = arith.index_cast %swap3A_1492 : i32 to index
      %swap3A_1494 = memref.load %arg13[%swap3A_1493] : memref<32xf32, #tpu.memory_space<smem>>
      memref.store %squeeze3A_1491, %arg13[%swap3A_1493] : memref<32xf32, #tpu.memory_space<smem>>
      %slice3A_1495 = vector.extract_strided_slice %get3A_1387 {offsets = [6], sizes = [1], strides = [1]} : vector<16xf32> to vector<1xf32>
      %squeeze3A_1496 = vector.extract %slice3A_1495[0] : f32 from vector<1xf32>
      %swap3A_1497 = arith.constant 22 : i32
      %swap3A_1498 = arith.index_cast %swap3A_1497 : i32 to index
      %swap3A_1499 = memref.load %arg13[%swap3A_1498] : memref<32xf32, #tpu.memory_space<smem>>
      memref.store %squeeze3A_1496, %arg13[%swap3A_1498] : memref<32xf32, #tpu.memory_space<smem>>
      %slice3A_1500 = vector.extract_strided_slice %get3A_1387 {offsets = [7], sizes = [1], strides = [1]} : vector<16xf32> to vector<1xf32>
      %squeeze3A_1501 = vector.extract %slice3A_1500[0] : f32 from vector<1xf32>
      %swap3A_1502 = arith.constant 23 : i32
      %swap3A_1503 = arith.index_cast %swap3A_1502 : i32 to index
      %swap3A_1504 = memref.load %arg13[%swap3A_1503] : memref<32xf32, #tpu.memory_space<smem>>
      memref.store %squeeze3A_1501, %arg13[%swap3A_1503] : memref<32xf32, #tpu.memory_space<smem>>
      %slice3A_1505 = vector.extract_strided_slice %get3A_1387 {offsets = [8], sizes = [1], strides = [1]} : vector<16xf32> to vector<1xf32>
      %squeeze3A_1506 = vector.extract %slice3A_1505[0] : f32 from vector<1xf32>
      %swap3A_1507 = arith.constant 24 : i32
      %swap3A_1508 = arith.index_cast %swap3A_1507 : i32 to index
      %swap3A_1509 = memref.load %arg13[%swap3A_1508] : memref<32xf32, #tpu.memory_space<smem>>
      memref.store %squeeze3A_1506, %arg13[%swap3A_1508] : memref<32xf32, #tpu.memory_space<smem>>
      %slice3A_1510 = vector.extract_strided_slice %get3A_1387 {offsets = [9], sizes = [1], strides = [1]} : vector<16xf32> to vector<1xf32>
      %squeeze3A_1511 = vector.extract %slice3A_1510[0] : f32 from vector<1xf32>
      %swap3A_1512 = arith.constant 25 : i32
      %swap3A_1513 = arith.index_cast %swap3A_1512 : i32 to index
      %swap3A_1514 = memref.load %arg13[%swap3A_1513] : memref<32xf32, #tpu.memory_space<smem>>
      memref.store %squeeze3A_1511, %arg13[%swap3A_1513] : memref<32xf32, #tpu.memory_space<smem>>
      %get3A_1515 = arith.constant 0 : i32
      %get3A_1516 = arith.index_cast %get3A_1515 : i32 to index
      %get3A_1517 = arith.constant 0 : index
      %get3A_1518 = tpu.vector_load %arg10[%get3A_1516, %get3A_1517] {strides = array<i32>} : memref<2x32xf32, #tpu.memory_space<vmem>>, vector<1x16xf32>,
      %get3A_1519 = vector.shape_cast %get3A_1518 : vector<1x16xf32> to vector<16xf32>
      %mul3A_1520 = arith.mulf %get3A_1519, %get3A_1383 : vector<16xf32>
      %get3A_1521 = arith.constant 0 : i32
      %get3A_1522 = arith.index_cast %get3A_1521 : i32 to index
      %get3A_1523 = arith.constant 16 : index
      %get3A_1524 = tpu.vector_load %arg10[%get3A_1522, %get3A_1523] {strides = array<i32>} : memref<2x32xf32, #tpu.memory_space<vmem>>, vector<1x16xf32>,
      %get3A_1525 = vector.shape_cast %get3A_1524 : vector<1x16xf32> to vector<16xf32>
      %mul3A_1526 = arith.mulf %get3A_1525, %get3A_1387 : vector<16xf32>
      %add3A_1527 = arith.addf %mul3A_1520, %mul3A_1526 : vector<16xf32>
      %broadcast_in_dim3A_1528 = arith.constant 0.000000e+00 : f32
      %broadcast_in_dim3A_1529 = vector.broadcast %broadcast_in_dim3A_1528 : f32 to vector<16xf32>
      %scan3A_1530 = arith.constant 0 : i32
      %scan3A_1531 = arith.constant 75 : i32
      %scan3A_1532 = arith.addi %scan3A_1530, %scan3A_1531 : i32
      %scan3A_1533 = arith.constant 1 : i32
      %scan3A_1534:4 = scf.for %scan3A_2300 = %scan3A_1530 to %scan3A_1532 step %scan3A_1533 iter_args(%scan3A_2301 = %add3A_1527, %scan3A_2302 = %broadcast_in_dim3A_1529, %scan3A_2303 = %broadcast_in_dim3A_1529, %scan3A_2304 = %broadcast_in_dim3A_1529) -> (vector<16xf32>, vector<16xf32>, vector<16xf32>, vector<16xf32>)  : i32 {
        %mul3A_2305 = arith.constant 4 : i32
        %mul3A_2306 = arith.muli %mul3A_2305, %scan3A_2300 : i32
        %add3A_2307 = arith.constant 0 : i32
        %add3A_2308 = arith.addi %mul3A_2306, %add3A_2307 : i32
        %get3A_2309 = arith.index_cast %add3A_2308 : i32 to index
        %get3A_2310 = memref.load %arg12[%get3A_2309] : memref<300xi32, #tpu.memory_space<smem>>
        %jit3A = arith.constant 32 : i32
        %div3A = arith.divsi %get3A_2310, %jit3A : i32
        %sign3A = arith.constant 0 : i32
        %sign3A_2311 = arith.cmpi sgt, %get3A_2310, %sign3A : i32
        %sign3A_2312 = arith.extui %sign3A_2311 : i1 to i32
        %sign3A_2313 = arith.constant 0 : i32
        %sign3A_2314 = arith.cmpi slt, %get3A_2310, %sign3A_2313 : i32
        %sign3A_2315 = arith.extui %sign3A_2314 : i1 to i32
        %sign3A_2316 = arith.subi %sign3A_2312, %sign3A_2315 : i32
        %sign3A_2317 = arith.constant 0 : i32
        %sign3A_2318 = arith.cmpi sgt, %jit3A, %sign3A_2317 : i32
        %sign3A_2319 = arith.extui %sign3A_2318 : i1 to i32
        %sign3A_2320 = arith.constant 0 : i32
        %sign3A_2321 = arith.cmpi slt, %jit3A, %sign3A_2320 : i32
        %sign3A_2322 = arith.extui %sign3A_2321 : i1 to i32
        %sign3A_2323 = arith.subi %sign3A_2319, %sign3A_2322 : i32
        %ne3A = arith.cmpi ne, %sign3A_2316, %sign3A_2323 : i32
        %rem3A = arith.remsi %get3A_2310, %jit3A : i32
        %ne3A_2324 = arith.constant 0 : i32
        %ne3A_2325 = arith.cmpi ne, %rem3A, %ne3A_2324 : i32
        %and3A_2326 = arith.andi %ne3A, %ne3A_2325 : i1
        %sub3A = arith.constant 1 : i32
        %sub3A_2327 = arith.subi %div3A, %sub3A : i32
        %select_n3A_2328 = arith.select %and3A_2326, %sub3A_2327, %div3A : i32
        %jit3A_2329 = arith.constant 32 : i32
        %eq3A_2330 = arith.constant 0 : i32
        %eq3A_2331 = arith.cmpi eq, %jit3A_2329, %eq3A_2330 : i32
        %jit3A_2332 = arith.constant 1 : i32
        %select_n3A_2333 = arith.select %eq3A_2331, %jit3A_2332, %jit3A_2329 : i32
        %rem3A_2334 = arith.remsi %get3A_2310, %select_n3A_2333 : i32
        %ne3A_2335 = arith.constant 0 : i32
        %ne3A_2336 = arith.cmpi ne, %rem3A_2334, %ne3A_2335 : i32
        %lt3A_2337 = arith.constant 0 : i32
        %lt3A_2338 = arith.cmpi slt, %rem3A_2334, %lt3A_2337 : i32
        %lt3A_2339 = arith.constant 0 : i32
        %lt3A_2340 = arith.cmpi slt, %select_n3A_2333, %lt3A_2339 : i32
        %ne3A_2341 = arith.xori %lt3A_2338, %lt3A_2340 : i1
        %and3A_2342 = arith.andi %ne3A_2341, %ne3A_2336 : i1
        %add3A_2343 = arith.addi %rem3A_2334, %select_n3A_2333 : i32
        %select_n3A_2344 = arith.select %and3A_2342, %add3A_2343, %rem3A_2334 : i32
        %get3A_2345 = arith.constant 0 : i32
        %get3A_2346 = arith.index_cast %get3A_2345 : i32 to index
        %get3A_2347 = arith.index_cast %select_n3A_2328 : i32 to index
        %get3A_2348 = arith.index_cast %select_n3A_2344 : i32 to index
        %get3A_2349 = arith.constant 0 : index
        %get3A_2350 = tpu.vector_load %arg9[%get3A_2346, %get3A_2347, %get3A_2348, %get3A_2349] {strides = array<i32>} : memref<2x25x32x16xf32, #tpu.memory_space<vmem>>, vector<1x1x1x16xf32>,
        %get3A_2351 = vector.shape_cast %get3A_2350 : vector<1x1x1x16xf32> to vector<16xf32>
        %get3A_2352 = arith.constant 0 : i32
        %get3A_2353 = arith.index_cast %get3A_2352 : i32 to index
        %get3A_2354 = arith.index_cast %select_n3A_2344 : i32 to index
        %get3A_2355 = arith.index_cast %select_n3A_2328 : i32 to index
        %get3A_2356 = arith.constant 0 : index
        %get3A_2357 = tpu.vector_load %arg9[%get3A_2353, %get3A_2354, %get3A_2355, %get3A_2356] {strides = array<i32>} : memref<2x25x32x16xf32, #tpu.memory_space<vmem>>, vector<1x1x1x16xf32>,
        %get3A_2358 = vector.shape_cast %get3A_2357 : vector<1x1x1x16xf32> to vector<16xf32>
        %mul3A_2359 = arith.mulf %get3A_2351, %get3A_2358 : vector<16xf32>
        %get3A_2360 = arith.index_cast %select_n3A_2328 : i32 to index
        %get3A_2361 = memref.load %arg13[%get3A_2360] : memref<32xf32, #tpu.memory_space<smem>>
        %get3A_2362 = arith.index_cast %select_n3A_2344 : i32 to index
        %get3A_2363 = memref.load %arg13[%get3A_2362] : memref<32xf32, #tpu.memory_space<smem>>
        %mul3A_2364 = arith.mulf %get3A_2361, %get3A_2363 : f32
        %mul3A_2365 = vector.broadcast %mul3A_2364 : f32 to vector<16xf32>
        %mul3A_2366 = arith.mulf %mul3A_2359, %mul3A_2365 : vector<16xf32>
        %add3A_2367 = arith.addf %scan3A_2301, %mul3A_2366 : vector<16xf32>
        %mul3A_2368 = arith.constant 4 : i32
        %mul3A_2369 = arith.muli %mul3A_2368, %scan3A_2300 : i32
        %add3A_2370 = arith.constant 1 : i32
        %add3A_2371 = arith.addi %mul3A_2369, %add3A_2370 : i32
        %get3A_2372 = arith.index_cast %add3A_2371 : i32 to index
        %get3A_2373 = memref.load %arg12[%get3A_2372] : memref<300xi32, #tpu.memory_space<smem>>
        %jit3A_2374 = arith.constant 32 : i32
        %div3A_2375 = arith.divsi %get3A_2373, %jit3A_2374 : i32
        %sign3A_2376 = arith.constant 0 : i32
        %sign3A_2377 = arith.cmpi sgt, %get3A_2373, %sign3A_2376 : i32
        %sign3A_2378 = arith.extui %sign3A_2377 : i1 to i32
        %sign3A_2379 = arith.constant 0 : i32
        %sign3A_2380 = arith.cmpi slt, %get3A_2373, %sign3A_2379 : i32
        %sign3A_2381 = arith.extui %sign3A_2380 : i1 to i32
        %sign3A_2382 = arith.subi %sign3A_2378, %sign3A_2381 : i32
        %sign3A_2383 = arith.constant 0 : i32
        %sign3A_2384 = arith.cmpi sgt, %jit3A_2374, %sign3A_2383 : i32
        %sign3A_2385 = arith.extui %sign3A_2384 : i1 to i32
        %sign3A_2386 = arith.constant 0 : i32
        %sign3A_2387 = arith.cmpi slt, %jit3A_2374, %sign3A_2386 : i32
        %sign3A_2388 = arith.extui %sign3A_2387 : i1 to i32
        %sign3A_2389 = arith.subi %sign3A_2385, %sign3A_2388 : i32
        %ne3A_2390 = arith.cmpi ne, %sign3A_2382, %sign3A_2389 : i32
        %rem3A_2391 = arith.remsi %get3A_2373, %jit3A_2374 : i32
        %ne3A_2392 = arith.constant 0 : i32
        %ne3A_2393 = arith.cmpi ne, %rem3A_2391, %ne3A_2392 : i32
        %and3A_2394 = arith.andi %ne3A_2390, %ne3A_2393 : i1
        %sub3A_2395 = arith.constant 1 : i32
        %sub3A_2396 = arith.subi %div3A_2375, %sub3A_2395 : i32
        %select_n3A_2397 = arith.select %and3A_2394, %sub3A_2396, %div3A_2375 : i32
        %jit3A_2398 = arith.constant 32 : i32
        %eq3A_2399 = arith.constant 0 : i32
        %eq3A_2400 = arith.cmpi eq, %jit3A_2398, %eq3A_2399 : i32
        %jit3A_2401 = arith.constant 1 : i32
        %select_n3A_2402 = arith.select %eq3A_2400, %jit3A_2401, %jit3A_2398 : i32
        %rem3A_2403 = arith.remsi %get3A_2373, %select_n3A_2402 : i32
        %ne3A_2404 = arith.constant 0 : i32
        %ne3A_2405 = arith.cmpi ne, %rem3A_2403, %ne3A_2404 : i32
        %lt3A_2406 = arith.constant 0 : i32
        %lt3A_2407 = arith.cmpi slt, %rem3A_2403, %lt3A_2406 : i32
        %lt3A_2408 = arith.constant 0 : i32
        %lt3A_2409 = arith.cmpi slt, %select_n3A_2402, %lt3A_2408 : i32
        %ne3A_2410 = arith.xori %lt3A_2407, %lt3A_2409 : i1
        %and3A_2411 = arith.andi %ne3A_2410, %ne3A_2405 : i1
        %add3A_2412 = arith.addi %rem3A_2403, %select_n3A_2402 : i32
        %select_n3A_2413 = arith.select %and3A_2411, %add3A_2412, %rem3A_2403 : i32
        %get3A_2414 = arith.constant 0 : i32
        %get3A_2415 = arith.index_cast %get3A_2414 : i32 to index
        %get3A_2416 = arith.index_cast %select_n3A_2397 : i32 to index
        %get3A_2417 = arith.index_cast %select_n3A_2413 : i32 to index
        %get3A_2418 = arith.constant 0 : index
        %get3A_2419 = tpu.vector_load %arg9[%get3A_2415, %get3A_2416, %get3A_2417, %get3A_2418] {strides = array<i32>} : memref<2x25x32x16xf32, #tpu.memory_space<vmem>>, vector<1x1x1x16xf32>,
        %get3A_2420 = vector.shape_cast %get3A_2419 : vector<1x1x1x16xf32> to vector<16xf32>
        %get3A_2421 = arith.constant 0 : i32
        %get3A_2422 = arith.index_cast %get3A_2421 : i32 to index
        %get3A_2423 = arith.index_cast %select_n3A_2413 : i32 to index
        %get3A_2424 = arith.index_cast %select_n3A_2397 : i32 to index
        %get3A_2425 = arith.constant 0 : index
        %get3A_2426 = tpu.vector_load %arg9[%get3A_2422, %get3A_2423, %get3A_2424, %get3A_2425] {strides = array<i32>} : memref<2x25x32x16xf32, #tpu.memory_space<vmem>>, vector<1x1x1x16xf32>,
        %get3A_2427 = vector.shape_cast %get3A_2426 : vector<1x1x1x16xf32> to vector<16xf32>
        %mul3A_2428 = arith.mulf %get3A_2420, %get3A_2427 : vector<16xf32>
        %get3A_2429 = arith.index_cast %select_n3A_2397 : i32 to index
        %get3A_2430 = memref.load %arg13[%get3A_2429] : memref<32xf32, #tpu.memory_space<smem>>
        %get3A_2431 = arith.index_cast %select_n3A_2413 : i32 to index
        %get3A_2432 = memref.load %arg13[%get3A_2431] : memref<32xf32, #tpu.memory_space<smem>>
        %mul3A_2433 = arith.mulf %get3A_2430, %get3A_2432 : f32
        %mul3A_2434 = vector.broadcast %mul3A_2433 : f32 to vector<16xf32>
        %mul3A_2435 = arith.mulf %mul3A_2428, %mul3A_2434 : vector<16xf32>
        %add3A_2436 = arith.addf %scan3A_2302, %mul3A_2435 : vector<16xf32>
        %mul3A_2437 = arith.constant 4 : i32
        %mul3A_2438 = arith.muli %mul3A_2437, %scan3A_2300 : i32
        %add3A_2439 = arith.constant 2 : i32
        %add3A_2440 = arith.addi %mul3A_2438, %add3A_2439 : i32
        %get3A_2441 = arith.index_cast %add3A_2440 : i32 to index
        %get3A_2442 = memref.load %arg12[%get3A_2441] : memref<300xi32, #tpu.memory_space<smem>>
        %jit3A_2443 = arith.constant 32 : i32
        %div3A_2444 = arith.divsi %get3A_2442, %jit3A_2443 : i32
        %sign3A_2445 = arith.constant 0 : i32
        %sign3A_2446 = arith.cmpi sgt, %get3A_2442, %sign3A_2445 : i32
        %sign3A_2447 = arith.extui %sign3A_2446 : i1 to i32
        %sign3A_2448 = arith.constant 0 : i32
        %sign3A_2449 = arith.cmpi slt, %get3A_2442, %sign3A_2448 : i32
        %sign3A_2450 = arith.extui %sign3A_2449 : i1 to i32
        %sign3A_2451 = arith.subi %sign3A_2447, %sign3A_2450 : i32
        %sign3A_2452 = arith.constant 0 : i32
        %sign3A_2453 = arith.cmpi sgt, %jit3A_2443, %sign3A_2452 : i32
        %sign3A_2454 = arith.extui %sign3A_2453 : i1 to i32
        %sign3A_2455 = arith.constant 0 : i32
        %sign3A_2456 = arith.cmpi slt, %jit3A_2443, %sign3A_2455 : i32
        %sign3A_2457 = arith.extui %sign3A_2456 : i1 to i32
        %sign3A_2458 = arith.subi %sign3A_2454, %sign3A_2457 : i32
        %ne3A_2459 = arith.cmpi ne, %sign3A_2451, %sign3A_2458 : i32
        %rem3A_2460 = arith.remsi %get3A_2442, %jit3A_2443 : i32
        %ne3A_2461 = arith.constant 0 : i32
        %ne3A_2462 = arith.cmpi ne, %rem3A_2460, %ne3A_2461 : i32
        %and3A_2463 = arith.andi %ne3A_2459, %ne3A_2462 : i1
        %sub3A_2464 = arith.constant 1 : i32
        %sub3A_2465 = arith.subi %div3A_2444, %sub3A_2464 : i32
        %select_n3A_2466 = arith.select %and3A_2463, %sub3A_2465, %div3A_2444 : i32
        %jit3A_2467 = arith.constant 32 : i32
        %eq3A_2468 = arith.constant 0 : i32
        %eq3A_2469 = arith.cmpi eq, %jit3A_2467, %eq3A_2468 : i32
        %jit3A_2470 = arith.constant 1 : i32
        %select_n3A_2471 = arith.select %eq3A_2469, %jit3A_2470, %jit3A_2467 : i32
        %rem3A_2472 = arith.remsi %get3A_2442, %select_n3A_2471 : i32
        %ne3A_2473 = arith.constant 0 : i32
        %ne3A_2474 = arith.cmpi ne, %rem3A_2472, %ne3A_2473 : i32
        %lt3A_2475 = arith.constant 0 : i32
        %lt3A_2476 = arith.cmpi slt, %rem3A_2472, %lt3A_2475 : i32
        %lt3A_2477 = arith.constant 0 : i32
        %lt3A_2478 = arith.cmpi slt, %select_n3A_2471, %lt3A_2477 : i32
        %ne3A_2479 = arith.xori %lt3A_2476, %lt3A_2478 : i1
        %and3A_2480 = arith.andi %ne3A_2479, %ne3A_2474 : i1
        %add3A_2481 = arith.addi %rem3A_2472, %select_n3A_2471 : i32
        %select_n3A_2482 = arith.select %and3A_2480, %add3A_2481, %rem3A_2472 : i32
        %get3A_2483 = arith.constant 0 : i32
        %get3A_2484 = arith.index_cast %get3A_2483 : i32 to index
        %get3A_2485 = arith.index_cast %select_n3A_2466 : i32 to index
        %get3A_2486 = arith.index_cast %select_n3A_2482 : i32 to index
        %get3A_2487 = arith.constant 0 : index
        %get3A_2488 = tpu.vector_load %arg9[%get3A_2484, %get3A_2485, %get3A_2486, %get3A_2487] {strides = array<i32>} : memref<2x25x32x16xf32, #tpu.memory_space<vmem>>, vector<1x1x1x16xf32>,
        %get3A_2489 = vector.shape_cast %get3A_2488 : vector<1x1x1x16xf32> to vector<16xf32>
        %get3A_2490 = arith.constant 0 : i32
        %get3A_2491 = arith.index_cast %get3A_2490 : i32 to index
        %get3A_2492 = arith.index_cast %select_n3A_2482 : i32 to index
        %get3A_2493 = arith.index_cast %select_n3A_2466 : i32 to index
        %get3A_2494 = arith.constant 0 : index
        %get3A_2495 = tpu.vector_load %arg9[%get3A_2491, %get3A_2492, %get3A_2493, %get3A_2494] {strides = array<i32>} : memref<2x25x32x16xf32, #tpu.memory_space<vmem>>, vector<1x1x1x16xf32>,
        %get3A_2496 = vector.shape_cast %get3A_2495 : vector<1x1x1x16xf32> to vector<16xf32>
        %mul3A_2497 = arith.mulf %get3A_2489, %get3A_2496 : vector<16xf32>
        %get3A_2498 = arith.index_cast %select_n3A_2466 : i32 to index
        %get3A_2499 = memref.load %arg13[%get3A_2498] : memref<32xf32, #tpu.memory_space<smem>>
        %get3A_2500 = arith.index_cast %select_n3A_2482 : i32 to index
        %get3A_2501 = memref.load %arg13[%get3A_2500] : memref<32xf32, #tpu.memory_space<smem>>
        %mul3A_2502 = arith.mulf %get3A_2499, %get3A_2501 : f32
        %mul3A_2503 = vector.broadcast %mul3A_2502 : f32 to vector<16xf32>
        %mul3A_2504 = arith.mulf %mul3A_2497, %mul3A_2503 : vector<16xf32>
        %add3A_2505 = arith.addf %scan3A_2303, %mul3A_2504 : vector<16xf32>
        %mul3A_2506 = arith.constant 4 : i32
        %mul3A_2507 = arith.muli %mul3A_2506, %scan3A_2300 : i32
        %add3A_2508 = arith.constant 3 : i32
        %add3A_2509 = arith.addi %mul3A_2507, %add3A_2508 : i32
        %get3A_2510 = arith.index_cast %add3A_2509 : i32 to index
        %get3A_2511 = memref.load %arg12[%get3A_2510] : memref<300xi32, #tpu.memory_space<smem>>
        %jit3A_2512 = arith.constant 32 : i32
        %div3A_2513 = arith.divsi %get3A_2511, %jit3A_2512 : i32
        %sign3A_2514 = arith.constant 0 : i32
        %sign3A_2515 = arith.cmpi sgt, %get3A_2511, %sign3A_2514 : i32
        %sign3A_2516 = arith.extui %sign3A_2515 : i1 to i32
        %sign3A_2517 = arith.constant 0 : i32
        %sign3A_2518 = arith.cmpi slt, %get3A_2511, %sign3A_2517 : i32
        %sign3A_2519 = arith.extui %sign3A_2518 : i1 to i32
        %sign3A_2520 = arith.subi %sign3A_2516, %sign3A_2519 : i32
        %sign3A_2521 = arith.constant 0 : i32
        %sign3A_2522 = arith.cmpi sgt, %jit3A_2512, %sign3A_2521 : i32
        %sign3A_2523 = arith.extui %sign3A_2522 : i1 to i32
        %sign3A_2524 = arith.constant 0 : i32
        %sign3A_2525 = arith.cmpi slt, %jit3A_2512, %sign3A_2524 : i32
        %sign3A_2526 = arith.extui %sign3A_2525 : i1 to i32
        %sign3A_2527 = arith.subi %sign3A_2523, %sign3A_2526 : i32
        %ne3A_2528 = arith.cmpi ne, %sign3A_2520, %sign3A_2527 : i32
        %rem3A_2529 = arith.remsi %get3A_2511, %jit3A_2512 : i32
        %ne3A_2530 = arith.constant 0 : i32
        %ne3A_2531 = arith.cmpi ne, %rem3A_2529, %ne3A_2530 : i32
        %and3A_2532 = arith.andi %ne3A_2528, %ne3A_2531 : i1
        %sub3A_2533 = arith.constant 1 : i32
        %sub3A_2534 = arith.subi %div3A_2513, %sub3A_2533 : i32
        %select_n3A_2535 = arith.select %and3A_2532, %sub3A_2534, %div3A_2513 : i32
        %jit3A_2536 = arith.constant 32 : i32
        %eq3A_2537 = arith.constant 0 : i32
        %eq3A_2538 = arith.cmpi eq, %jit3A_2536, %eq3A_2537 : i32
        %jit3A_2539 = arith.constant 1 : i32
        %select_n3A_2540 = arith.select %eq3A_2538, %jit3A_2539, %jit3A_2536 : i32
        %rem3A_2541 = arith.remsi %get3A_2511, %select_n3A_2540 : i32
        %ne3A_2542 = arith.constant 0 : i32
        %ne3A_2543 = arith.cmpi ne, %rem3A_2541, %ne3A_2542 : i32
        %lt3A_2544 = arith.constant 0 : i32
        %lt3A_2545 = arith.cmpi slt, %rem3A_2541, %lt3A_2544 : i32
        %lt3A_2546 = arith.constant 0 : i32
        %lt3A_2547 = arith.cmpi slt, %select_n3A_2540, %lt3A_2546 : i32
        %ne3A_2548 = arith.xori %lt3A_2545, %lt3A_2547 : i1
        %and3A_2549 = arith.andi %ne3A_2548, %ne3A_2543 : i1
        %add3A_2550 = arith.addi %rem3A_2541, %select_n3A_2540 : i32
        %select_n3A_2551 = arith.select %and3A_2549, %add3A_2550, %rem3A_2541 : i32
        %get3A_2552 = arith.constant 0 : i32
        %get3A_2553 = arith.index_cast %get3A_2552 : i32 to index
        %get3A_2554 = arith.index_cast %select_n3A_2535 : i32 to index
        %get3A_2555 = arith.index_cast %select_n3A_2551 : i32 to index
        %get3A_2556 = arith.constant 0 : index
        %get3A_2557 = tpu.vector_load %arg9[%get3A_2553, %get3A_2554, %get3A_2555, %get3A_2556] {strides = array<i32>} : memref<2x25x32x16xf32, #tpu.memory_space<vmem>>, vector<1x1x1x16xf32>,
        %get3A_2558 = vector.shape_cast %get3A_2557 : vector<1x1x1x16xf32> to vector<16xf32>
        %get3A_2559 = arith.constant 0 : i32
        %get3A_2560 = arith.index_cast %get3A_2559 : i32 to index
        %get3A_2561 = arith.index_cast %select_n3A_2551 : i32 to index
        %get3A_2562 = arith.index_cast %select_n3A_2535 : i32 to index
        %get3A_2563 = arith.constant 0 : index
        %get3A_2564 = tpu.vector_load %arg9[%get3A_2560, %get3A_2561, %get3A_2562, %get3A_2563] {strides = array<i32>} : memref<2x25x32x16xf32, #tpu.memory_space<vmem>>, vector<1x1x1x16xf32>,
        %get3A_2565 = vector.shape_cast %get3A_2564 : vector<1x1x1x16xf32> to vector<16xf32>
        %mul3A_2566 = arith.mulf %get3A_2558, %get3A_2565 : vector<16xf32>
        %get3A_2567 = arith.index_cast %select_n3A_2535 : i32 to index
        %get3A_2568 = memref.load %arg13[%get3A_2567] : memref<32xf32, #tpu.memory_space<smem>>
        %get3A_2569 = arith.index_cast %select_n3A_2551 : i32 to index
        %get3A_2570 = memref.load %arg13[%get3A_2569] : memref<32xf32, #tpu.memory_space<smem>>
        %mul3A_2571 = arith.mulf %get3A_2568, %get3A_2570 : f32
        %mul3A_2572 = vector.broadcast %mul3A_2571 : f32 to vector<16xf32>
        %mul3A_2573 = arith.mulf %mul3A_2566, %mul3A_2572 : vector<16xf32>
        %add3A_2574 = arith.addf %scan3A_2304, %mul3A_2573 : vector<16xf32>
        scf.yield %add3A_2367, %add3A_2436, %add3A_2505, %add3A_2574 : vector<16xf32>, vector<16xf32>, vector<16xf32>, vector<16xf32>
      }
      %scan3A_1535 = arith.constant 75 : i32
      %add3A_1536 = arith.addf %scan3A_1534#0, %scan3A_1534#1 : vector<16xf32>
      %add3A_1537 = arith.addf %scan3A_1534#2, %scan3A_1534#3 : vector<16xf32>
      %add3A_1538 = arith.addf %add3A_1536, %add3A_1537 : vector<16xf32>
      %xor3A = arith.constant 8 : i32
      %xor3A_1539 = vector.broadcast %xor3A : i32 to vector<16xi32>
      %xor3A_1540 = arith.xori %iota3A, %xor3A_1539 : vector<16xi32>
      %lt3A = arith.constant 0 : i32
      %lt3A_1541 = vector.broadcast %lt3A : i32 to vector<16xi32>
      %lt3A_1542 = arith.cmpi slt, %xor3A_1540, %lt3A_1541 : vector<16xi32>
      %add3A_1543 = arith.constant 16 : i32
      %add3A_1544 = vector.broadcast %add3A_1543 : i32 to vector<16xi32>
      %add3A_1545 = arith.addi %xor3A_1540, %add3A_1544 : vector<16xi32>
      %select_n3A = arith.select %lt3A_1542, %add3A_1545, %xor3A_1540 : vector<16xi1>, vector<16xi32>
      %broadcast_in_dim3A_1546 = vector.shape_cast %select_n3A : vector<16xi32> to vector<16x1xi32>
      %gather3A = vector.shape_cast %broadcast_in_dim3A_1546 : vector<16x1xi32> to vector<16xi32>
      %gather3A_1547 = tpu.dynamic_gather %add3A_1538[%gather3A] in [0] : vector<16xf32>, vector<16xi32> -> vector<16xf32>
      %add3A_1548 = arith.addf %add3A_1538, %gather3A_1547 : vector<16xf32>
      %xor3A_1549 = arith.constant 4 : i32
      %xor3A_1550 = vector.broadcast %xor3A_1549 : i32 to vector<16xi32>
      %xor3A_1551 = arith.xori %iota3A, %xor3A_1550 : vector<16xi32>
      %lt3A_1552 = arith.constant 0 : i32
      %lt3A_1553 = vector.broadcast %lt3A_1552 : i32 to vector<16xi32>
      %lt3A_1554 = arith.cmpi slt, %xor3A_1551, %lt3A_1553 : vector<16xi32>
      %add3A_1555 = arith.constant 16 : i32
      %add3A_1556 = vector.broadcast %add3A_1555 : i32 to vector<16xi32>
      %add3A_1557 = arith.addi %xor3A_1551, %add3A_1556 : vector<16xi32>
      %select_n3A_1558 = arith.select %lt3A_1554, %add3A_1557, %xor3A_1551 : vector<16xi1>, vector<16xi32>
      %broadcast_in_dim3A_1559 = vector.shape_cast %select_n3A_1558 : vector<16xi32> to vector<16x1xi32>
      %gather3A_1560 = vector.shape_cast %broadcast_in_dim3A_1559 : vector<16x1xi32> to vector<16xi32>
      %gather3A_1561 = tpu.dynamic_gather %add3A_1548[%gather3A_1560] in [0] : vector<16xf32>, vector<16xi32> -> vector<16xf32>
      %add3A_1562 = arith.addf %add3A_1548, %gather3A_1561 : vector<16xf32>
      %xor3A_1563 = arith.constant 2 : i32
      %xor3A_1564 = vector.broadcast %xor3A_1563 : i32 to vector<16xi32>
      %xor3A_1565 = arith.xori %iota3A, %xor3A_1564 : vector<16xi32>
      %lt3A_1566 = arith.constant 0 : i32
      %lt3A_1567 = vector.broadcast %lt3A_1566 : i32 to vector<16xi32>
      %lt3A_1568 = arith.cmpi slt, %xor3A_1565, %lt3A_1567 : vector<16xi32>
      %add3A_1569 = arith.constant 16 : i32
      %add3A_1570 = vector.broadcast %add3A_1569 : i32 to vector<16xi32>
      %add3A_1571 = arith.addi %xor3A_1565, %add3A_1570 : vector<16xi32>
      %select_n3A_1572 = arith.select %lt3A_1568, %add3A_1571, %xor3A_1565 : vector<16xi1>, vector<16xi32>
      %broadcast_in_dim3A_1573 = vector.shape_cast %select_n3A_1572 : vector<16xi32> to vector<16x1xi32>
      %gather3A_1574 = vector.shape_cast %broadcast_in_dim3A_1573 : vector<16x1xi32> to vector<16xi32>
      %gather3A_1575 = tpu.dynamic_gather %add3A_1562[%gather3A_1574] in [0] : vector<16xf32>, vector<16xi32> -> vector<16xf32>
      %add3A_1576 = arith.addf %add3A_1562, %gather3A_1575 : vector<16xf32>
      %xor3A_1577 = arith.constant 1 : i32
      %xor3A_1578 = vector.broadcast %xor3A_1577 : i32 to vector<16xi32>
      %xor3A_1579 = arith.xori %iota3A, %xor3A_1578 : vector<16xi32>
      %lt3A_1580 = arith.constant 0 : i32
      %lt3A_1581 = vector.broadcast %lt3A_1580 : i32 to vector<16xi32>
      %lt3A_1582 = arith.cmpi slt, %xor3A_1579, %lt3A_1581 : vector<16xi32>
      %add3A_1583 = arith.constant 16 : i32
      %add3A_1584 = vector.broadcast %add3A_1583 : i32 to vector<16xi32>
      %add3A_1585 = arith.addi %xor3A_1579, %add3A_1584 : vector<16xi32>
      %select_n3A_1586 = arith.select %lt3A_1582, %add3A_1585, %xor3A_1579 : vector<16xi1>, vector<16xi32>
      %broadcast_in_dim3A_1587 = vector.shape_cast %select_n3A_1586 : vector<16xi32> to vector<16x1xi32>
      %gather3A_1588 = vector.shape_cast %broadcast_in_dim3A_1587 : vector<16x1xi32> to vector<16xi32>
      %gather3A_1589 = tpu.dynamic_gather %add3A_1576[%gather3A_1588] in [0] : vector<16xf32>, vector<16xi32> -> vector<16xf32>
      %add3A_1590 = arith.addf %add3A_1576, %gather3A_1589 : vector<16xf32>
      %and3A = arith.constant 15 : i32
      %and3A_1591 = arith.andi %mul3A_485, %and3A : i32
      %eq3A = vector.broadcast %and3A_1591 : i32 to vector<16xi32>
      %eq3A_1592 = arith.cmpi eq, %iota3A, %eq3A : vector<16xi32>
      %select_n3A_1593 = arith.select %eq3A_1592, %add3A_1590, %scan3A_483 : vector<16xi1>, vector<16xf32>
      %lt3A_1594 = arith.constant 63 : i32
      %lt3A_1595 = arith.cmpi slt, %scan3A_482, %lt3A_1594 : i32
      %convert_element_type3A = arith.extui %lt3A_1595 : i1 to i32
      %cond3A = arith.constant 0 : i32
      %cond3A_1596 = arith.cmpi ne, %convert_element_type3A, %cond3A : i32
      scf.if %cond3A_1596 {
        %add3A_2300 = arith.constant 2 : i32
        %add3A_2301 = arith.addi %mul3A_485, %add3A_2300 : i32
        %dma_start3A_2302 = arith.constant 0 : i32
        %dma_start3A_2303 = arith.constant 0 : i32
        %dma_start3A_2304 = arith.constant 0 : i32
        %dma_start3A_2305 = arith.constant 0 : i32
        %dma_start3A_2306 = arith.constant 0 : i32
        %dma_start3A_2307 = tpu.memref_slice %arg9[%dma_start3A_2303, %dma_start3A_2304, %dma_start3A_2305, %dma_start3A_2306] : memref<2x25x32x16xf32, #tpu.memory_space<vmem>> -> memref<1x1x32x16xf32, #tpu.memory_space<vmem>>
        %dma_start3A_2308 = tpu.memref_squeeze %dma_start3A_2307 : memref<1x1x32x16xf32, #tpu.memory_space<vmem>> -> memref<32x16xf32, #tpu.memory_space<vmem>>
        %dma_start3A_2309 = arith.constant 0 : i32
        %dma_start3A_2310 = tpu.memref_slice %arg7[%add3A_2301, %dma_start3A_2309] : memref<128x32xi32, #tpu.memory_space<vmem>> -> memref<1x32xi32, #tpu.memory_space<vmem>>
        %dma_start3A_2311 = tpu.memref_squeeze %dma_start3A_2310 : memref<1x32xi32, #tpu.memory_space<vmem>> -> memref<32xi32, #tpu.memory_space<vmem>>
        %dma_start3A_2312 = arith.constant 0 : i32
        %dma_start3A_2313 = arith.constant 0 : i32
        %dma_start3A_2314 = tpu.memref_slice %arg4[%dma_start3A_2302, %dma_start3A_2312, %dma_start3A_2313] : memref<26x100000x16xf32, #tpu.memory_space<hbm>> -> memref<1x100000x16xf32, #tpu.memory_space<hbm>>
        %dma_start3A_2315 = tpu.memref_squeeze %dma_start3A_2314 : memref<1x100000x16xf32, #tpu.memory_space<hbm>> -> memref<100000x16xf32, #tpu.memory_space<hbm>>
        %dma_start3A_2316 = arith.constant 0 : i32
        %dma_start3A_2317 = arith.constant 0 : i32
        %dma_start3A_2318 = tpu.memref_slice %dma_start3A_2315[%dma_start3A_2316, %dma_start3A_2317] : memref<100000x16xf32, #tpu.memory_space<hbm>> -> memref<100000x16xf32, #tpu.memory_space<hbm>>
        tpu.enqueue_indirect_dma source(%dma_start3A_2318 : memref<100000x16xf32, #tpu.memory_space<hbm>>) target(%dma_start3A_2308 : memref<32x16xf32, #tpu.memory_space<vmem>>) offsets(%dma_start3A_2311 : memref<32xi32, #tpu.memory_space<vmem>>) semaphore(%arg14 : memref<!tpu.dma_semaphore, #tpu.memory_space<semaphore_mem>>)
        %dma_start3A_2319 = arith.constant 1 : i32
        %dma_start3A_2320 = arith.constant 0 : i32
        %dma_start3A_2321 = arith.constant 1 : i32
        %dma_start3A_2322 = arith.constant 0 : i32
        %dma_start3A_2323 = arith.constant 0 : i32
        %dma_start3A_2324 = tpu.memref_slice %arg9[%dma_start3A_2320, %dma_start3A_2321, %dma_start3A_2322, %dma_start3A_2323] : memref<2x25x32x16xf32, #tpu.memory_space<vmem>> -> memref<1x1x32x16xf32, #tpu.memory_space<vmem>>
        %dma_start3A_2325 = tpu.memref_squeeze %dma_start3A_2324 : memref<1x1x32x16xf32, #tpu.memory_space<vmem>> -> memref<32x16xf32, #tpu.memory_space<vmem>>
        %dma_start3A_2326 = arith.constant 0 : i32
        %dma_start3A_2327 = tpu.memref_slice %arg7[%add3A_2301, %dma_start3A_2326] : memref<128x32xi32, #tpu.memory_space<vmem>> -> memref<1x32xi32, #tpu.memory_space<vmem>>
        %dma_start3A_2328 = tpu.memref_squeeze %dma_start3A_2327 : memref<1x32xi32, #tpu.memory_space<vmem>> -> memref<32xi32, #tpu.memory_space<vmem>>
        %dma_start3A_2329 = arith.constant 0 : i32
        %dma_start3A_2330 = arith.constant 0 : i32
        %dma_start3A_2331 = tpu.memref_slice %arg4[%dma_start3A_2319, %dma_start3A_2329, %dma_start3A_2330] : memref<26x100000x16xf32, #tpu.memory_space<hbm>> -> memref<1x100000x16xf32, #tpu.memory_space<hbm>>
        %dma_start3A_2332 = tpu.memref_squeeze %dma_start3A_2331 : memref<1x100000x16xf32, #tpu.memory_space<hbm>> -> memref<100000x16xf32, #tpu.memory_space<hbm>>
        %dma_start3A_2333 = arith.constant 0 : i32
        %dma_start3A_2334 = arith.constant 0 : i32
        %dma_start3A_2335 = tpu.memref_slice %dma_start3A_2332[%dma_start3A_2333, %dma_start3A_2334] : memref<100000x16xf32, #tpu.memory_space<hbm>> -> memref<100000x16xf32, #tpu.memory_space<hbm>>
        tpu.enqueue_indirect_dma source(%dma_start3A_2335 : memref<100000x16xf32, #tpu.memory_space<hbm>>) target(%dma_start3A_2325 : memref<32x16xf32, #tpu.memory_space<vmem>>) offsets(%dma_start3A_2328 : memref<32xi32, #tpu.memory_space<vmem>>) semaphore(%arg14 : memref<!tpu.dma_semaphore, #tpu.memory_space<semaphore_mem>>)
        %dma_start3A_2336 = arith.constant 2 : i32
        %dma_start3A_2337 = arith.constant 0 : i32
        %dma_start3A_2338 = arith.constant 2 : i32
        %dma_start3A_2339 = arith.constant 0 : i32
        %dma_start3A_2340 = arith.constant 0 : i32
        %dma_start3A_2341 = tpu.memref_slice %arg9[%dma_start3A_2337, %dma_start3A_2338, %dma_start3A_2339, %dma_start3A_2340] : memref<2x25x32x16xf32, #tpu.memory_space<vmem>> -> memref<1x1x32x16xf32, #tpu.memory_space<vmem>>
        %dma_start3A_2342 = tpu.memref_squeeze %dma_start3A_2341 : memref<1x1x32x16xf32, #tpu.memory_space<vmem>> -> memref<32x16xf32, #tpu.memory_space<vmem>>
        %dma_start3A_2343 = arith.constant 0 : i32
        %dma_start3A_2344 = tpu.memref_slice %arg7[%add3A_2301, %dma_start3A_2343] : memref<128x32xi32, #tpu.memory_space<vmem>> -> memref<1x32xi32, #tpu.memory_space<vmem>>
        %dma_start3A_2345 = tpu.memref_squeeze %dma_start3A_2344 : memref<1x32xi32, #tpu.memory_space<vmem>> -> memref<32xi32, #tpu.memory_space<vmem>>
        %dma_start3A_2346 = arith.constant 0 : i32
        %dma_start3A_2347 = arith.constant 0 : i32
        %dma_start3A_2348 = tpu.memref_slice %arg4[%dma_start3A_2336, %dma_start3A_2346, %dma_start3A_2347] : memref<26x100000x16xf32, #tpu.memory_space<hbm>> -> memref<1x100000x16xf32, #tpu.memory_space<hbm>>
        %dma_start3A_2349 = tpu.memref_squeeze %dma_start3A_2348 : memref<1x100000x16xf32, #tpu.memory_space<hbm>> -> memref<100000x16xf32, #tpu.memory_space<hbm>>
        %dma_start3A_2350 = arith.constant 0 : i32
        %dma_start3A_2351 = arith.constant 0 : i32
        %dma_start3A_2352 = tpu.memref_slice %dma_start3A_2349[%dma_start3A_2350, %dma_start3A_2351] : memref<100000x16xf32, #tpu.memory_space<hbm>> -> memref<100000x16xf32, #tpu.memory_space<hbm>>
        tpu.enqueue_indirect_dma source(%dma_start3A_2352 : memref<100000x16xf32, #tpu.memory_space<hbm>>) target(%dma_start3A_2342 : memref<32x16xf32, #tpu.memory_space<vmem>>) offsets(%dma_start3A_2345 : memref<32xi32, #tpu.memory_space<vmem>>) semaphore(%arg14 : memref<!tpu.dma_semaphore, #tpu.memory_space<semaphore_mem>>)
        %dma_start3A_2353 = arith.constant 3 : i32
        %dma_start3A_2354 = arith.constant 0 : i32
        %dma_start3A_2355 = arith.constant 3 : i32
        %dma_start3A_2356 = arith.constant 0 : i32
        %dma_start3A_2357 = arith.constant 0 : i32
        %dma_start3A_2358 = tpu.memref_slice %arg9[%dma_start3A_2354, %dma_start3A_2355, %dma_start3A_2356, %dma_start3A_2357] : memref<2x25x32x16xf32, #tpu.memory_space<vmem>> -> memref<1x1x32x16xf32, #tpu.memory_space<vmem>>
        %dma_start3A_2359 = tpu.memref_squeeze %dma_start3A_2358 : memref<1x1x32x16xf32, #tpu.memory_space<vmem>> -> memref<32x16xf32, #tpu.memory_space<vmem>>
        %dma_start3A_2360 = arith.constant 0 : i32
        %dma_start3A_2361 = tpu.memref_slice %arg7[%add3A_2301, %dma_start3A_2360] : memref<128x32xi32, #tpu.memory_space<vmem>> -> memref<1x32xi32, #tpu.memory_space<vmem>>
        %dma_start3A_2362 = tpu.memref_squeeze %dma_start3A_2361 : memref<1x32xi32, #tpu.memory_space<vmem>> -> memref<32xi32, #tpu.memory_space<vmem>>
        %dma_start3A_2363 = arith.constant 0 : i32
        %dma_start3A_2364 = arith.constant 0 : i32
        %dma_start3A_2365 = tpu.memref_slice %arg4[%dma_start3A_2353, %dma_start3A_2363, %dma_start3A_2364] : memref<26x100000x16xf32, #tpu.memory_space<hbm>> -> memref<1x100000x16xf32, #tpu.memory_space<hbm>>
        %dma_start3A_2366 = tpu.memref_squeeze %dma_start3A_2365 : memref<1x100000x16xf32, #tpu.memory_space<hbm>> -> memref<100000x16xf32, #tpu.memory_space<hbm>>
        %dma_start3A_2367 = arith.constant 0 : i32
        %dma_start3A_2368 = arith.constant 0 : i32
        %dma_start3A_2369 = tpu.memref_slice %dma_start3A_2366[%dma_start3A_2367, %dma_start3A_2368] : memref<100000x16xf32, #tpu.memory_space<hbm>> -> memref<100000x16xf32, #tpu.memory_space<hbm>>
        tpu.enqueue_indirect_dma source(%dma_start3A_2369 : memref<100000x16xf32, #tpu.memory_space<hbm>>) target(%dma_start3A_2359 : memref<32x16xf32, #tpu.memory_space<vmem>>) offsets(%dma_start3A_2362 : memref<32xi32, #tpu.memory_space<vmem>>) semaphore(%arg14 : memref<!tpu.dma_semaphore, #tpu.memory_space<semaphore_mem>>)
        %dma_start3A_2370 = arith.constant 4 : i32
        %dma_start3A_2371 = arith.constant 0 : i32
        %dma_start3A_2372 = arith.constant 4 : i32
        %dma_start3A_2373 = arith.constant 0 : i32
        %dma_start3A_2374 = arith.constant 0 : i32
        %dma_start3A_2375 = tpu.memref_slice %arg9[%dma_start3A_2371, %dma_start3A_2372, %dma_start3A_2373, %dma_start3A_2374] : memref<2x25x32x16xf32, #tpu.memory_space<vmem>> -> memref<1x1x32x16xf32, #tpu.memory_space<vmem>>
        %dma_start3A_2376 = tpu.memref_squeeze %dma_start3A_2375 : memref<1x1x32x16xf32, #tpu.memory_space<vmem>> -> memref<32x16xf32, #tpu.memory_space<vmem>>
        %dma_start3A_2377 = arith.constant 0 : i32
        %dma_start3A_2378 = tpu.memref_slice %arg7[%add3A_2301, %dma_start3A_2377] : memref<128x32xi32, #tpu.memory_space<vmem>> -> memref<1x32xi32, #tpu.memory_space<vmem>>
        %dma_start3A_2379 = tpu.memref_squeeze %dma_start3A_2378 : memref<1x32xi32, #tpu.memory_space<vmem>> -> memref<32xi32, #tpu.memory_space<vmem>>
        %dma_start3A_2380 = arith.constant 0 : i32
        %dma_start3A_2381 = arith.constant 0 : i32
        %dma_start3A_2382 = tpu.memref_slice %arg4[%dma_start3A_2370, %dma_start3A_2380, %dma_start3A_2381] : memref<26x100000x16xf32, #tpu.memory_space<hbm>> -> memref<1x100000x16xf32, #tpu.memory_space<hbm>>
        %dma_start3A_2383 = tpu.memref_squeeze %dma_start3A_2382 : memref<1x100000x16xf32, #tpu.memory_space<hbm>> -> memref<100000x16xf32, #tpu.memory_space<hbm>>
        %dma_start3A_2384 = arith.constant 0 : i32
        %dma_start3A_2385 = arith.constant 0 : i32
        %dma_start3A_2386 = tpu.memref_slice %dma_start3A_2383[%dma_start3A_2384, %dma_start3A_2385] : memref<100000x16xf32, #tpu.memory_space<hbm>> -> memref<100000x16xf32, #tpu.memory_space<hbm>>
        tpu.enqueue_indirect_dma source(%dma_start3A_2386 : memref<100000x16xf32, #tpu.memory_space<hbm>>) target(%dma_start3A_2376 : memref<32x16xf32, #tpu.memory_space<vmem>>) offsets(%dma_start3A_2379 : memref<32xi32, #tpu.memory_space<vmem>>) semaphore(%arg14 : memref<!tpu.dma_semaphore, #tpu.memory_space<semaphore_mem>>)
        %dma_start3A_2387 = arith.constant 5 : i32
        %dma_start3A_2388 = arith.constant 0 : i32
        %dma_start3A_2389 = arith.constant 5 : i32
        %dma_start3A_2390 = arith.constant 0 : i32
        %dma_start3A_2391 = arith.constant 0 : i32
        %dma_start3A_2392 = tpu.memref_slice %arg9[%dma_start3A_2388, %dma_start3A_2389, %dma_start3A_2390, %dma_start3A_2391] : memref<2x25x32x16xf32, #tpu.memory_space<vmem>> -> memref<1x1x32x16xf32, #tpu.memory_space<vmem>>
        %dma_start3A_2393 = tpu.memref_squeeze %dma_start3A_2392 : memref<1x1x32x16xf32, #tpu.memory_space<vmem>> -> memref<32x16xf32, #tpu.memory_space<vmem>>
        %dma_start3A_2394 = arith.constant 0 : i32
        %dma_start3A_2395 = tpu.memref_slice %arg7[%add3A_2301, %dma_start3A_2394] : memref<128x32xi32, #tpu.memory_space<vmem>> -> memref<1x32xi32, #tpu.memory_space<vmem>>
        %dma_start3A_2396 = tpu.memref_squeeze %dma_start3A_2395 : memref<1x32xi32, #tpu.memory_space<vmem>> -> memref<32xi32, #tpu.memory_space<vmem>>
        %dma_start3A_2397 = arith.constant 0 : i32
        %dma_start3A_2398 = arith.constant 0 : i32
        %dma_start3A_2399 = tpu.memref_slice %arg4[%dma_start3A_2387, %dma_start3A_2397, %dma_start3A_2398] : memref<26x100000x16xf32, #tpu.memory_space<hbm>> -> memref<1x100000x16xf32, #tpu.memory_space<hbm>>
        %dma_start3A_2400 = tpu.memref_squeeze %dma_start3A_2399 : memref<1x100000x16xf32, #tpu.memory_space<hbm>> -> memref<100000x16xf32, #tpu.memory_space<hbm>>
        %dma_start3A_2401 = arith.constant 0 : i32
        %dma_start3A_2402 = arith.constant 0 : i32
        %dma_start3A_2403 = tpu.memref_slice %dma_start3A_2400[%dma_start3A_2401, %dma_start3A_2402] : memref<100000x16xf32, #tpu.memory_space<hbm>> -> memref<100000x16xf32, #tpu.memory_space<hbm>>
        tpu.enqueue_indirect_dma source(%dma_start3A_2403 : memref<100000x16xf32, #tpu.memory_space<hbm>>) target(%dma_start3A_2393 : memref<32x16xf32, #tpu.memory_space<vmem>>) offsets(%dma_start3A_2396 : memref<32xi32, #tpu.memory_space<vmem>>) semaphore(%arg14 : memref<!tpu.dma_semaphore, #tpu.memory_space<semaphore_mem>>)
        %dma_start3A_2404 = arith.constant 6 : i32
        %dma_start3A_2405 = arith.constant 0 : i32
        %dma_start3A_2406 = arith.constant 6 : i32
        %dma_start3A_2407 = arith.constant 0 : i32
        %dma_start3A_2408 = arith.constant 0 : i32
        %dma_start3A_2409 = tpu.memref_slice %arg9[%dma_start3A_2405, %dma_start3A_2406, %dma_start3A_2407, %dma_start3A_2408] : memref<2x25x32x16xf32, #tpu.memory_space<vmem>> -> memref<1x1x32x16xf32, #tpu.memory_space<vmem>>
        %dma_start3A_2410 = tpu.memref_squeeze %dma_start3A_2409 : memref<1x1x32x16xf32, #tpu.memory_space<vmem>> -> memref<32x16xf32, #tpu.memory_space<vmem>>
        %dma_start3A_2411 = arith.constant 0 : i32
        %dma_start3A_2412 = tpu.memref_slice %arg7[%add3A_2301, %dma_start3A_2411] : memref<128x32xi32, #tpu.memory_space<vmem>> -> memref<1x32xi32, #tpu.memory_space<vmem>>
        %dma_start3A_2413 = tpu.memref_squeeze %dma_start3A_2412 : memref<1x32xi32, #tpu.memory_space<vmem>> -> memref<32xi32, #tpu.memory_space<vmem>>
        %dma_start3A_2414 = arith.constant 0 : i32
        %dma_start3A_2415 = arith.constant 0 : i32
        %dma_start3A_2416 = tpu.memref_slice %arg4[%dma_start3A_2404, %dma_start3A_2414, %dma_start3A_2415] : memref<26x100000x16xf32, #tpu.memory_space<hbm>> -> memref<1x100000x16xf32, #tpu.memory_space<hbm>>
        %dma_start3A_2417 = tpu.memref_squeeze %dma_start3A_2416 : memref<1x100000x16xf32, #tpu.memory_space<hbm>> -> memref<100000x16xf32, #tpu.memory_space<hbm>>
        %dma_start3A_2418 = arith.constant 0 : i32
        %dma_start3A_2419 = arith.constant 0 : i32
        %dma_start3A_2420 = tpu.memref_slice %dma_start3A_2417[%dma_start3A_2418, %dma_start3A_2419] : memref<100000x16xf32, #tpu.memory_space<hbm>> -> memref<100000x16xf32, #tpu.memory_space<hbm>>
        tpu.enqueue_indirect_dma source(%dma_start3A_2420 : memref<100000x16xf32, #tpu.memory_space<hbm>>) target(%dma_start3A_2410 : memref<32x16xf32, #tpu.memory_space<vmem>>) offsets(%dma_start3A_2413 : memref<32xi32, #tpu.memory_space<vmem>>) semaphore(%arg14 : memref<!tpu.dma_semaphore, #tpu.memory_space<semaphore_mem>>)
        %dma_start3A_2421 = arith.constant 7 : i32
        %dma_start3A_2422 = arith.constant 0 : i32
        %dma_start3A_2423 = arith.constant 7 : i32
        %dma_start3A_2424 = arith.constant 0 : i32
        %dma_start3A_2425 = arith.constant 0 : i32
        %dma_start3A_2426 = tpu.memref_slice %arg9[%dma_start3A_2422, %dma_start3A_2423, %dma_start3A_2424, %dma_start3A_2425] : memref<2x25x32x16xf32, #tpu.memory_space<vmem>> -> memref<1x1x32x16xf32, #tpu.memory_space<vmem>>
        %dma_start3A_2427 = tpu.memref_squeeze %dma_start3A_2426 : memref<1x1x32x16xf32, #tpu.memory_space<vmem>> -> memref<32x16xf32, #tpu.memory_space<vmem>>
        %dma_start3A_2428 = arith.constant 0 : i32
        %dma_start3A_2429 = tpu.memref_slice %arg7[%add3A_2301, %dma_start3A_2428] : memref<128x32xi32, #tpu.memory_space<vmem>> -> memref<1x32xi32, #tpu.memory_space<vmem>>
        %dma_start3A_2430 = tpu.memref_squeeze %dma_start3A_2429 : memref<1x32xi32, #tpu.memory_space<vmem>> -> memref<32xi32, #tpu.memory_space<vmem>>
        %dma_start3A_2431 = arith.constant 0 : i32
        %dma_start3A_2432 = arith.constant 0 : i32
        %dma_start3A_2433 = tpu.memref_slice %arg4[%dma_start3A_2421, %dma_start3A_2431, %dma_start3A_2432] : memref<26x100000x16xf32, #tpu.memory_space<hbm>> -> memref<1x100000x16xf32, #tpu.memory_space<hbm>>
        %dma_start3A_2434 = tpu.memref_squeeze %dma_start3A_2433 : memref<1x100000x16xf32, #tpu.memory_space<hbm>> -> memref<100000x16xf32, #tpu.memory_space<hbm>>
        %dma_start3A_2435 = arith.constant 0 : i32
        %dma_start3A_2436 = arith.constant 0 : i32
        %dma_start3A_2437 = tpu.memref_slice %dma_start3A_2434[%dma_start3A_2435, %dma_start3A_2436] : memref<100000x16xf32, #tpu.memory_space<hbm>> -> memref<100000x16xf32, #tpu.memory_space<hbm>>
        tpu.enqueue_indirect_dma source(%dma_start3A_2437 : memref<100000x16xf32, #tpu.memory_space<hbm>>) target(%dma_start3A_2427 : memref<32x16xf32, #tpu.memory_space<vmem>>) offsets(%dma_start3A_2430 : memref<32xi32, #tpu.memory_space<vmem>>) semaphore(%arg14 : memref<!tpu.dma_semaphore, #tpu.memory_space<semaphore_mem>>)
        %dma_start3A_2438 = arith.constant 8 : i32
        %dma_start3A_2439 = arith.constant 0 : i32
        %dma_start3A_2440 = arith.constant 8 : i32
        %dma_start3A_2441 = arith.constant 0 : i32
        %dma_start3A_2442 = arith.constant 0 : i32
        %dma_start3A_2443 = tpu.memref_slice %arg9[%dma_start3A_2439, %dma_start3A_2440, %dma_start3A_2441, %dma_start3A_2442] : memref<2x25x32x16xf32, #tpu.memory_space<vmem>> -> memref<1x1x32x16xf32, #tpu.memory_space<vmem>>
        %dma_start3A_2444 = tpu.memref_squeeze %dma_start3A_2443 : memref<1x1x32x16xf32, #tpu.memory_space<vmem>> -> memref<32x16xf32, #tpu.memory_space<vmem>>
        %dma_start3A_2445 = arith.constant 0 : i32
        %dma_start3A_2446 = tpu.memref_slice %arg7[%add3A_2301, %dma_start3A_2445] : memref<128x32xi32, #tpu.memory_space<vmem>> -> memref<1x32xi32, #tpu.memory_space<vmem>>
        %dma_start3A_2447 = tpu.memref_squeeze %dma_start3A_2446 : memref<1x32xi32, #tpu.memory_space<vmem>> -> memref<32xi32, #tpu.memory_space<vmem>>
        %dma_start3A_2448 = arith.constant 0 : i32
        %dma_start3A_2449 = arith.constant 0 : i32
        %dma_start3A_2450 = tpu.memref_slice %arg4[%dma_start3A_2438, %dma_start3A_2448, %dma_start3A_2449] : memref<26x100000x16xf32, #tpu.memory_space<hbm>> -> memref<1x100000x16xf32, #tpu.memory_space<hbm>>
        %dma_start3A_2451 = tpu.memref_squeeze %dma_start3A_2450 : memref<1x100000x16xf32, #tpu.memory_space<hbm>> -> memref<100000x16xf32, #tpu.memory_space<hbm>>
        %dma_start3A_2452 = arith.constant 0 : i32
        %dma_start3A_2453 = arith.constant 0 : i32
        %dma_start3A_2454 = tpu.memref_slice %dma_start3A_2451[%dma_start3A_2452, %dma_start3A_2453] : memref<100000x16xf32, #tpu.memory_space<hbm>> -> memref<100000x16xf32, #tpu.memory_space<hbm>>
        tpu.enqueue_indirect_dma source(%dma_start3A_2454 : memref<100000x16xf32, #tpu.memory_space<hbm>>) target(%dma_start3A_2444 : memref<32x16xf32, #tpu.memory_space<vmem>>) offsets(%dma_start3A_2447 : memref<32xi32, #tpu.memory_space<vmem>>) semaphore(%arg14 : memref<!tpu.dma_semaphore, #tpu.memory_space<semaphore_mem>>)
        %dma_start3A_2455 = arith.constant 9 : i32
        %dma_start3A_2456 = arith.constant 0 : i32
        %dma_start3A_2457 = arith.constant 9 : i32
        %dma_start3A_2458 = arith.constant 0 : i32
        %dma_start3A_2459 = arith.constant 0 : i32
        %dma_start3A_2460 = tpu.memref_slice %arg9[%dma_start3A_2456, %dma_start3A_2457, %dma_start3A_2458, %dma_start3A_2459] : memref<2x25x32x16xf32, #tpu.memory_space<vmem>> -> memref<1x1x32x16xf32, #tpu.memory_space<vmem>>
        %dma_start3A_2461 = tpu.memref_squeeze %dma_start3A_2460 : memref<1x1x32x16xf32, #tpu.memory_space<vmem>> -> memref<32x16xf32, #tpu.memory_space<vmem>>
        %dma_start3A_2462 = arith.constant 0 : i32
        %dma_start3A_2463 = tpu.memref_slice %arg7[%add3A_2301, %dma_start3A_2462] : memref<128x32xi32, #tpu.memory_space<vmem>> -> memref<1x32xi32, #tpu.memory_space<vmem>>
        %dma_start3A_2464 = tpu.memref_squeeze %dma_start3A_2463 : memref<1x32xi32, #tpu.memory_space<vmem>> -> memref<32xi32, #tpu.memory_space<vmem>>
        %dma_start3A_2465 = arith.constant 0 : i32
        %dma_start3A_2466 = arith.constant 0 : i32
        %dma_start3A_2467 = tpu.memref_slice %arg4[%dma_start3A_2455, %dma_start3A_2465, %dma_start3A_2466] : memref<26x100000x16xf32, #tpu.memory_space<hbm>> -> memref<1x100000x16xf32, #tpu.memory_space<hbm>>
        %dma_start3A_2468 = tpu.memref_squeeze %dma_start3A_2467 : memref<1x100000x16xf32, #tpu.memory_space<hbm>> -> memref<100000x16xf32, #tpu.memory_space<hbm>>
        %dma_start3A_2469 = arith.constant 0 : i32
        %dma_start3A_2470 = arith.constant 0 : i32
        %dma_start3A_2471 = tpu.memref_slice %dma_start3A_2468[%dma_start3A_2469, %dma_start3A_2470] : memref<100000x16xf32, #tpu.memory_space<hbm>> -> memref<100000x16xf32, #tpu.memory_space<hbm>>
        tpu.enqueue_indirect_dma source(%dma_start3A_2471 : memref<100000x16xf32, #tpu.memory_space<hbm>>) target(%dma_start3A_2461 : memref<32x16xf32, #tpu.memory_space<vmem>>) offsets(%dma_start3A_2464 : memref<32xi32, #tpu.memory_space<vmem>>) semaphore(%arg14 : memref<!tpu.dma_semaphore, #tpu.memory_space<semaphore_mem>>)
        %dma_start3A_2472 = arith.constant 10 : i32
        %dma_start3A_2473 = arith.constant 0 : i32
        %dma_start3A_2474 = arith.constant 10 : i32
        %dma_start3A_2475 = arith.constant 0 : i32
        %dma_start3A_2476 = arith.constant 0 : i32
        %dma_start3A_2477 = tpu.memref_slice %arg9[%dma_start3A_2473, %dma_start3A_2474, %dma_start3A_2475, %dma_start3A_2476] : memref<2x25x32x16xf32, #tpu.memory_space<vmem>> -> memref<1x1x32x16xf32, #tpu.memory_space<vmem>>
        %dma_start3A_2478 = tpu.memref_squeeze %dma_start3A_2477 : memref<1x1x32x16xf32, #tpu.memory_space<vmem>> -> memref<32x16xf32, #tpu.memory_space<vmem>>
        %dma_start3A_2479 = arith.constant 0 : i32
        %dma_start3A_2480 = tpu.memref_slice %arg7[%add3A_2301, %dma_start3A_2479] : memref<128x32xi32, #tpu.memory_space<vmem>> -> memref<1x32xi32, #tpu.memory_space<vmem>>
        %dma_start3A_2481 = tpu.memref_squeeze %dma_start3A_2480 : memref<1x32xi32, #tpu.memory_space<vmem>> -> memref<32xi32, #tpu.memory_space<vmem>>
        %dma_start3A_2482 = arith.constant 0 : i32
        %dma_start3A_2483 = arith.constant 0 : i32
        %dma_start3A_2484 = tpu.memref_slice %arg4[%dma_start3A_2472, %dma_start3A_2482, %dma_start3A_2483] : memref<26x100000x16xf32, #tpu.memory_space<hbm>> -> memref<1x100000x16xf32, #tpu.memory_space<hbm>>
        %dma_start3A_2485 = tpu.memref_squeeze %dma_start3A_2484 : memref<1x100000x16xf32, #tpu.memory_space<hbm>> -> memref<100000x16xf32, #tpu.memory_space<hbm>>
        %dma_start3A_2486 = arith.constant 0 : i32
        %dma_start3A_2487 = arith.constant 0 : i32
        %dma_start3A_2488 = tpu.memref_slice %dma_start3A_2485[%dma_start3A_2486, %dma_start3A_2487] : memref<100000x16xf32, #tpu.memory_space<hbm>> -> memref<100000x16xf32, #tpu.memory_space<hbm>>
        tpu.enqueue_indirect_dma source(%dma_start3A_2488 : memref<100000x16xf32, #tpu.memory_space<hbm>>) target(%dma_start3A_2478 : memref<32x16xf32, #tpu.memory_space<vmem>>) offsets(%dma_start3A_2481 : memref<32xi32, #tpu.memory_space<vmem>>) semaphore(%arg14 : memref<!tpu.dma_semaphore, #tpu.memory_space<semaphore_mem>>)
        %dma_start3A_2489 = arith.constant 11 : i32
        %dma_start3A_2490 = arith.constant 0 : i32
        %dma_start3A_2491 = arith.constant 11 : i32
        %dma_start3A_2492 = arith.constant 0 : i32
        %dma_start3A_2493 = arith.constant 0 : i32
        %dma_start3A_2494 = tpu.memref_slice %arg9[%dma_start3A_2490, %dma_start3A_2491, %dma_start3A_2492, %dma_start3A_2493] : memref<2x25x32x16xf32, #tpu.memory_space<vmem>> -> memref<1x1x32x16xf32, #tpu.memory_space<vmem>>
        %dma_start3A_2495 = tpu.memref_squeeze %dma_start3A_2494 : memref<1x1x32x16xf32, #tpu.memory_space<vmem>> -> memref<32x16xf32, #tpu.memory_space<vmem>>
        %dma_start3A_2496 = arith.constant 0 : i32
        %dma_start3A_2497 = tpu.memref_slice %arg7[%add3A_2301, %dma_start3A_2496] : memref<128x32xi32, #tpu.memory_space<vmem>> -> memref<1x32xi32, #tpu.memory_space<vmem>>
        %dma_start3A_2498 = tpu.memref_squeeze %dma_start3A_2497 : memref<1x32xi32, #tpu.memory_space<vmem>> -> memref<32xi32, #tpu.memory_space<vmem>>
        %dma_start3A_2499 = arith.constant 0 : i32
        %dma_start3A_2500 = arith.constant 0 : i32
        %dma_start3A_2501 = tpu.memref_slice %arg4[%dma_start3A_2489, %dma_start3A_2499, %dma_start3A_2500] : memref<26x100000x16xf32, #tpu.memory_space<hbm>> -> memref<1x100000x16xf32, #tpu.memory_space<hbm>>
        %dma_start3A_2502 = tpu.memref_squeeze %dma_start3A_2501 : memref<1x100000x16xf32, #tpu.memory_space<hbm>> -> memref<100000x16xf32, #tpu.memory_space<hbm>>
        %dma_start3A_2503 = arith.constant 0 : i32
        %dma_start3A_2504 = arith.constant 0 : i32
        %dma_start3A_2505 = tpu.memref_slice %dma_start3A_2502[%dma_start3A_2503, %dma_start3A_2504] : memref<100000x16xf32, #tpu.memory_space<hbm>> -> memref<100000x16xf32, #tpu.memory_space<hbm>>
        tpu.enqueue_indirect_dma source(%dma_start3A_2505 : memref<100000x16xf32, #tpu.memory_space<hbm>>) target(%dma_start3A_2495 : memref<32x16xf32, #tpu.memory_space<vmem>>) offsets(%dma_start3A_2498 : memref<32xi32, #tpu.memory_space<vmem>>) semaphore(%arg14 : memref<!tpu.dma_semaphore, #tpu.memory_space<semaphore_mem>>)
        %dma_start3A_2506 = arith.constant 12 : i32
        %dma_start3A_2507 = arith.constant 0 : i32
        %dma_start3A_2508 = arith.constant 12 : i32
        %dma_start3A_2509 = arith.constant 0 : i32
        %dma_start3A_2510 = arith.constant 0 : i32
        %dma_start3A_2511 = tpu.memref_slice %arg9[%dma_start3A_2507, %dma_start3A_2508, %dma_start3A_2509, %dma_start3A_2510] : memref<2x25x32x16xf32, #tpu.memory_space<vmem>> -> memref<1x1x32x16xf32, #tpu.memory_space<vmem>>
        %dma_start3A_2512 = tpu.memref_squeeze %dma_start3A_2511 : memref<1x1x32x16xf32, #tpu.memory_space<vmem>> -> memref<32x16xf32, #tpu.memory_space<vmem>>
        %dma_start3A_2513 = arith.constant 0 : i32
        %dma_start3A_2514 = tpu.memref_slice %arg7[%add3A_2301, %dma_start3A_2513] : memref<128x32xi32, #tpu.memory_space<vmem>> -> memref<1x32xi32, #tpu.memory_space<vmem>>
        %dma_start3A_2515 = tpu.memref_squeeze %dma_start3A_2514 : memref<1x32xi32, #tpu.memory_space<vmem>> -> memref<32xi32, #tpu.memory_space<vmem>>
        %dma_start3A_2516 = arith.constant 0 : i32
        %dma_start3A_2517 = arith.constant 0 : i32
        %dma_start3A_2518 = tpu.memref_slice %arg4[%dma_start3A_2506, %dma_start3A_2516, %dma_start3A_2517] : memref<26x100000x16xf32, #tpu.memory_space<hbm>> -> memref<1x100000x16xf32, #tpu.memory_space<hbm>>
        %dma_start3A_2519 = tpu.memref_squeeze %dma_start3A_2518 : memref<1x100000x16xf32, #tpu.memory_space<hbm>> -> memref<100000x16xf32, #tpu.memory_space<hbm>>
        %dma_start3A_2520 = arith.constant 0 : i32
        %dma_start3A_2521 = arith.constant 0 : i32
        %dma_start3A_2522 = tpu.memref_slice %dma_start3A_2519[%dma_start3A_2520, %dma_start3A_2521] : memref<100000x16xf32, #tpu.memory_space<hbm>> -> memref<100000x16xf32, #tpu.memory_space<hbm>>
        tpu.enqueue_indirect_dma source(%dma_start3A_2522 : memref<100000x16xf32, #tpu.memory_space<hbm>>) target(%dma_start3A_2512 : memref<32x16xf32, #tpu.memory_space<vmem>>) offsets(%dma_start3A_2515 : memref<32xi32, #tpu.memory_space<vmem>>) semaphore(%arg14 : memref<!tpu.dma_semaphore, #tpu.memory_space<semaphore_mem>>)
        %dma_start3A_2523 = arith.constant 13 : i32
        %dma_start3A_2524 = arith.constant 0 : i32
        %dma_start3A_2525 = arith.constant 13 : i32
        %dma_start3A_2526 = arith.constant 0 : i32
        %dma_start3A_2527 = arith.constant 0 : i32
        %dma_start3A_2528 = tpu.memref_slice %arg9[%dma_start3A_2524, %dma_start3A_2525, %dma_start3A_2526, %dma_start3A_2527] : memref<2x25x32x16xf32, #tpu.memory_space<vmem>> -> memref<1x1x32x16xf32, #tpu.memory_space<vmem>>
        %dma_start3A_2529 = tpu.memref_squeeze %dma_start3A_2528 : memref<1x1x32x16xf32, #tpu.memory_space<vmem>> -> memref<32x16xf32, #tpu.memory_space<vmem>>
        %dma_start3A_2530 = arith.constant 0 : i32
        %dma_start3A_2531 = tpu.memref_slice %arg7[%add3A_2301, %dma_start3A_2530] : memref<128x32xi32, #tpu.memory_space<vmem>> -> memref<1x32xi32, #tpu.memory_space<vmem>>
        %dma_start3A_2532 = tpu.memref_squeeze %dma_start3A_2531 : memref<1x32xi32, #tpu.memory_space<vmem>> -> memref<32xi32, #tpu.memory_space<vmem>>
        %dma_start3A_2533 = arith.constant 0 : i32
        %dma_start3A_2534 = arith.constant 0 : i32
        %dma_start3A_2535 = tpu.memref_slice %arg4[%dma_start3A_2523, %dma_start3A_2533, %dma_start3A_2534] : memref<26x100000x16xf32, #tpu.memory_space<hbm>> -> memref<1x100000x16xf32, #tpu.memory_space<hbm>>
        %dma_start3A_2536 = tpu.memref_squeeze %dma_start3A_2535 : memref<1x100000x16xf32, #tpu.memory_space<hbm>> -> memref<100000x16xf32, #tpu.memory_space<hbm>>
        %dma_start3A_2537 = arith.constant 0 : i32
        %dma_start3A_2538 = arith.constant 0 : i32
        %dma_start3A_2539 = tpu.memref_slice %dma_start3A_2536[%dma_start3A_2537, %dma_start3A_2538] : memref<100000x16xf32, #tpu.memory_space<hbm>> -> memref<100000x16xf32, #tpu.memory_space<hbm>>
        tpu.enqueue_indirect_dma source(%dma_start3A_2539 : memref<100000x16xf32, #tpu.memory_space<hbm>>) target(%dma_start3A_2529 : memref<32x16xf32, #tpu.memory_space<vmem>>) offsets(%dma_start3A_2532 : memref<32xi32, #tpu.memory_space<vmem>>) semaphore(%arg14 : memref<!tpu.dma_semaphore, #tpu.memory_space<semaphore_mem>>)
        %dma_start3A_2540 = arith.constant 14 : i32
        %dma_start3A_2541 = arith.constant 0 : i32
        %dma_start3A_2542 = arith.constant 14 : i32
        %dma_start3A_2543 = arith.constant 0 : i32
        %dma_start3A_2544 = arith.constant 0 : i32
        %dma_start3A_2545 = tpu.memref_slice %arg9[%dma_start3A_2541, %dma_start3A_2542, %dma_start3A_2543, %dma_start3A_2544] : memref<2x25x32x16xf32, #tpu.memory_space<vmem>> -> memref<1x1x32x16xf32, #tpu.memory_space<vmem>>
        %dma_start3A_2546 = tpu.memref_squeeze %dma_start3A_2545 : memref<1x1x32x16xf32, #tpu.memory_space<vmem>> -> memref<32x16xf32, #tpu.memory_space<vmem>>
        %dma_start3A_2547 = arith.constant 0 : i32
        %dma_start3A_2548 = tpu.memref_slice %arg7[%add3A_2301, %dma_start3A_2547] : memref<128x32xi32, #tpu.memory_space<vmem>> -> memref<1x32xi32, #tpu.memory_space<vmem>>
        %dma_start3A_2549 = tpu.memref_squeeze %dma_start3A_2548 : memref<1x32xi32, #tpu.memory_space<vmem>> -> memref<32xi32, #tpu.memory_space<vmem>>
        %dma_start3A_2550 = arith.constant 0 : i32
        %dma_start3A_2551 = arith.constant 0 : i32
        %dma_start3A_2552 = tpu.memref_slice %arg4[%dma_start3A_2540, %dma_start3A_2550, %dma_start3A_2551] : memref<26x100000x16xf32, #tpu.memory_space<hbm>> -> memref<1x100000x16xf32, #tpu.memory_space<hbm>>
        %dma_start3A_2553 = tpu.memref_squeeze %dma_start3A_2552 : memref<1x100000x16xf32, #tpu.memory_space<hbm>> -> memref<100000x16xf32, #tpu.memory_space<hbm>>
        %dma_start3A_2554 = arith.constant 0 : i32
        %dma_start3A_2555 = arith.constant 0 : i32
        %dma_start3A_2556 = tpu.memref_slice %dma_start3A_2553[%dma_start3A_2554, %dma_start3A_2555] : memref<100000x16xf32, #tpu.memory_space<hbm>> -> memref<100000x16xf32, #tpu.memory_space<hbm>>
        tpu.enqueue_indirect_dma source(%dma_start3A_2556 : memref<100000x16xf32, #tpu.memory_space<hbm>>) target(%dma_start3A_2546 : memref<32x16xf32, #tpu.memory_space<vmem>>) offsets(%dma_start3A_2549 : memref<32xi32, #tpu.memory_space<vmem>>) semaphore(%arg14 : memref<!tpu.dma_semaphore, #tpu.memory_space<semaphore_mem>>)
        %dma_start3A_2557 = arith.constant 15 : i32
        %dma_start3A_2558 = arith.constant 0 : i32
        %dma_start3A_2559 = arith.constant 15 : i32
        %dma_start3A_2560 = arith.constant 0 : i32
        %dma_start3A_2561 = arith.constant 0 : i32
        %dma_start3A_2562 = tpu.memref_slice %arg9[%dma_start3A_2558, %dma_start3A_2559, %dma_start3A_2560, %dma_start3A_2561] : memref<2x25x32x16xf32, #tpu.memory_space<vmem>> -> memref<1x1x32x16xf32, #tpu.memory_space<vmem>>
        %dma_start3A_2563 = tpu.memref_squeeze %dma_start3A_2562 : memref<1x1x32x16xf32, #tpu.memory_space<vmem>> -> memref<32x16xf32, #tpu.memory_space<vmem>>
        %dma_start3A_2564 = arith.constant 0 : i32
        %dma_start3A_2565 = tpu.memref_slice %arg7[%add3A_2301, %dma_start3A_2564] : memref<128x32xi32, #tpu.memory_space<vmem>> -> memref<1x32xi32, #tpu.memory_space<vmem>>
        %dma_start3A_2566 = tpu.memref_squeeze %dma_start3A_2565 : memref<1x32xi32, #tpu.memory_space<vmem>> -> memref<32xi32, #tpu.memory_space<vmem>>
        %dma_start3A_2567 = arith.constant 0 : i32
        %dma_start3A_2568 = arith.constant 0 : i32
        %dma_start3A_2569 = tpu.memref_slice %arg4[%dma_start3A_2557, %dma_start3A_2567, %dma_start3A_2568] : memref<26x100000x16xf32, #tpu.memory_space<hbm>> -> memref<1x100000x16xf32, #tpu.memory_space<hbm>>
        %dma_start3A_2570 = tpu.memref_squeeze %dma_start3A_2569 : memref<1x100000x16xf32, #tpu.memory_space<hbm>> -> memref<100000x16xf32, #tpu.memory_space<hbm>>
        %dma_start3A_2571 = arith.constant 0 : i32
        %dma_start3A_2572 = arith.constant 0 : i32
        %dma_start3A_2573 = tpu.memref_slice %dma_start3A_2570[%dma_start3A_2571, %dma_start3A_2572] : memref<100000x16xf32, #tpu.memory_space<hbm>> -> memref<100000x16xf32, #tpu.memory_space<hbm>>
        tpu.enqueue_indirect_dma source(%dma_start3A_2573 : memref<100000x16xf32, #tpu.memory_space<hbm>>) target(%dma_start3A_2563 : memref<32x16xf32, #tpu.memory_space<vmem>>) offsets(%dma_start3A_2566 : memref<32xi32, #tpu.memory_space<vmem>>) semaphore(%arg14 : memref<!tpu.dma_semaphore, #tpu.memory_space<semaphore_mem>>)
        %dma_start3A_2574 = arith.constant 16 : i32
        %dma_start3A_2575 = arith.constant 0 : i32
        %dma_start3A_2576 = arith.constant 16 : i32
        %dma_start3A_2577 = arith.constant 0 : i32
        %dma_start3A_2578 = arith.constant 0 : i32
        %dma_start3A_2579 = tpu.memref_slice %arg9[%dma_start3A_2575, %dma_start3A_2576, %dma_start3A_2577, %dma_start3A_2578] : memref<2x25x32x16xf32, #tpu.memory_space<vmem>> -> memref<1x1x32x16xf32, #tpu.memory_space<vmem>>
        %dma_start3A_2580 = tpu.memref_squeeze %dma_start3A_2579 : memref<1x1x32x16xf32, #tpu.memory_space<vmem>> -> memref<32x16xf32, #tpu.memory_space<vmem>>
        %dma_start3A_2581 = arith.constant 0 : i32
        %dma_start3A_2582 = tpu.memref_slice %arg7[%add3A_2301, %dma_start3A_2581] : memref<128x32xi32, #tpu.memory_space<vmem>> -> memref<1x32xi32, #tpu.memory_space<vmem>>
        %dma_start3A_2583 = tpu.memref_squeeze %dma_start3A_2582 : memref<1x32xi32, #tpu.memory_space<vmem>> -> memref<32xi32, #tpu.memory_space<vmem>>
        %dma_start3A_2584 = arith.constant 0 : i32
        %dma_start3A_2585 = arith.constant 0 : i32
        %dma_start3A_2586 = tpu.memref_slice %arg4[%dma_start3A_2574, %dma_start3A_2584, %dma_start3A_2585] : memref<26x100000x16xf32, #tpu.memory_space<hbm>> -> memref<1x100000x16xf32, #tpu.memory_space<hbm>>
        %dma_start3A_2587 = tpu.memref_squeeze %dma_start3A_2586 : memref<1x100000x16xf32, #tpu.memory_space<hbm>> -> memref<100000x16xf32, #tpu.memory_space<hbm>>
        %dma_start3A_2588 = arith.constant 0 : i32
        %dma_start3A_2589 = arith.constant 0 : i32
        %dma_start3A_2590 = tpu.memref_slice %dma_start3A_2587[%dma_start3A_2588, %dma_start3A_2589] : memref<100000x16xf32, #tpu.memory_space<hbm>> -> memref<100000x16xf32, #tpu.memory_space<hbm>>
        tpu.enqueue_indirect_dma source(%dma_start3A_2590 : memref<100000x16xf32, #tpu.memory_space<hbm>>) target(%dma_start3A_2580 : memref<32x16xf32, #tpu.memory_space<vmem>>) offsets(%dma_start3A_2583 : memref<32xi32, #tpu.memory_space<vmem>>) semaphore(%arg14 : memref<!tpu.dma_semaphore, #tpu.memory_space<semaphore_mem>>)
        %dma_start3A_2591 = arith.constant 17 : i32
        %dma_start3A_2592 = arith.constant 0 : i32
        %dma_start3A_2593 = arith.constant 17 : i32
        %dma_start3A_2594 = arith.constant 0 : i32
        %dma_start3A_2595 = arith.constant 0 : i32
        %dma_start3A_2596 = tpu.memref_slice %arg9[%dma_start3A_2592, %dma_start3A_2593, %dma_start3A_2594, %dma_start3A_2595] : memref<2x25x32x16xf32, #tpu.memory_space<vmem>> -> memref<1x1x32x16xf32, #tpu.memory_space<vmem>>
        %dma_start3A_2597 = tpu.memref_squeeze %dma_start3A_2596 : memref<1x1x32x16xf32, #tpu.memory_space<vmem>> -> memref<32x16xf32, #tpu.memory_space<vmem>>
        %dma_start3A_2598 = arith.constant 0 : i32
        %dma_start3A_2599 = tpu.memref_slice %arg7[%add3A_2301, %dma_start3A_2598] : memref<128x32xi32, #tpu.memory_space<vmem>> -> memref<1x32xi32, #tpu.memory_space<vmem>>
        %dma_start3A_2600 = tpu.memref_squeeze %dma_start3A_2599 : memref<1x32xi32, #tpu.memory_space<vmem>> -> memref<32xi32, #tpu.memory_space<vmem>>
        %dma_start3A_2601 = arith.constant 0 : i32
        %dma_start3A_2602 = arith.constant 0 : i32
        %dma_start3A_2603 = tpu.memref_slice %arg4[%dma_start3A_2591, %dma_start3A_2601, %dma_start3A_2602] : memref<26x100000x16xf32, #tpu.memory_space<hbm>> -> memref<1x100000x16xf32, #tpu.memory_space<hbm>>
        %dma_start3A_2604 = tpu.memref_squeeze %dma_start3A_2603 : memref<1x100000x16xf32, #tpu.memory_space<hbm>> -> memref<100000x16xf32, #tpu.memory_space<hbm>>
        %dma_start3A_2605 = arith.constant 0 : i32
        %dma_start3A_2606 = arith.constant 0 : i32
        %dma_start3A_2607 = tpu.memref_slice %dma_start3A_2604[%dma_start3A_2605, %dma_start3A_2606] : memref<100000x16xf32, #tpu.memory_space<hbm>> -> memref<100000x16xf32, #tpu.memory_space<hbm>>
        tpu.enqueue_indirect_dma source(%dma_start3A_2607 : memref<100000x16xf32, #tpu.memory_space<hbm>>) target(%dma_start3A_2597 : memref<32x16xf32, #tpu.memory_space<vmem>>) offsets(%dma_start3A_2600 : memref<32xi32, #tpu.memory_space<vmem>>) semaphore(%arg14 : memref<!tpu.dma_semaphore, #tpu.memory_space<semaphore_mem>>)
        %dma_start3A_2608 = arith.constant 18 : i32
        %dma_start3A_2609 = arith.constant 0 : i32
        %dma_start3A_2610 = arith.constant 18 : i32
        %dma_start3A_2611 = arith.constant 0 : i32
        %dma_start3A_2612 = arith.constant 0 : i32
        %dma_start3A_2613 = tpu.memref_slice %arg9[%dma_start3A_2609, %dma_start3A_2610, %dma_start3A_2611, %dma_start3A_2612] : memref<2x25x32x16xf32, #tpu.memory_space<vmem>> -> memref<1x1x32x16xf32, #tpu.memory_space<vmem>>
        %dma_start3A_2614 = tpu.memref_squeeze %dma_start3A_2613 : memref<1x1x32x16xf32, #tpu.memory_space<vmem>> -> memref<32x16xf32, #tpu.memory_space<vmem>>
        %dma_start3A_2615 = arith.constant 0 : i32
        %dma_start3A_2616 = tpu.memref_slice %arg7[%add3A_2301, %dma_start3A_2615] : memref<128x32xi32, #tpu.memory_space<vmem>> -> memref<1x32xi32, #tpu.memory_space<vmem>>
        %dma_start3A_2617 = tpu.memref_squeeze %dma_start3A_2616 : memref<1x32xi32, #tpu.memory_space<vmem>> -> memref<32xi32, #tpu.memory_space<vmem>>
        %dma_start3A_2618 = arith.constant 0 : i32
        %dma_start3A_2619 = arith.constant 0 : i32
        %dma_start3A_2620 = tpu.memref_slice %arg4[%dma_start3A_2608, %dma_start3A_2618, %dma_start3A_2619] : memref<26x100000x16xf32, #tpu.memory_space<hbm>> -> memref<1x100000x16xf32, #tpu.memory_space<hbm>>
        %dma_start3A_2621 = tpu.memref_squeeze %dma_start3A_2620 : memref<1x100000x16xf32, #tpu.memory_space<hbm>> -> memref<100000x16xf32, #tpu.memory_space<hbm>>
        %dma_start3A_2622 = arith.constant 0 : i32
        %dma_start3A_2623 = arith.constant 0 : i32
        %dma_start3A_2624 = tpu.memref_slice %dma_start3A_2621[%dma_start3A_2622, %dma_start3A_2623] : memref<100000x16xf32, #tpu.memory_space<hbm>> -> memref<100000x16xf32, #tpu.memory_space<hbm>>
        tpu.enqueue_indirect_dma source(%dma_start3A_2624 : memref<100000x16xf32, #tpu.memory_space<hbm>>) target(%dma_start3A_2614 : memref<32x16xf32, #tpu.memory_space<vmem>>) offsets(%dma_start3A_2617 : memref<32xi32, #tpu.memory_space<vmem>>) semaphore(%arg14 : memref<!tpu.dma_semaphore, #tpu.memory_space<semaphore_mem>>)
        %dma_start3A_2625 = arith.constant 19 : i32
        %dma_start3A_2626 = arith.constant 0 : i32
        %dma_start3A_2627 = arith.constant 19 : i32
        %dma_start3A_2628 = arith.constant 0 : i32
        %dma_start3A_2629 = arith.constant 0 : i32
        %dma_start3A_2630 = tpu.memref_slice %arg9[%dma_start3A_2626, %dma_start3A_2627, %dma_start3A_2628, %dma_start3A_2629] : memref<2x25x32x16xf32, #tpu.memory_space<vmem>> -> memref<1x1x32x16xf32, #tpu.memory_space<vmem>>
        %dma_start3A_2631 = tpu.memref_squeeze %dma_start3A_2630 : memref<1x1x32x16xf32, #tpu.memory_space<vmem>> -> memref<32x16xf32, #tpu.memory_space<vmem>>
        %dma_start3A_2632 = arith.constant 0 : i32
        %dma_start3A_2633 = tpu.memref_slice %arg7[%add3A_2301, %dma_start3A_2632] : memref<128x32xi32, #tpu.memory_space<vmem>> -> memref<1x32xi32, #tpu.memory_space<vmem>>
        %dma_start3A_2634 = tpu.memref_squeeze %dma_start3A_2633 : memref<1x32xi32, #tpu.memory_space<vmem>> -> memref<32xi32, #tpu.memory_space<vmem>>
        %dma_start3A_2635 = arith.constant 0 : i32
        %dma_start3A_2636 = arith.constant 0 : i32
        %dma_start3A_2637 = tpu.memref_slice %arg4[%dma_start3A_2625, %dma_start3A_2635, %dma_start3A_2636] : memref<26x100000x16xf32, #tpu.memory_space<hbm>> -> memref<1x100000x16xf32, #tpu.memory_space<hbm>>
        %dma_start3A_2638 = tpu.memref_squeeze %dma_start3A_2637 : memref<1x100000x16xf32, #tpu.memory_space<hbm>> -> memref<100000x16xf32, #tpu.memory_space<hbm>>
        %dma_start3A_2639 = arith.constant 0 : i32
        %dma_start3A_2640 = arith.constant 0 : i32
        %dma_start3A_2641 = tpu.memref_slice %dma_start3A_2638[%dma_start3A_2639, %dma_start3A_2640] : memref<100000x16xf32, #tpu.memory_space<hbm>> -> memref<100000x16xf32, #tpu.memory_space<hbm>>
        tpu.enqueue_indirect_dma source(%dma_start3A_2641 : memref<100000x16xf32, #tpu.memory_space<hbm>>) target(%dma_start3A_2631 : memref<32x16xf32, #tpu.memory_space<vmem>>) offsets(%dma_start3A_2634 : memref<32xi32, #tpu.memory_space<vmem>>) semaphore(%arg14 : memref<!tpu.dma_semaphore, #tpu.memory_space<semaphore_mem>>)
        %dma_start3A_2642 = arith.constant 20 : i32
        %dma_start3A_2643 = arith.constant 0 : i32
        %dma_start3A_2644 = arith.constant 20 : i32
        %dma_start3A_2645 = arith.constant 0 : i32
        %dma_start3A_2646 = arith.constant 0 : i32
        %dma_start3A_2647 = tpu.memref_slice %arg9[%dma_start3A_2643, %dma_start3A_2644, %dma_start3A_2645, %dma_start3A_2646] : memref<2x25x32x16xf32, #tpu.memory_space<vmem>> -> memref<1x1x32x16xf32, #tpu.memory_space<vmem>>
        %dma_start3A_2648 = tpu.memref_squeeze %dma_start3A_2647 : memref<1x1x32x16xf32, #tpu.memory_space<vmem>> -> memref<32x16xf32, #tpu.memory_space<vmem>>
        %dma_start3A_2649 = arith.constant 0 : i32
        %dma_start3A_2650 = tpu.memref_slice %arg7[%add3A_2301, %dma_start3A_2649] : memref<128x32xi32, #tpu.memory_space<vmem>> -> memref<1x32xi32, #tpu.memory_space<vmem>>
        %dma_start3A_2651 = tpu.memref_squeeze %dma_start3A_2650 : memref<1x32xi32, #tpu.memory_space<vmem>> -> memref<32xi32, #tpu.memory_space<vmem>>
        %dma_start3A_2652 = arith.constant 0 : i32
        %dma_start3A_2653 = arith.constant 0 : i32
        %dma_start3A_2654 = tpu.memref_slice %arg4[%dma_start3A_2642, %dma_start3A_2652, %dma_start3A_2653] : memref<26x100000x16xf32, #tpu.memory_space<hbm>> -> memref<1x100000x16xf32, #tpu.memory_space<hbm>>
        %dma_start3A_2655 = tpu.memref_squeeze %dma_start3A_2654 : memref<1x100000x16xf32, #tpu.memory_space<hbm>> -> memref<100000x16xf32, #tpu.memory_space<hbm>>
        %dma_start3A_2656 = arith.constant 0 : i32
        %dma_start3A_2657 = arith.constant 0 : i32
        %dma_start3A_2658 = tpu.memref_slice %dma_start3A_2655[%dma_start3A_2656, %dma_start3A_2657] : memref<100000x16xf32, #tpu.memory_space<hbm>> -> memref<100000x16xf32, #tpu.memory_space<hbm>>
        tpu.enqueue_indirect_dma source(%dma_start3A_2658 : memref<100000x16xf32, #tpu.memory_space<hbm>>) target(%dma_start3A_2648 : memref<32x16xf32, #tpu.memory_space<vmem>>) offsets(%dma_start3A_2651 : memref<32xi32, #tpu.memory_space<vmem>>) semaphore(%arg14 : memref<!tpu.dma_semaphore, #tpu.memory_space<semaphore_mem>>)
        %dma_start3A_2659 = arith.constant 21 : i32
        %dma_start3A_2660 = arith.constant 0 : i32
        %dma_start3A_2661 = arith.constant 21 : i32
        %dma_start3A_2662 = arith.constant 0 : i32
        %dma_start3A_2663 = arith.constant 0 : i32
        %dma_start3A_2664 = tpu.memref_slice %arg9[%dma_start3A_2660, %dma_start3A_2661, %dma_start3A_2662, %dma_start3A_2663] : memref<2x25x32x16xf32, #tpu.memory_space<vmem>> -> memref<1x1x32x16xf32, #tpu.memory_space<vmem>>
        %dma_start3A_2665 = tpu.memref_squeeze %dma_start3A_2664 : memref<1x1x32x16xf32, #tpu.memory_space<vmem>> -> memref<32x16xf32, #tpu.memory_space<vmem>>
        %dma_start3A_2666 = arith.constant 0 : i32
        %dma_start3A_2667 = tpu.memref_slice %arg7[%add3A_2301, %dma_start3A_2666] : memref<128x32xi32, #tpu.memory_space<vmem>> -> memref<1x32xi32, #tpu.memory_space<vmem>>
        %dma_start3A_2668 = tpu.memref_squeeze %dma_start3A_2667 : memref<1x32xi32, #tpu.memory_space<vmem>> -> memref<32xi32, #tpu.memory_space<vmem>>
        %dma_start3A_2669 = arith.constant 0 : i32
        %dma_start3A_2670 = arith.constant 0 : i32
        %dma_start3A_2671 = tpu.memref_slice %arg4[%dma_start3A_2659, %dma_start3A_2669, %dma_start3A_2670] : memref<26x100000x16xf32, #tpu.memory_space<hbm>> -> memref<1x100000x16xf32, #tpu.memory_space<hbm>>
        %dma_start3A_2672 = tpu.memref_squeeze %dma_start3A_2671 : memref<1x100000x16xf32, #tpu.memory_space<hbm>> -> memref<100000x16xf32, #tpu.memory_space<hbm>>
        %dma_start3A_2673 = arith.constant 0 : i32
        %dma_start3A_2674 = arith.constant 0 : i32
        %dma_start3A_2675 = tpu.memref_slice %dma_start3A_2672[%dma_start3A_2673, %dma_start3A_2674] : memref<100000x16xf32, #tpu.memory_space<hbm>> -> memref<100000x16xf32, #tpu.memory_space<hbm>>
        tpu.enqueue_indirect_dma source(%dma_start3A_2675 : memref<100000x16xf32, #tpu.memory_space<hbm>>) target(%dma_start3A_2665 : memref<32x16xf32, #tpu.memory_space<vmem>>) offsets(%dma_start3A_2668 : memref<32xi32, #tpu.memory_space<vmem>>) semaphore(%arg14 : memref<!tpu.dma_semaphore, #tpu.memory_space<semaphore_mem>>)
        %dma_start3A_2676 = arith.constant 22 : i32
        %dma_start3A_2677 = arith.constant 0 : i32
        %dma_start3A_2678 = arith.constant 22 : i32
        %dma_start3A_2679 = arith.constant 0 : i32
        %dma_start3A_2680 = arith.constant 0 : i32
        %dma_start3A_2681 = tpu.memref_slice %arg9[%dma_start3A_2677, %dma_start3A_2678, %dma_start3A_2679, %dma_start3A_2680] : memref<2x25x32x16xf32, #tpu.memory_space<vmem>> -> memref<1x1x32x16xf32, #tpu.memory_space<vmem>>
        %dma_start3A_2682 = tpu.memref_squeeze %dma_start3A_2681 : memref<1x1x32x16xf32, #tpu.memory_space<vmem>> -> memref<32x16xf32, #tpu.memory_space<vmem>>
        %dma_start3A_2683 = arith.constant 0 : i32
        %dma_start3A_2684 = tpu.memref_slice %arg7[%add3A_2301, %dma_start3A_2683] : memref<128x32xi32, #tpu.memory_space<vmem>> -> memref<1x32xi32, #tpu.memory_space<vmem>>
        %dma_start3A_2685 = tpu.memref_squeeze %dma_start3A_2684 : memref<1x32xi32, #tpu.memory_space<vmem>> -> memref<32xi32, #tpu.memory_space<vmem>>
        %dma_start3A_2686 = arith.constant 0 : i32
        %dma_start3A_2687 = arith.constant 0 : i32
        %dma_start3A_2688 = tpu.memref_slice %arg4[%dma_start3A_2676, %dma_start3A_2686, %dma_start3A_2687] : memref<26x100000x16xf32, #tpu.memory_space<hbm>> -> memref<1x100000x16xf32, #tpu.memory_space<hbm>>
        %dma_start3A_2689 = tpu.memref_squeeze %dma_start3A_2688 : memref<1x100000x16xf32, #tpu.memory_space<hbm>> -> memref<100000x16xf32, #tpu.memory_space<hbm>>
        %dma_start3A_2690 = arith.constant 0 : i32
        %dma_start3A_2691 = arith.constant 0 : i32
        %dma_start3A_2692 = tpu.memref_slice %dma_start3A_2689[%dma_start3A_2690, %dma_start3A_2691] : memref<100000x16xf32, #tpu.memory_space<hbm>> -> memref<100000x16xf32, #tpu.memory_space<hbm>>
        tpu.enqueue_indirect_dma source(%dma_start3A_2692 : memref<100000x16xf32, #tpu.memory_space<hbm>>) target(%dma_start3A_2682 : memref<32x16xf32, #tpu.memory_space<vmem>>) offsets(%dma_start3A_2685 : memref<32xi32, #tpu.memory_space<vmem>>) semaphore(%arg14 : memref<!tpu.dma_semaphore, #tpu.memory_space<semaphore_mem>>)
        %dma_start3A_2693 = arith.constant 23 : i32
        %dma_start3A_2694 = arith.constant 0 : i32
        %dma_start3A_2695 = arith.constant 23 : i32
        %dma_start3A_2696 = arith.constant 0 : i32
        %dma_start3A_2697 = arith.constant 0 : i32
        %dma_start3A_2698 = tpu.memref_slice %arg9[%dma_start3A_2694, %dma_start3A_2695, %dma_start3A_2696, %dma_start3A_2697] : memref<2x25x32x16xf32, #tpu.memory_space<vmem>> -> memref<1x1x32x16xf32, #tpu.memory_space<vmem>>
        %dma_start3A_2699 = tpu.memref_squeeze %dma_start3A_2698 : memref<1x1x32x16xf32, #tpu.memory_space<vmem>> -> memref<32x16xf32, #tpu.memory_space<vmem>>
        %dma_start3A_2700 = arith.constant 0 : i32
        %dma_start3A_2701 = tpu.memref_slice %arg7[%add3A_2301, %dma_start3A_2700] : memref<128x32xi32, #tpu.memory_space<vmem>> -> memref<1x32xi32, #tpu.memory_space<vmem>>
        %dma_start3A_2702 = tpu.memref_squeeze %dma_start3A_2701 : memref<1x32xi32, #tpu.memory_space<vmem>> -> memref<32xi32, #tpu.memory_space<vmem>>
        %dma_start3A_2703 = arith.constant 0 : i32
        %dma_start3A_2704 = arith.constant 0 : i32
        %dma_start3A_2705 = tpu.memref_slice %arg4[%dma_start3A_2693, %dma_start3A_2703, %dma_start3A_2704] : memref<26x100000x16xf32, #tpu.memory_space<hbm>> -> memref<1x100000x16xf32, #tpu.memory_space<hbm>>
        %dma_start3A_2706 = tpu.memref_squeeze %dma_start3A_2705 : memref<1x100000x16xf32, #tpu.memory_space<hbm>> -> memref<100000x16xf32, #tpu.memory_space<hbm>>
        %dma_start3A_2707 = arith.constant 0 : i32
        %dma_start3A_2708 = arith.constant 0 : i32
        %dma_start3A_2709 = tpu.memref_slice %dma_start3A_2706[%dma_start3A_2707, %dma_start3A_2708] : memref<100000x16xf32, #tpu.memory_space<hbm>> -> memref<100000x16xf32, #tpu.memory_space<hbm>>
        tpu.enqueue_indirect_dma source(%dma_start3A_2709 : memref<100000x16xf32, #tpu.memory_space<hbm>>) target(%dma_start3A_2699 : memref<32x16xf32, #tpu.memory_space<vmem>>) offsets(%dma_start3A_2702 : memref<32xi32, #tpu.memory_space<vmem>>) semaphore(%arg14 : memref<!tpu.dma_semaphore, #tpu.memory_space<semaphore_mem>>)
        %dma_start3A_2710 = arith.constant 24 : i32
        %dma_start3A_2711 = arith.constant 0 : i32
        %dma_start3A_2712 = arith.constant 24 : i32
        %dma_start3A_2713 = arith.constant 0 : i32
        %dma_start3A_2714 = arith.constant 0 : i32
        %dma_start3A_2715 = tpu.memref_slice %arg9[%dma_start3A_2711, %dma_start3A_2712, %dma_start3A_2713, %dma_start3A_2714] : memref<2x25x32x16xf32, #tpu.memory_space<vmem>> -> memref<1x1x32x16xf32, #tpu.memory_space<vmem>>
        %dma_start3A_2716 = tpu.memref_squeeze %dma_start3A_2715 : memref<1x1x32x16xf32, #tpu.memory_space<vmem>> -> memref<32x16xf32, #tpu.memory_space<vmem>>
        %dma_start3A_2717 = arith.constant 0 : i32
        %dma_start3A_2718 = tpu.memref_slice %arg7[%add3A_2301, %dma_start3A_2717] : memref<128x32xi32, #tpu.memory_space<vmem>> -> memref<1x32xi32, #tpu.memory_space<vmem>>
        %dma_start3A_2719 = tpu.memref_squeeze %dma_start3A_2718 : memref<1x32xi32, #tpu.memory_space<vmem>> -> memref<32xi32, #tpu.memory_space<vmem>>
        %dma_start3A_2720 = arith.constant 0 : i32
        %dma_start3A_2721 = arith.constant 0 : i32
        %dma_start3A_2722 = tpu.memref_slice %arg4[%dma_start3A_2710, %dma_start3A_2720, %dma_start3A_2721] : memref<26x100000x16xf32, #tpu.memory_space<hbm>> -> memref<1x100000x16xf32, #tpu.memory_space<hbm>>
        %dma_start3A_2723 = tpu.memref_squeeze %dma_start3A_2722 : memref<1x100000x16xf32, #tpu.memory_space<hbm>> -> memref<100000x16xf32, #tpu.memory_space<hbm>>
        %dma_start3A_2724 = arith.constant 0 : i32
        %dma_start3A_2725 = arith.constant 0 : i32
        %dma_start3A_2726 = tpu.memref_slice %dma_start3A_2723[%dma_start3A_2724, %dma_start3A_2725] : memref<100000x16xf32, #tpu.memory_space<hbm>> -> memref<100000x16xf32, #tpu.memory_space<hbm>>
        tpu.enqueue_indirect_dma source(%dma_start3A_2726 : memref<100000x16xf32, #tpu.memory_space<hbm>>) target(%dma_start3A_2716 : memref<32x16xf32, #tpu.memory_space<vmem>>) offsets(%dma_start3A_2719 : memref<32xi32, #tpu.memory_space<vmem>>) semaphore(%arg14 : memref<!tpu.dma_semaphore, #tpu.memory_space<semaphore_mem>>)
        %dma_start3A_2727 = arith.constant 0 : i32
        %dma_start3A_2728 = arith.constant 0 : i32
        %dma_start3A_2729 = tpu.memref_slice %arg10[%dma_start3A_2727, %dma_start3A_2728] : memref<2x32xf32, #tpu.memory_space<vmem>> -> memref<1x32xf32, #tpu.memory_space<vmem>>
        %dma_start3A_2730 = tpu.memref_squeeze %dma_start3A_2729 : memref<1x32xf32, #tpu.memory_space<vmem>> -> memref<32xf32, #tpu.memory_space<vmem>>
        %dma_start3A_2731 = arith.constant 0 : i32
        %dma_start3A_2732 = tpu.memref_slice %arg7[%add3A_2301, %dma_start3A_2731] : memref<128x32xi32, #tpu.memory_space<vmem>> -> memref<1x32xi32, #tpu.memory_space<vmem>>
        %dma_start3A_2733 = tpu.memref_squeeze %dma_start3A_2732 : memref<1x32xi32, #tpu.memory_space<vmem>> -> memref<32xi32, #tpu.memory_space<vmem>>
        %dma_start3A_2734 = arith.constant 0 : i32
        %dma_start3A_2735 = tpu.memref_slice %arg5[%dma_start3A_2734] : memref<100000xf32, #tpu.memory_space<hbm>> -> memref<100000xf32, #tpu.memory_space<hbm>>
        tpu.enqueue_indirect_dma source(%dma_start3A_2735 : memref<100000xf32, #tpu.memory_space<hbm>>) target(%dma_start3A_2730 : memref<32xf32, #tpu.memory_space<vmem>>) offsets(%dma_start3A_2733 : memref<32xi32, #tpu.memory_space<vmem>>) semaphore(%arg14 : memref<!tpu.dma_semaphore, #tpu.memory_space<semaphore_mem>>)
      } else {
      }
      %dma_wait3A_1597 = arith.constant 0 : i32
      %dma_wait3A_1598 = arith.constant 0 : i32
      %dma_wait3A_1599 = arith.constant 1 : i32
      %dma_wait3A_1600 = arith.constant 0 : i32
      %dma_wait3A_1601 = arith.constant 0 : i32
      %dma_wait3A_1602 = arith.constant 0 : i32
      %dma_wait3A_1603 = tpu.memref_slice %arg9[%dma_wait3A_1599, %dma_wait3A_1600, %dma_wait3A_1601, %dma_wait3A_1602] : memref<2x25x32x16xf32, #tpu.memory_space<vmem>> -> memref<1x1x32x16xf32, #tpu.memory_space<vmem>>
      %dma_wait3A_1604 = tpu.memref_squeeze %dma_wait3A_1603 : memref<1x1x32x16xf32, #tpu.memory_space<vmem>> -> memref<32x16xf32, #tpu.memory_space<vmem>>
      %dma_wait3A_1605 = arith.constant 0 : i32
      %dma_wait3A_1606 = tpu.memref_slice %arg7[%dma_wait3A_1598, %dma_wait3A_1605] : memref<128x32xi32, #tpu.memory_space<vmem>> -> memref<1x32xi32, #tpu.memory_space<vmem>>
      %dma_wait3A_1607 = tpu.memref_squeeze %dma_wait3A_1606 : memref<1x32xi32, #tpu.memory_space<vmem>> -> memref<32xi32, #tpu.memory_space<vmem>>
      %dma_wait3A_1608 = arith.constant 0 : i32
      %dma_wait3A_1609 = arith.constant 0 : i32
      %dma_wait3A_1610 = tpu.memref_slice %arg4[%dma_wait3A_1597, %dma_wait3A_1608, %dma_wait3A_1609] : memref<26x100000x16xf32, #tpu.memory_space<hbm>> -> memref<1x100000x16xf32, #tpu.memory_space<hbm>>
      %dma_wait3A_1611 = tpu.memref_squeeze %dma_wait3A_1610 : memref<1x100000x16xf32, #tpu.memory_space<hbm>> -> memref<100000x16xf32, #tpu.memory_space<hbm>>
      %dma_wait3A_1612 = arith.constant 0 : i32
      %dma_wait3A_1613 = arith.constant 0 : i32
      %dma_wait3A_1614 = tpu.memref_slice %dma_wait3A_1611[%dma_wait3A_1612, %dma_wait3A_1613] : memref<100000x16xf32, #tpu.memory_space<hbm>> -> memref<100000x16xf32, #tpu.memory_space<hbm>>
      tpu.wait_indirect_dma semaphore(%arg15 : memref<!tpu.dma_semaphore, #tpu.memory_space<semaphore_mem>>) src(%dma_wait3A_1614 : memref<100000x16xf32, #tpu.memory_space<hbm>>) dst(%dma_wait3A_1604 : memref<32x16xf32, #tpu.memory_space<vmem>>)
      %dma_wait3A_1615 = arith.constant 1 : i32
      %dma_wait3A_1616 = arith.constant 0 : i32
      %dma_wait3A_1617 = arith.constant 1 : i32
      %dma_wait3A_1618 = arith.constant 1 : i32
      %dma_wait3A_1619 = arith.constant 0 : i32
      %dma_wait3A_1620 = arith.constant 0 : i32
      %dma_wait3A_1621 = tpu.memref_slice %arg9[%dma_wait3A_1617, %dma_wait3A_1618, %dma_wait3A_1619, %dma_wait3A_1620] : memref<2x25x32x16xf32, #tpu.memory_space<vmem>> -> memref<1x1x32x16xf32, #tpu.memory_space<vmem>>
      %dma_wait3A_1622 = tpu.memref_squeeze %dma_wait3A_1621 : memref<1x1x32x16xf32, #tpu.memory_space<vmem>> -> memref<32x16xf32, #tpu.memory_space<vmem>>
      %dma_wait3A_1623 = arith.constant 0 : i32
      %dma_wait3A_1624 = tpu.memref_slice %arg7[%dma_wait3A_1616, %dma_wait3A_1623] : memref<128x32xi32, #tpu.memory_space<vmem>> -> memref<1x32xi32, #tpu.memory_space<vmem>>
      %dma_wait3A_1625 = tpu.memref_squeeze %dma_wait3A_1624 : memref<1x32xi32, #tpu.memory_space<vmem>> -> memref<32xi32, #tpu.memory_space<vmem>>
      %dma_wait3A_1626 = arith.constant 0 : i32
      %dma_wait3A_1627 = arith.constant 0 : i32
      %dma_wait3A_1628 = tpu.memref_slice %arg4[%dma_wait3A_1615, %dma_wait3A_1626, %dma_wait3A_1627] : memref<26x100000x16xf32, #tpu.memory_space<hbm>> -> memref<1x100000x16xf32, #tpu.memory_space<hbm>>
      %dma_wait3A_1629 = tpu.memref_squeeze %dma_wait3A_1628 : memref<1x100000x16xf32, #tpu.memory_space<hbm>> -> memref<100000x16xf32, #tpu.memory_space<hbm>>
      %dma_wait3A_1630 = arith.constant 0 : i32
      %dma_wait3A_1631 = arith.constant 0 : i32
      %dma_wait3A_1632 = tpu.memref_slice %dma_wait3A_1629[%dma_wait3A_1630, %dma_wait3A_1631] : memref<100000x16xf32, #tpu.memory_space<hbm>> -> memref<100000x16xf32, #tpu.memory_space<hbm>>
      tpu.wait_indirect_dma semaphore(%arg15 : memref<!tpu.dma_semaphore, #tpu.memory_space<semaphore_mem>>) src(%dma_wait3A_1632 : memref<100000x16xf32, #tpu.memory_space<hbm>>) dst(%dma_wait3A_1622 : memref<32x16xf32, #tpu.memory_space<vmem>>)
      %dma_wait3A_1633 = arith.constant 2 : i32
      %dma_wait3A_1634 = arith.constant 0 : i32
      %dma_wait3A_1635 = arith.constant 1 : i32
      %dma_wait3A_1636 = arith.constant 2 : i32
      %dma_wait3A_1637 = arith.constant 0 : i32
      %dma_wait3A_1638 = arith.constant 0 : i32
      %dma_wait3A_1639 = tpu.memref_slice %arg9[%dma_wait3A_1635, %dma_wait3A_1636, %dma_wait3A_1637, %dma_wait3A_1638] : memref<2x25x32x16xf32, #tpu.memory_space<vmem>> -> memref<1x1x32x16xf32, #tpu.memory_space<vmem>>
      %dma_wait3A_1640 = tpu.memref_squeeze %dma_wait3A_1639 : memref<1x1x32x16xf32, #tpu.memory_space<vmem>> -> memref<32x16xf32, #tpu.memory_space<vmem>>
      %dma_wait3A_1641 = arith.constant 0 : i32
      %dma_wait3A_1642 = tpu.memref_slice %arg7[%dma_wait3A_1634, %dma_wait3A_1641] : memref<128x32xi32, #tpu.memory_space<vmem>> -> memref<1x32xi32, #tpu.memory_space<vmem>>
      %dma_wait3A_1643 = tpu.memref_squeeze %dma_wait3A_1642 : memref<1x32xi32, #tpu.memory_space<vmem>> -> memref<32xi32, #tpu.memory_space<vmem>>
      %dma_wait3A_1644 = arith.constant 0 : i32
      %dma_wait3A_1645 = arith.constant 0 : i32
      %dma_wait3A_1646 = tpu.memref_slice %arg4[%dma_wait3A_1633, %dma_wait3A_1644, %dma_wait3A_1645] : memref<26x100000x16xf32, #tpu.memory_space<hbm>> -> memref<1x100000x16xf32, #tpu.memory_space<hbm>>
      %dma_wait3A_1647 = tpu.memref_squeeze %dma_wait3A_1646 : memref<1x100000x16xf32, #tpu.memory_space<hbm>> -> memref<100000x16xf32, #tpu.memory_space<hbm>>
      %dma_wait3A_1648 = arith.constant 0 : i32
      %dma_wait3A_1649 = arith.constant 0 : i32
      %dma_wait3A_1650 = tpu.memref_slice %dma_wait3A_1647[%dma_wait3A_1648, %dma_wait3A_1649] : memref<100000x16xf32, #tpu.memory_space<hbm>> -> memref<100000x16xf32, #tpu.memory_space<hbm>>
      tpu.wait_indirect_dma semaphore(%arg15 : memref<!tpu.dma_semaphore, #tpu.memory_space<semaphore_mem>>) src(%dma_wait3A_1650 : memref<100000x16xf32, #tpu.memory_space<hbm>>) dst(%dma_wait3A_1640 : memref<32x16xf32, #tpu.memory_space<vmem>>)
      %dma_wait3A_1651 = arith.constant 3 : i32
      %dma_wait3A_1652 = arith.constant 0 : i32
      %dma_wait3A_1653 = arith.constant 1 : i32
      %dma_wait3A_1654 = arith.constant 3 : i32
      %dma_wait3A_1655 = arith.constant 0 : i32
      %dma_wait3A_1656 = arith.constant 0 : i32
      %dma_wait3A_1657 = tpu.memref_slice %arg9[%dma_wait3A_1653, %dma_wait3A_1654, %dma_wait3A_1655, %dma_wait3A_1656] : memref<2x25x32x16xf32, #tpu.memory_space<vmem>> -> memref<1x1x32x16xf32, #tpu.memory_space<vmem>>
      %dma_wait3A_1658 = tpu.memref_squeeze %dma_wait3A_1657 : memref<1x1x32x16xf32, #tpu.memory_space<vmem>> -> memref<32x16xf32, #tpu.memory_space<vmem>>
      %dma_wait3A_1659 = arith.constant 0 : i32
      %dma_wait3A_1660 = tpu.memref_slice %arg7[%dma_wait3A_1652, %dma_wait3A_1659] : memref<128x32xi32, #tpu.memory_space<vmem>> -> memref<1x32xi32, #tpu.memory_space<vmem>>
      %dma_wait3A_1661 = tpu.memref_squeeze %dma_wait3A_1660 : memref<1x32xi32, #tpu.memory_space<vmem>> -> memref<32xi32, #tpu.memory_space<vmem>>
      %dma_wait3A_1662 = arith.constant 0 : i32
      %dma_wait3A_1663 = arith.constant 0 : i32
      %dma_wait3A_1664 = tpu.memref_slice %arg4[%dma_wait3A_1651, %dma_wait3A_1662, %dma_wait3A_1663] : memref<26x100000x16xf32, #tpu.memory_space<hbm>> -> memref<1x100000x16xf32, #tpu.memory_space<hbm>>
      %dma_wait3A_1665 = tpu.memref_squeeze %dma_wait3A_1664 : memref<1x100000x16xf32, #tpu.memory_space<hbm>> -> memref<100000x16xf32, #tpu.memory_space<hbm>>
      %dma_wait3A_1666 = arith.constant 0 : i32
      %dma_wait3A_1667 = arith.constant 0 : i32
      %dma_wait3A_1668 = tpu.memref_slice %dma_wait3A_1665[%dma_wait3A_1666, %dma_wait3A_1667] : memref<100000x16xf32, #tpu.memory_space<hbm>> -> memref<100000x16xf32, #tpu.memory_space<hbm>>
      tpu.wait_indirect_dma semaphore(%arg15 : memref<!tpu.dma_semaphore, #tpu.memory_space<semaphore_mem>>) src(%dma_wait3A_1668 : memref<100000x16xf32, #tpu.memory_space<hbm>>) dst(%dma_wait3A_1658 : memref<32x16xf32, #tpu.memory_space<vmem>>)
      %dma_wait3A_1669 = arith.constant 4 : i32
      %dma_wait3A_1670 = arith.constant 0 : i32
      %dma_wait3A_1671 = arith.constant 1 : i32
      %dma_wait3A_1672 = arith.constant 4 : i32
      %dma_wait3A_1673 = arith.constant 0 : i32
      %dma_wait3A_1674 = arith.constant 0 : i32
      %dma_wait3A_1675 = tpu.memref_slice %arg9[%dma_wait3A_1671, %dma_wait3A_1672, %dma_wait3A_1673, %dma_wait3A_1674] : memref<2x25x32x16xf32, #tpu.memory_space<vmem>> -> memref<1x1x32x16xf32, #tpu.memory_space<vmem>>
      %dma_wait3A_1676 = tpu.memref_squeeze %dma_wait3A_1675 : memref<1x1x32x16xf32, #tpu.memory_space<vmem>> -> memref<32x16xf32, #tpu.memory_space<vmem>>
      %dma_wait3A_1677 = arith.constant 0 : i32
      %dma_wait3A_1678 = tpu.memref_slice %arg7[%dma_wait3A_1670, %dma_wait3A_1677] : memref<128x32xi32, #tpu.memory_space<vmem>> -> memref<1x32xi32, #tpu.memory_space<vmem>>
      %dma_wait3A_1679 = tpu.memref_squeeze %dma_wait3A_1678 : memref<1x32xi32, #tpu.memory_space<vmem>> -> memref<32xi32, #tpu.memory_space<vmem>>
      %dma_wait3A_1680 = arith.constant 0 : i32
      %dma_wait3A_1681 = arith.constant 0 : i32
      %dma_wait3A_1682 = tpu.memref_slice %arg4[%dma_wait3A_1669, %dma_wait3A_1680, %dma_wait3A_1681] : memref<26x100000x16xf32, #tpu.memory_space<hbm>> -> memref<1x100000x16xf32, #tpu.memory_space<hbm>>
      %dma_wait3A_1683 = tpu.memref_squeeze %dma_wait3A_1682 : memref<1x100000x16xf32, #tpu.memory_space<hbm>> -> memref<100000x16xf32, #tpu.memory_space<hbm>>
      %dma_wait3A_1684 = arith.constant 0 : i32
      %dma_wait3A_1685 = arith.constant 0 : i32
      %dma_wait3A_1686 = tpu.memref_slice %dma_wait3A_1683[%dma_wait3A_1684, %dma_wait3A_1685] : memref<100000x16xf32, #tpu.memory_space<hbm>> -> memref<100000x16xf32, #tpu.memory_space<hbm>>
      tpu.wait_indirect_dma semaphore(%arg15 : memref<!tpu.dma_semaphore, #tpu.memory_space<semaphore_mem>>) src(%dma_wait3A_1686 : memref<100000x16xf32, #tpu.memory_space<hbm>>) dst(%dma_wait3A_1676 : memref<32x16xf32, #tpu.memory_space<vmem>>)
      %dma_wait3A_1687 = arith.constant 5 : i32
      %dma_wait3A_1688 = arith.constant 0 : i32
      %dma_wait3A_1689 = arith.constant 1 : i32
      %dma_wait3A_1690 = arith.constant 5 : i32
      %dma_wait3A_1691 = arith.constant 0 : i32
      %dma_wait3A_1692 = arith.constant 0 : i32
      %dma_wait3A_1693 = tpu.memref_slice %arg9[%dma_wait3A_1689, %dma_wait3A_1690, %dma_wait3A_1691, %dma_wait3A_1692] : memref<2x25x32x16xf32, #tpu.memory_space<vmem>> -> memref<1x1x32x16xf32, #tpu.memory_space<vmem>>
      %dma_wait3A_1694 = tpu.memref_squeeze %dma_wait3A_1693 : memref<1x1x32x16xf32, #tpu.memory_space<vmem>> -> memref<32x16xf32, #tpu.memory_space<vmem>>
      %dma_wait3A_1695 = arith.constant 0 : i32
      %dma_wait3A_1696 = tpu.memref_slice %arg7[%dma_wait3A_1688, %dma_wait3A_1695] : memref<128x32xi32, #tpu.memory_space<vmem>> -> memref<1x32xi32, #tpu.memory_space<vmem>>
      %dma_wait3A_1697 = tpu.memref_squeeze %dma_wait3A_1696 : memref<1x32xi32, #tpu.memory_space<vmem>> -> memref<32xi32, #tpu.memory_space<vmem>>
      %dma_wait3A_1698 = arith.constant 0 : i32
      %dma_wait3A_1699 = arith.constant 0 : i32
      %dma_wait3A_1700 = tpu.memref_slice %arg4[%dma_wait3A_1687, %dma_wait3A_1698, %dma_wait3A_1699] : memref<26x100000x16xf32, #tpu.memory_space<hbm>> -> memref<1x100000x16xf32, #tpu.memory_space<hbm>>
      %dma_wait3A_1701 = tpu.memref_squeeze %dma_wait3A_1700 : memref<1x100000x16xf32, #tpu.memory_space<hbm>> -> memref<100000x16xf32, #tpu.memory_space<hbm>>
      %dma_wait3A_1702 = arith.constant 0 : i32
      %dma_wait3A_1703 = arith.constant 0 : i32
      %dma_wait3A_1704 = tpu.memref_slice %dma_wait3A_1701[%dma_wait3A_1702, %dma_wait3A_1703] : memref<100000x16xf32, #tpu.memory_space<hbm>> -> memref<100000x16xf32, #tpu.memory_space<hbm>>
      tpu.wait_indirect_dma semaphore(%arg15 : memref<!tpu.dma_semaphore, #tpu.memory_space<semaphore_mem>>) src(%dma_wait3A_1704 : memref<100000x16xf32, #tpu.memory_space<hbm>>) dst(%dma_wait3A_1694 : memref<32x16xf32, #tpu.memory_space<vmem>>)
      %dma_wait3A_1705 = arith.constant 6 : i32
      %dma_wait3A_1706 = arith.constant 0 : i32
      %dma_wait3A_1707 = arith.constant 1 : i32
      %dma_wait3A_1708 = arith.constant 6 : i32
      %dma_wait3A_1709 = arith.constant 0 : i32
      %dma_wait3A_1710 = arith.constant 0 : i32
      %dma_wait3A_1711 = tpu.memref_slice %arg9[%dma_wait3A_1707, %dma_wait3A_1708, %dma_wait3A_1709, %dma_wait3A_1710] : memref<2x25x32x16xf32, #tpu.memory_space<vmem>> -> memref<1x1x32x16xf32, #tpu.memory_space<vmem>>
      %dma_wait3A_1712 = tpu.memref_squeeze %dma_wait3A_1711 : memref<1x1x32x16xf32, #tpu.memory_space<vmem>> -> memref<32x16xf32, #tpu.memory_space<vmem>>
      %dma_wait3A_1713 = arith.constant 0 : i32
      %dma_wait3A_1714 = tpu.memref_slice %arg7[%dma_wait3A_1706, %dma_wait3A_1713] : memref<128x32xi32, #tpu.memory_space<vmem>> -> memref<1x32xi32, #tpu.memory_space<vmem>>
      %dma_wait3A_1715 = tpu.memref_squeeze %dma_wait3A_1714 : memref<1x32xi32, #tpu.memory_space<vmem>> -> memref<32xi32, #tpu.memory_space<vmem>>
      %dma_wait3A_1716 = arith.constant 0 : i32
      %dma_wait3A_1717 = arith.constant 0 : i32
      %dma_wait3A_1718 = tpu.memref_slice %arg4[%dma_wait3A_1705, %dma_wait3A_1716, %dma_wait3A_1717] : memref<26x100000x16xf32, #tpu.memory_space<hbm>> -> memref<1x100000x16xf32, #tpu.memory_space<hbm>>
      %dma_wait3A_1719 = tpu.memref_squeeze %dma_wait3A_1718 : memref<1x100000x16xf32, #tpu.memory_space<hbm>> -> memref<100000x16xf32, #tpu.memory_space<hbm>>
      %dma_wait3A_1720 = arith.constant 0 : i32
      %dma_wait3A_1721 = arith.constant 0 : i32
      %dma_wait3A_1722 = tpu.memref_slice %dma_wait3A_1719[%dma_wait3A_1720, %dma_wait3A_1721] : memref<100000x16xf32, #tpu.memory_space<hbm>> -> memref<100000x16xf32, #tpu.memory_space<hbm>>
      tpu.wait_indirect_dma semaphore(%arg15 : memref<!tpu.dma_semaphore, #tpu.memory_space<semaphore_mem>>) src(%dma_wait3A_1722 : memref<100000x16xf32, #tpu.memory_space<hbm>>) dst(%dma_wait3A_1712 : memref<32x16xf32, #tpu.memory_space<vmem>>)
      %dma_wait3A_1723 = arith.constant 7 : i32
      %dma_wait3A_1724 = arith.constant 0 : i32
      %dma_wait3A_1725 = arith.constant 1 : i32
      %dma_wait3A_1726 = arith.constant 7 : i32
      %dma_wait3A_1727 = arith.constant 0 : i32
      %dma_wait3A_1728 = arith.constant 0 : i32
      %dma_wait3A_1729 = tpu.memref_slice %arg9[%dma_wait3A_1725, %dma_wait3A_1726, %dma_wait3A_1727, %dma_wait3A_1728] : memref<2x25x32x16xf32, #tpu.memory_space<vmem>> -> memref<1x1x32x16xf32, #tpu.memory_space<vmem>>
      %dma_wait3A_1730 = tpu.memref_squeeze %dma_wait3A_1729 : memref<1x1x32x16xf32, #tpu.memory_space<vmem>> -> memref<32x16xf32, #tpu.memory_space<vmem>>
      %dma_wait3A_1731 = arith.constant 0 : i32
      %dma_wait3A_1732 = tpu.memref_slice %arg7[%dma_wait3A_1724, %dma_wait3A_1731] : memref<128x32xi32, #tpu.memory_space<vmem>> -> memref<1x32xi32, #tpu.memory_space<vmem>>
      %dma_wait3A_1733 = tpu.memref_squeeze %dma_wait3A_1732 : memref<1x32xi32, #tpu.memory_space<vmem>> -> memref<32xi32, #tpu.memory_space<vmem>>
      %dma_wait3A_1734 = arith.constant 0 : i32
      %dma_wait3A_1735 = arith.constant 0 : i32
      %dma_wait3A_1736 = tpu.memref_slice %arg4[%dma_wait3A_1723, %dma_wait3A_1734, %dma_wait3A_1735] : memref<26x100000x16xf32, #tpu.memory_space<hbm>> -> memref<1x100000x16xf32, #tpu.memory_space<hbm>>
      %dma_wait3A_1737 = tpu.memref_squeeze %dma_wait3A_1736 : memref<1x100000x16xf32, #tpu.memory_space<hbm>> -> memref<100000x16xf32, #tpu.memory_space<hbm>>
      %dma_wait3A_1738 = arith.constant 0 : i32
      %dma_wait3A_1739 = arith.constant 0 : i32
      %dma_wait3A_1740 = tpu.memref_slice %dma_wait3A_1737[%dma_wait3A_1738, %dma_wait3A_1739] : memref<100000x16xf32, #tpu.memory_space<hbm>> -> memref<100000x16xf32, #tpu.memory_space<hbm>>
      tpu.wait_indirect_dma semaphore(%arg15 : memref<!tpu.dma_semaphore, #tpu.memory_space<semaphore_mem>>) src(%dma_wait3A_1740 : memref<100000x16xf32, #tpu.memory_space<hbm>>) dst(%dma_wait3A_1730 : memref<32x16xf32, #tpu.memory_space<vmem>>)
      %dma_wait3A_1741 = arith.constant 8 : i32
      %dma_wait3A_1742 = arith.constant 0 : i32
      %dma_wait3A_1743 = arith.constant 1 : i32
      %dma_wait3A_1744 = arith.constant 8 : i32
      %dma_wait3A_1745 = arith.constant 0 : i32
      %dma_wait3A_1746 = arith.constant 0 : i32
      %dma_wait3A_1747 = tpu.memref_slice %arg9[%dma_wait3A_1743, %dma_wait3A_1744, %dma_wait3A_1745, %dma_wait3A_1746] : memref<2x25x32x16xf32, #tpu.memory_space<vmem>> -> memref<1x1x32x16xf32, #tpu.memory_space<vmem>>
      %dma_wait3A_1748 = tpu.memref_squeeze %dma_wait3A_1747 : memref<1x1x32x16xf32, #tpu.memory_space<vmem>> -> memref<32x16xf32, #tpu.memory_space<vmem>>
      %dma_wait3A_1749 = arith.constant 0 : i32
      %dma_wait3A_1750 = tpu.memref_slice %arg7[%dma_wait3A_1742, %dma_wait3A_1749] : memref<128x32xi32, #tpu.memory_space<vmem>> -> memref<1x32xi32, #tpu.memory_space<vmem>>
      %dma_wait3A_1751 = tpu.memref_squeeze %dma_wait3A_1750 : memref<1x32xi32, #tpu.memory_space<vmem>> -> memref<32xi32, #tpu.memory_space<vmem>>
      %dma_wait3A_1752 = arith.constant 0 : i32
      %dma_wait3A_1753 = arith.constant 0 : i32
      %dma_wait3A_1754 = tpu.memref_slice %arg4[%dma_wait3A_1741, %dma_wait3A_1752, %dma_wait3A_1753] : memref<26x100000x16xf32, #tpu.memory_space<hbm>> -> memref<1x100000x16xf32, #tpu.memory_space<hbm>>
      %dma_wait3A_1755 = tpu.memref_squeeze %dma_wait3A_1754 : memref<1x100000x16xf32, #tpu.memory_space<hbm>> -> memref<100000x16xf32, #tpu.memory_space<hbm>>
      %dma_wait3A_1756 = arith.constant 0 : i32
      %dma_wait3A_1757 = arith.constant 0 : i32
      %dma_wait3A_1758 = tpu.memref_slice %dma_wait3A_1755[%dma_wait3A_1756, %dma_wait3A_1757] : memref<100000x16xf32, #tpu.memory_space<hbm>> -> memref<100000x16xf32, #tpu.memory_space<hbm>>
      tpu.wait_indirect_dma semaphore(%arg15 : memref<!tpu.dma_semaphore, #tpu.memory_space<semaphore_mem>>) src(%dma_wait3A_1758 : memref<100000x16xf32, #tpu.memory_space<hbm>>) dst(%dma_wait3A_1748 : memref<32x16xf32, #tpu.memory_space<vmem>>)
      %dma_wait3A_1759 = arith.constant 9 : i32
      %dma_wait3A_1760 = arith.constant 0 : i32
      %dma_wait3A_1761 = arith.constant 1 : i32
      %dma_wait3A_1762 = arith.constant 9 : i32
      %dma_wait3A_1763 = arith.constant 0 : i32
      %dma_wait3A_1764 = arith.constant 0 : i32
      %dma_wait3A_1765 = tpu.memref_slice %arg9[%dma_wait3A_1761, %dma_wait3A_1762, %dma_wait3A_1763, %dma_wait3A_1764] : memref<2x25x32x16xf32, #tpu.memory_space<vmem>> -> memref<1x1x32x16xf32, #tpu.memory_space<vmem>>
      %dma_wait3A_1766 = tpu.memref_squeeze %dma_wait3A_1765 : memref<1x1x32x16xf32, #tpu.memory_space<vmem>> -> memref<32x16xf32, #tpu.memory_space<vmem>>
      %dma_wait3A_1767 = arith.constant 0 : i32
      %dma_wait3A_1768 = tpu.memref_slice %arg7[%dma_wait3A_1760, %dma_wait3A_1767] : memref<128x32xi32, #tpu.memory_space<vmem>> -> memref<1x32xi32, #tpu.memory_space<vmem>>
      %dma_wait3A_1769 = tpu.memref_squeeze %dma_wait3A_1768 : memref<1x32xi32, #tpu.memory_space<vmem>> -> memref<32xi32, #tpu.memory_space<vmem>>
      %dma_wait3A_1770 = arith.constant 0 : i32
      %dma_wait3A_1771 = arith.constant 0 : i32
      %dma_wait3A_1772 = tpu.memref_slice %arg4[%dma_wait3A_1759, %dma_wait3A_1770, %dma_wait3A_1771] : memref<26x100000x16xf32, #tpu.memory_space<hbm>> -> memref<1x100000x16xf32, #tpu.memory_space<hbm>>
      %dma_wait3A_1773 = tpu.memref_squeeze %dma_wait3A_1772 : memref<1x100000x16xf32, #tpu.memory_space<hbm>> -> memref<100000x16xf32, #tpu.memory_space<hbm>>
      %dma_wait3A_1774 = arith.constant 0 : i32
      %dma_wait3A_1775 = arith.constant 0 : i32
      %dma_wait3A_1776 = tpu.memref_slice %dma_wait3A_1773[%dma_wait3A_1774, %dma_wait3A_1775] : memref<100000x16xf32, #tpu.memory_space<hbm>> -> memref<100000x16xf32, #tpu.memory_space<hbm>>
      tpu.wait_indirect_dma semaphore(%arg15 : memref<!tpu.dma_semaphore, #tpu.memory_space<semaphore_mem>>) src(%dma_wait3A_1776 : memref<100000x16xf32, #tpu.memory_space<hbm>>) dst(%dma_wait3A_1766 : memref<32x16xf32, #tpu.memory_space<vmem>>)
      %dma_wait3A_1777 = arith.constant 10 : i32
      %dma_wait3A_1778 = arith.constant 0 : i32
      %dma_wait3A_1779 = arith.constant 1 : i32
      %dma_wait3A_1780 = arith.constant 10 : i32
      %dma_wait3A_1781 = arith.constant 0 : i32
      %dma_wait3A_1782 = arith.constant 0 : i32
      %dma_wait3A_1783 = tpu.memref_slice %arg9[%dma_wait3A_1779, %dma_wait3A_1780, %dma_wait3A_1781, %dma_wait3A_1782] : memref<2x25x32x16xf32, #tpu.memory_space<vmem>> -> memref<1x1x32x16xf32, #tpu.memory_space<vmem>>
      %dma_wait3A_1784 = tpu.memref_squeeze %dma_wait3A_1783 : memref<1x1x32x16xf32, #tpu.memory_space<vmem>> -> memref<32x16xf32, #tpu.memory_space<vmem>>
      %dma_wait3A_1785 = arith.constant 0 : i32
      %dma_wait3A_1786 = tpu.memref_slice %arg7[%dma_wait3A_1778, %dma_wait3A_1785] : memref<128x32xi32, #tpu.memory_space<vmem>> -> memref<1x32xi32, #tpu.memory_space<vmem>>
      %dma_wait3A_1787 = tpu.memref_squeeze %dma_wait3A_1786 : memref<1x32xi32, #tpu.memory_space<vmem>> -> memref<32xi32, #tpu.memory_space<vmem>>
      %dma_wait3A_1788 = arith.constant 0 : i32
      %dma_wait3A_1789 = arith.constant 0 : i32
      %dma_wait3A_1790 = tpu.memref_slice %arg4[%dma_wait3A_1777, %dma_wait3A_1788, %dma_wait3A_1789] : memref<26x100000x16xf32, #tpu.memory_space<hbm>> -> memref<1x100000x16xf32, #tpu.memory_space<hbm>>
      %dma_wait3A_1791 = tpu.memref_squeeze %dma_wait3A_1790 : memref<1x100000x16xf32, #tpu.memory_space<hbm>> -> memref<100000x16xf32, #tpu.memory_space<hbm>>
      %dma_wait3A_1792 = arith.constant 0 : i32
      %dma_wait3A_1793 = arith.constant 0 : i32
      %dma_wait3A_1794 = tpu.memref_slice %dma_wait3A_1791[%dma_wait3A_1792, %dma_wait3A_1793] : memref<100000x16xf32, #tpu.memory_space<hbm>> -> memref<100000x16xf32, #tpu.memory_space<hbm>>
      tpu.wait_indirect_dma semaphore(%arg15 : memref<!tpu.dma_semaphore, #tpu.memory_space<semaphore_mem>>) src(%dma_wait3A_1794 : memref<100000x16xf32, #tpu.memory_space<hbm>>) dst(%dma_wait3A_1784 : memref<32x16xf32, #tpu.memory_space<vmem>>)
      %dma_wait3A_1795 = arith.constant 11 : i32
      %dma_wait3A_1796 = arith.constant 0 : i32
      %dma_wait3A_1797 = arith.constant 1 : i32
      %dma_wait3A_1798 = arith.constant 11 : i32
      %dma_wait3A_1799 = arith.constant 0 : i32
      %dma_wait3A_1800 = arith.constant 0 : i32
      %dma_wait3A_1801 = tpu.memref_slice %arg9[%dma_wait3A_1797, %dma_wait3A_1798, %dma_wait3A_1799, %dma_wait3A_1800] : memref<2x25x32x16xf32, #tpu.memory_space<vmem>> -> memref<1x1x32x16xf32, #tpu.memory_space<vmem>>
      %dma_wait3A_1802 = tpu.memref_squeeze %dma_wait3A_1801 : memref<1x1x32x16xf32, #tpu.memory_space<vmem>> -> memref<32x16xf32, #tpu.memory_space<vmem>>
      %dma_wait3A_1803 = arith.constant 0 : i32
      %dma_wait3A_1804 = tpu.memref_slice %arg7[%dma_wait3A_1796, %dma_wait3A_1803] : memref<128x32xi32, #tpu.memory_space<vmem>> -> memref<1x32xi32, #tpu.memory_space<vmem>>
      %dma_wait3A_1805 = tpu.memref_squeeze %dma_wait3A_1804 : memref<1x32xi32, #tpu.memory_space<vmem>> -> memref<32xi32, #tpu.memory_space<vmem>>
      %dma_wait3A_1806 = arith.constant 0 : i32
      %dma_wait3A_1807 = arith.constant 0 : i32
      %dma_wait3A_1808 = tpu.memref_slice %arg4[%dma_wait3A_1795, %dma_wait3A_1806, %dma_wait3A_1807] : memref<26x100000x16xf32, #tpu.memory_space<hbm>> -> memref<1x100000x16xf32, #tpu.memory_space<hbm>>
      %dma_wait3A_1809 = tpu.memref_squeeze %dma_wait3A_1808 : memref<1x100000x16xf32, #tpu.memory_space<hbm>> -> memref<100000x16xf32, #tpu.memory_space<hbm>>
      %dma_wait3A_1810 = arith.constant 0 : i32
      %dma_wait3A_1811 = arith.constant 0 : i32
      %dma_wait3A_1812 = tpu.memref_slice %dma_wait3A_1809[%dma_wait3A_1810, %dma_wait3A_1811] : memref<100000x16xf32, #tpu.memory_space<hbm>> -> memref<100000x16xf32, #tpu.memory_space<hbm>>
      tpu.wait_indirect_dma semaphore(%arg15 : memref<!tpu.dma_semaphore, #tpu.memory_space<semaphore_mem>>) src(%dma_wait3A_1812 : memref<100000x16xf32, #tpu.memory_space<hbm>>) dst(%dma_wait3A_1802 : memref<32x16xf32, #tpu.memory_space<vmem>>)
      %dma_wait3A_1813 = arith.constant 12 : i32
      %dma_wait3A_1814 = arith.constant 0 : i32
      %dma_wait3A_1815 = arith.constant 1 : i32
      %dma_wait3A_1816 = arith.constant 12 : i32
      %dma_wait3A_1817 = arith.constant 0 : i32
      %dma_wait3A_1818 = arith.constant 0 : i32
      %dma_wait3A_1819 = tpu.memref_slice %arg9[%dma_wait3A_1815, %dma_wait3A_1816, %dma_wait3A_1817, %dma_wait3A_1818] : memref<2x25x32x16xf32, #tpu.memory_space<vmem>> -> memref<1x1x32x16xf32, #tpu.memory_space<vmem>>
      %dma_wait3A_1820 = tpu.memref_squeeze %dma_wait3A_1819 : memref<1x1x32x16xf32, #tpu.memory_space<vmem>> -> memref<32x16xf32, #tpu.memory_space<vmem>>
      %dma_wait3A_1821 = arith.constant 0 : i32
      %dma_wait3A_1822 = tpu.memref_slice %arg7[%dma_wait3A_1814, %dma_wait3A_1821] : memref<128x32xi32, #tpu.memory_space<vmem>> -> memref<1x32xi32, #tpu.memory_space<vmem>>
      %dma_wait3A_1823 = tpu.memref_squeeze %dma_wait3A_1822 : memref<1x32xi32, #tpu.memory_space<vmem>> -> memref<32xi32, #tpu.memory_space<vmem>>
      %dma_wait3A_1824 = arith.constant 0 : i32
      %dma_wait3A_1825 = arith.constant 0 : i32
      %dma_wait3A_1826 = tpu.memref_slice %arg4[%dma_wait3A_1813, %dma_wait3A_1824, %dma_wait3A_1825] : memref<26x100000x16xf32, #tpu.memory_space<hbm>> -> memref<1x100000x16xf32, #tpu.memory_space<hbm>>
      %dma_wait3A_1827 = tpu.memref_squeeze %dma_wait3A_1826 : memref<1x100000x16xf32, #tpu.memory_space<hbm>> -> memref<100000x16xf32, #tpu.memory_space<hbm>>
      %dma_wait3A_1828 = arith.constant 0 : i32
      %dma_wait3A_1829 = arith.constant 0 : i32
      %dma_wait3A_1830 = tpu.memref_slice %dma_wait3A_1827[%dma_wait3A_1828, %dma_wait3A_1829] : memref<100000x16xf32, #tpu.memory_space<hbm>> -> memref<100000x16xf32, #tpu.memory_space<hbm>>
      tpu.wait_indirect_dma semaphore(%arg15 : memref<!tpu.dma_semaphore, #tpu.memory_space<semaphore_mem>>) src(%dma_wait3A_1830 : memref<100000x16xf32, #tpu.memory_space<hbm>>) dst(%dma_wait3A_1820 : memref<32x16xf32, #tpu.memory_space<vmem>>)
      %dma_wait3A_1831 = arith.constant 13 : i32
      %dma_wait3A_1832 = arith.constant 0 : i32
      %dma_wait3A_1833 = arith.constant 1 : i32
      %dma_wait3A_1834 = arith.constant 13 : i32
      %dma_wait3A_1835 = arith.constant 0 : i32
      %dma_wait3A_1836 = arith.constant 0 : i32
      %dma_wait3A_1837 = tpu.memref_slice %arg9[%dma_wait3A_1833, %dma_wait3A_1834, %dma_wait3A_1835, %dma_wait3A_1836] : memref<2x25x32x16xf32, #tpu.memory_space<vmem>> -> memref<1x1x32x16xf32, #tpu.memory_space<vmem>>
      %dma_wait3A_1838 = tpu.memref_squeeze %dma_wait3A_1837 : memref<1x1x32x16xf32, #tpu.memory_space<vmem>> -> memref<32x16xf32, #tpu.memory_space<vmem>>
      %dma_wait3A_1839 = arith.constant 0 : i32
      %dma_wait3A_1840 = tpu.memref_slice %arg7[%dma_wait3A_1832, %dma_wait3A_1839] : memref<128x32xi32, #tpu.memory_space<vmem>> -> memref<1x32xi32, #tpu.memory_space<vmem>>
      %dma_wait3A_1841 = tpu.memref_squeeze %dma_wait3A_1840 : memref<1x32xi32, #tpu.memory_space<vmem>> -> memref<32xi32, #tpu.memory_space<vmem>>
      %dma_wait3A_1842 = arith.constant 0 : i32
      %dma_wait3A_1843 = arith.constant 0 : i32
      %dma_wait3A_1844 = tpu.memref_slice %arg4[%dma_wait3A_1831, %dma_wait3A_1842, %dma_wait3A_1843] : memref<26x100000x16xf32, #tpu.memory_space<hbm>> -> memref<1x100000x16xf32, #tpu.memory_space<hbm>>
      %dma_wait3A_1845 = tpu.memref_squeeze %dma_wait3A_1844 : memref<1x100000x16xf32, #tpu.memory_space<hbm>> -> memref<100000x16xf32, #tpu.memory_space<hbm>>
      %dma_wait3A_1846 = arith.constant 0 : i32
      %dma_wait3A_1847 = arith.constant 0 : i32
      %dma_wait3A_1848 = tpu.memref_slice %dma_wait3A_1845[%dma_wait3A_1846, %dma_wait3A_1847] : memref<100000x16xf32, #tpu.memory_space<hbm>> -> memref<100000x16xf32, #tpu.memory_space<hbm>>
      tpu.wait_indirect_dma semaphore(%arg15 : memref<!tpu.dma_semaphore, #tpu.memory_space<semaphore_mem>>) src(%dma_wait3A_1848 : memref<100000x16xf32, #tpu.memory_space<hbm>>) dst(%dma_wait3A_1838 : memref<32x16xf32, #tpu.memory_space<vmem>>)
      %dma_wait3A_1849 = arith.constant 14 : i32
      %dma_wait3A_1850 = arith.constant 0 : i32
      %dma_wait3A_1851 = arith.constant 1 : i32
      %dma_wait3A_1852 = arith.constant 14 : i32
      %dma_wait3A_1853 = arith.constant 0 : i32
      %dma_wait3A_1854 = arith.constant 0 : i32
      %dma_wait3A_1855 = tpu.memref_slice %arg9[%dma_wait3A_1851, %dma_wait3A_1852, %dma_wait3A_1853, %dma_wait3A_1854] : memref<2x25x32x16xf32, #tpu.memory_space<vmem>> -> memref<1x1x32x16xf32, #tpu.memory_space<vmem>>
      %dma_wait3A_1856 = tpu.memref_squeeze %dma_wait3A_1855 : memref<1x1x32x16xf32, #tpu.memory_space<vmem>> -> memref<32x16xf32, #tpu.memory_space<vmem>>
      %dma_wait3A_1857 = arith.constant 0 : i32
      %dma_wait3A_1858 = tpu.memref_slice %arg7[%dma_wait3A_1850, %dma_wait3A_1857] : memref<128x32xi32, #tpu.memory_space<vmem>> -> memref<1x32xi32, #tpu.memory_space<vmem>>
      %dma_wait3A_1859 = tpu.memref_squeeze %dma_wait3A_1858 : memref<1x32xi32, #tpu.memory_space<vmem>> -> memref<32xi32, #tpu.memory_space<vmem>>
      %dma_wait3A_1860 = arith.constant 0 : i32
      %dma_wait3A_1861 = arith.constant 0 : i32
      %dma_wait3A_1862 = tpu.memref_slice %arg4[%dma_wait3A_1849, %dma_wait3A_1860, %dma_wait3A_1861] : memref<26x100000x16xf32, #tpu.memory_space<hbm>> -> memref<1x100000x16xf32, #tpu.memory_space<hbm>>
      %dma_wait3A_1863 = tpu.memref_squeeze %dma_wait3A_1862 : memref<1x100000x16xf32, #tpu.memory_space<hbm>> -> memref<100000x16xf32, #tpu.memory_space<hbm>>
      %dma_wait3A_1864 = arith.constant 0 : i32
      %dma_wait3A_1865 = arith.constant 0 : i32
      %dma_wait3A_1866 = tpu.memref_slice %dma_wait3A_1863[%dma_wait3A_1864, %dma_wait3A_1865] : memref<100000x16xf32, #tpu.memory_space<hbm>> -> memref<100000x16xf32, #tpu.memory_space<hbm>>
      tpu.wait_indirect_dma semaphore(%arg15 : memref<!tpu.dma_semaphore, #tpu.memory_space<semaphore_mem>>) src(%dma_wait3A_1866 : memref<100000x16xf32, #tpu.memory_space<hbm>>) dst(%dma_wait3A_1856 : memref<32x16xf32, #tpu.memory_space<vmem>>)
      %dma_wait3A_1867 = arith.constant 15 : i32
      %dma_wait3A_1868 = arith.constant 0 : i32
      %dma_wait3A_1869 = arith.constant 1 : i32
      %dma_wait3A_1870 = arith.constant 15 : i32
      %dma_wait3A_1871 = arith.constant 0 : i32
      %dma_wait3A_1872 = arith.constant 0 : i32
      %dma_wait3A_1873 = tpu.memref_slice %arg9[%dma_wait3A_1869, %dma_wait3A_1870, %dma_wait3A_1871, %dma_wait3A_1872] : memref<2x25x32x16xf32, #tpu.memory_space<vmem>> -> memref<1x1x32x16xf32, #tpu.memory_space<vmem>>
      %dma_wait3A_1874 = tpu.memref_squeeze %dma_wait3A_1873 : memref<1x1x32x16xf32, #tpu.memory_space<vmem>> -> memref<32x16xf32, #tpu.memory_space<vmem>>
      %dma_wait3A_1875 = arith.constant 0 : i32
      %dma_wait3A_1876 = tpu.memref_slice %arg7[%dma_wait3A_1868, %dma_wait3A_1875] : memref<128x32xi32, #tpu.memory_space<vmem>> -> memref<1x32xi32, #tpu.memory_space<vmem>>
      %dma_wait3A_1877 = tpu.memref_squeeze %dma_wait3A_1876 : memref<1x32xi32, #tpu.memory_space<vmem>> -> memref<32xi32, #tpu.memory_space<vmem>>
      %dma_wait3A_1878 = arith.constant 0 : i32
      %dma_wait3A_1879 = arith.constant 0 : i32
      %dma_wait3A_1880 = tpu.memref_slice %arg4[%dma_wait3A_1867, %dma_wait3A_1878, %dma_wait3A_1879] : memref<26x100000x16xf32, #tpu.memory_space<hbm>> -> memref<1x100000x16xf32, #tpu.memory_space<hbm>>
      %dma_wait3A_1881 = tpu.memref_squeeze %dma_wait3A_1880 : memref<1x100000x16xf32, #tpu.memory_space<hbm>> -> memref<100000x16xf32, #tpu.memory_space<hbm>>
      %dma_wait3A_1882 = arith.constant 0 : i32
      %dma_wait3A_1883 = arith.constant 0 : i32
      %dma_wait3A_1884 = tpu.memref_slice %dma_wait3A_1881[%dma_wait3A_1882, %dma_wait3A_1883] : memref<100000x16xf32, #tpu.memory_space<hbm>> -> memref<100000x16xf32, #tpu.memory_space<hbm>>
      tpu.wait_indirect_dma semaphore(%arg15 : memref<!tpu.dma_semaphore, #tpu.memory_space<semaphore_mem>>) src(%dma_wait3A_1884 : memref<100000x16xf32, #tpu.memory_space<hbm>>) dst(%dma_wait3A_1874 : memref<32x16xf32, #tpu.memory_space<vmem>>)
      %dma_wait3A_1885 = arith.constant 16 : i32
      %dma_wait3A_1886 = arith.constant 0 : i32
      %dma_wait3A_1887 = arith.constant 1 : i32
      %dma_wait3A_1888 = arith.constant 16 : i32
      %dma_wait3A_1889 = arith.constant 0 : i32
      %dma_wait3A_1890 = arith.constant 0 : i32
      %dma_wait3A_1891 = tpu.memref_slice %arg9[%dma_wait3A_1887, %dma_wait3A_1888, %dma_wait3A_1889, %dma_wait3A_1890] : memref<2x25x32x16xf32, #tpu.memory_space<vmem>> -> memref<1x1x32x16xf32, #tpu.memory_space<vmem>>
      %dma_wait3A_1892 = tpu.memref_squeeze %dma_wait3A_1891 : memref<1x1x32x16xf32, #tpu.memory_space<vmem>> -> memref<32x16xf32, #tpu.memory_space<vmem>>
      %dma_wait3A_1893 = arith.constant 0 : i32
      %dma_wait3A_1894 = tpu.memref_slice %arg7[%dma_wait3A_1886, %dma_wait3A_1893] : memref<128x32xi32, #tpu.memory_space<vmem>> -> memref<1x32xi32, #tpu.memory_space<vmem>>
      %dma_wait3A_1895 = tpu.memref_squeeze %dma_wait3A_1894 : memref<1x32xi32, #tpu.memory_space<vmem>> -> memref<32xi32, #tpu.memory_space<vmem>>
      %dma_wait3A_1896 = arith.constant 0 : i32
      %dma_wait3A_1897 = arith.constant 0 : i32
      %dma_wait3A_1898 = tpu.memref_slice %arg4[%dma_wait3A_1885, %dma_wait3A_1896, %dma_wait3A_1897] : memref<26x100000x16xf32, #tpu.memory_space<hbm>> -> memref<1x100000x16xf32, #tpu.memory_space<hbm>>
      %dma_wait3A_1899 = tpu.memref_squeeze %dma_wait3A_1898 : memref<1x100000x16xf32, #tpu.memory_space<hbm>> -> memref<100000x16xf32, #tpu.memory_space<hbm>>
      %dma_wait3A_1900 = arith.constant 0 : i32
      %dma_wait3A_1901 = arith.constant 0 : i32
      %dma_wait3A_1902 = tpu.memref_slice %dma_wait3A_1899[%dma_wait3A_1900, %dma_wait3A_1901] : memref<100000x16xf32, #tpu.memory_space<hbm>> -> memref<100000x16xf32, #tpu.memory_space<hbm>>
      tpu.wait_indirect_dma semaphore(%arg15 : memref<!tpu.dma_semaphore, #tpu.memory_space<semaphore_mem>>) src(%dma_wait3A_1902 : memref<100000x16xf32, #tpu.memory_space<hbm>>) dst(%dma_wait3A_1892 : memref<32x16xf32, #tpu.memory_space<vmem>>)
      %dma_wait3A_1903 = arith.constant 17 : i32
      %dma_wait3A_1904 = arith.constant 0 : i32
      %dma_wait3A_1905 = arith.constant 1 : i32
      %dma_wait3A_1906 = arith.constant 17 : i32
      %dma_wait3A_1907 = arith.constant 0 : i32
      %dma_wait3A_1908 = arith.constant 0 : i32
      %dma_wait3A_1909 = tpu.memref_slice %arg9[%dma_wait3A_1905, %dma_wait3A_1906, %dma_wait3A_1907, %dma_wait3A_1908] : memref<2x25x32x16xf32, #tpu.memory_space<vmem>> -> memref<1x1x32x16xf32, #tpu.memory_space<vmem>>
      %dma_wait3A_1910 = tpu.memref_squeeze %dma_wait3A_1909 : memref<1x1x32x16xf32, #tpu.memory_space<vmem>> -> memref<32x16xf32, #tpu.memory_space<vmem>>
      %dma_wait3A_1911 = arith.constant 0 : i32
      %dma_wait3A_1912 = tpu.memref_slice %arg7[%dma_wait3A_1904, %dma_wait3A_1911] : memref<128x32xi32, #tpu.memory_space<vmem>> -> memref<1x32xi32, #tpu.memory_space<vmem>>
      %dma_wait3A_1913 = tpu.memref_squeeze %dma_wait3A_1912 : memref<1x32xi32, #tpu.memory_space<vmem>> -> memref<32xi32, #tpu.memory_space<vmem>>
      %dma_wait3A_1914 = arith.constant 0 : i32
      %dma_wait3A_1915 = arith.constant 0 : i32
      %dma_wait3A_1916 = tpu.memref_slice %arg4[%dma_wait3A_1903, %dma_wait3A_1914, %dma_wait3A_1915] : memref<26x100000x16xf32, #tpu.memory_space<hbm>> -> memref<1x100000x16xf32, #tpu.memory_space<hbm>>
      %dma_wait3A_1917 = tpu.memref_squeeze %dma_wait3A_1916 : memref<1x100000x16xf32, #tpu.memory_space<hbm>> -> memref<100000x16xf32, #tpu.memory_space<hbm>>
      %dma_wait3A_1918 = arith.constant 0 : i32
      %dma_wait3A_1919 = arith.constant 0 : i32
      %dma_wait3A_1920 = tpu.memref_slice %dma_wait3A_1917[%dma_wait3A_1918, %dma_wait3A_1919] : memref<100000x16xf32, #tpu.memory_space<hbm>> -> memref<100000x16xf32, #tpu.memory_space<hbm>>
      tpu.wait_indirect_dma semaphore(%arg15 : memref<!tpu.dma_semaphore, #tpu.memory_space<semaphore_mem>>) src(%dma_wait3A_1920 : memref<100000x16xf32, #tpu.memory_space<hbm>>) dst(%dma_wait3A_1910 : memref<32x16xf32, #tpu.memory_space<vmem>>)
      %dma_wait3A_1921 = arith.constant 18 : i32
      %dma_wait3A_1922 = arith.constant 0 : i32
      %dma_wait3A_1923 = arith.constant 1 : i32
      %dma_wait3A_1924 = arith.constant 18 : i32
      %dma_wait3A_1925 = arith.constant 0 : i32
      %dma_wait3A_1926 = arith.constant 0 : i32
      %dma_wait3A_1927 = tpu.memref_slice %arg9[%dma_wait3A_1923, %dma_wait3A_1924, %dma_wait3A_1925, %dma_wait3A_1926] : memref<2x25x32x16xf32, #tpu.memory_space<vmem>> -> memref<1x1x32x16xf32, #tpu.memory_space<vmem>>
      %dma_wait3A_1928 = tpu.memref_squeeze %dma_wait3A_1927 : memref<1x1x32x16xf32, #tpu.memory_space<vmem>> -> memref<32x16xf32, #tpu.memory_space<vmem>>
      %dma_wait3A_1929 = arith.constant 0 : i32
      %dma_wait3A_1930 = tpu.memref_slice %arg7[%dma_wait3A_1922, %dma_wait3A_1929] : memref<128x32xi32, #tpu.memory_space<vmem>> -> memref<1x32xi32, #tpu.memory_space<vmem>>
      %dma_wait3A_1931 = tpu.memref_squeeze %dma_wait3A_1930 : memref<1x32xi32, #tpu.memory_space<vmem>> -> memref<32xi32, #tpu.memory_space<vmem>>
      %dma_wait3A_1932 = arith.constant 0 : i32
      %dma_wait3A_1933 = arith.constant 0 : i32
      %dma_wait3A_1934 = tpu.memref_slice %arg4[%dma_wait3A_1921, %dma_wait3A_1932, %dma_wait3A_1933] : memref<26x100000x16xf32, #tpu.memory_space<hbm>> -> memref<1x100000x16xf32, #tpu.memory_space<hbm>>
      %dma_wait3A_1935 = tpu.memref_squeeze %dma_wait3A_1934 : memref<1x100000x16xf32, #tpu.memory_space<hbm>> -> memref<100000x16xf32, #tpu.memory_space<hbm>>
      %dma_wait3A_1936 = arith.constant 0 : i32
      %dma_wait3A_1937 = arith.constant 0 : i32
      %dma_wait3A_1938 = tpu.memref_slice %dma_wait3A_1935[%dma_wait3A_1936, %dma_wait3A_1937] : memref<100000x16xf32, #tpu.memory_space<hbm>> -> memref<100000x16xf32, #tpu.memory_space<hbm>>
      tpu.wait_indirect_dma semaphore(%arg15 : memref<!tpu.dma_semaphore, #tpu.memory_space<semaphore_mem>>) src(%dma_wait3A_1938 : memref<100000x16xf32, #tpu.memory_space<hbm>>) dst(%dma_wait3A_1928 : memref<32x16xf32, #tpu.memory_space<vmem>>)
      %dma_wait3A_1939 = arith.constant 19 : i32
      %dma_wait3A_1940 = arith.constant 0 : i32
      %dma_wait3A_1941 = arith.constant 1 : i32
      %dma_wait3A_1942 = arith.constant 19 : i32
      %dma_wait3A_1943 = arith.constant 0 : i32
      %dma_wait3A_1944 = arith.constant 0 : i32
      %dma_wait3A_1945 = tpu.memref_slice %arg9[%dma_wait3A_1941, %dma_wait3A_1942, %dma_wait3A_1943, %dma_wait3A_1944] : memref<2x25x32x16xf32, #tpu.memory_space<vmem>> -> memref<1x1x32x16xf32, #tpu.memory_space<vmem>>
      %dma_wait3A_1946 = tpu.memref_squeeze %dma_wait3A_1945 : memref<1x1x32x16xf32, #tpu.memory_space<vmem>> -> memref<32x16xf32, #tpu.memory_space<vmem>>
      %dma_wait3A_1947 = arith.constant 0 : i32
      %dma_wait3A_1948 = tpu.memref_slice %arg7[%dma_wait3A_1940, %dma_wait3A_1947] : memref<128x32xi32, #tpu.memory_space<vmem>> -> memref<1x32xi32, #tpu.memory_space<vmem>>
      %dma_wait3A_1949 = tpu.memref_squeeze %dma_wait3A_1948 : memref<1x32xi32, #tpu.memory_space<vmem>> -> memref<32xi32, #tpu.memory_space<vmem>>
      %dma_wait3A_1950 = arith.constant 0 : i32
      %dma_wait3A_1951 = arith.constant 0 : i32
      %dma_wait3A_1952 = tpu.memref_slice %arg4[%dma_wait3A_1939, %dma_wait3A_1950, %dma_wait3A_1951] : memref<26x100000x16xf32, #tpu.memory_space<hbm>> -> memref<1x100000x16xf32, #tpu.memory_space<hbm>>
      %dma_wait3A_1953 = tpu.memref_squeeze %dma_wait3A_1952 : memref<1x100000x16xf32, #tpu.memory_space<hbm>> -> memref<100000x16xf32, #tpu.memory_space<hbm>>
      %dma_wait3A_1954 = arith.constant 0 : i32
      %dma_wait3A_1955 = arith.constant 0 : i32
      %dma_wait3A_1956 = tpu.memref_slice %dma_wait3A_1953[%dma_wait3A_1954, %dma_wait3A_1955] : memref<100000x16xf32, #tpu.memory_space<hbm>> -> memref<100000x16xf32, #tpu.memory_space<hbm>>
      tpu.wait_indirect_dma semaphore(%arg15 : memref<!tpu.dma_semaphore, #tpu.memory_space<semaphore_mem>>) src(%dma_wait3A_1956 : memref<100000x16xf32, #tpu.memory_space<hbm>>) dst(%dma_wait3A_1946 : memref<32x16xf32, #tpu.memory_space<vmem>>)
      %dma_wait3A_1957 = arith.constant 20 : i32
      %dma_wait3A_1958 = arith.constant 0 : i32
      %dma_wait3A_1959 = arith.constant 1 : i32
      %dma_wait3A_1960 = arith.constant 20 : i32
      %dma_wait3A_1961 = arith.constant 0 : i32
      %dma_wait3A_1962 = arith.constant 0 : i32
      %dma_wait3A_1963 = tpu.memref_slice %arg9[%dma_wait3A_1959, %dma_wait3A_1960, %dma_wait3A_1961, %dma_wait3A_1962] : memref<2x25x32x16xf32, #tpu.memory_space<vmem>> -> memref<1x1x32x16xf32, #tpu.memory_space<vmem>>
      %dma_wait3A_1964 = tpu.memref_squeeze %dma_wait3A_1963 : memref<1x1x32x16xf32, #tpu.memory_space<vmem>> -> memref<32x16xf32, #tpu.memory_space<vmem>>
      %dma_wait3A_1965 = arith.constant 0 : i32
      %dma_wait3A_1966 = tpu.memref_slice %arg7[%dma_wait3A_1958, %dma_wait3A_1965] : memref<128x32xi32, #tpu.memory_space<vmem>> -> memref<1x32xi32, #tpu.memory_space<vmem>>
      %dma_wait3A_1967 = tpu.memref_squeeze %dma_wait3A_1966 : memref<1x32xi32, #tpu.memory_space<vmem>> -> memref<32xi32, #tpu.memory_space<vmem>>
      %dma_wait3A_1968 = arith.constant 0 : i32
      %dma_wait3A_1969 = arith.constant 0 : i32
      %dma_wait3A_1970 = tpu.memref_slice %arg4[%dma_wait3A_1957, %dma_wait3A_1968, %dma_wait3A_1969] : memref<26x100000x16xf32, #tpu.memory_space<hbm>> -> memref<1x100000x16xf32, #tpu.memory_space<hbm>>
      %dma_wait3A_1971 = tpu.memref_squeeze %dma_wait3A_1970 : memref<1x100000x16xf32, #tpu.memory_space<hbm>> -> memref<100000x16xf32, #tpu.memory_space<hbm>>
      %dma_wait3A_1972 = arith.constant 0 : i32
      %dma_wait3A_1973 = arith.constant 0 : i32
      %dma_wait3A_1974 = tpu.memref_slice %dma_wait3A_1971[%dma_wait3A_1972, %dma_wait3A_1973] : memref<100000x16xf32, #tpu.memory_space<hbm>> -> memref<100000x16xf32, #tpu.memory_space<hbm>>
      tpu.wait_indirect_dma semaphore(%arg15 : memref<!tpu.dma_semaphore, #tpu.memory_space<semaphore_mem>>) src(%dma_wait3A_1974 : memref<100000x16xf32, #tpu.memory_space<hbm>>) dst(%dma_wait3A_1964 : memref<32x16xf32, #tpu.memory_space<vmem>>)
      %dma_wait3A_1975 = arith.constant 21 : i32
      %dma_wait3A_1976 = arith.constant 0 : i32
      %dma_wait3A_1977 = arith.constant 1 : i32
      %dma_wait3A_1978 = arith.constant 21 : i32
      %dma_wait3A_1979 = arith.constant 0 : i32
      %dma_wait3A_1980 = arith.constant 0 : i32
      %dma_wait3A_1981 = tpu.memref_slice %arg9[%dma_wait3A_1977, %dma_wait3A_1978, %dma_wait3A_1979, %dma_wait3A_1980] : memref<2x25x32x16xf32, #tpu.memory_space<vmem>> -> memref<1x1x32x16xf32, #tpu.memory_space<vmem>>
      %dma_wait3A_1982 = tpu.memref_squeeze %dma_wait3A_1981 : memref<1x1x32x16xf32, #tpu.memory_space<vmem>> -> memref<32x16xf32, #tpu.memory_space<vmem>>
      %dma_wait3A_1983 = arith.constant 0 : i32
      %dma_wait3A_1984 = tpu.memref_slice %arg7[%dma_wait3A_1976, %dma_wait3A_1983] : memref<128x32xi32, #tpu.memory_space<vmem>> -> memref<1x32xi32, #tpu.memory_space<vmem>>
      %dma_wait3A_1985 = tpu.memref_squeeze %dma_wait3A_1984 : memref<1x32xi32, #tpu.memory_space<vmem>> -> memref<32xi32, #tpu.memory_space<vmem>>
      %dma_wait3A_1986 = arith.constant 0 : i32
      %dma_wait3A_1987 = arith.constant 0 : i32
      %dma_wait3A_1988 = tpu.memref_slice %arg4[%dma_wait3A_1975, %dma_wait3A_1986, %dma_wait3A_1987] : memref<26x100000x16xf32, #tpu.memory_space<hbm>> -> memref<1x100000x16xf32, #tpu.memory_space<hbm>>
      %dma_wait3A_1989 = tpu.memref_squeeze %dma_wait3A_1988 : memref<1x100000x16xf32, #tpu.memory_space<hbm>> -> memref<100000x16xf32, #tpu.memory_space<hbm>>
      %dma_wait3A_1990 = arith.constant 0 : i32
      %dma_wait3A_1991 = arith.constant 0 : i32
      %dma_wait3A_1992 = tpu.memref_slice %dma_wait3A_1989[%dma_wait3A_1990, %dma_wait3A_1991] : memref<100000x16xf32, #tpu.memory_space<hbm>> -> memref<100000x16xf32, #tpu.memory_space<hbm>>
      tpu.wait_indirect_dma semaphore(%arg15 : memref<!tpu.dma_semaphore, #tpu.memory_space<semaphore_mem>>) src(%dma_wait3A_1992 : memref<100000x16xf32, #tpu.memory_space<hbm>>) dst(%dma_wait3A_1982 : memref<32x16xf32, #tpu.memory_space<vmem>>)
      %dma_wait3A_1993 = arith.constant 22 : i32
      %dma_wait3A_1994 = arith.constant 0 : i32
      %dma_wait3A_1995 = arith.constant 1 : i32
      %dma_wait3A_1996 = arith.constant 22 : i32
      %dma_wait3A_1997 = arith.constant 0 : i32
      %dma_wait3A_1998 = arith.constant 0 : i32
      %dma_wait3A_1999 = tpu.memref_slice %arg9[%dma_wait3A_1995, %dma_wait3A_1996, %dma_wait3A_1997, %dma_wait3A_1998] : memref<2x25x32x16xf32, #tpu.memory_space<vmem>> -> memref<1x1x32x16xf32, #tpu.memory_space<vmem>>
      %dma_wait3A_2000 = tpu.memref_squeeze %dma_wait3A_1999 : memref<1x1x32x16xf32, #tpu.memory_space<vmem>> -> memref<32x16xf32, #tpu.memory_space<vmem>>
      %dma_wait3A_2001 = arith.constant 0 : i32
      %dma_wait3A_2002 = tpu.memref_slice %arg7[%dma_wait3A_1994, %dma_wait3A_2001] : memref<128x32xi32, #tpu.memory_space<vmem>> -> memref<1x32xi32, #tpu.memory_space<vmem>>
      %dma_wait3A_2003 = tpu.memref_squeeze %dma_wait3A_2002 : memref<1x32xi32, #tpu.memory_space<vmem>> -> memref<32xi32, #tpu.memory_space<vmem>>
      %dma_wait3A_2004 = arith.constant 0 : i32
      %dma_wait3A_2005 = arith.constant 0 : i32
      %dma_wait3A_2006 = tpu.memref_slice %arg4[%dma_wait3A_1993, %dma_wait3A_2004, %dma_wait3A_2005] : memref<26x100000x16xf32, #tpu.memory_space<hbm>> -> memref<1x100000x16xf32, #tpu.memory_space<hbm>>
      %dma_wait3A_2007 = tpu.memref_squeeze %dma_wait3A_2006 : memref<1x100000x16xf32, #tpu.memory_space<hbm>> -> memref<100000x16xf32, #tpu.memory_space<hbm>>
      %dma_wait3A_2008 = arith.constant 0 : i32
      %dma_wait3A_2009 = arith.constant 0 : i32
      %dma_wait3A_2010 = tpu.memref_slice %dma_wait3A_2007[%dma_wait3A_2008, %dma_wait3A_2009] : memref<100000x16xf32, #tpu.memory_space<hbm>> -> memref<100000x16xf32, #tpu.memory_space<hbm>>
      tpu.wait_indirect_dma semaphore(%arg15 : memref<!tpu.dma_semaphore, #tpu.memory_space<semaphore_mem>>) src(%dma_wait3A_2010 : memref<100000x16xf32, #tpu.memory_space<hbm>>) dst(%dma_wait3A_2000 : memref<32x16xf32, #tpu.memory_space<vmem>>)
      %dma_wait3A_2011 = arith.constant 23 : i32
      %dma_wait3A_2012 = arith.constant 0 : i32
      %dma_wait3A_2013 = arith.constant 1 : i32
      %dma_wait3A_2014 = arith.constant 23 : i32
      %dma_wait3A_2015 = arith.constant 0 : i32
      %dma_wait3A_2016 = arith.constant 0 : i32
      %dma_wait3A_2017 = tpu.memref_slice %arg9[%dma_wait3A_2013, %dma_wait3A_2014, %dma_wait3A_2015, %dma_wait3A_2016] : memref<2x25x32x16xf32, #tpu.memory_space<vmem>> -> memref<1x1x32x16xf32, #tpu.memory_space<vmem>>
      %dma_wait3A_2018 = tpu.memref_squeeze %dma_wait3A_2017 : memref<1x1x32x16xf32, #tpu.memory_space<vmem>> -> memref<32x16xf32, #tpu.memory_space<vmem>>
      %dma_wait3A_2019 = arith.constant 0 : i32
      %dma_wait3A_2020 = tpu.memref_slice %arg7[%dma_wait3A_2012, %dma_wait3A_2019] : memref<128x32xi32, #tpu.memory_space<vmem>> -> memref<1x32xi32, #tpu.memory_space<vmem>>
      %dma_wait3A_2021 = tpu.memref_squeeze %dma_wait3A_2020 : memref<1x32xi32, #tpu.memory_space<vmem>> -> memref<32xi32, #tpu.memory_space<vmem>>
      %dma_wait3A_2022 = arith.constant 0 : i32
      %dma_wait3A_2023 = arith.constant 0 : i32
      %dma_wait3A_2024 = tpu.memref_slice %arg4[%dma_wait3A_2011, %dma_wait3A_2022, %dma_wait3A_2023] : memref<26x100000x16xf32, #tpu.memory_space<hbm>> -> memref<1x100000x16xf32, #tpu.memory_space<hbm>>
      %dma_wait3A_2025 = tpu.memref_squeeze %dma_wait3A_2024 : memref<1x100000x16xf32, #tpu.memory_space<hbm>> -> memref<100000x16xf32, #tpu.memory_space<hbm>>
      %dma_wait3A_2026 = arith.constant 0 : i32
      %dma_wait3A_2027 = arith.constant 0 : i32
      %dma_wait3A_2028 = tpu.memref_slice %dma_wait3A_2025[%dma_wait3A_2026, %dma_wait3A_2027] : memref<100000x16xf32, #tpu.memory_space<hbm>> -> memref<100000x16xf32, #tpu.memory_space<hbm>>
      tpu.wait_indirect_dma semaphore(%arg15 : memref<!tpu.dma_semaphore, #tpu.memory_space<semaphore_mem>>) src(%dma_wait3A_2028 : memref<100000x16xf32, #tpu.memory_space<hbm>>) dst(%dma_wait3A_2018 : memref<32x16xf32, #tpu.memory_space<vmem>>)
      %dma_wait3A_2029 = arith.constant 24 : i32
      %dma_wait3A_2030 = arith.constant 0 : i32
      %dma_wait3A_2031 = arith.constant 1 : i32
      %dma_wait3A_2032 = arith.constant 24 : i32
      %dma_wait3A_2033 = arith.constant 0 : i32
      %dma_wait3A_2034 = arith.constant 0 : i32
      %dma_wait3A_2035 = tpu.memref_slice %arg9[%dma_wait3A_2031, %dma_wait3A_2032, %dma_wait3A_2033, %dma_wait3A_2034] : memref<2x25x32x16xf32, #tpu.memory_space<vmem>> -> memref<1x1x32x16xf32, #tpu.memory_space<vmem>>
      %dma_wait3A_2036 = tpu.memref_squeeze %dma_wait3A_2035 : memref<1x1x32x16xf32, #tpu.memory_space<vmem>> -> memref<32x16xf32, #tpu.memory_space<vmem>>
      %dma_wait3A_2037 = arith.constant 0 : i32
      %dma_wait3A_2038 = tpu.memref_slice %arg7[%dma_wait3A_2030, %dma_wait3A_2037] : memref<128x32xi32, #tpu.memory_space<vmem>> -> memref<1x32xi32, #tpu.memory_space<vmem>>
      %dma_wait3A_2039 = tpu.memref_squeeze %dma_wait3A_2038 : memref<1x32xi32, #tpu.memory_space<vmem>> -> memref<32xi32, #tpu.memory_space<vmem>>
      %dma_wait3A_2040 = arith.constant 0 : i32
      %dma_wait3A_2041 = arith.constant 0 : i32
      %dma_wait3A_2042 = tpu.memref_slice %arg4[%dma_wait3A_2029, %dma_wait3A_2040, %dma_wait3A_2041] : memref<26x100000x16xf32, #tpu.memory_space<hbm>> -> memref<1x100000x16xf32, #tpu.memory_space<hbm>>
      %dma_wait3A_2043 = tpu.memref_squeeze %dma_wait3A_2042 : memref<1x100000x16xf32, #tpu.memory_space<hbm>> -> memref<100000x16xf32, #tpu.memory_space<hbm>>
      %dma_wait3A_2044 = arith.constant 0 : i32
      %dma_wait3A_2045 = arith.constant 0 : i32
      %dma_wait3A_2046 = tpu.memref_slice %dma_wait3A_2043[%dma_wait3A_2044, %dma_wait3A_2045] : memref<100000x16xf32, #tpu.memory_space<hbm>> -> memref<100000x16xf32, #tpu.memory_space<hbm>>
      tpu.wait_indirect_dma semaphore(%arg15 : memref<!tpu.dma_semaphore, #tpu.memory_space<semaphore_mem>>) src(%dma_wait3A_2046 : memref<100000x16xf32, #tpu.memory_space<hbm>>) dst(%dma_wait3A_2036 : memref<32x16xf32, #tpu.memory_space<vmem>>)
      %dma_wait3A_2047 = arith.constant 0 : i32
      %dma_wait3A_2048 = arith.constant 1 : i32
      %dma_wait3A_2049 = arith.constant 0 : i32
      %dma_wait3A_2050 = tpu.memref_slice %arg10[%dma_wait3A_2048, %dma_wait3A_2049] : memref<2x32xf32, #tpu.memory_space<vmem>> -> memref<1x32xf32, #tpu.memory_space<vmem>>
      %dma_wait3A_2051 = tpu.memref_squeeze %dma_wait3A_2050 : memref<1x32xf32, #tpu.memory_space<vmem>> -> memref<32xf32, #tpu.memory_space<vmem>>
      %dma_wait3A_2052 = arith.constant 0 : i32
      %dma_wait3A_2053 = tpu.memref_slice %arg7[%dma_wait3A_2047, %dma_wait3A_2052] : memref<128x32xi32, #tpu.memory_space<vmem>> -> memref<1x32xi32, #tpu.memory_space<vmem>>
      %dma_wait3A_2054 = tpu.memref_squeeze %dma_wait3A_2053 : memref<1x32xi32, #tpu.memory_space<vmem>> -> memref<32xi32, #tpu.memory_space<vmem>>
      %dma_wait3A_2055 = arith.constant 0 : i32
      %dma_wait3A_2056 = tpu.memref_slice %arg5[%dma_wait3A_2055] : memref<100000xf32, #tpu.memory_space<hbm>> -> memref<100000xf32, #tpu.memory_space<hbm>>
      tpu.wait_indirect_dma semaphore(%arg15 : memref<!tpu.dma_semaphore, #tpu.memory_space<semaphore_mem>>) src(%dma_wait3A_2056 : memref<100000xf32, #tpu.memory_space<hbm>>) dst(%dma_wait3A_2051 : memref<32xf32, #tpu.memory_space<vmem>>)
      %add3A_2057 = arith.constant 1 : i32
      %add3A_2058 = arith.addi %mul3A_485, %add3A_2057 : i32
      %get3A_2059 = arith.index_cast %add3A_2058 : i32 to index
      %get3A_2060 = arith.constant 0 : index
      %get3A_2061 = tpu.vector_load %arg8[%get3A_2059, %get3A_2060] {strides = array<i32>} : memref<128x32xf32, #tpu.memory_space<vmem>>, vector<1x16xf32>,
      %get3A_2062 = vector.shape_cast %get3A_2061 : vector<1x16xf32> to vector<16xf32>
      %get3A_2063 = arith.index_cast %add3A_2058 : i32 to index
      %get3A_2064 = arith.constant 16 : index
      %get3A_2065 = tpu.vector_load %arg8[%get3A_2063, %get3A_2064] {strides = array<i32>} : memref<128x32xf32, #tpu.memory_space<vmem>>, vector<1x16xf32>,
      %get3A_2066 = vector.shape_cast %get3A_2065 : vector<1x16xf32> to vector<16xf32>
      %slice3A_2067 = vector.extract_strided_slice %get3A_2062 {offsets = [0], sizes = [1], strides = [1]} : vector<16xf32> to vector<1xf32>
      %squeeze3A_2068 = vector.extract %slice3A_2067[0] : f32 from vector<1xf32>
      %swap3A_2069 = arith.constant 0 : i32
      %swap3A_2070 = arith.index_cast %swap3A_2069 : i32 to index
      %swap3A_2071 = memref.load %arg13[%swap3A_2070] : memref<32xf32, #tpu.memory_space<smem>>
      memref.store %squeeze3A_2068, %arg13[%swap3A_2070] : memref<32xf32, #tpu.memory_space<smem>>
      %slice3A_2072 = vector.extract_strided_slice %get3A_2062 {offsets = [1], sizes = [1], strides = [1]} : vector<16xf32> to vector<1xf32>
      %squeeze3A_2073 = vector.extract %slice3A_2072[0] : f32 from vector<1xf32>
      %swap3A_2074 = arith.constant 1 : i32
      %swap3A_2075 = arith.index_cast %swap3A_2074 : i32 to index
      %swap3A_2076 = memref.load %arg13[%swap3A_2075] : memref<32xf32, #tpu.memory_space<smem>>
      memref.store %squeeze3A_2073, %arg13[%swap3A_2075] : memref<32xf32, #tpu.memory_space<smem>>
      %slice3A_2077 = vector.extract_strided_slice %get3A_2062 {offsets = [2], sizes = [1], strides = [1]} : vector<16xf32> to vector<1xf32>
      %squeeze3A_2078 = vector.extract %slice3A_2077[0] : f32 from vector<1xf32>
      %swap3A_2079 = arith.constant 2 : i32
      %swap3A_2080 = arith.index_cast %swap3A_2079 : i32 to index
      %swap3A_2081 = memref.load %arg13[%swap3A_2080] : memref<32xf32, #tpu.memory_space<smem>>
      memref.store %squeeze3A_2078, %arg13[%swap3A_2080] : memref<32xf32, #tpu.memory_space<smem>>
      %slice3A_2082 = vector.extract_strided_slice %get3A_2062 {offsets = [3], sizes = [1], strides = [1]} : vector<16xf32> to vector<1xf32>
      %squeeze3A_2083 = vector.extract %slice3A_2082[0] : f32 from vector<1xf32>
      %swap3A_2084 = arith.constant 3 : i32
      %swap3A_2085 = arith.index_cast %swap3A_2084 : i32 to index
      %swap3A_2086 = memref.load %arg13[%swap3A_2085] : memref<32xf32, #tpu.memory_space<smem>>
      memref.store %squeeze3A_2083, %arg13[%swap3A_2085] : memref<32xf32, #tpu.memory_space<smem>>
      %slice3A_2087 = vector.extract_strided_slice %get3A_2062 {offsets = [4], sizes = [1], strides = [1]} : vector<16xf32> to vector<1xf32>
      %squeeze3A_2088 = vector.extract %slice3A_2087[0] : f32 from vector<1xf32>
      %swap3A_2089 = arith.constant 4 : i32
      %swap3A_2090 = arith.index_cast %swap3A_2089 : i32 to index
      %swap3A_2091 = memref.load %arg13[%swap3A_2090] : memref<32xf32, #tpu.memory_space<smem>>
      memref.store %squeeze3A_2088, %arg13[%swap3A_2090] : memref<32xf32, #tpu.memory_space<smem>>
      %slice3A_2092 = vector.extract_strided_slice %get3A_2062 {offsets = [5], sizes = [1], strides = [1]} : vector<16xf32> to vector<1xf32>
      %squeeze3A_2093 = vector.extract %slice3A_2092[0] : f32 from vector<1xf32>
      %swap3A_2094 = arith.constant 5 : i32
      %swap3A_2095 = arith.index_cast %swap3A_2094 : i32 to index
      %swap3A_2096 = memref.load %arg13[%swap3A_2095] : memref<32xf32, #tpu.memory_space<smem>>
      memref.store %squeeze3A_2093, %arg13[%swap3A_2095] : memref<32xf32, #tpu.memory_space<smem>>
      %slice3A_2097 = vector.extract_strided_slice %get3A_2062 {offsets = [6], sizes = [1], strides = [1]} : vector<16xf32> to vector<1xf32>
      %squeeze3A_2098 = vector.extract %slice3A_2097[0] : f32 from vector<1xf32>
      %swap3A_2099 = arith.constant 6 : i32
      %swap3A_2100 = arith.index_cast %swap3A_2099 : i32 to index
      %swap3A_2101 = memref.load %arg13[%swap3A_2100] : memref<32xf32, #tpu.memory_space<smem>>
      memref.store %squeeze3A_2098, %arg13[%swap3A_2100] : memref<32xf32, #tpu.memory_space<smem>>
      %slice3A_2102 = vector.extract_strided_slice %get3A_2062 {offsets = [7], sizes = [1], strides = [1]} : vector<16xf32> to vector<1xf32>
      %squeeze3A_2103 = vector.extract %slice3A_2102[0] : f32 from vector<1xf32>
      %swap3A_2104 = arith.constant 7 : i32
      %swap3A_2105 = arith.index_cast %swap3A_2104 : i32 to index
      %swap3A_2106 = memref.load %arg13[%swap3A_2105] : memref<32xf32, #tpu.memory_space<smem>>
      memref.store %squeeze3A_2103, %arg13[%swap3A_2105] : memref<32xf32, #tpu.memory_space<smem>>
      %slice3A_2107 = vector.extract_strided_slice %get3A_2062 {offsets = [8], sizes = [1], strides = [1]} : vector<16xf32> to vector<1xf32>
      %squeeze3A_2108 = vector.extract %slice3A_2107[0] : f32 from vector<1xf32>
      %swap3A_2109 = arith.constant 8 : i32
      %swap3A_2110 = arith.index_cast %swap3A_2109 : i32 to index
      %swap3A_2111 = memref.load %arg13[%swap3A_2110] : memref<32xf32, #tpu.memory_space<smem>>
      memref.store %squeeze3A_2108, %arg13[%swap3A_2110] : memref<32xf32, #tpu.memory_space<smem>>
      %slice3A_2112 = vector.extract_strided_slice %get3A_2062 {offsets = [9], sizes = [1], strides = [1]} : vector<16xf32> to vector<1xf32>
      %squeeze3A_2113 = vector.extract %slice3A_2112[0] : f32 from vector<1xf32>
      %swap3A_2114 = arith.constant 9 : i32
      %swap3A_2115 = arith.index_cast %swap3A_2114 : i32 to index
      %swap3A_2116 = memref.load %arg13[%swap3A_2115] : memref<32xf32, #tpu.memory_space<smem>>
      memref.store %squeeze3A_2113, %arg13[%swap3A_2115] : memref<32xf32, #tpu.memory_space<smem>>
      %slice3A_2117 = vector.extract_strided_slice %get3A_2062 {offsets = [10], sizes = [1], strides = [1]} : vector<16xf32> to vector<1xf32>
      %squeeze3A_2118 = vector.extract %slice3A_2117[0] : f32 from vector<1xf32>
      %swap3A_2119 = arith.constant 10 : i32
      %swap3A_2120 = arith.index_cast %swap3A_2119 : i32 to index
      %swap3A_2121 = memref.load %arg13[%swap3A_2120] : memref<32xf32, #tpu.memory_space<smem>>
      memref.store %squeeze3A_2118, %arg13[%swap3A_2120] : memref<32xf32, #tpu.memory_space<smem>>
      %slice3A_2122 = vector.extract_strided_slice %get3A_2062 {offsets = [11], sizes = [1], strides = [1]} : vector<16xf32> to vector<1xf32>
      %squeeze3A_2123 = vector.extract %slice3A_2122[0] : f32 from vector<1xf32>
      %swap3A_2124 = arith.constant 11 : i32
      %swap3A_2125 = arith.index_cast %swap3A_2124 : i32 to index
      %swap3A_2126 = memref.load %arg13[%swap3A_2125] : memref<32xf32, #tpu.memory_space<smem>>
      memref.store %squeeze3A_2123, %arg13[%swap3A_2125] : memref<32xf32, #tpu.memory_space<smem>>
      %slice3A_2127 = vector.extract_strided_slice %get3A_2062 {offsets = [12], sizes = [1], strides = [1]} : vector<16xf32> to vector<1xf32>
      %squeeze3A_2128 = vector.extract %slice3A_2127[0] : f32 from vector<1xf32>
      %swap3A_2129 = arith.constant 12 : i32
      %swap3A_2130 = arith.index_cast %swap3A_2129 : i32 to index
      %swap3A_2131 = memref.load %arg13[%swap3A_2130] : memref<32xf32, #tpu.memory_space<smem>>
      memref.store %squeeze3A_2128, %arg13[%swap3A_2130] : memref<32xf32, #tpu.memory_space<smem>>
      %slice3A_2132 = vector.extract_strided_slice %get3A_2062 {offsets = [13], sizes = [1], strides = [1]} : vector<16xf32> to vector<1xf32>
      %squeeze3A_2133 = vector.extract %slice3A_2132[0] : f32 from vector<1xf32>
      %swap3A_2134 = arith.constant 13 : i32
      %swap3A_2135 = arith.index_cast %swap3A_2134 : i32 to index
      %swap3A_2136 = memref.load %arg13[%swap3A_2135] : memref<32xf32, #tpu.memory_space<smem>>
      memref.store %squeeze3A_2133, %arg13[%swap3A_2135] : memref<32xf32, #tpu.memory_space<smem>>
      %slice3A_2137 = vector.extract_strided_slice %get3A_2062 {offsets = [14], sizes = [1], strides = [1]} : vector<16xf32> to vector<1xf32>
      %squeeze3A_2138 = vector.extract %slice3A_2137[0] : f32 from vector<1xf32>
      %swap3A_2139 = arith.constant 14 : i32
      %swap3A_2140 = arith.index_cast %swap3A_2139 : i32 to index
      %swap3A_2141 = memref.load %arg13[%swap3A_2140] : memref<32xf32, #tpu.memory_space<smem>>
      memref.store %squeeze3A_2138, %arg13[%swap3A_2140] : memref<32xf32, #tpu.memory_space<smem>>
      %slice3A_2142 = vector.extract_strided_slice %get3A_2062 {offsets = [15], sizes = [1], strides = [1]} : vector<16xf32> to vector<1xf32>
      %squeeze3A_2143 = vector.extract %slice3A_2142[0] : f32 from vector<1xf32>
      %swap3A_2144 = arith.constant 15 : i32
      %swap3A_2145 = arith.index_cast %swap3A_2144 : i32 to index
      %swap3A_2146 = memref.load %arg13[%swap3A_2145] : memref<32xf32, #tpu.memory_space<smem>>
      memref.store %squeeze3A_2143, %arg13[%swap3A_2145] : memref<32xf32, #tpu.memory_space<smem>>
      %slice3A_2147 = vector.extract_strided_slice %get3A_2066 {offsets = [0], sizes = [1], strides = [1]} : vector<16xf32> to vector<1xf32>
      %squeeze3A_2148 = vector.extract %slice3A_2147[0] : f32 from vector<1xf32>
      %swap3A_2149 = arith.constant 16 : i32
      %swap3A_2150 = arith.index_cast %swap3A_2149 : i32 to index
      %swap3A_2151 = memref.load %arg13[%swap3A_2150] : memref<32xf32, #tpu.memory_space<smem>>
      memref.store %squeeze3A_2148, %arg13[%swap3A_2150] : memref<32xf32, #tpu.memory_space<smem>>
      %slice3A_2152 = vector.extract_strided_slice %get3A_2066 {offsets = [1], sizes = [1], strides = [1]} : vector<16xf32> to vector<1xf32>
      %squeeze3A_2153 = vector.extract %slice3A_2152[0] : f32 from vector<1xf32>
      %swap3A_2154 = arith.constant 17 : i32
      %swap3A_2155 = arith.index_cast %swap3A_2154 : i32 to index
      %swap3A_2156 = memref.load %arg13[%swap3A_2155] : memref<32xf32, #tpu.memory_space<smem>>
      memref.store %squeeze3A_2153, %arg13[%swap3A_2155] : memref<32xf32, #tpu.memory_space<smem>>
      %slice3A_2157 = vector.extract_strided_slice %get3A_2066 {offsets = [2], sizes = [1], strides = [1]} : vector<16xf32> to vector<1xf32>
      %squeeze3A_2158 = vector.extract %slice3A_2157[0] : f32 from vector<1xf32>
      %swap3A_2159 = arith.constant 18 : i32
      %swap3A_2160 = arith.index_cast %swap3A_2159 : i32 to index
      %swap3A_2161 = memref.load %arg13[%swap3A_2160] : memref<32xf32, #tpu.memory_space<smem>>
      memref.store %squeeze3A_2158, %arg13[%swap3A_2160] : memref<32xf32, #tpu.memory_space<smem>>
      %slice3A_2162 = vector.extract_strided_slice %get3A_2066 {offsets = [3], sizes = [1], strides = [1]} : vector<16xf32> to vector<1xf32>
      %squeeze3A_2163 = vector.extract %slice3A_2162[0] : f32 from vector<1xf32>
      %swap3A_2164 = arith.constant 19 : i32
      %swap3A_2165 = arith.index_cast %swap3A_2164 : i32 to index
      %swap3A_2166 = memref.load %arg13[%swap3A_2165] : memref<32xf32, #tpu.memory_space<smem>>
      memref.store %squeeze3A_2163, %arg13[%swap3A_2165] : memref<32xf32, #tpu.memory_space<smem>>
      %slice3A_2167 = vector.extract_strided_slice %get3A_2066 {offsets = [4], sizes = [1], strides = [1]} : vector<16xf32> to vector<1xf32>
      %squeeze3A_2168 = vector.extract %slice3A_2167[0] : f32 from vector<1xf32>
      %swap3A_2169 = arith.constant 20 : i32
      %swap3A_2170 = arith.index_cast %swap3A_2169 : i32 to index
      %swap3A_2171 = memref.load %arg13[%swap3A_2170] : memref<32xf32, #tpu.memory_space<smem>>
      memref.store %squeeze3A_2168, %arg13[%swap3A_2170] : memref<32xf32, #tpu.memory_space<smem>>
      %slice3A_2172 = vector.extract_strided_slice %get3A_2066 {offsets = [5], sizes = [1], strides = [1]} : vector<16xf32> to vector<1xf32>
      %squeeze3A_2173 = vector.extract %slice3A_2172[0] : f32 from vector<1xf32>
      %swap3A_2174 = arith.constant 21 : i32
      %swap3A_2175 = arith.index_cast %swap3A_2174 : i32 to index
      %swap3A_2176 = memref.load %arg13[%swap3A_2175] : memref<32xf32, #tpu.memory_space<smem>>
      memref.store %squeeze3A_2173, %arg13[%swap3A_2175] : memref<32xf32, #tpu.memory_space<smem>>
      %slice3A_2177 = vector.extract_strided_slice %get3A_2066 {offsets = [6], sizes = [1], strides = [1]} : vector<16xf32> to vector<1xf32>
      %squeeze3A_2178 = vector.extract %slice3A_2177[0] : f32 from vector<1xf32>
      %swap3A_2179 = arith.constant 22 : i32
      %swap3A_2180 = arith.index_cast %swap3A_2179 : i32 to index
      %swap3A_2181 = memref.load %arg13[%swap3A_2180] : memref<32xf32, #tpu.memory_space<smem>>
      memref.store %squeeze3A_2178, %arg13[%swap3A_2180] : memref<32xf32, #tpu.memory_space<smem>>
      %slice3A_2182 = vector.extract_strided_slice %get3A_2066 {offsets = [7], sizes = [1], strides = [1]} : vector<16xf32> to vector<1xf32>
      %squeeze3A_2183 = vector.extract %slice3A_2182[0] : f32 from vector<1xf32>
      %swap3A_2184 = arith.constant 23 : i32
      %swap3A_2185 = arith.index_cast %swap3A_2184 : i32 to index
      %swap3A_2186 = memref.load %arg13[%swap3A_2185] : memref<32xf32, #tpu.memory_space<smem>>
      memref.store %squeeze3A_2183, %arg13[%swap3A_2185] : memref<32xf32, #tpu.memory_space<smem>>
      %slice3A_2187 = vector.extract_strided_slice %get3A_2066 {offsets = [8], sizes = [1], strides = [1]} : vector<16xf32> to vector<1xf32>
      %squeeze3A_2188 = vector.extract %slice3A_2187[0] : f32 from vector<1xf32>
      %swap3A_2189 = arith.constant 24 : i32
      %swap3A_2190 = arith.index_cast %swap3A_2189 : i32 to index
      %swap3A_2191 = memref.load %arg13[%swap3A_2190] : memref<32xf32, #tpu.memory_space<smem>>
      memref.store %squeeze3A_2188, %arg13[%swap3A_2190] : memref<32xf32, #tpu.memory_space<smem>>
      %slice3A_2192 = vector.extract_strided_slice %get3A_2066 {offsets = [9], sizes = [1], strides = [1]} : vector<16xf32> to vector<1xf32>
      %squeeze3A_2193 = vector.extract %slice3A_2192[0] : f32 from vector<1xf32>
      %swap3A_2194 = arith.constant 25 : i32
      %swap3A_2195 = arith.index_cast %swap3A_2194 : i32 to index
      %swap3A_2196 = memref.load %arg13[%swap3A_2195] : memref<32xf32, #tpu.memory_space<smem>>
      memref.store %squeeze3A_2193, %arg13[%swap3A_2195] : memref<32xf32, #tpu.memory_space<smem>>
      %get3A_2197 = arith.constant 1 : i32
      %get3A_2198 = arith.index_cast %get3A_2197 : i32 to index
      %get3A_2199 = arith.constant 0 : index
      %get3A_2200 = tpu.vector_load %arg10[%get3A_2198, %get3A_2199] {strides = array<i32>} : memref<2x32xf32, #tpu.memory_space<vmem>>, vector<1x16xf32>,
      %get3A_2201 = vector.shape_cast %get3A_2200 : vector<1x16xf32> to vector<16xf32>
      %mul3A_2202 = arith.mulf %get3A_2201, %get3A_2062 : vector<16xf32>
      %get3A_2203 = arith.constant 1 : i32
      %get3A_2204 = arith.index_cast %get3A_2203 : i32 to index
      %get3A_2205 = arith.constant 16 : index
      %get3A_2206 = tpu.vector_load %arg10[%get3A_2204, %get3A_2205] {strides = array<i32>} : memref<2x32xf32, #tpu.memory_space<vmem>>, vector<1x16xf32>,
      %get3A_2207 = vector.shape_cast %get3A_2206 : vector<1x16xf32> to vector<16xf32>
      %mul3A_2208 = arith.mulf %get3A_2207, %get3A_2066 : vector<16xf32>
      %add3A_2209 = arith.addf %mul3A_2202, %mul3A_2208 : vector<16xf32>
      %broadcast_in_dim3A_2210 = arith.constant 0.000000e+00 : f32
      %broadcast_in_dim3A_2211 = vector.broadcast %broadcast_in_dim3A_2210 : f32 to vector<16xf32>
      %scan3A_2212 = arith.constant 0 : i32
      %scan3A_2213 = arith.constant 75 : i32
      %scan3A_2214 = arith.addi %scan3A_2212, %scan3A_2213 : i32
      %scan3A_2215 = arith.constant 1 : i32
      %scan3A_2216:4 = scf.for %scan3A_2300 = %scan3A_2212 to %scan3A_2214 step %scan3A_2215 iter_args(%scan3A_2301 = %add3A_2209, %scan3A_2302 = %broadcast_in_dim3A_2211, %scan3A_2303 = %broadcast_in_dim3A_2211, %scan3A_2304 = %broadcast_in_dim3A_2211) -> (vector<16xf32>, vector<16xf32>, vector<16xf32>, vector<16xf32>)  : i32 {
        %mul3A_2305 = arith.constant 4 : i32
        %mul3A_2306 = arith.muli %mul3A_2305, %scan3A_2300 : i32
        %add3A_2307 = arith.constant 0 : i32
        %add3A_2308 = arith.addi %mul3A_2306, %add3A_2307 : i32
        %get3A_2309 = arith.index_cast %add3A_2308 : i32 to index
        %get3A_2310 = memref.load %arg12[%get3A_2309] : memref<300xi32, #tpu.memory_space<smem>>
        %jit3A = arith.constant 32 : i32
        %div3A = arith.divsi %get3A_2310, %jit3A : i32
        %sign3A = arith.constant 0 : i32
        %sign3A_2311 = arith.cmpi sgt, %get3A_2310, %sign3A : i32
        %sign3A_2312 = arith.extui %sign3A_2311 : i1 to i32
        %sign3A_2313 = arith.constant 0 : i32
        %sign3A_2314 = arith.cmpi slt, %get3A_2310, %sign3A_2313 : i32
        %sign3A_2315 = arith.extui %sign3A_2314 : i1 to i32
        %sign3A_2316 = arith.subi %sign3A_2312, %sign3A_2315 : i32
        %sign3A_2317 = arith.constant 0 : i32
        %sign3A_2318 = arith.cmpi sgt, %jit3A, %sign3A_2317 : i32
        %sign3A_2319 = arith.extui %sign3A_2318 : i1 to i32
        %sign3A_2320 = arith.constant 0 : i32
        %sign3A_2321 = arith.cmpi slt, %jit3A, %sign3A_2320 : i32
        %sign3A_2322 = arith.extui %sign3A_2321 : i1 to i32
        %sign3A_2323 = arith.subi %sign3A_2319, %sign3A_2322 : i32
        %ne3A = arith.cmpi ne, %sign3A_2316, %sign3A_2323 : i32
        %rem3A = arith.remsi %get3A_2310, %jit3A : i32
        %ne3A_2324 = arith.constant 0 : i32
        %ne3A_2325 = arith.cmpi ne, %rem3A, %ne3A_2324 : i32
        %and3A_2326 = arith.andi %ne3A, %ne3A_2325 : i1
        %sub3A = arith.constant 1 : i32
        %sub3A_2327 = arith.subi %div3A, %sub3A : i32
        %select_n3A_2328 = arith.select %and3A_2326, %sub3A_2327, %div3A : i32
        %jit3A_2329 = arith.constant 32 : i32
        %eq3A_2330 = arith.constant 0 : i32
        %eq3A_2331 = arith.cmpi eq, %jit3A_2329, %eq3A_2330 : i32
        %jit3A_2332 = arith.constant 1 : i32
        %select_n3A_2333 = arith.select %eq3A_2331, %jit3A_2332, %jit3A_2329 : i32
        %rem3A_2334 = arith.remsi %get3A_2310, %select_n3A_2333 : i32
        %ne3A_2335 = arith.constant 0 : i32
        %ne3A_2336 = arith.cmpi ne, %rem3A_2334, %ne3A_2335 : i32
        %lt3A_2337 = arith.constant 0 : i32
        %lt3A_2338 = arith.cmpi slt, %rem3A_2334, %lt3A_2337 : i32
        %lt3A_2339 = arith.constant 0 : i32
        %lt3A_2340 = arith.cmpi slt, %select_n3A_2333, %lt3A_2339 : i32
        %ne3A_2341 = arith.xori %lt3A_2338, %lt3A_2340 : i1
        %and3A_2342 = arith.andi %ne3A_2341, %ne3A_2336 : i1
        %add3A_2343 = arith.addi %rem3A_2334, %select_n3A_2333 : i32
        %select_n3A_2344 = arith.select %and3A_2342, %add3A_2343, %rem3A_2334 : i32
        %get3A_2345 = arith.constant 1 : i32
        %get3A_2346 = arith.index_cast %get3A_2345 : i32 to index
        %get3A_2347 = arith.index_cast %select_n3A_2328 : i32 to index
        %get3A_2348 = arith.index_cast %select_n3A_2344 : i32 to index
        %get3A_2349 = arith.constant 0 : index
        %get3A_2350 = tpu.vector_load %arg9[%get3A_2346, %get3A_2347, %get3A_2348, %get3A_2349] {strides = array<i32>} : memref<2x25x32x16xf32, #tpu.memory_space<vmem>>, vector<1x1x1x16xf32>,
        %get3A_2351 = vector.shape_cast %get3A_2350 : vector<1x1x1x16xf32> to vector<16xf32>
        %get3A_2352 = arith.constant 1 : i32
        %get3A_2353 = arith.index_cast %get3A_2352 : i32 to index
        %get3A_2354 = arith.index_cast %select_n3A_2344 : i32 to index
        %get3A_2355 = arith.index_cast %select_n3A_2328 : i32 to index
        %get3A_2356 = arith.constant 0 : index
        %get3A_2357 = tpu.vector_load %arg9[%get3A_2353, %get3A_2354, %get3A_2355, %get3A_2356] {strides = array<i32>} : memref<2x25x32x16xf32, #tpu.memory_space<vmem>>, vector<1x1x1x16xf32>,
        %get3A_2358 = vector.shape_cast %get3A_2357 : vector<1x1x1x16xf32> to vector<16xf32>
        %mul3A_2359 = arith.mulf %get3A_2351, %get3A_2358 : vector<16xf32>
        %get3A_2360 = arith.index_cast %select_n3A_2328 : i32 to index
        %get3A_2361 = memref.load %arg13[%get3A_2360] : memref<32xf32, #tpu.memory_space<smem>>
        %get3A_2362 = arith.index_cast %select_n3A_2344 : i32 to index
        %get3A_2363 = memref.load %arg13[%get3A_2362] : memref<32xf32, #tpu.memory_space<smem>>
        %mul3A_2364 = arith.mulf %get3A_2361, %get3A_2363 : f32
        %mul3A_2365 = vector.broadcast %mul3A_2364 : f32 to vector<16xf32>
        %mul3A_2366 = arith.mulf %mul3A_2359, %mul3A_2365 : vector<16xf32>
        %add3A_2367 = arith.addf %scan3A_2301, %mul3A_2366 : vector<16xf32>
        %mul3A_2368 = arith.constant 4 : i32
        %mul3A_2369 = arith.muli %mul3A_2368, %scan3A_2300 : i32
        %add3A_2370 = arith.constant 1 : i32
        %add3A_2371 = arith.addi %mul3A_2369, %add3A_2370 : i32
        %get3A_2372 = arith.index_cast %add3A_2371 : i32 to index
        %get3A_2373 = memref.load %arg12[%get3A_2372] : memref<300xi32, #tpu.memory_space<smem>>
        %jit3A_2374 = arith.constant 32 : i32
        %div3A_2375 = arith.divsi %get3A_2373, %jit3A_2374 : i32
        %sign3A_2376 = arith.constant 0 : i32
        %sign3A_2377 = arith.cmpi sgt, %get3A_2373, %sign3A_2376 : i32
        %sign3A_2378 = arith.extui %sign3A_2377 : i1 to i32
        %sign3A_2379 = arith.constant 0 : i32
        %sign3A_2380 = arith.cmpi slt, %get3A_2373, %sign3A_2379 : i32
        %sign3A_2381 = arith.extui %sign3A_2380 : i1 to i32
        %sign3A_2382 = arith.subi %sign3A_2378, %sign3A_2381 : i32
        %sign3A_2383 = arith.constant 0 : i32
        %sign3A_2384 = arith.cmpi sgt, %jit3A_2374, %sign3A_2383 : i32
        %sign3A_2385 = arith.extui %sign3A_2384 : i1 to i32
        %sign3A_2386 = arith.constant 0 : i32
        %sign3A_2387 = arith.cmpi slt, %jit3A_2374, %sign3A_2386 : i32
        %sign3A_2388 = arith.extui %sign3A_2387 : i1 to i32
        %sign3A_2389 = arith.subi %sign3A_2385, %sign3A_2388 : i32
        %ne3A_2390 = arith.cmpi ne, %sign3A_2382, %sign3A_2389 : i32
        %rem3A_2391 = arith.remsi %get3A_2373, %jit3A_2374 : i32
        %ne3A_2392 = arith.constant 0 : i32
        %ne3A_2393 = arith.cmpi ne, %rem3A_2391, %ne3A_2392 : i32
        %and3A_2394 = arith.andi %ne3A_2390, %ne3A_2393 : i1
        %sub3A_2395 = arith.constant 1 : i32
        %sub3A_2396 = arith.subi %div3A_2375, %sub3A_2395 : i32
        %select_n3A_2397 = arith.select %and3A_2394, %sub3A_2396, %div3A_2375 : i32
        %jit3A_2398 = arith.constant 32 : i32
        %eq3A_2399 = arith.constant 0 : i32
        %eq3A_2400 = arith.cmpi eq, %jit3A_2398, %eq3A_2399 : i32
        %jit3A_2401 = arith.constant 1 : i32
        %select_n3A_2402 = arith.select %eq3A_2400, %jit3A_2401, %jit3A_2398 : i32
        %rem3A_2403 = arith.remsi %get3A_2373, %select_n3A_2402 : i32
        %ne3A_2404 = arith.constant 0 : i32
        %ne3A_2405 = arith.cmpi ne, %rem3A_2403, %ne3A_2404 : i32
        %lt3A_2406 = arith.constant 0 : i32
        %lt3A_2407 = arith.cmpi slt, %rem3A_2403, %lt3A_2406 : i32
        %lt3A_2408 = arith.constant 0 : i32
        %lt3A_2409 = arith.cmpi slt, %select_n3A_2402, %lt3A_2408 : i32
        %ne3A_2410 = arith.xori %lt3A_2407, %lt3A_2409 : i1
        %and3A_2411 = arith.andi %ne3A_2410, %ne3A_2405 : i1
        %add3A_2412 = arith.addi %rem3A_2403, %select_n3A_2402 : i32
        %select_n3A_2413 = arith.select %and3A_2411, %add3A_2412, %rem3A_2403 : i32
        %get3A_2414 = arith.constant 1 : i32
        %get3A_2415 = arith.index_cast %get3A_2414 : i32 to index
        %get3A_2416 = arith.index_cast %select_n3A_2397 : i32 to index
        %get3A_2417 = arith.index_cast %select_n3A_2413 : i32 to index
        %get3A_2418 = arith.constant 0 : index
        %get3A_2419 = tpu.vector_load %arg9[%get3A_2415, %get3A_2416, %get3A_2417, %get3A_2418] {strides = array<i32>} : memref<2x25x32x16xf32, #tpu.memory_space<vmem>>, vector<1x1x1x16xf32>,
        %get3A_2420 = vector.shape_cast %get3A_2419 : vector<1x1x1x16xf32> to vector<16xf32>
        %get3A_2421 = arith.constant 1 : i32
        %get3A_2422 = arith.index_cast %get3A_2421 : i32 to index
        %get3A_2423 = arith.index_cast %select_n3A_2413 : i32 to index
        %get3A_2424 = arith.index_cast %select_n3A_2397 : i32 to index
        %get3A_2425 = arith.constant 0 : index
        %get3A_2426 = tpu.vector_load %arg9[%get3A_2422, %get3A_2423, %get3A_2424, %get3A_2425] {strides = array<i32>} : memref<2x25x32x16xf32, #tpu.memory_space<vmem>>, vector<1x1x1x16xf32>,
        %get3A_2427 = vector.shape_cast %get3A_2426 : vector<1x1x1x16xf32> to vector<16xf32>
        %mul3A_2428 = arith.mulf %get3A_2420, %get3A_2427 : vector<16xf32>
        %get3A_2429 = arith.index_cast %select_n3A_2397 : i32 to index
        %get3A_2430 = memref.load %arg13[%get3A_2429] : memref<32xf32, #tpu.memory_space<smem>>
        %get3A_2431 = arith.index_cast %select_n3A_2413 : i32 to index
        %get3A_2432 = memref.load %arg13[%get3A_2431] : memref<32xf32, #tpu.memory_space<smem>>
        %mul3A_2433 = arith.mulf %get3A_2430, %get3A_2432 : f32
        %mul3A_2434 = vector.broadcast %mul3A_2433 : f32 to vector<16xf32>
        %mul3A_2435 = arith.mulf %mul3A_2428, %mul3A_2434 : vector<16xf32>
        %add3A_2436 = arith.addf %scan3A_2302, %mul3A_2435 : vector<16xf32>
        %mul3A_2437 = arith.constant 4 : i32
        %mul3A_2438 = arith.muli %mul3A_2437, %scan3A_2300 : i32
        %add3A_2439 = arith.constant 2 : i32
        %add3A_2440 = arith.addi %mul3A_2438, %add3A_2439 : i32
        %get3A_2441 = arith.index_cast %add3A_2440 : i32 to index
        %get3A_2442 = memref.load %arg12[%get3A_2441] : memref<300xi32, #tpu.memory_space<smem>>
        %jit3A_2443 = arith.constant 32 : i32
        %div3A_2444 = arith.divsi %get3A_2442, %jit3A_2443 : i32
        %sign3A_2445 = arith.constant 0 : i32
        %sign3A_2446 = arith.cmpi sgt, %get3A_2442, %sign3A_2445 : i32
        %sign3A_2447 = arith.extui %sign3A_2446 : i1 to i32
        %sign3A_2448 = arith.constant 0 : i32
        %sign3A_2449 = arith.cmpi slt, %get3A_2442, %sign3A_2448 : i32
        %sign3A_2450 = arith.extui %sign3A_2449 : i1 to i32
        %sign3A_2451 = arith.subi %sign3A_2447, %sign3A_2450 : i32
        %sign3A_2452 = arith.constant 0 : i32
        %sign3A_2453 = arith.cmpi sgt, %jit3A_2443, %sign3A_2452 : i32
        %sign3A_2454 = arith.extui %sign3A_2453 : i1 to i32
        %sign3A_2455 = arith.constant 0 : i32
        %sign3A_2456 = arith.cmpi slt, %jit3A_2443, %sign3A_2455 : i32
        %sign3A_2457 = arith.extui %sign3A_2456 : i1 to i32
        %sign3A_2458 = arith.subi %sign3A_2454, %sign3A_2457 : i32
        %ne3A_2459 = arith.cmpi ne, %sign3A_2451, %sign3A_2458 : i32
        %rem3A_2460 = arith.remsi %get3A_2442, %jit3A_2443 : i32
        %ne3A_2461 = arith.constant 0 : i32
        %ne3A_2462 = arith.cmpi ne, %rem3A_2460, %ne3A_2461 : i32
        %and3A_2463 = arith.andi %ne3A_2459, %ne3A_2462 : i1
        %sub3A_2464 = arith.constant 1 : i32
        %sub3A_2465 = arith.subi %div3A_2444, %sub3A_2464 : i32
        %select_n3A_2466 = arith.select %and3A_2463, %sub3A_2465, %div3A_2444 : i32
        %jit3A_2467 = arith.constant 32 : i32
        %eq3A_2468 = arith.constant 0 : i32
        %eq3A_2469 = arith.cmpi eq, %jit3A_2467, %eq3A_2468 : i32
        %jit3A_2470 = arith.constant 1 : i32
        %select_n3A_2471 = arith.select %eq3A_2469, %jit3A_2470, %jit3A_2467 : i32
        %rem3A_2472 = arith.remsi %get3A_2442, %select_n3A_2471 : i32
        %ne3A_2473 = arith.constant 0 : i32
        %ne3A_2474 = arith.cmpi ne, %rem3A_2472, %ne3A_2473 : i32
        %lt3A_2475 = arith.constant 0 : i32
        %lt3A_2476 = arith.cmpi slt, %rem3A_2472, %lt3A_2475 : i32
        %lt3A_2477 = arith.constant 0 : i32
        %lt3A_2478 = arith.cmpi slt, %select_n3A_2471, %lt3A_2477 : i32
        %ne3A_2479 = arith.xori %lt3A_2476, %lt3A_2478 : i1
        %and3A_2480 = arith.andi %ne3A_2479, %ne3A_2474 : i1
        %add3A_2481 = arith.addi %rem3A_2472, %select_n3A_2471 : i32
        %select_n3A_2482 = arith.select %and3A_2480, %add3A_2481, %rem3A_2472 : i32
        %get3A_2483 = arith.constant 1 : i32
        %get3A_2484 = arith.index_cast %get3A_2483 : i32 to index
        %get3A_2485 = arith.index_cast %select_n3A_2466 : i32 to index
        %get3A_2486 = arith.index_cast %select_n3A_2482 : i32 to index
        %get3A_2487 = arith.constant 0 : index
        %get3A_2488 = tpu.vector_load %arg9[%get3A_2484, %get3A_2485, %get3A_2486, %get3A_2487] {strides = array<i32>} : memref<2x25x32x16xf32, #tpu.memory_space<vmem>>, vector<1x1x1x16xf32>,
        %get3A_2489 = vector.shape_cast %get3A_2488 : vector<1x1x1x16xf32> to vector<16xf32>
        %get3A_2490 = arith.constant 1 : i32
        %get3A_2491 = arith.index_cast %get3A_2490 : i32 to index
        %get3A_2492 = arith.index_cast %select_n3A_2482 : i32 to index
        %get3A_2493 = arith.index_cast %select_n3A_2466 : i32 to index
        %get3A_2494 = arith.constant 0 : index
        %get3A_2495 = tpu.vector_load %arg9[%get3A_2491, %get3A_2492, %get3A_2493, %get3A_2494] {strides = array<i32>} : memref<2x25x32x16xf32, #tpu.memory_space<vmem>>, vector<1x1x1x16xf32>,
        %get3A_2496 = vector.shape_cast %get3A_2495 : vector<1x1x1x16xf32> to vector<16xf32>
        %mul3A_2497 = arith.mulf %get3A_2489, %get3A_2496 : vector<16xf32>
        %get3A_2498 = arith.index_cast %select_n3A_2466 : i32 to index
        %get3A_2499 = memref.load %arg13[%get3A_2498] : memref<32xf32, #tpu.memory_space<smem>>
        %get3A_2500 = arith.index_cast %select_n3A_2482 : i32 to index
        %get3A_2501 = memref.load %arg13[%get3A_2500] : memref<32xf32, #tpu.memory_space<smem>>
        %mul3A_2502 = arith.mulf %get3A_2499, %get3A_2501 : f32
        %mul3A_2503 = vector.broadcast %mul3A_2502 : f32 to vector<16xf32>
        %mul3A_2504 = arith.mulf %mul3A_2497, %mul3A_2503 : vector<16xf32>
        %add3A_2505 = arith.addf %scan3A_2303, %mul3A_2504 : vector<16xf32>
        %mul3A_2506 = arith.constant 4 : i32
        %mul3A_2507 = arith.muli %mul3A_2506, %scan3A_2300 : i32
        %add3A_2508 = arith.constant 3 : i32
        %add3A_2509 = arith.addi %mul3A_2507, %add3A_2508 : i32
        %get3A_2510 = arith.index_cast %add3A_2509 : i32 to index
        %get3A_2511 = memref.load %arg12[%get3A_2510] : memref<300xi32, #tpu.memory_space<smem>>
        %jit3A_2512 = arith.constant 32 : i32
        %div3A_2513 = arith.divsi %get3A_2511, %jit3A_2512 : i32
        %sign3A_2514 = arith.constant 0 : i32
        %sign3A_2515 = arith.cmpi sgt, %get3A_2511, %sign3A_2514 : i32
        %sign3A_2516 = arith.extui %sign3A_2515 : i1 to i32
        %sign3A_2517 = arith.constant 0 : i32
        %sign3A_2518 = arith.cmpi slt, %get3A_2511, %sign3A_2517 : i32
        %sign3A_2519 = arith.extui %sign3A_2518 : i1 to i32
        %sign3A_2520 = arith.subi %sign3A_2516, %sign3A_2519 : i32
        %sign3A_2521 = arith.constant 0 : i32
        %sign3A_2522 = arith.cmpi sgt, %jit3A_2512, %sign3A_2521 : i32
        %sign3A_2523 = arith.extui %sign3A_2522 : i1 to i32
        %sign3A_2524 = arith.constant 0 : i32
        %sign3A_2525 = arith.cmpi slt, %jit3A_2512, %sign3A_2524 : i32
        %sign3A_2526 = arith.extui %sign3A_2525 : i1 to i32
        %sign3A_2527 = arith.subi %sign3A_2523, %sign3A_2526 : i32
        %ne3A_2528 = arith.cmpi ne, %sign3A_2520, %sign3A_2527 : i32
        %rem3A_2529 = arith.remsi %get3A_2511, %jit3A_2512 : i32
        %ne3A_2530 = arith.constant 0 : i32
        %ne3A_2531 = arith.cmpi ne, %rem3A_2529, %ne3A_2530 : i32
        %and3A_2532 = arith.andi %ne3A_2528, %ne3A_2531 : i1
        %sub3A_2533 = arith.constant 1 : i32
        %sub3A_2534 = arith.subi %div3A_2513, %sub3A_2533 : i32
        %select_n3A_2535 = arith.select %and3A_2532, %sub3A_2534, %div3A_2513 : i32
        %jit3A_2536 = arith.constant 32 : i32
        %eq3A_2537 = arith.constant 0 : i32
        %eq3A_2538 = arith.cmpi eq, %jit3A_2536, %eq3A_2537 : i32
        %jit3A_2539 = arith.constant 1 : i32
        %select_n3A_2540 = arith.select %eq3A_2538, %jit3A_2539, %jit3A_2536 : i32
        %rem3A_2541 = arith.remsi %get3A_2511, %select_n3A_2540 : i32
        %ne3A_2542 = arith.constant 0 : i32
        %ne3A_2543 = arith.cmpi ne, %rem3A_2541, %ne3A_2542 : i32
        %lt3A_2544 = arith.constant 0 : i32
        %lt3A_2545 = arith.cmpi slt, %rem3A_2541, %lt3A_2544 : i32
        %lt3A_2546 = arith.constant 0 : i32
        %lt3A_2547 = arith.cmpi slt, %select_n3A_2540, %lt3A_2546 : i32
        %ne3A_2548 = arith.xori %lt3A_2545, %lt3A_2547 : i1
        %and3A_2549 = arith.andi %ne3A_2548, %ne3A_2543 : i1
        %add3A_2550 = arith.addi %rem3A_2541, %select_n3A_2540 : i32
        %select_n3A_2551 = arith.select %and3A_2549, %add3A_2550, %rem3A_2541 : i32
        %get3A_2552 = arith.constant 1 : i32
        %get3A_2553 = arith.index_cast %get3A_2552 : i32 to index
        %get3A_2554 = arith.index_cast %select_n3A_2535 : i32 to index
        %get3A_2555 = arith.index_cast %select_n3A_2551 : i32 to index
        %get3A_2556 = arith.constant 0 : index
        %get3A_2557 = tpu.vector_load %arg9[%get3A_2553, %get3A_2554, %get3A_2555, %get3A_2556] {strides = array<i32>} : memref<2x25x32x16xf32, #tpu.memory_space<vmem>>, vector<1x1x1x16xf32>,
        %get3A_2558 = vector.shape_cast %get3A_2557 : vector<1x1x1x16xf32> to vector<16xf32>
        %get3A_2559 = arith.constant 1 : i32
        %get3A_2560 = arith.index_cast %get3A_2559 : i32 to index
        %get3A_2561 = arith.index_cast %select_n3A_2551 : i32 to index
        %get3A_2562 = arith.index_cast %select_n3A_2535 : i32 to index
        %get3A_2563 = arith.constant 0 : index
        %get3A_2564 = tpu.vector_load %arg9[%get3A_2560, %get3A_2561, %get3A_2562, %get3A_2563] {strides = array<i32>} : memref<2x25x32x16xf32, #tpu.memory_space<vmem>>, vector<1x1x1x16xf32>,
        %get3A_2565 = vector.shape_cast %get3A_2564 : vector<1x1x1x16xf32> to vector<16xf32>
        %mul3A_2566 = arith.mulf %get3A_2558, %get3A_2565 : vector<16xf32>
        %get3A_2567 = arith.index_cast %select_n3A_2535 : i32 to index
        %get3A_2568 = memref.load %arg13[%get3A_2567] : memref<32xf32, #tpu.memory_space<smem>>
        %get3A_2569 = arith.index_cast %select_n3A_2551 : i32 to index
        %get3A_2570 = memref.load %arg13[%get3A_2569] : memref<32xf32, #tpu.memory_space<smem>>
        %mul3A_2571 = arith.mulf %get3A_2568, %get3A_2570 : f32
        %mul3A_2572 = vector.broadcast %mul3A_2571 : f32 to vector<16xf32>
        %mul3A_2573 = arith.mulf %mul3A_2566, %mul3A_2572 : vector<16xf32>
        %add3A_2574 = arith.addf %scan3A_2304, %mul3A_2573 : vector<16xf32>
        scf.yield %add3A_2367, %add3A_2436, %add3A_2505, %add3A_2574 : vector<16xf32>, vector<16xf32>, vector<16xf32>, vector<16xf32>
      }
      %scan3A_2217 = arith.constant 75 : i32
      %add3A_2218 = arith.addf %scan3A_2216#0, %scan3A_2216#1 : vector<16xf32>
      %add3A_2219 = arith.addf %scan3A_2216#2, %scan3A_2216#3 : vector<16xf32>
      %add3A_2220 = arith.addf %add3A_2218, %add3A_2219 : vector<16xf32>
      %xor3A_2221 = arith.constant 8 : i32
      %xor3A_2222 = vector.broadcast %xor3A_2221 : i32 to vector<16xi32>
      %xor3A_2223 = arith.xori %iota3A, %xor3A_2222 : vector<16xi32>
      %lt3A_2224 = arith.constant 0 : i32
      %lt3A_2225 = vector.broadcast %lt3A_2224 : i32 to vector<16xi32>
      %lt3A_2226 = arith.cmpi slt, %xor3A_2223, %lt3A_2225 : vector<16xi32>
      %add3A_2227 = arith.constant 16 : i32
      %add3A_2228 = vector.broadcast %add3A_2227 : i32 to vector<16xi32>
      %add3A_2229 = arith.addi %xor3A_2223, %add3A_2228 : vector<16xi32>
      %select_n3A_2230 = arith.select %lt3A_2226, %add3A_2229, %xor3A_2223 : vector<16xi1>, vector<16xi32>
      %broadcast_in_dim3A_2231 = vector.shape_cast %select_n3A_2230 : vector<16xi32> to vector<16x1xi32>
      %gather3A_2232 = vector.shape_cast %broadcast_in_dim3A_2231 : vector<16x1xi32> to vector<16xi32>
      %gather3A_2233 = tpu.dynamic_gather %add3A_2220[%gather3A_2232] in [0] : vector<16xf32>, vector<16xi32> -> vector<16xf32>
      %add3A_2234 = arith.addf %add3A_2220, %gather3A_2233 : vector<16xf32>
      %xor3A_2235 = arith.constant 4 : i32
      %xor3A_2236 = vector.broadcast %xor3A_2235 : i32 to vector<16xi32>
      %xor3A_2237 = arith.xori %iota3A, %xor3A_2236 : vector<16xi32>
      %lt3A_2238 = arith.constant 0 : i32
      %lt3A_2239 = vector.broadcast %lt3A_2238 : i32 to vector<16xi32>
      %lt3A_2240 = arith.cmpi slt, %xor3A_2237, %lt3A_2239 : vector<16xi32>
      %add3A_2241 = arith.constant 16 : i32
      %add3A_2242 = vector.broadcast %add3A_2241 : i32 to vector<16xi32>
      %add3A_2243 = arith.addi %xor3A_2237, %add3A_2242 : vector<16xi32>
      %select_n3A_2244 = arith.select %lt3A_2240, %add3A_2243, %xor3A_2237 : vector<16xi1>, vector<16xi32>
      %broadcast_in_dim3A_2245 = vector.shape_cast %select_n3A_2244 : vector<16xi32> to vector<16x1xi32>
      %gather3A_2246 = vector.shape_cast %broadcast_in_dim3A_2245 : vector<16x1xi32> to vector<16xi32>
      %gather3A_2247 = tpu.dynamic_gather %add3A_2234[%gather3A_2246] in [0] : vector<16xf32>, vector<16xi32> -> vector<16xf32>
      %add3A_2248 = arith.addf %add3A_2234, %gather3A_2247 : vector<16xf32>
      %xor3A_2249 = arith.constant 2 : i32
      %xor3A_2250 = vector.broadcast %xor3A_2249 : i32 to vector<16xi32>
      %xor3A_2251 = arith.xori %iota3A, %xor3A_2250 : vector<16xi32>
      %lt3A_2252 = arith.constant 0 : i32
      %lt3A_2253 = vector.broadcast %lt3A_2252 : i32 to vector<16xi32>
      %lt3A_2254 = arith.cmpi slt, %xor3A_2251, %lt3A_2253 : vector<16xi32>
      %add3A_2255 = arith.constant 16 : i32
      %add3A_2256 = vector.broadcast %add3A_2255 : i32 to vector<16xi32>
      %add3A_2257 = arith.addi %xor3A_2251, %add3A_2256 : vector<16xi32>
      %select_n3A_2258 = arith.select %lt3A_2254, %add3A_2257, %xor3A_2251 : vector<16xi1>, vector<16xi32>
      %broadcast_in_dim3A_2259 = vector.shape_cast %select_n3A_2258 : vector<16xi32> to vector<16x1xi32>
      %gather3A_2260 = vector.shape_cast %broadcast_in_dim3A_2259 : vector<16x1xi32> to vector<16xi32>
      %gather3A_2261 = tpu.dynamic_gather %add3A_2248[%gather3A_2260] in [0] : vector<16xf32>, vector<16xi32> -> vector<16xf32>
      %add3A_2262 = arith.addf %add3A_2248, %gather3A_2261 : vector<16xf32>
      %xor3A_2263 = arith.constant 1 : i32
      %xor3A_2264 = vector.broadcast %xor3A_2263 : i32 to vector<16xi32>
      %xor3A_2265 = arith.xori %iota3A, %xor3A_2264 : vector<16xi32>
      %lt3A_2266 = arith.constant 0 : i32
      %lt3A_2267 = vector.broadcast %lt3A_2266 : i32 to vector<16xi32>
      %lt3A_2268 = arith.cmpi slt, %xor3A_2265, %lt3A_2267 : vector<16xi32>
      %add3A_2269 = arith.constant 16 : i32
      %add3A_2270 = vector.broadcast %add3A_2269 : i32 to vector<16xi32>
      %add3A_2271 = arith.addi %xor3A_2265, %add3A_2270 : vector<16xi32>
      %select_n3A_2272 = arith.select %lt3A_2268, %add3A_2271, %xor3A_2265 : vector<16xi1>, vector<16xi32>
      %broadcast_in_dim3A_2273 = vector.shape_cast %select_n3A_2272 : vector<16xi32> to vector<16x1xi32>
      %gather3A_2274 = vector.shape_cast %broadcast_in_dim3A_2273 : vector<16x1xi32> to vector<16xi32>
      %gather3A_2275 = tpu.dynamic_gather %add3A_2262[%gather3A_2274] in [0] : vector<16xf32>, vector<16xi32> -> vector<16xf32>
      %add3A_2276 = arith.addf %add3A_2262, %gather3A_2275 : vector<16xf32>
      %and3A_2277 = arith.constant 15 : i32
      %and3A_2278 = arith.andi %add3A_2058, %and3A_2277 : i32
      %eq3A_2279 = vector.broadcast %and3A_2278 : i32 to vector<16xi32>
      %eq3A_2280 = arith.cmpi eq, %iota3A, %eq3A_2279 : vector<16xi32>
      %select_n3A_2281 = arith.select %eq3A_2280, %add3A_2276, %select_n3A_1593 : vector<16xi1>, vector<16xf32>
      %add3A_2282 = arith.constant 1 : i32
      %add3A_2283 = arith.addi %mul3A_485, %add3A_2282 : i32
      %and3A_2284 = arith.constant 15 : i32
      %and3A_2285 = arith.andi %add3A_2283, %and3A_2284 : i32
      %eq3A_2286 = arith.constant 15 : i32
      %eq3A_2287 = arith.cmpi eq, %and3A_2285, %eq3A_2286 : i32
      %convert_element_type3A_2288 = arith.extui %eq3A_2287 : i1 to i32
      %cond3A_2289 = arith.constant 0 : i32
      %cond3A_2290 = arith.cmpi ne, %convert_element_type3A_2288, %cond3A_2289 : i32
      scf.if %cond3A_2290 {
        %add3A_2300 = arith.constant 1 : i32
        %add3A_2301 = arith.addi %mul3A_485, %add3A_2300 : i32
        %sub3A = arith.constant 15 : i32
        %sub3A_2302 = arith.subi %add3A_2301, %sub3A : i32
        %swap3A_2303 = arith.index_cast %sub3A_2302 : i32 to index
        %swap3A_2304 = tpu.vector_load %arg11[%swap3A_2303] {strides = array<i32>} : memref<128xf32, #tpu.memory_space<vmem>>, vector<16xf32>,
        %swap3A_2305 = vector.shape_cast %swap3A_2304 : vector<16xf32> to vector<16xf32>
        %swap3A_2306 = vector.shape_cast %select_n3A_2281 : vector<16xf32> to vector<16xf32>
        tpu.vector_store %arg11[%swap3A_2303], %swap3A_2306 {strides = array<i32>} : memref<128xf32, #tpu.memory_space<vmem>>, vector<16xf32>,
      } else {
      }
      %add3A_2291 = arith.constant 1 : i32
      %add3A_2292 = arith.addi %mul3A_485, %add3A_2291 : i32
      %and3A_2293 = arith.constant 15 : i32
      %and3A_2294 = arith.andi %add3A_2292, %and3A_2293 : i32
      %eq3A_2295 = arith.constant 15 : i32
      %eq3A_2296 = arith.cmpi eq, %and3A_2294, %eq3A_2295 : i32
      %broadcast_in_dim3A_2297 = arith.constant 0.000000e+00 : f32
      %broadcast_in_dim3A_2298 = vector.broadcast %broadcast_in_dim3A_2297 : f32 to vector<16xf32>
      %select_n3A_2299 = arith.select %eq3A_2296, %broadcast_in_dim3A_2298, %select_n3A_2281 : vector<16xf32>
      scf.yield %select_n3A_2299 : vector<16xf32>
    }
    %scan3A_474 = arith.constant 64 : i32
    %scan3A_475 = arith.constant 0 : i32
    %scan3A_476 = arith.constant 0 : i32
    %scan3A_477 = arith.constant 8 : i32
    %scan3A_478 = arith.addi %scan3A_476, %scan3A_477 : i32
    %scan3A_479 = arith.constant 1 : i32
    %scan3A_480 = scf.for %scan3A_482 = %scan3A_476 to %scan3A_478 step %scan3A_479 iter_args(%scan3A_483 = %scan3A_475) -> (i32)  : i32 {
      %mul3A_484 = arith.constant 16 : i32
      %mul3A_485 = arith.muli %scan3A_482, %mul3A_484 : i32
      %get3A = arith.index_cast %mul3A_485 : i32 to index
      %get3A_486 = tpu.vector_load %arg11[%get3A] {strides = array<i32>} : memref<128xf32, #tpu.memory_space<vmem>>, vector<16xf32>,
      %get3A_487 = vector.shape_cast %get3A_486 : vector<16xf32> to vector<16xf32>
      %neg3A = arith.constant 0.000000e+00 : f32
      %neg3A_488 = vector.broadcast %neg3A : f32 to vector<16xf32>
      %neg3A_489 = arith.subf %neg3A_488, %get3A_487 : vector<16xf32>
      %exp3A = math.exp %neg3A_489 : vector<16xf32>
      %add3A_490 = arith.constant 1.000000e+00 : f32
      %add3A_491 = vector.broadcast %add3A_490 : f32 to vector<16xf32>
      %add3A_492 = arith.addf %add3A_491, %exp3A : vector<16xf32>
      %div3A = arith.constant 1.000000e+00 : f32
      %div3A_493 = vector.broadcast %div3A : f32 to vector<16xf32>
      %div3A_494 = arith.divf %div3A_493, %add3A_492 : vector<16xf32>
      %mul3A_495 = arith.constant 16 : i32
      %mul3A_496 = arith.muli %scan3A_482, %mul3A_495 : i32
      %swap3A = arith.index_cast %mul3A_496 : i32 to index
      %swap3A_497 = tpu.vector_load %arg11[%swap3A] {strides = array<i32>} : memref<128xf32, #tpu.memory_space<vmem>>, vector<16xf32>,
      %swap3A_498 = vector.shape_cast %swap3A_497 : vector<16xf32> to vector<16xf32>
      %swap3A_499 = vector.shape_cast %div3A_494 : vector<16xf32> to vector<16xf32>
      tpu.vector_store %arg11[%swap3A], %swap3A_499 {strides = array<i32>} : memref<128xf32, #tpu.memory_space<vmem>>, vector<16xf32>,
      %scan3A_500 = arith.constant 0 : i32
      scf.yield %scan3A_500 : i32
    }
    %scan3A_481 = arith.constant 8 : i32
    "tpu.region"() ({
      %run_scoped3A = tpu.sem_alloc : memref<!tpu.dma_semaphore, #tpu.memory_space<semaphore_mem>>
      %dma_start3A_482 = tpu.memref_slice %arg6[%mul3A_2] : memref<4096xf32, #tpu.memory_space<hbm>> -> memref<128xf32, #tpu.memory_space<hbm>>
      %dma_start3A_483 = tpu.memref_slice %arg6[%mul3A_2] : memref<4096xf32, #tpu.memory_space<hbm>> -> memref<128xf32, #tpu.memory_space<hbm>>
      tpu.enqueue_dma source(%arg11 : memref<128xf32, #tpu.memory_space<vmem>>) target(%dma_start3A_483 : memref<128xf32, #tpu.memory_space<hbm>>) target_semaphore(%run_scoped3A : memref<!tpu.dma_semaphore, #tpu.memory_space<semaphore_mem>>)
      %dma_wait3A = tpu.memref_slice %arg6[%mul3A_2] : memref<4096xf32, #tpu.memory_space<hbm>> -> memref<128xf32, #tpu.memory_space<hbm>>
      %dma_wait3A_484 = tpu.memref_slice %arg6[%mul3A_2] : memref<4096xf32, #tpu.memory_space<hbm>> -> memref<128xf32, #tpu.memory_space<hbm>>
      tpu.wait_dma2 semaphore(%run_scoped3A : memref<!tpu.dma_semaphore, #tpu.memory_space<semaphore_mem>>) src(%arg11 : memref<128xf32, #tpu.memory_space<vmem>>) dst(%dma_wait3A_484 : memref<128xf32, #tpu.memory_space<hbm>>)
      tpu.yield
    }) : () -> ()
    return
  }
}

</mosaic_0001>

<sc_bundles>
// kernel: _ffm_call.3.cloned.1.call-start
scs
__scs_entry_jumppad:
0x0: {  	(pc) =	sbr.rel $0x88, $3  }
0x1: {  	(tag) =	ssettag $0x0;
	lr =	simm.s32 $0x1  }
0x2: {  	[smem:$0x3F9D] =	sst lr;
	_ =	strace $0xD0000000  }
0x3: {  	_ = 	snop  }
0x4: {  	_ = 	snop  }
0x5: {  	_ = 	snop  }
0x6: {  	_ = 	snop  }
0x7: {  	_ = 	snop  }
__scs_overlays_trampoline_lowered:
0x8: {  	[smem:$0x3FAC] =	sst s0  }
0x9: {  	[smem:$0x3FAD] =	sst s1  }
0xa: {  	[smem:$0x3FAE] =	sst s2  }
0xb: {  	[smem:$0x3FAF] =	sst s3  }
0xc: {  	[smem:$0x3FB0] =	sst s4  }
0xd: {  	[smem:$0x3FB1] =	sst s5  }
0xe: {  	[smem:$0x3FB2] =	sst s6  }
0xf: {  	[smem:$0x3FB3] =	sst s7  }
0x10: {  	[smem:$0x3FB4] =	sst s8  }
0x11: {  	[smem:$0x3FB5] =	sst s9;
	s0 =	simm.s32 @!p0 $0x0  }
0x12: {  	s1 =	sld [smem:$0x3F9B];
	s0 =	simm.s32 @p0 $0x1  }
0x13: {  	[smem:$0x3FB6] =	sst s0;
	s0 =	simm.s32 @!p1 $0x0  }
0x14: {  	s2 =	sld [smem:$0x3F9A];
	s0 =	simm.s32 @p1 $0x1  }
0x15: {  	[smem:$0x3FB7] =	sst s0;
	s0 =	simm.s32 @!p2 $0x0  }
0x16: {  	s3 =	sld [smem:$0x3FDB];
	s0 =	simm.s32 @p2 $0x1  }
0x17: {  	s4 =	simm.s32 $0x1BF5;
	[smem:$0x3FB9] =	sst s0  }
0x18: {  	s0 =	sld [smem:$0x3F9C];
	_ =	swait.ge [sflag:s4], $0x0  }
0x19: {  	s7 =	sld [smem:$0x3F9D]  }
0x1a: {  	s8 =	sadd.s32 $0xFFFFE003, lr  }
0x1b: {  	s9 =	sadd.s32 $0xFFFFFEF7, lr;
	s5 =	simm.s32 $0xFFFFFFFF;
	p2 =	slt.u32 s8, $0xFFFFF086  }
0x1c: {  	p1 =	slt.u32 s9, $0xF7A;
	s5 =	simm.s32 @!p2 $0x0  }
0x1d: {  	s5 =	simm.s32 @p1 $0x1;
	p0 =	seq.s32 s7, s2  }
0x1e: {  	s7 =	smul.u32 @!p0 $0xF7A, s2;
	p2 =	seq.s32 @!p0 s5, $0x0  }
0x1f: {  	s9 =	smul.u32 $0xF7A, s1;
	s8 =	simm.s32 @!p0 $0x1BF5;
	p2 =	por !p2, p0  }
0x20: {  	[sflag:s8] =	ssyncset.s32 @!p0 $0xFFFFF086;
	s6 =	sadd.s32 @!p0 s3, s7;
	s7 =	simm.s32 @!p0 $0x108  }
0x21: {  	s3 =	sadd.s32 s3, s9;
	s6 =	sadd.s32 @!p0 $0x88, s6;
	s7 =	simm.s32 @p2 $0x1082  }
0x22: {  	[simem:s7], [sflag:s8] =	dma.local @!p0 [hbm:s6], $0xF7A  }
0x23: {  	s9 =	sor.u32 $0xD0000000, s2;
	s6 =	simm.s32 $0x108;
	_ =	swait.ge @!p0 [sflag:s8], $0x0  }
0x24: {  	s3 =	sadd.s32 $0x88, s3;
	s6 =	simm.s32 @!p1 $0x1082;
	[sflag:s4] =	ssyncset.s32 $0xFFFFF086  }
0x25: {  	[simem:s6], [sflag:s4] =	dma.local [hbm:s3], $0xF7A  }
0x26: {  	[smem:$0x3F9D] =	sst s1;
	(tag) =	ssettag s2;
	_ =	strace s9  }
0x27: {  	s1 =	sld [smem:$0x3FAD]  }
0x28: {  	s2 =	sld [smem:$0x3FAE]  }
0x29: {  	s4 =	sld [smem:$0x3FB0]  }
0x2a: {  	p0 =	seq.s32 s5, $0x0;
	s5 =	sld [smem:$0x3FB1]  }
0x2b: {  	s6 =	sld [smem:$0x3FB2]  }
0x2c: {  	s7 =	sld [smem:$0x3FB3]  }
0x2d: {  	s3 =	simm.s32 $0x108;
	s8 =	sld [smem:$0x3FB4]  }
0x2e: {  	s3 =	simm.s32 @!p0 $0x1082;
	s9 =	sld [smem:$0x3FB5]  }
0x2f: {  	lr =	sadd.s32 s0, s3;
	s0 =	sld [smem:$0x3FAC]  }
0x30: {  	s3 =	sld [smem:$0x3FAF]  }
0x31: {  	[smem:$0x3FB8] =	sst s10  }
0x32: {  	s10 =	sld [smem:$0x3FB6];
	_ =	sdelay $0x3  }
0x33: {  	p0 =	seq.s32 s10, $0x1;
	s10 =	sld [smem:$0x3FB8];
	_ =	sdelay $0x3  }
0x34: {  	[smem:$0x3FB8] =	sst s10  }
0x35: {  	s10 =	sld [smem:$0x3FB7];
	_ =	sdelay $0x3  }
0x36: {  	p1 =	seq.s32 s10, $0x1;
	s10 =	sld [smem:$0x3FB8];
	_ =	sdelay $0x3  }
0x37: {  	[smem:$0x3FB8] =	sst s10  }
0x38: {  	s10 =	sld [smem:$0x3FB9]  }
0x39: {  	_ = 	snop;
	(pc) =	sbr.ind lr, $3  }
0x3a: {  	_ = 	snop  }
0x3b: {  	_ = 	snop  }
0x3c: {  	p2 =	seq.s32 s10, $0x1;
	s10 =	sld [smem:$0x3FB8]  }
0x3d: {  	_ =	shalt  }
0x3e: {  	_ =	shalt  }
0x3f: {  	_ =	shalt  }
0x40: {  	_ =	shalt  }
0x41: {  	_ =	shalt  }
0x42: {  	_ =	shalt  }
0x43: {  	_ =	shalt  }
0x44: {  	_ =	shalt  }
0x45: {  	_ =	shalt  }
0x46: {  	_ =	shalt  }
0x47: {  	_ =	shalt  }
0x48: {  	_ =	shalt  }
0x49: {  	_ =	shalt  }
0x4a: {  	_ =	shalt  }
0x4b: {  	_ =	shalt  }
0x4c: {  	_ =	shalt  }
0x4d: {  	_ =	shalt  }
0x4e: {  	_ =	shalt  }
0x4f: {  	_ =	shalt  }
0x50: {  	_ =	shalt  }
0x51: {  	_ =	shalt  }
0x52: {  	_ =	shalt  }
0x53: {  	_ =	shalt  }
0x54: {  	_ =	shalt  }
0x55: {  	_ =	shalt  }
0x56: {  	_ =	shalt  }
0x57: {  	_ =	shalt  }
0x58: {  	_ =	shalt  }
0x59: {  	_ =	shalt  }
0x5a: {  	_ =	shalt  }
0x5b: {  	_ =	shalt  }
0x5c: {  	_ =	shalt  }
0x5d: {  	_ =	shalt  }
0x5e: {  	_ =	shalt  }
0x5f: {  	_ =	shalt  }
0x60: {  	_ =	shalt  }
0x61: {  	_ =	shalt  }
0x62: {  	_ =	shalt  }
0x63: {  	_ =	shalt  }
0x64: {  	_ =	shalt  }
0x65: {  	_ =	shalt  }
0x66: {  	_ =	shalt  }
0x67: {  	_ =	shalt  }
0x68: {  	_ =	shalt  }
0x69: {  	_ =	shalt  }
0x6a: {  	_ =	shalt  }
0x6b: {  	_ =	shalt  }
0x6c: {  	_ =	shalt  }
0x6d: {  	_ =	shalt  }
0x6e: {  	_ =	shalt  }
0x6f: {  	_ =	shalt  }
0x70: {  	_ =	shalt  }
0x71: {  	_ =	shalt  }
0x72: {  	_ =	shalt  }
0x73: {  	_ =	shalt  }
0x74: {  	_ =	shalt  }
0x75: {  	_ =	shalt  }
0x76: {  	_ =	shalt  }
0x77: {  	_ =	shalt  }
0x78: {  	_ =	shalt  }
0x79: {  	_ =	shalt  }
0x7a: {  	_ =	shalt  }
0x7b: {  	_ =	shalt  }
0x7c: {  	_ =	shalt  }
0x7d: {  	_ =	shalt  }
0x7e: {  	_ =	shalt  }
0x7f: {  	_ =	shalt  }
0x80: {  	_ =	shalt  }
0x81: {  	_ =	shalt  }
0x82: {  	_ =	shalt  }
0x83: {  	_ =	shalt  }
0x84: {  	_ =	shalt  }
0x85: {  	_ =	shalt  }
0x86: {  	_ =	shalt  }
0x87: {  	_ =	shalt  }
.Lfunc_end0:
.L_simem_size_0:
called_computation_lowered:
.L_overlay_start_0:
0x88: {  	s2 =	sld [smem:$0x3FD9]  }
0x89: {  	s3 =	sld [smem:$0x3FFE];
	_ =	sdelay $0x1  }
0x8a: {  	s1 =	srdreg.scid  }
0x8b: {  	s0 =	sand.u32 $0x1, s1  }
0x8c: {  	s17 =	sshll.u32 s0, $0xA;
	s2 =	sadd.s32 s3, s2  }
0x8d: {  	s2 =	sadd.s32 s2, s17  }
0x8e: {  	[smem:$0x3FC4] =	sst s2  }
0x8f: {  	_ = 	snop  }
0x90: {  	s2 =	sld [smem:$0x3FC9]  }
0x91: {  	s18 =	sld [smem:$0x3FC8]  }
0x92: {  	s4 =	sld [smem:$0x3FC6]  }
0x93: {  	s5 =	sld [smem:$0x3FD0];
	(tm) =	ssettm $0x1  }
0x94: {  	s6 =	sld [smem:$0x3FFB];
	_ =	sdelay $0x3  }
0x95: {  	_ =	strace s6  }
0x96: {  	s6 =	sld [smem:$0x3FFC];
	_ =	sdelay $0x3  }
0x97: {  	_ =	strace s6  }
0x98: {  	s6 =	sld [smem:$0x3FFD];
	_ =	sdelay $0x3  }
0x99: {  	_ =	strace s6  }
0x9a: {  	_ =	strace $0x8FFFFFFF  }
0x9b: {  	s19 =	sld [smem:$0x3FDB];
	_ =	sdelay $0x1  }
0x9c: {  	s7 =	simm.s32 $_scs_section_size  }
0x9d: {  	s8 =	simm.s32 $_size__tile_overlayer_lowered;
	s9 =	simm.s32 $_tile_overlayer_lowered  }
0x9e: {  	s22 =	simm.s32 $0x1BFF;
	s21 =	sshll.u32 s9, $0x1;
	s6 =	sadd.s32 s7, s19  }
0x9f: {  	s10 =	simm.s32 $0x0;
	s20 =	sshll.u32 s8, $0x1;
	s8 =	sadd.s32 s21, s6  }
0xa0: {  	[timem:s10], [sflag:s22] =	dma.local [hbm:s8], s20  }
0xa1: {  	_ =	swait.ge [sflag:s22], s20  }
0xa2: {  	s7 =	ssub.s32 $0x0, s20;
	[sflag:s22] =	ssyncset.done $0x0  }
0xa3: {  	[sflag:s22] =	ssyncadd.s32 s7;
	_ =	sdelay $0x1  }
0xa4: {  	s23 =	simm.s32 $0x1B8B  }
0xa5: {  	_ =	swait.ge [sflag:s23], $0x1  }
0xa6: {  	[sflag:s23] =	ssyncset.done $0x0  }
0xa7: {  	s25 =	simm.s32 $0x1B8E;
	s24 =	sld [smem:$0x3FFE];
	[sflag:s23] =	ssyncadd.s32 $0xFFFFFFFF  }
0xa8: {  	s26 =	simm.s32 $execute0_lowered;
	[smem:$0x3FD2] =	sst s25  }
0xa9: {  	s8 =	sshll.u32 s26, $0x1;
	_ =	strace $0x80000046;
	[dreg:$0x1] =	wrdreg $0xFFFFFFFF  }
0xaa: {  	s28 =	simm.s32 $_size_execute0_lowered;
	s6 =	sadd.s32 s6, s8;
	[dreg:$0x0] =	wrdreg $0x0  }
0xab: {  	s8 =	sshll.u32 s28, $0x1;
	[dreg:$0x2] =	wrdreg s6  }
0xac: {  	[dreg:$0x3] =	wrdreg s8  }
0xad: {  	[dreg:$0x4] =	wrdreg $0xC0  }
0xae: {  	_ =	task [dreg:s10], $0x5FFFF  }
0xaf: {  	[dreg:$0x1] =	wrdreg $0xFFFFFFFF  }
0xb0: {  	[dreg:$0x0] =	wrdreg $0x60  }
0xb1: {  	[dreg:$0x2] =	wrdreg s2  }
0xb2: {  	[dreg:$0x3] =	wrdreg s18  }
0xb3: {  	[dreg:$0x4] =	wrdreg s24  }
0xb4: {  	[dreg:$0x5] =	wrdreg s4  }
0xb5: {  	[dreg:$0x6] =	wrdreg s5  }
0xb6: {  	[dreg:$0x7] =	wrdreg $0x9  }
0xb7: {  	_ =	task.clear_ibuf [dreg:s10], $0x8FFFF;
	_ =	strace $0x90000046  }
0xb8: {  	s29 =	simm.s32 $0x9;
	_ =	strace $0x80000048  }
0xb9: {  	_ =	swait.ge [sflag:s29], $0x1  }
0xba: {  	[sflag:s29] =	ssyncadd.s32 $0xFFFFFFFF  }
0xbb: {  	_ =	strace $0x90000048  }
0xbc: {  	_ =	sfence  }
0xbd: {  	s30 =	sld [smem:$0x0];
	_ =	sdelay $0x2  }
0xbe: {  	s31 =	sshll.u32 s1, $0xD;
	s1 =	sshrl.u32 s1, $0x2  }
0xbf: {  	s3 =	sand.u32 $0x4000, s31;
	s1 =	sadd.s32 s1, s30  }
0xc0: {  	s0 =	sor.u32 s3, s0;
	s1 =	sshll.u32 s1, $0x11  }
0xc1: {  	s0 =	sor.u32 s1, s0  }
0xc2: {  	s0 =	sadd.s32 $0x8F2B, s0  }
0xc3: {  	[sflag:s0] =	ssyncadd.remote.s32 $0x1  }
0xc4: {  	_ =	sfence.sel $0xFFFF  }
0xc5: {  	[dreg:$0x0] =	wrdreg $0xFFFFFFFF;
	(pc) =	sbr.abs _section_cstart, $3  }
0xc6: {  	[dreg:$0x1] =	wrdreg $0xFFFFFFFF  }
0xc7: {  	_ =	task.clear_ibuf [dreg:s10], $0x2FFFF;
	_ =	strace $0x9FFFFFFF  }
0xc8: {  	(tm) =	ssettm $0x7FFFFFFF  }
0xc9: {  	_ =	shalt  }
tec
execute0_lowered:
.L_overlay_start_1:
0x0: {  	(tag) =	ssettag $0x1  }
0x1: {  	s0 =	rddreg [dreg:$0x0]  }
0x2: {  	s1 =	rddreg [dreg:$0x1]  }
0x3: {  	s2 =	rddreg [dreg:$0x2]  }
0x4: {  	s25 =	rddreg [dreg:$0x3]  }
0x5: {  	s3 =	rddreg [dreg:$0x4];
	s7 =	simm.s32 $0x0  }
0x6: {  	[smem:$0x7FF] =	sst s7;
	s6 =	sadd.s32 $0x27DD540, s2  }
0x7: {  	s21 =	sadd.s32 $0x280E280, s2;
	_ =	strace $0x80000047;
	[dreg:$0x6] =	wrdreg s6  }
0x8: {  	s9 =	sadd.s32 $0x283EFC0, s2;
	[dreg:$0x7] =	wrdreg s21  }
0x9: {  	s23 =	sadd.s32 $0x286FD00, s2;
	[dreg:$0x8] =	wrdreg s9  }
0xa: {  	s24 =	sadd.s32 $0x28A0A40, s2;
	[dreg:$0x9] =	wrdreg s23  }
0xb: {  	s28 =	sadd.s32 $0x28D1780, s2;
	[dreg:$0xa] =	wrdreg s24  }
0xc: {  	s30 =	sadd.s32 $0x29024C0, s2;
	[dreg:$0xb] =	wrdreg s28  }
0xd: {  	s10 =	sadd.s32 $0x2963F40, s2;
	[dreg:$0xc] =	wrdreg s30  }
0xe: {  	s11 =	sadd.s32 $0x2994C80, s2;
	[dreg:$0xe] =	wrdreg s10  }
0xf: {  	s12 =	sadd.s32 $0x29C59C0, s2;
	[dreg:$0xf] =	wrdreg s11  }
0x10: {  	s13 =	sadd.s32 $0x29F6700, s2;
	[dreg:$0x10] =	wrdreg s12  }
0x11: {  	s15 =	sadd.s32 $0x2A27440, s2;
	[dreg:$0x11] =	wrdreg s13  }
0x12: {  	s4 =	srdreg.scid;
	s16 =	sadd.s32 $0x2A58180, s2;
	[dreg:$0x12] =	wrdreg s15  }
0x13: {  	s8 =	stileid.u32;
	s17 =	sadd.s32 $0x2A88EC0, s2;
	[dreg:$0x13] =	wrdreg s16  }
0x14: {  	s26 =	sadd.s32 $0x27AC800, s2;
	s18 =	sadd.s32 $0x2AB9C00, s2;
	[dreg:$0x15] =	wrdreg s17  }
0x15: {  	s4 =	sand.u32 $0x1, s4;
	s20 =	sadd.s32 $0x2AEA940, s2;
	[dreg:$0x16] =	wrdreg s18  }
0x16: {  	v0 =	vimm.s32 $0x76543210;
	v1 =	vimm.s32 $0xFEDCBA98;
	s29 =	sshll.u32 s8, $0x8;
	s9 =	sadd.s32 $0x2933200, s2;
	[dreg:$0x18] =	wrdreg s20  }
0x17: {  	v2 =	vimm.s32 $0xBA98FEDC;
	s31 =	sadd.s32 $0x2C0F8C0, s2;
	s21 =	sadd.s32 $0x2B1B680, s2;
	[dreg:$0xd] =	wrdreg s9  }
0x18: {  	v3 =	vimm.s32 $0x32107654;
	v4 =	vimm.s32 $0xDCFE98BA;
	s5 =	ssub.s32 $0x2, s4;
	s23 =	sadd.s32 $0x2B4C3C0, s2;
	[dreg:$0x19] =	wrdreg s21  }
0x19: {  	v5 =	vimm.s32 $0x54761032;
	v6 =	vimm.s32 $0xEFCDAB89;
	s4 =	sshll.u32 s4, $0x7;
	s24 =	sadd.s32 $0x2B7D100, s2;
	[dreg:$0x1a] =	wrdreg s23  }
0x1a: {  	v7 =	vimm.s32 $0x67452301;
	v1 =	vunpack.c.l.s4.s8 v1;
	v0 =	vunpack.c.l.s4.s8 v0;
	s28 =	sadd.s32 $0x2BADE40, s2;
	s22 =	sshrl.u32 s5, $0x1;
	[dreg:$0x1b] =	wrdreg s24  }
0x1b: {  	v2 =	vunpack.c.l.s4.s8 v2;
	v3 =	vunpack.c.l.s4.s8 v3;
	v4 =	vunpack.c.l.s4.s8 v4;
	s4 =	sor.u32 s4, s29;
	[dreg:$0x1d] =	wrdreg s28;
	s29 =	sadd.s32 $0x2BDEB80, s2  }
0x1c: {  	v5 =	vunpack.c.l.s4.s8 v5;
	v6 =	vunpack.c.l.s4.s8 v6;
	v7 =	vunpack.c.l.s4.s8 v7;
	s5 =	ssub.s32 s5, s22;
	s14 =	sshll.u32 s4, $0x4;
	s22 =	sshrl.u32 s4, $0x3  }
0x1d: {  	v1 =	vunpack.c.0.s8.s32 v1;
	v0 =	vunpack.c.0.s8.s32 v0;
	v2 =	vunpack.c.0.s8.s32 v2;
	[dreg:$0x1e] =	wrdreg s29;
	s4 =	simm.s32 $0x0;
	s0 =	sadd.s32 s0, s14  }
0x1e: {  	v3 =	vunpack.c.0.s8.s32 v3;
	v4 =	vunpack.c.0.s8.s32 v4;
	v5 =	vunpack.c.0.s8.s32 v5;
	s19 =	sadd.s32 s1, s14;
	s30 =	smax.u32 s5, $0x1;
	[dreg:$0x14] =	wrdreg s0  }
0x1f: {  	v6 =	vunpack.c.0.s8.s32 v6;
	v7 =	vunpack.c.0.s8.s32 v7;
	s5 =	simm.s32 $0x3;
	v1 =	vand.u32 $0xF, v1;
	[dreg:$0x17] =	wrdreg s19;
	s0 =	sadd.s32 s3, s22  }
0x20: {  	[dreg:$0x1f] =	wrdreg s30;
	v0 =	vcombine.low v1, v0;
	v1 =	vcombine.low v3, v2;
	s3 =	simm.s32 $0x1;
	s19 =	simm.s32 $0x2  }
0x21: {  	v2 =	vcombine.low v5, v4;
	v3 =	vcombine.low v7, v6;
	v4 =	vlaneseq.u32;
	[dreg:$0x1c] =	wrdreg s0;
	s0 =	sadd.s32 $0x2C40600, s2;
	s2 =	simm.s32 $0x20  }
.LBB2_1:
0x22: {  	[smem:$0x7FD] =	sst s4  }
0x23: {  	s1 =	rddreg [dreg:$0x14];
	s29 =	simm.s32 $0x80  }
0x24: {  	[tilespmem:s7], [sflag:$0x3] =	stream.strided.gather [hbm4b:s1+s2], $0x1000, s29, s2, $0x38;
	[tilespmem:$0x84C0] =	vst v63  }
0x25: {  	_ =	swait.ge [sflag:s5], $0x1000  }
0x26: {  	s6 =	simm.s32 $0x1000;
	[sflag:s5] =	ssyncset.done $0x0  }
.Ltmp0:
0x27: {  	s30 =	rddreg [dreg:$0x17];
	[sflag:s5] =	ssyncadd.s32 $0xFFFFF000;
	(pc) =	sbr.rel .LBB2_3-.Ltmp0, $4  }
0x28: {  	[tilespmem:s6], [sflag:$0x3] =	stream.strided.gather [hbm4b:s30+s2], $0x1000, s29, s2, $0x38;
	[tilespmem:$0x84C0] =	vst v63  }
0x29: {  	s4 =	simm.s32 $0x18;
	s8 =	simm.s32 $0x0;
	_ =	swait.ge [sflag:s5], $0x1000  }
0x2a: {  	s7 =	simm.s32 $0x60;
	s1 =	simm.s32 $0x1;
	[sflag:s5] =	ssyncset.done $0x0  }
0x2b: {  	s6 =	simm.s32 $0x0;
	[sflag:s5] =	ssyncadd.s32 $0xFFFFF000;
	s5 =	simm.s32 $0x0  }
.LBB2_2:
0x2c: {  	s8 =	sadd.s32 $0x1, s8  }
0x2d: {  	p0 =	seq.s32 s8, $0x19  }
.Ltmp1:
0x2e: {  	_ = 	snop;
	(pc) =	sbr.rel @p0 .LBB2_6-.Ltmp1, $3  }
0x2f: {  	_ =	sdelay $0x1  }
0x30: {  	s9 =	sadd.s32 $0xFFFFFFFC, s7;
	s30 =	sshra.s32 s7, $0x2  }
0x31: {  	s1 =	sadd.s32 $0x21, s1;
	s5 =	sadd.s32 s30, s5;
	s7 =	smov.u32 s9  }
.LBB2_3:
0x32: {  	p0 =	sgt.u32 s8, $0x17  }
.Ltmp2:
0x33: {  	_ = 	snop;
	(pc) =	sbr.rel @p0 .LBB2_2-.Ltmp2, $2  }
0x34: {  	_ =	sdelay $0x2  }
0x35: {  	s9 =	smov.u32 s4;
	s4 =	sadd.s32 $0xFFFFFFFF, s4  }
0x36: {  	p0 =	seq.s32 s9, $0x1  }
.Ltmp3:
0x37: {  	_ = 	snop;
	(pc) =	sbr.rel @p0 .LBB2_2-.Ltmp3, $3  }
0x38: {  	_ =	sdelay $0x1  }
0x39: {  	s6 =	sadd.s32 s9, s6;
	[smem:s5] =	sst s1  }
0x3a: {  	s9 =	sadd.s32 $0xFFFFFFFF, s9;
	s10 =	smov.u32 s5;
	s11 =	smov.u32 s1  }
.LBB2_5:
0x3b: {  	p0 =	seq.s32 s9, $0x1  }
.Ltmp4:
0x3c: {  	_ = 	snop;
	(pc) =	sbr.rel @!p0 .LBB2_5-.Ltmp4, $3  }
0x3d: {  	_ =	sdelay $0x1  }
0x3e: {  	s10 =	sadd.s32 $0x1, s10;
	s11 =	sadd.s32 $0x1, s11  }
0x3f: {  	s9 =	sadd.s32 $0xFFFFFFFF, s9;
	[smem:s10] =	sst s11  }
.Ltmp5:
0x40: {  	_ = 	snop;
	(pc) =	sbr.rel .LBB2_2-.Ltmp5, $1  }
0x41: {  	_ =	sdelay $0x3  }
.LBB2_6:
0x42: {  	s22 =	simm.s32 $0x0;
	s1 =	simm.s32 $0x2000  }
0x43: {  	[tilespmem:s1], [sflag:$0x1] =	stream.indirect.gather [hbm4b:s26+s2], $0x10, s22, s2, $0xb8;
	[tilespmem:$0x84C0] =	vst v63  }
0x44: {  	s28 =	rddreg [dreg:$0x6];
	s4 =	simm.s32 $0x2200  }
0x45: {  	[tilespmem:s4], [sflag:$0x1] =	stream.indirect.gather [hbm4b:s28+s2], $0x10, s22, s2, $0xb8;
	[tilespmem:$0x84C0] =	vst v63  }
0x46: {  	s29 =	rddreg [dreg:$0x7];
	s30 =	simm.s32 $0x2400  }
0x47: {  	[tilespmem:s30], [sflag:$0x1] =	stream.indirect.gather [hbm4b:s29+s2], $0x10, s22, s2, $0xb8;
	[tilespmem:$0x84C0] =	vst v63  }
0x48: {  	s5 =	simm.s32 $0x2600;
	s4 =	rddreg [dreg:$0x8]  }
0x49: {  	[tilespmem:s5], [sflag:$0x1] =	stream.indirect.gather [hbm4b:s4+s2], $0x10, s22, s2, $0xb8;
	[tilespmem:$0x84C0] =	vst v63  }
0x4a: {  	s6 =	rddreg [dreg:$0x9];
	s7 =	simm.s32 $0x2800  }
0x4b: {  	[tilespmem:s7], [sflag:$0x1] =	stream.indirect.gather [hbm4b:s6+s2], $0x10, s22, s2, $0xb8;
	[tilespmem:$0x84C0] =	vst v63  }
0x4c: {  	s8 =	rddreg [dreg:$0xa];
	s9 =	simm.s32 $0x2A00  }
0x4d: {  	[tilespmem:s9], [sflag:$0x1] =	stream.indirect.gather [hbm4b:s8+s2], $0x10, s22, s2, $0xb8;
	[tilespmem:$0x84C0] =	vst v63  }
0x4e: {  	s10 =	rddreg [dreg:$0xb];
	s11 =	simm.s32 $0x2C00  }
0x4f: {  	[tilespmem:s11], [sflag:$0x1] =	stream.indirect.gather [hbm4b:s10+s2], $0x10, s22, s2, $0xb8;
	[tilespmem:$0x84C0] =	vst v63  }
0x50: {  	s12 =	rddreg [dreg:$0xc];
	s13 =	simm.s32 $0x2E00  }
0x51: {  	[tilespmem:s13], [sflag:$0x1] =	stream.indirect.gather [hbm4b:s12+s2], $0x10, s22, s2, $0xb8;
	[tilespmem:$0x84C0] =	vst v63  }
0x52: {  	s14 =	rddreg [dreg:$0xd];
	s15 =	simm.s32 $0x3000  }
0x53: {  	[tilespmem:s15], [sflag:$0x1] =	stream.indirect.gather [hbm4b:s14+s2], $0x10, s22, s2, $0xb8;
	[tilespmem:$0x84C0] =	vst v63  }
0x54: {  	s16 =	rddreg [dreg:$0xe];
	s17 =	simm.s32 $0x3200  }
0x55: {  	[tilespmem:s17], [sflag:$0x1] =	stream.indirect.gather [hbm4b:s16+s2], $0x10, s22, s2, $0xb8;
	[tilespmem:$0x84C0] =	vst v63  }
0x56: {  	s18 =	rddreg [dreg:$0xf];
	s20 =	simm.s32 $0x3400  }
0x57: {  	[tilespmem:s20], [sflag:$0x1] =	stream.indirect.gather [hbm4b:s18+s2], $0x10, s22, s2, $0xb8;
	[tilespmem:$0x84C0] =	vst v63  }
0x58: {  	s21 =	rddreg [dreg:$0x10];
	s23 =	simm.s32 $0x3600  }
0x59: {  	[tilespmem:s23], [sflag:$0x1] =	stream.indirect.gather [hbm4b:s21+s2], $0x10, s22, s2, $0xb8;
	[tilespmem:$0x84C0] =	vst v63  }
0x5a: {  	s24 =	rddreg [dreg:$0x11];
	s28 =	simm.s32 $0x3800  }
0x5b: {  	[tilespmem:s28], [sflag:$0x1] =	stream.indirect.gather [hbm4b:s24+s2], $0x10, s22, s2, $0xb8;
	[tilespmem:$0x84C0] =	vst v63  }
0x5c: {  	s29 =	rddreg [dreg:$0x12];
	s30 =	simm.s32 $0x3A00  }
0x5d: {  	[tilespmem:s30], [sflag:$0x1] =	stream.indirect.gather [hbm4b:s29+s2], $0x10, s22, s2, $0xb8;
	[tilespmem:$0x84C0] =	vst v63  }
0x5e: {  	s5 =	rddreg [dreg:$0x13];
	s6 =	simm.s32 $0x3C00  }
0x5f: {  	[tilespmem:s6], [sflag:$0x1] =	stream.indirect.gather [hbm4b:s5+s2], $0x10, s22, s2, $0xb8;
	[tilespmem:$0x84C0] =	vst v63  }
0x60: {  	s7 =	rddreg [dreg:$0x15];
	s8 =	simm.s32 $0x3E00  }
0x61: {  	[tilespmem:s8], [sflag:$0x1] =	stream.indirect.gather [hbm4b:s7+s2], $0x10, s22, s2, $0xb8;
	[tilespmem:$0x84C0] =	vst v63  }
0x62: {  	s9 =	rddreg [dreg:$0x16];
	s10 =	simm.s32 $0x4000  }
0x63: {  	[tilespmem:s10], [sflag:$0x1] =	stream.indirect.gather [hbm4b:s9+s2], $0x10, s22, s2, $0xb8;
	[tilespmem:$0x84C0] =	vst v63  }
0x64: {  	s11 =	rddreg [dreg:$0x18];
	s12 =	simm.s32 $0x4200  }
0x65: {  	[tilespmem:s12], [sflag:$0x1] =	stream.indirect.gather [hbm4b:s11+s2], $0x10, s22, s2, $0xb8;
	[tilespmem:$0x84C0] =	vst v63  }
0x66: {  	s13 =	rddreg [dreg:$0x19];
	s14 =	simm.s32 $0x4400  }
0x67: {  	[tilespmem:s14], [sflag:$0x1] =	stream.indirect.gather [hbm4b:s13+s2], $0x10, s22, s2, $0xb8;
	[tilespmem:$0x84C0] =	vst v63  }
0x68: {  	s15 =	rddreg [dreg:$0x1a];
	s16 =	simm.s32 $0x4600  }
0x69: {  	[tilespmem:s16], [sflag:$0x1] =	stream.indirect.gather [hbm4b:s15+s2], $0x10, s22, s2, $0xb8;
	[tilespmem:$0x84C0] =	vst v63  }
0x6a: {  	s17 =	rddreg [dreg:$0x1b];
	s18 =	simm.s32 $0x4800  }
0x6b: {  	[tilespmem:s18], [sflag:$0x1] =	stream.indirect.gather [hbm4b:s17+s2], $0x10, s22, s2, $0xb8;
	[tilespmem:$0x84C0] =	vst v63  }
0x6c: {  	s20 =	rddreg [dreg:$0x1d];
	s21 =	simm.s32 $0x4A00  }
0x6d: {  	[tilespmem:s21], [sflag:$0x1] =	stream.indirect.gather [hbm4b:s20+s2], $0x10, s22, s2, $0xb8;
	[tilespmem:$0x84C0] =	vst v63  }
0x6e: {  	s23 =	rddreg [dreg:$0x1e];
	s24 =	simm.s32 $0x4C00  }
0x6f: {  	[tilespmem:s24], [sflag:$0x1] =	stream.indirect.gather [hbm4b:s23+s2], $0x10, s22, s2, $0xb8;
	[tilespmem:$0x84C0] =	vst v63  }
0x70: {  	s28 =	simm.s32 $0x4E00  }
0x71: {  	[tilespmem:s28], [sflag:$0x1] =	stream.indirect.gather [hbm4b:s31+s2], $0x10, s22, s2, $0xb8;
	[tilespmem:$0x84C0] =	vst v63  }
0x72: {  	s29 =	simm.s32 $0x5000  }
0x73: {  	[tilespmem:s29], [sflag:$0x1] =	stream.indirect.gather [hbm4b:s0+s2], $0x10, s22, s2, $0xb8;
	[tilespmem:$0x84C0] =	vst v63  }
0x74: {  	s30 =	simm.s32 $0x8400  }
0x75: {  	v5 =	vimm.f32 $0.0e+00;
	[tilespmem:s30], [sflag:$0x1] =	stream.indirect.gather [hbm4b:s25+s2], $0x1, s22, s2, $0xb8;
	[tilespmem:$0x84C0] =	vst v63  }
.LBB2_7:
0x76: {  	s28 =	sshllo.u32 s22, $0x1  }
0x77: {  	s1 =	simm.s32 $0x5200;
	s4 =	sshll.u32 s28, $0x5  }
0x78: {  	[tilespmem:s1], [sflag:$0x2] =	stream.indirect.gather [hbm4b:s26+s2], $0x10, s4, s2, $0xb8;
	[tilespmem:$0x84C0] =	vst v63  }
0x79: {  	s20 =	rddreg [dreg:$0x6];
	s5 =	simm.s32 $0x5400  }
0x7a: {  	[tilespmem:s5], [sflag:$0x2] =	stream.indirect.gather [hbm4b:s20+s2], $0x10, s4, s2, $0xb8;
	[tilespmem:$0x84C0] =	vst v63  }
0x7b: {  	s21 =	rddreg [dreg:$0x7];
	s23 =	simm.s32 $0x5600  }
0x7c: {  	[tilespmem:s23], [sflag:$0x2] =	stream.indirect.gather [hbm4b:s21+s2], $0x10, s4, s2, $0xb8;
	[tilespmem:$0x84C0] =	vst v63  }
0x7d: {  	s30 =	smov.u32 s26;
	s24 =	rddreg [dreg:$0x8];
	s26 =	simm.s32 $0x5800  }
0x7e: {  	[tilespmem:s26], [sflag:$0x2] =	stream.indirect.gather [hbm4b:s24+s2], $0x10, s4, s2, $0xb8;
	[tilespmem:$0x84C0] =	vst v63  }
0x7f: {  	s6 =	rddreg [dreg:$0x9];
	s7 =	simm.s32 $0x5A00  }
0x80: {  	[tilespmem:s7], [sflag:$0x2] =	stream.indirect.gather [hbm4b:s6+s2], $0x10, s4, s2, $0xb8;
	[tilespmem:$0x84C0] =	vst v63  }
0x81: {  	s8 =	rddreg [dreg:$0xa];
	s9 =	simm.s32 $0x5C00  }
0x82: {  	[tilespmem:s9], [sflag:$0x2] =	stream.indirect.gather [hbm4b:s8+s2], $0x10, s4, s2, $0xb8;
	[tilespmem:$0x84C0] =	vst v63  }
0x83: {  	s10 =	rddreg [dreg:$0xb];
	s11 =	simm.s32 $0x5E00  }
0x84: {  	[tilespmem:s11], [sflag:$0x2] =	stream.indirect.gather [hbm4b:s10+s2], $0x10, s4, s2, $0xb8;
	[tilespmem:$0x84C0] =	vst v63  }
0x85: {  	s12 =	rddreg [dreg:$0xc];
	s13 =	simm.s32 $0x6000  }
0x86: {  	[tilespmem:s13], [sflag:$0x2] =	stream.indirect.gather [hbm4b:s12+s2], $0x10, s4, s2, $0xb8;
	[tilespmem:$0x84C0] =	vst v63  }
0x87: {  	s14 =	rddreg [dreg:$0xd];
	s15 =	simm.s32 $0x6200  }
0x88: {  	[tilespmem:s15], [sflag:$0x2] =	stream.indirect.gather [hbm4b:s14+s2], $0x10, s4, s2, $0xb8;
	[tilespmem:$0x84C0] =	vst v63  }
0x89: {  	s16 =	rddreg [dreg:$0xe];
	s17 =	simm.s32 $0x6400  }
0x8a: {  	[tilespmem:s17], [sflag:$0x2] =	stream.indirect.gather [hbm4b:s16+s2], $0x10, s4, s2, $0xb8;
	[tilespmem:$0x84C0] =	vst v63  }
0x8b: {  	s18 =	rddreg [dreg:$0xf];
	s20 =	simm.s32 $0x6600  }
0x8c: {  	[tilespmem:s20], [sflag:$0x2] =	stream.indirect.gather [hbm4b:s18+s2], $0x10, s4, s2, $0xb8;
	[tilespmem:$0x84C0] =	vst v63  }
0x8d: {  	s21 =	rddreg [dreg:$0x10];
	s23 =	simm.s32 $0x6800  }
0x8e: {  	[tilespmem:s23], [sflag:$0x2] =	stream.indirect.gather [hbm4b:s21+s2], $0x10, s4, s2, $0xb8;
	[tilespmem:$0x84C0] =	vst v63  }
0x8f: {  	s24 =	rddreg [dreg:$0x11];
	s26 =	simm.s32 $0x6A00  }
0x90: {  	[tilespmem:s26], [sflag:$0x2] =	stream.indirect.gather [hbm4b:s24+s2], $0x10, s4, s2, $0xb8;
	[tilespmem:$0x84C0] =	vst v63  }
0x91: {  	s6 =	rddreg [dreg:$0x12];
	s7 =	simm.s32 $0x6C00  }
0x92: {  	[tilespmem:s7], [sflag:$0x2] =	stream.indirect.gather [hbm4b:s6+s2], $0x10, s4, s2, $0xb8;
	[tilespmem:$0x84C0] =	vst v63  }
0x93: {  	s8 =	rddreg [dreg:$0x13];
	s9 =	simm.s32 $0x6E00  }
0x94: {  	[tilespmem:s9], [sflag:$0x2] =	stream.indirect.gather [hbm4b:s8+s2], $0x10, s4, s2, $0xb8;
	[tilespmem:$0x84C0] =	vst v63  }
0x95: {  	s10 =	rddreg [dreg:$0x15];
	s11 =	simm.s32 $0x7000  }
0x96: {  	[tilespmem:s11], [sflag:$0x2] =	stream.indirect.gather [hbm4b:s10+s2], $0x10, s4, s2, $0xb8;
	[tilespmem:$0x84C0] =	vst v63  }
0x97: {  	s12 =	rddreg [dreg:$0x16];
	s13 =	simm.s32 $0x7200  }
0x98: {  	[tilespmem:s13], [sflag:$0x2] =	stream.indirect.gather [hbm4b:s12+s2], $0x10, s4, s2, $0xb8;
	[tilespmem:$0x84C0] =	vst v63  }
0x99: {  	s14 =	rddreg [dreg:$0x18];
	s15 =	simm.s32 $0x7400  }
0x9a: {  	[tilespmem:s15], [sflag:$0x2] =	stream.indirect.gather [hbm4b:s14+s2], $0x10, s4, s2, $0xb8;
	[tilespmem:$0x84C0] =	vst v63  }
0x9b: {  	s16 =	rddreg [dreg:$0x19];
	s17 =	simm.s32 $0x7600  }
0x9c: {  	[tilespmem:s17], [sflag:$0x2] =	stream.indirect.gather [hbm4b:s16+s2], $0x10, s4, s2, $0xb8;
	[tilespmem:$0x84C0] =	vst v63  }
0x9d: {  	s18 =	rddreg [dreg:$0x1a];
	s20 =	simm.s32 $0x7800  }
0x9e: {  	[tilespmem:s20], [sflag:$0x2] =	stream.indirect.gather [hbm4b:s18+s2], $0x10, s4, s2, $0xb8;
	[tilespmem:$0x84C0] =	vst v63  }
0x9f: {  	s21 =	rddreg [dreg:$0x1b];
	s23 =	simm.s32 $0x7A00  }
0xa0: {  	[tilespmem:s23], [sflag:$0x2] =	stream.indirect.gather [hbm4b:s21+s2], $0x10, s4, s2, $0xb8;
	[tilespmem:$0x84C0] =	vst v63  }
0xa1: {  	s24 =	rddreg [dreg:$0x1d];
	s26 =	simm.s32 $0x7C00  }
0xa2: {  	[tilespmem:s26], [sflag:$0x2] =	stream.indirect.gather [hbm4b:s24+s2], $0x10, s4, s2, $0xb8;
	[tilespmem:$0x84C0] =	vst v63  }
0xa3: {  	s5 =	rddreg [dreg:$0x1e];
	s6 =	simm.s32 $0x7E00  }
0xa4: {  	[tilespmem:s6], [sflag:$0x2] =	stream.indirect.gather [hbm4b:s5+s2], $0x10, s4, s2, $0xb8;
	[tilespmem:$0x84C0] =	vst v63  }
0xa5: {  	s7 =	simm.s32 $0x8000  }
0xa6: {  	[tilespmem:s7], [sflag:$0x2] =	stream.indirect.gather [hbm4b:s31+s2], $0x10, s4, s2, $0xb8;
	[tilespmem:$0x84C0] =	vst v63  }
0xa7: {  	s8 =	simm.s32 $0x8200  }
0xa8: {  	[tilespmem:s8], [sflag:$0x2] =	stream.indirect.gather [hbm4b:s0+s2], $0x10, s4, s2, $0xb8;
	[tilespmem:$0x84C0] =	vst v63  }
0xa9: {  	s9 =	simm.s32 $0x8420  }
0xaa: {  	[tilespmem:s9], [sflag:$0x2] =	stream.indirect.gather [hbm4b:s25+s2], $0x1, s4, s2, $0xb8;
	[tilespmem:$0x84C0] =	vst v63  }
0xab: {  	_ =	swait.ge [sflag:s3], $0x200  }
0xac: {  	[sflag:s3] =	ssyncset.done $0x0  }
0xad: {  	[sflag:s3] =	ssyncadd.s32 $0xFFFFFE00  }
0xae: {  	_ =	swait.ge [sflag:s3], $0x200  }
0xaf: {  	[sflag:s3] =	ssyncset.done $0x0  }
0xb0: {  	[sflag:s3] =	ssyncadd.s32 $0xFFFFFE00  }
0xb1: {  	_ =	swait.ge [sflag:s3], $0x200  }
0xb2: {  	[sflag:s3] =	ssyncset.done $0x0  }
0xb3: {  	[sflag:s3] =	ssyncadd.s32 $0xFFFFFE00  }
0xb4: {  	_ =	swait.ge [sflag:s3], $0x200  }
0xb5: {  	[sflag:s3] =	ssyncset.done $0x0  }
0xb6: {  	[sflag:s3] =	ssyncadd.s32 $0xFFFFFE00  }
0xb7: {  	_ =	swait.ge [sflag:s3], $0x200  }
0xb8: {  	[sflag:s3] =	ssyncset.done $0x0  }
0xb9: {  	[sflag:s3] =	ssyncadd.s32 $0xFFFFFE00  }
0xba: {  	_ =	swait.ge [sflag:s3], $0x200  }
0xbb: {  	[sflag:s3] =	ssyncset.done $0x0  }
0xbc: {  	[sflag:s3] =	ssyncadd.s32 $0xFFFFFE00  }
0xbd: {  	_ =	swait.ge [sflag:s3], $0x200  }
0xbe: {  	[sflag:s3] =	ssyncset.done $0x0  }
0xbf: {  	[sflag:s3] =	ssyncadd.s32 $0xFFFFFE00  }
0xc0: {  	_ =	swait.ge [sflag:s3], $0x200  }
0xc1: {  	[sflag:s3] =	ssyncset.done $0x0  }
0xc2: {  	[sflag:s3] =	ssyncadd.s32 $0xFFFFFE00  }
0xc3: {  	_ =	swait.ge [sflag:s3], $0x200  }
0xc4: {  	[sflag:s3] =	ssyncset.done $0x0  }
0xc5: {  	[sflag:s3] =	ssyncadd.s32 $0xFFFFFE00  }
0xc6: {  	_ =	swait.ge [sflag:s3], $0x200  }
0xc7: {  	[sflag:s3] =	ssyncset.done $0x0  }
0xc8: {  	[sflag:s3] =	ssyncadd.s32 $0xFFFFFE00  }
0xc9: {  	_ =	swait.ge [sflag:s3], $0x200  }
0xca: {  	[sflag:s3] =	ssyncset.done $0x0  }
0xcb: {  	[sflag:s3] =	ssyncadd.s32 $0xFFFFFE00  }
0xcc: {  	_ =	swait.ge [sflag:s3], $0x200  }
0xcd: {  	[sflag:s3] =	ssyncset.done $0x0  }
0xce: {  	[sflag:s3] =	ssyncadd.s32 $0xFFFFFE00  }
0xcf: {  	_ =	swait.ge [sflag:s3], $0x200  }
0xd0: {  	[sflag:s3] =	ssyncset.done $0x0  }
0xd1: {  	[sflag:s3] =	ssyncadd.s32 $0xFFFFFE00  }
0xd2: {  	_ =	swait.ge [sflag:s3], $0x200  }
0xd3: {  	[sflag:s3] =	ssyncset.done $0x0  }
0xd4: {  	[sflag:s3] =	ssyncadd.s32 $0xFFFFFE00  }
0xd5: {  	_ =	swait.ge [sflag:s3], $0x200  }
0xd6: {  	[sflag:s3] =	ssyncset.done $0x0  }
0xd7: {  	[sflag:s3] =	ssyncadd.s32 $0xFFFFFE00  }
0xd8: {  	_ =	swait.ge [sflag:s3], $0x200  }
0xd9: {  	[sflag:s3] =	ssyncset.done $0x0  }
0xda: {  	[sflag:s3] =	ssyncadd.s32 $0xFFFFFE00  }
0xdb: {  	_ =	swait.ge [sflag:s3], $0x200  }
0xdc: {  	[sflag:s3] =	ssyncset.done $0x0  }
0xdd: {  	[sflag:s3] =	ssyncadd.s32 $0xFFFFFE00  }
0xde: {  	_ =	swait.ge [sflag:s3], $0x200  }
0xdf: {  	[sflag:s3] =	ssyncset.done $0x0  }
0xe0: {  	[sflag:s3] =	ssyncadd.s32 $0xFFFFFE00  }
0xe1: {  	_ =	swait.ge [sflag:s3], $0x200  }
0xe2: {  	[sflag:s3] =	ssyncset.done $0x0  }
0xe3: {  	[sflag:s3] =	ssyncadd.s32 $0xFFFFFE00  }
0xe4: {  	_ =	swait.ge [sflag:s3], $0x200  }
0xe5: {  	[sflag:s3] =	ssyncset.done $0x0  }
0xe6: {  	[sflag:s3] =	ssyncadd.s32 $0xFFFFFE00  }
0xe7: {  	_ =	swait.ge [sflag:s3], $0x200  }
0xe8: {  	[sflag:s3] =	ssyncset.done $0x0  }
0xe9: {  	[sflag:s3] =	ssyncadd.s32 $0xFFFFFE00  }
0xea: {  	_ =	swait.ge [sflag:s3], $0x200  }
0xeb: {  	[sflag:s3] =	ssyncset.done $0x0  }
0xec: {  	[sflag:s3] =	ssyncadd.s32 $0xFFFFFE00  }
0xed: {  	_ =	swait.ge [sflag:s3], $0x200  }
0xee: {  	[sflag:s3] =	ssyncset.done $0x0  }
0xef: {  	[sflag:s3] =	ssyncadd.s32 $0xFFFFFE00  }
0xf0: {  	_ =	swait.ge [sflag:s3], $0x200  }
0xf1: {  	[sflag:s3] =	ssyncset.done $0x0  }
0xf2: {  	[sflag:s3] =	ssyncadd.s32 $0xFFFFFE00  }
0xf3: {  	_ =	swait.ge [sflag:s3], $0x200  }
0xf4: {  	[sflag:s3] =	ssyncset.done $0x0  }
0xf5: {  	[sflag:s3] =	ssyncadd.s32 $0xFFFFFE00  }
0xf6: {  	_ =	swait.ge [sflag:s3], $0x20  }
0xf7: {  	s6 =	sshll.u32 s22, $0x8;
	[sflag:s3] =	ssyncset.done $0x0  }
0xf8: {  	s10 =	sshrl.u32 s6, $0x2;
	[sflag:s3] =	ssyncadd.s32 $0xFFFFFFE0  }
0xf9: {  	v6 =	vld [tilespmem:s10+$0x1000];
	_ =	sdelay $0x4  }
0xfa: {  	(v2sf) =	vpush v6, $0x0  }
0xfb: {  	(v2sf) =	vpush v6, $0x1  }
0xfc: {  	(v2sf) =	vpush v6, $0x2  }
0xfd: {  	(v2sf) =	vpush v6, $0x3  }
0xfe: {  	(v2sf) =	vpush v6, $0x4  }
0xff: {  	(v2sf) =	vpush v6, $0x5  }
0x100: {  	(v2sf) =	vpush v6, $0x6  }
0x101: {  	(v2sf) =	vpush v6, $0x7  }
0x102: {  	(v2sf) =	vpush v6, $0x8  }
0x103: {  	(v2sf) =	vpush v6, $0x9  }
0x104: {  	(v2sf) =	vpush v6, $0xA  }
0x105: {  	v7 =	vld [tilespmem:s10+$0x1010];
	(v2sf) =	vpush v6, $0xB  }
0x106: {  	(v2sf) =	vpush v6, $0xC  }
0x107: {  	(v2sf) =	vpush v6, $0xD  }
0x108: {  	(v2sf) =	vpush v6, $0xE  }
0x109: {  	s11 =	spop (v2sf);
	(v2sf) =	vpush v6, $0xF  }
0x10a: {  	[smem:$0x130] =	sst s11;
	s12 =	spop (v2sf);
	(v2sf) =	vpush v7, $0x0  }
0x10b: {  	[smem:$0x131] =	sst s12;
	s13 =	spop (v2sf);
	(v2sf) =	vpush v7, $0x1  }
0x10c: {  	[smem:$0x132] =	sst s13;
	s14 =	spop (v2sf);
	(v2sf) =	vpush v7, $0x2  }
0x10d: {  	[smem:$0x133] =	sst s14;
	s15 =	spop (v2sf);
	(v2sf) =	vpush v7, $0x3  }
0x10e: {  	[smem:$0x134] =	sst s15;
	s16 =	spop (v2sf);
	(v2sf) =	vpush v7, $0x4  }
0x10f: {  	[smem:$0x135] =	sst s16;
	s17 =	spop (v2sf);
	(v2sf) =	vpush v7, $0x5  }
0x110: {  	[smem:$0x136] =	sst s17;
	s18 =	spop (v2sf);
	(v2sf) =	vpush v7, $0x6  }
0x111: {  	[smem:$0x137] =	sst s18;
	s20 =	spop (v2sf);
	(v2sf) =	vpush v7, $0x7  }
0x112: {  	[smem:$0x138] =	sst s20;
	s21 =	spop (v2sf);
	(v2sf) =	vpush v7, $0x8  }
0x113: {  	[smem:$0x139] =	sst s21;
	s23 =	spop (v2sf);
	(v2sf) =	vpush v7, $0x9  }
0x114: {  	s24 =	spop (v2sf);
	[smem:$0x13A] =	sst s23  }
0x115: {  	s29 =	smov.u32 s25;
	s25 =	spop (v2sf);
	[smem:$0x13B] =	sst s24  }
0x116: {  	s26 =	spop (v2sf);
	[smem:$0x13C] =	sst s25  }
0x117: {  	s7 =	spop (v2sf);
	[smem:$0x13D] =	sst s26  }
0x118: {  	s8 =	spop (v2sf);
	[smem:$0x13E] =	sst s7  }
0x119: {  	s9 =	spop (v2sf);
	[smem:$0x13F] =	sst s8  }
0x11a: {  	s10 =	spop (v2sf);
	[smem:$0x140] =	sst s9  }
0x11b: {  	s11 =	spop (v2sf);
	[smem:$0x141] =	sst s10  }
0x11c: {  	s12 =	spop (v2sf);
	[smem:$0x142] =	sst s11  }
0x11d: {  	s13 =	spop (v2sf);
	[smem:$0x143] =	sst s12  }
0x11e: {  	s14 =	spop (v2sf);
	[smem:$0x144] =	sst s13  }
0x11f: {  	s15 =	spop (v2sf);
	[smem:$0x145] =	sst s14  }
0x120: {  	s16 =	spop (v2sf);
	[smem:$0x146] =	sst s15  }
0x121: {  	s17 =	spop (v2sf);
	[smem:$0x147] =	sst s16  }
0x122: {  	[smem:$0x148] =	sst s17;
	s18 =	spop (v2sf)  }
0x123: {  	v8 =	vld [tilespmem:$0x8400];
	[smem:$0x149] =	sst s18  }
0x124: {  	v9 =	vld [tilespmem:$0x8410];
	s7 =	sld [smem:$0x3]  }
0x125: {  	s12 =	sld [smem:$0x2]  }
0x126: {  	s13 =	sld [smem:$0x0]  }
0x127: {  	s1 =	sshll.u32 s22, $0x1;
	s9 =	simm.s32 $0x10;
	s11 =	sld [smem:$0x1]  }
0x128: {  	s20 =	sshra.s32 s7, $0x1F;
	p0 =	slt.s32 s7, $0x1;
	s8 =	sand.u32 $0x1F, s7  }
0x129: {  	s10 =	sshra.s32 s12, $0x1F;
	s5 =	sshrl.u32 s20, $0x1B;
	p2 =	slt.s32 s12, $0x1  }
0x12a: {  	s17 =	sand.u32 $0x1F, s12;
	s10 =	sshrl.u32 s10, $0x1B;
	s16 =	sadd.s32 s5, s7  }
0x12b: {  	s14 =	sshra.s32 s13, $0x1F;
	s5 =	sld [smem:s17+$0x130];
	p3 =	slt.s32 s13, $0x1  }
0x12c: {  	s15 =	sadd.s32 s10, s12;
	s21 =	sand.u32 $0xFFFFFFE0, s16;
	s14 =	sshrl.u32 s14, $0x1B  }
0x12d: {  	s10 =	sand.u32 $0x1F, s13;
	s25 =	sshra.s32 s11, $0x1F;
	p5 =	slt.s32 s11, $0x1  }
0x12e: {  	s16 =	sshra.s32 s16, $0x5;
	s18 =	sand.u32 $0xFFFFFFE0, s15;
	p1 =	sne.s32 s7, s21  }
0x12f: {  	s23 =	sadd.s32 s14, s13;
	s14 =	sshll.u32 s10, $0x4;
	s20 =	sshra.s32 s15, $0x5  }
0x130: {  	s21 =	simm.s32 $0x1;
	s15 =	sshll.u32 s17, $0x9;
	s17 =	sshll.u32 s17, $0x4  }
0x131: {  	p4 =	sne.s32 s12, s18;
	s24 =	sand.u32 $0xFFFFFFE0, s23;
	s12 =	simm.s32 $0x1  }
0x132: {  	s18 =	sshrl.u32 s25, $0x1B;
	s7 =	sshra.s32 s23, $0x5;
	p0 =	por !p0, !p1  }
0x133: {  	p2 =	por !p2, !p4;
	p6 =	sne.s32 s13, s24;
	s13 =	sshll.u32 s10, $0x9  }
0x134: {  	s24 =	sadd.s32 s18, s11;
	p0 =	por !p0, !p0;
	p2 =	por !p2, !p2  }
0x135: {  	p3 =	por !p3, !p6;
	s25 =	sand.u32 $0xFFFFFFE0, s24;
	s12 =	simm.s32 @!p2 $0x0  }
0x136: {  	p2 =	por !p3, !p3;
	p6 =	sne.s32 s11, s25;
	s25 =	simm.s32 $0x1  }
0x137: {  	s21 =	simm.s32 @!p2 $0x0;
	s23 =	ssub.s32 s20, s12;
	p1 =	por !p5, !p6  }
0x138: {  	s25 =	simm.s32 @!p0 $0x0;
	s12 =	ssub.s32 s7, s21;
	s7 =	sld [smem:s23+$0x130]  }
0x139: {  	s20 =	sshll.u32 s23, $0xB;
	p0 =	por !p1, !p1;
	s16 =	ssub.s32 s16, s25  }
0x13a: {  	s26 =	sshll.u32 s12, $0xB;
	s21 =	sshra.s32 s20, $0x2;
	s25 =	sshll.u32 s16, $0xB  }
0x13b: {  	v6 =	vmul.f32 v8, v6;
	v7 =	vmul.f32 v9, v7;
	s20 =	sshra.s32 s26, $0x2;
	s26 =	sshll.u32 s23, $0x6;
	s21 =	sor.u32 s17, s21  }
0x13c: {  	v8 =	vimm.f32 $0.0e+00;
	s17 =	sshll.u32 s12, $0x6;
	s18 =	sshra.s32 s26, $0x2;
	s26 =	simm.s32 $0x1  }
0x13d: {  	v9 =	vimm.f32 $0.0e+00;
	v6 =	vadd.f32 v7, v6;
	v7 =	vimm.f32 $0.0e+00;
	s23 =	sshra.s32 s24, $0x5;
	s24 =	sshll.u32 s16, $0x6;
	s26 =	simm.s32 @!p0 $0x0  }
.LBB2_8:
0x13e: {  	s14 =	sor.u32 s14, s20  }
0x13f: {  	s17 =	sshra.s32 s17, $0x2;
	v10 =	vld [tilespmem:s21+$0x2000];
	s16 =	sld [smem:s16+$0x130];
	s20 =	smov.u32 s9  }
0x140: {  	s11 =	sand.u32 $0x1F, s11;
	v11 =	vld [tilespmem:s14+$0x2000];
	s13 =	sadd.s32 s17, s13;
	s12 =	sld [smem:s12+$0x130]  }
0x141: {  	s15 =	sadd.s32 s18, s15;
	s14 =	sshll.u32 s11, $0x9;
	v12 =	vld [tilespmem:s13+$0x2000];
	s13 =	sshll.u32 s11, $0x4  }
0x142: {  	s17 =	ssub.s32 s23, s26;
	s10 =	sld [smem:s10+$0x130];
	v13 =	vld [tilespmem:s15+$0x2000];
	s15 =	sshll.u32 s8, $0x9  }
0x143: {  	s18 =	sshra.s32 s25, $0x2;
	s21 =	sshll.u32 s8, $0x4;
	s23 =	sshra.s32 s24, $0x2  }
0x144: {  	s18 =	sor.u32 s21, s18;
	s24 =	sshll.u32 s17, $0xB;
	s15 =	sadd.s32 s23, s15  }
0x145: {  	s21 =	sshra.s32 s24, $0x2;
	s23 =	sshll.u32 s17, $0x6;
	s17 =	sld [smem:s17+$0x130];
	v14 =	vld [tilespmem:s18+$0x2000]  }
0x146: {  	s10 =	smul.f32 s10, s12;
	s12 =	sor.u32 s13, s21;
	s13 =	sshra.s32 s23, $0x2;
	v11 =	vmul.f32 v12, v11;
	v12 =	vld [tilespmem:s15+$0x2000]  }
0x147: {  	s5 =	smul.f32 s5, s7;
	v15 =	vld [tilespmem:s12+$0x2000];
	s12 =	sadd.s32 s13, s14;
	v10 =	vmul.f32 v13, v10;
	s7 =	sld [smem:s8+$0x130]  }
0x148: {  	p0 =	sne.s32 s9, $0x4A0;
	s9 =	sadd.s32 $0x10, s9;
	v11 =	vmul.f32 s10, v11;
	v13 =	vld [tilespmem:s12+$0x2000];
	s8 =	sld [smem:s11+$0x130]  }
0x149: {  	s10 =	sshra.s32 s20, $0x2;
	v10 =	vmul.f32 s5, v10  }
0x14a: {  	s12 =	sld [smem:s10+$0x3];
	v6 =	vadd.f32 v11, v6;
	s5 =	smul.f32 s7, s16  }
0x14b: {  	s7 =	sld [smem:s10+$0x2];
	s13 =	smul.f32 s8, s17;
	v9 =	vadd.f32 v10, v9  }
0x14c: {  	s26 =	simm.s32 $0x1;
	s21 =	simm.s32 $0x1;
	v10 =	vmul.f32 v12, v14;
	s15 =	sld [smem:s10+$0x0]  }
0x14d: {  	s20 =	simm.s32 $0x1;
	s11 =	sld [smem:s10+$0x1];
	s8 =	sshra.s32 s12, $0x1F  }
0x14e: {  	p1 =	slt.s32 s12, $0x1;
	v11 =	vmul.f32 v13, v15;
	s10 =	sshra.s32 s7, $0x1F;
	s14 =	sshrl.u32 s8, $0x1B  }
0x14f: {  	v10 =	vmul.f32 s5, v10;
	s8 =	sand.u32 $0x1F, s12;
	p3 =	slt.s32 s7, $0x1;
	s18 =	sand.u32 $0x1F, s7  }
0x150: {  	s5 =	sshrl.u32 s10, $0x1B;
	s16 =	sadd.s32 s14, s12;
	v11 =	vmul.f32 s13, v11;
	s13 =	sshra.s32 s15, $0x1F  }
0x151: {  	v7 =	vadd.f32 v10, v7;
	p4 =	slt.s32 s15, $0x1;
	s17 =	sadd.s32 s5, s7;
	s10 =	sand.u32 $0xFFFFFFE0, s16  }
0x152: {  	s13 =	sshrl.u32 s13, $0x1B;
	s14 =	sand.u32 $0xFFFFFFE0, s17;
	s5 =	sld [smem:s18+$0x130];
	v8 =	vadd.f32 v11, v8  }
0x153: {  	s16 =	sshra.s32 s16, $0x5;
	p2 =	sne.s32 s12, s10;
	s12 =	sadd.s32 s13, s15  }
0x154: {  	s10 =	sand.u32 $0x1F, s15;
	s17 =	sshra.s32 s17, $0x5;
	p5 =	sne.s32 s7, s14  }
0x155: {  	s7 =	sand.u32 $0xFFFFFFE0, s12;
	s14 =	sshll.u32 s10, $0x4;
	p3 =	por !p3, !p5  }
0x156: {  	s13 =	sshll.u32 s10, $0x9;
	p5 =	sne.s32 s15, s7;
	p3 =	por !p3, !p3  }
0x157: {  	s7 =	sshra.s32 s11, $0x1F;
	p4 =	por !p4, !p5;
	s20 =	simm.s32 @!p3 $0x0  }
0x158: {  	s12 =	sshra.s32 s12, $0x5;
	s15 =	sshll.u32 s18, $0x9;
	p3 =	por !p4, !p4  }
0x159: {  	s7 =	sshrl.u32 s7, $0x1B;
	s21 =	simm.s32 @!p3 $0x0;
	p3 =	slt.s32 s11, $0x1  }
0x15a: {  	p1 =	por !p1, !p2;
	s23 =	sadd.s32 s7, s11;
	s17 =	ssub.s32 s17, s20  }
0x15b: {  	s18 =	sshll.u32 s18, $0x4;
	s12 =	ssub.s32 s12, s21;
	s7 =	sld [smem:s17+$0x130]  }
0x15c: {  	s24 =	sand.u32 $0xFFFFFFE0, s23;
	s21 =	sshll.u32 s17, $0xB;
	s20 =	sshll.u32 s12, $0xB  }
0x15d: {  	p1 =	por !p1, !p1;
	s21 =	sshra.s32 s21, $0x2;
	s20 =	sshra.s32 s20, $0x2  }
.Ltmp6:
0x15e: {  	s21 =	sor.u32 s18, s21;
	s17 =	sshll.u32 s17, $0x6;
	(pc) =	sbr.rel @p0 .LBB2_8-.Ltmp6, $4  }
0x15f: {  	p2 =	sne.s32 s11, s24;
	s24 =	simm.s32 $0x1;
	s18 =	sshra.s32 s17, $0x2  }
0x160: {  	p2 =	por !p3, !p2;
	s24 =	simm.s32 @!p1 $0x0;
	s17 =	sshll.u32 s12, $0x6  }
0x161: {  	s23 =	sshra.s32 s23, $0x5;
	p1 =	por !p2, !p2;
	s16 =	ssub.s32 s16, s24  }
0x162: {  	s26 =	simm.s32 @!p1 $0x0;
	s25 =	sshll.u32 s16, $0xB;
	s24 =	sshll.u32 s16, $0x6  }
0x163: {  	s9 =	sshra.s32 s17, $0x2;
	s17 =	sand.u32 $0x1F, s11  }
0x164: {  	s20 =	sor.u32 s14, s20;
	s15 =	sadd.s32 s18, s15;
	s25 =	sshra.s32 s25, $0x2  }
0x165: {  	v10 =	vld [tilespmem:s21+$0x2000];
	s21 =	sshra.s32 s24, $0x2;
	p0 =	seq.s32 s22, $0x3F;
	s10 =	sld [smem:s10+$0x130]  }
0x166: {  	s13 =	sadd.s32 s9, s13;
	s14 =	sshll.u32 s17, $0x4;
	v11 =	vld [tilespmem:s20+$0x2000];
	s11 =	sshll.u32 s17, $0x9  }
0x167: {  	s9 =	ssub.s32 s23, s26;
	s26 =	sshll.u32 s8, $0x4;
	v12 =	vld [tilespmem:s13+$0x2000];
	s13 =	sshll.u32 s8, $0x9  }
0x168: {  	v13 =	vld [tilespmem:s15+$0x2000];
	s23 =	sshll.u32 s9, $0xB;
	s18 =	sor.u32 s26, s25;
	s25 =	sshll.u32 s9, $0x6  }
0x169: {  	s13 =	sadd.s32 s21, s13;
	s24 =	sshra.s32 s23, $0x2;
	v14 =	vld [tilespmem:s18+$0x2000];
	s26 =	sshra.s32 s25, $0x2  }
0x16a: {  	s6 =	sshrl.u32 @!p0 s6, $0x2;
	s14 =	sor.u32 s14, s24;
	v15 =	vld [tilespmem:s13+$0x2000];
	s11 =	sadd.s32 s26, s11  }
0x16b: {  	s13 =	sadd.s32 @!p0 $0x40, s6;
	s6 =	simm.s32 @!p0 $0x2000;
	v16 =	vld [tilespmem:s14+$0x2000];
	s14 =	simm.s32 @!p0 $0x20  }
0x16c: {  	v17 =	vld [tilespmem:s11+$0x2000];
	[tilespmem:s6], [sflag:$0x1] =	stream.indirect.gather @!p0 [hbm4b:s30+s14], $0x10, s13, s14, $0xb8  }
0x16d: {  	s11 =	rddreg [dreg:$0x6];
	s6 =	simm.s32 @!p0 $0x2200  }
0x16e: {  	[tilespmem:s6], [sflag:$0x1] =	stream.indirect.gather @!p0 [hbm4b:s11+s14], $0x10, s13, s14, $0xb8;
	[tilespmem:$0x84C0] =	vst v63  }
0x16f: {  	s6 =	simm.s32 @!p0 $0x2400;
	s11 =	rddreg [dreg:$0x7]  }
0x170: {  	[tilespmem:s6], [sflag:$0x1] =	stream.indirect.gather @!p0 [hbm4b:s11+s14], $0x10, s13, s14, $0xb8;
	[tilespmem:$0x84C0] =	vst v63  }
0x171: {  	s6 =	simm.s32 @!p0 $0x2600;
	s11 =	rddreg [dreg:$0x8]  }
0x172: {  	[tilespmem:s6], [sflag:$0x1] =	stream.indirect.gather @!p0 [hbm4b:s11+s14], $0x10, s13, s14, $0xb8;
	[tilespmem:$0x84C0] =	vst v63  }
0x173: {  	s6 =	simm.s32 @!p0 $0x2800;
	s11 =	rddreg [dreg:$0x9]  }
0x174: {  	[tilespmem:s6], [sflag:$0x1] =	stream.indirect.gather @!p0 [hbm4b:s11+s14], $0x10, s13, s14, $0xb8;
	[tilespmem:$0x84C0] =	vst v63  }
0x175: {  	s6 =	simm.s32 @!p0 $0x2A00;
	s11 =	rddreg [dreg:$0xa]  }
0x176: {  	[tilespmem:s6], [sflag:$0x1] =	stream.indirect.gather @!p0 [hbm4b:s11+s14], $0x10, s13, s14, $0xb8;
	[tilespmem:$0x84C0] =	vst v63  }
0x177: {  	s6 =	simm.s32 @!p0 $0x2C00;
	s11 =	rddreg [dreg:$0xb]  }
0x178: {  	[tilespmem:s6], [sflag:$0x1] =	stream.indirect.gather @!p0 [hbm4b:s11+s14], $0x10, s13, s14, $0xb8;
	[tilespmem:$0x84C0] =	vst v63  }
0x179: {  	s6 =	simm.s32 @!p0 $0x2E00;
	s11 =	rddreg [dreg:$0xc]  }
0x17a: {  	[tilespmem:s6], [sflag:$0x1] =	stream.indirect.gather @!p0 [hbm4b:s11+s14], $0x10, s13, s14, $0xb8;
	[tilespmem:$0x84C0] =	vst v63  }
0x17b: {  	s6 =	simm.s32 @!p0 $0x3000;
	s11 =	rddreg [dreg:$0xd]  }
0x17c: {  	[tilespmem:s6], [sflag:$0x1] =	stream.indirect.gather @!p0 [hbm4b:s11+s14], $0x10, s13, s14, $0xb8;
	[tilespmem:$0x84C0] =	vst v63  }
0x17d: {  	s6 =	simm.s32 @!p0 $0x3200;
	s11 =	rddreg [dreg:$0xe]  }
0x17e: {  	[tilespmem:s6], [sflag:$0x1] =	stream.indirect.gather @!p0 [hbm4b:s11+s14], $0x10, s13, s14, $0xb8;
	[tilespmem:$0x84C0] =	vst v63  }
0x17f: {  	s6 =	simm.s32 @!p0 $0x3400;
	s11 =	rddreg [dreg:$0xf]  }
0x180: {  	[tilespmem:s6], [sflag:$0x1] =	stream.indirect.gather @!p0 [hbm4b:s11+s14], $0x10, s13, s14, $0xb8;
	[tilespmem:$0x84C0] =	vst v63  }
0x181: {  	s6 =	simm.s32 @!p0 $0x3600;
	s11 =	rddreg [dreg:$0x10]  }
0x182: {  	[tilespmem:s6], [sflag:$0x1] =	stream.indirect.gather @!p0 [hbm4b:s11+s14], $0x10, s13, s14, $0xb8;
	[tilespmem:$0x84C0] =	vst v63  }
0x183: {  	s6 =	simm.s32 @!p0 $0x3800;
	s11 =	rddreg [dreg:$0x11]  }
0x184: {  	[tilespmem:s6], [sflag:$0x1] =	stream.indirect.gather @!p0 [hbm4b:s11+s14], $0x10, s13, s14, $0xb8;
	[tilespmem:$0x84C0] =	vst v63  }
0x185: {  	s6 =	simm.s32 @!p0 $0x3A00;
	s11 =	rddreg [dreg:$0x12]  }
0x186: {  	[tilespmem:s6], [sflag:$0x1] =	stream.indirect.gather @!p0 [hbm4b:s11+s14], $0x10, s13, s14, $0xb8;
	[tilespmem:$0x84C0] =	vst v63  }
0x187: {  	s6 =	simm.s32 @!p0 $0x3C00;
	s11 =	rddreg [dreg:$0x13]  }
0x188: {  	[tilespmem:s6], [sflag:$0x1] =	stream.indirect.gather @!p0 [hbm4b:s11+s14], $0x10, s13, s14, $0xb8;
	[tilespmem:$0x84C0] =	vst v63  }
0x189: {  	s6 =	simm.s32 @!p0 $0x3E00;
	s11 =	rddreg [dreg:$0x15]  }
0x18a: {  	[tilespmem:s6], [sflag:$0x1] =	stream.indirect.gather @!p0 [hbm4b:s11+s14], $0x10, s13, s14, $0xb8;
	[tilespmem:$0x84C0] =	vst v63  }
0x18b: {  	s6 =	simm.s32 @!p0 $0x4000;
	s11 =	rddreg [dreg:$0x16]  }
0x18c: {  	[tilespmem:s6], [sflag:$0x1] =	stream.indirect.gather @!p0 [hbm4b:s11+s14], $0x10, s13, s14, $0xb8;
	[tilespmem:$0x84C0] =	vst v63  }
0x18d: {  	s6 =	simm.s32 @!p0 $0x4200;
	s11 =	rddreg [dreg:$0x18]  }
0x18e: {  	[tilespmem:s6], [sflag:$0x1] =	stream.indirect.gather @!p0 [hbm4b:s11+s14], $0x10, s13, s14, $0xb8;
	[tilespmem:$0x84C0] =	vst v63  }
0x18f: {  	s6 =	simm.s32 @!p0 $0x4400;
	s11 =	rddreg [dreg:$0x19]  }
0x190: {  	[tilespmem:s6], [sflag:$0x1] =	stream.indirect.gather @!p0 [hbm4b:s11+s14], $0x10, s13, s14, $0xb8;
	[tilespmem:$0x84C0] =	vst v63  }
0x191: {  	s6 =	simm.s32 @!p0 $0x4600;
	s11 =	rddreg [dreg:$0x1a]  }
0x192: {  	[tilespmem:s6], [sflag:$0x1] =	stream.indirect.gather @!p0 [hbm4b:s11+s14], $0x10, s13, s14, $0xb8;
	[tilespmem:$0x84C0] =	vst v63  }
0x193: {  	s15 =	rddreg [dreg:$0x1b];
	s11 =	simm.s32 @!p0 $0x4800  }
0x194: {  	[tilespmem:s11], [sflag:$0x1] =	stream.indirect.gather @!p0 [hbm4b:s15+s14], $0x10, s13, s14, $0xb8;
	[tilespmem:$0x84C0] =	vst v63  }
0x195: {  	s11 =	sld [smem:s12+$0x130]  }
0x196: {  	s12 =	simm.s32 @!p0 $0x4A00;
	s15 =	rddreg [dreg:$0x1d]  }
0x197: {  	[tilespmem:s12], [sflag:$0x1] =	stream.indirect.gather @!p0 [hbm4b:s15+s14], $0x10, s13, s14, $0xb8;
	[tilespmem:$0x84C0] =	vst v63  }
0x198: {  	s12 =	simm.s32 @!p0 $0x4C00;
	s15 =	rddreg [dreg:$0x1e]  }
0x199: {  	[tilespmem:s12], [sflag:$0x1] =	stream.indirect.gather @!p0 [hbm4b:s15+s14], $0x10, s13, s14, $0xb8;
	[tilespmem:$0x84C0] =	vst v63  }
0x19a: {  	s9 =	sld [smem:s9+$0x130];
	s12 =	simm.s32 @!p0 $0x4E00  }
0x19b: {  	[tilespmem:s12], [sflag:$0x1] =	stream.indirect.gather @!p0 [hbm4b:s31+s14], $0x10, s13, s14, $0xb8;
	[tilespmem:$0x84C0] =	vst v63  }
0x19c: {  	s8 =	sld [smem:s8+$0x130];
	s12 =	simm.s32 @!p0 $0x5000  }
0x19d: {  	[tilespmem:s12], [sflag:$0x1] =	stream.indirect.gather @!p0 [hbm4b:s0+s14], $0x10, s13, s14, $0xb8;
	[tilespmem:$0x84C0] =	vst v63  }
0x19e: {  	s6 =	sld [smem:s16+$0x130];
	s15 =	simm.s32 @!p0 $0x8400  }
0x19f: {  	[tilespmem:s15], [sflag:$0x1] =	stream.indirect.gather @!p0 [hbm4b:s29+s14], $0x1, s13, s14, $0xb8;
	[tilespmem:$0x84C0] =	vst v63  }
0x1a0: {  	s12 =	sld [smem:s17+$0x130];
	_ =	swait.ge [sflag:s19], $0x200  }
0x1a1: {  	[sflag:s19] =	ssyncset.done $0x0  }
0x1a2: {  	[sflag:s19] =	ssyncadd.s32 $0xFFFFFE00  }
0x1a3: {  	_ =	swait.ge [sflag:s19], $0x200  }
0x1a4: {  	[sflag:s19] =	ssyncset.done $0x0  }
0x1a5: {  	[sflag:s19] =	ssyncadd.s32 $0xFFFFFE00  }
0x1a6: {  	_ =	swait.ge [sflag:s19], $0x200  }
0x1a7: {  	[sflag:s19] =	ssyncset.done $0x0  }
0x1a8: {  	[sflag:s19] =	ssyncadd.s32 $0xFFFFFE00  }
0x1a9: {  	_ =	swait.ge [sflag:s19], $0x200  }
0x1aa: {  	[sflag:s19] =	ssyncset.done $0x0  }
0x1ab: {  	[sflag:s19] =	ssyncadd.s32 $0xFFFFFE00  }
0x1ac: {  	_ =	swait.ge [sflag:s19], $0x200  }
0x1ad: {  	[sflag:s19] =	ssyncset.done $0x0  }
0x1ae: {  	[sflag:s19] =	ssyncadd.s32 $0xFFFFFE00  }
0x1af: {  	_ =	swait.ge [sflag:s19], $0x200  }
0x1b0: {  	[sflag:s19] =	ssyncset.done $0x0  }
0x1b1: {  	[sflag:s19] =	ssyncadd.s32 $0xFFFFFE00  }
0x1b2: {  	_ =	swait.ge [sflag:s19], $0x200  }
0x1b3: {  	[sflag:s19] =	ssyncset.done $0x0  }
0x1b4: {  	[sflag:s19] =	ssyncadd.s32 $0xFFFFFE00  }
0x1b5: {  	_ =	swait.ge [sflag:s19], $0x200  }
0x1b6: {  	[sflag:s19] =	ssyncset.done $0x0  }
0x1b7: {  	[sflag:s19] =	ssyncadd.s32 $0xFFFFFE00  }
0x1b8: {  	_ =	swait.ge [sflag:s19], $0x200  }
0x1b9: {  	[sflag:s19] =	ssyncset.done $0x0  }
0x1ba: {  	[sflag:s19] =	ssyncadd.s32 $0xFFFFFE00  }
0x1bb: {  	_ =	swait.ge [sflag:s19], $0x200  }
0x1bc: {  	[sflag:s19] =	ssyncset.done $0x0  }
0x1bd: {  	[sflag:s19] =	ssyncadd.s32 $0xFFFFFE00  }
0x1be: {  	_ =	swait.ge [sflag:s19], $0x200  }
0x1bf: {  	[sflag:s19] =	ssyncset.done $0x0  }
0x1c0: {  	[sflag:s19] =	ssyncadd.s32 $0xFFFFFE00  }
0x1c1: {  	_ =	swait.ge [sflag:s19], $0x200  }
0x1c2: {  	[sflag:s19] =	ssyncset.done $0x0  }
0x1c3: {  	[sflag:s19] =	ssyncadd.s32 $0xFFFFFE00  }
0x1c4: {  	_ =	swait.ge [sflag:s19], $0x200  }
0x1c5: {  	[sflag:s19] =	ssyncset.done $0x0  }
0x1c6: {  	[sflag:s19] =	ssyncadd.s32 $0xFFFFFE00  }
0x1c7: {  	_ =	swait.ge [sflag:s19], $0x200  }
0x1c8: {  	[sflag:s19] =	ssyncset.done $0x0  }
0x1c9: {  	[sflag:s19] =	ssyncadd.s32 $0xFFFFFE00  }
0x1ca: {  	_ =	swait.ge [sflag:s19], $0x200  }
0x1cb: {  	[sflag:s19] =	ssyncset.done $0x0  }
0x1cc: {  	[sflag:s19] =	ssyncadd.s32 $0xFFFFFE00  }
0x1cd: {  	_ =	swait.ge [sflag:s19], $0x200  }
0x1ce: {  	[sflag:s19] =	ssyncset.done $0x0  }
0x1cf: {  	[sflag:s19] =	ssyncadd.s32 $0xFFFFFE00  }
0x1d0: {  	_ =	swait.ge [sflag:s19], $0x200  }
0x1d1: {  	[sflag:s19] =	ssyncset.done $0x0  }
0x1d2: {  	[sflag:s19] =	ssyncadd.s32 $0xFFFFFE00  }
0x1d3: {  	_ =	swait.ge [sflag:s19], $0x200  }
0x1d4: {  	[sflag:s19] =	ssyncset.done $0x0  }
0x1d5: {  	[sflag:s19] =	ssyncadd.s32 $0xFFFFFE00  }
0x1d6: {  	_ =	swait.ge [sflag:s19], $0x200  }
0x1d7: {  	[sflag:s19] =	ssyncset.done $0x0  }
0x1d8: {  	[sflag:s19] =	ssyncadd.s32 $0xFFFFFE00  }
0x1d9: {  	_ =	swait.ge [sflag:s19], $0x200  }
0x1da: {  	[sflag:s19] =	ssyncset.done $0x0  }
0x1db: {  	[sflag:s19] =	ssyncadd.s32 $0xFFFFFE00  }
0x1dc: {  	_ =	swait.ge [sflag:s19], $0x200  }
0x1dd: {  	[sflag:s19] =	ssyncset.done $0x0  }
0x1de: {  	[sflag:s19] =	ssyncadd.s32 $0xFFFFFE00  }
0x1df: {  	_ =	swait.ge [sflag:s19], $0x200  }
0x1e0: {  	[sflag:s19] =	ssyncset.done $0x0  }
0x1e1: {  	[sflag:s19] =	ssyncadd.s32 $0xFFFFFE00  }
0x1e2: {  	_ =	swait.ge [sflag:s19], $0x200  }
0x1e3: {  	[sflag:s19] =	ssyncset.done $0x0  }
0x1e4: {  	[sflag:s19] =	ssyncadd.s32 $0xFFFFFE00  }
0x1e5: {  	_ =	swait.ge [sflag:s19], $0x200  }
0x1e6: {  	[sflag:s19] =	ssyncset.done $0x0  }
0x1e7: {  	[sflag:s19] =	ssyncadd.s32 $0xFFFFFE00  }
0x1e8: {  	_ =	swait.ge [sflag:s19], $0x200  }
0x1e9: {  	[sflag:s19] =	ssyncset.done $0x0  }
0x1ea: {  	[sflag:s19] =	ssyncadd.s32 $0xFFFFFE00  }
0x1eb: {  	_ =	swait.ge [sflag:s19], $0x20  }
0x1ec: {  	[sflag:s19] =	ssyncset.done $0x0  }
0x1ed: {  	[sflag:s19] =	ssyncadd.s32 $0xFFFFFFE0  }
0x1ee: {  	v18 =	vld [tilespmem:s4+$0x1000];
	_ =	sdelay $0x4  }
0x1ef: {  	(v2sf) =	vpush v18, $0x0  }
0x1f0: {  	(v2sf) =	vpush v18, $0x1  }
0x1f1: {  	(v2sf) =	vpush v18, $0x2  }
0x1f2: {  	(v2sf) =	vpush v18, $0x3  }
0x1f3: {  	(v2sf) =	vpush v18, $0x4  }
0x1f4: {  	(v2sf) =	vpush v18, $0x5  }
0x1f5: {  	(v2sf) =	vpush v18, $0x6  }
0x1f6: {  	(v2sf) =	vpush v18, $0x7  }
0x1f7: {  	(v2sf) =	vpush v18, $0x8  }
0x1f8: {  	(v2sf) =	vpush v18, $0x9  }
0x1f9: {  	(v2sf) =	vpush v18, $0xA  }
0x1fa: {  	v19 =	vld [tilespmem:s4+$0x1010];
	(v2sf) =	vpush v18, $0xB  }
0x1fb: {  	(v2sf) =	vpush v18, $0xC  }
0x1fc: {  	(v2sf) =	vpush v18, $0xD  }
0x1fd: {  	s5 =	smul.f32 s5, s7;
	(v2sf) =	vpush v18, $0xE  }
0x1fe: {  	s6 =	smul.f32 s8, s6;
	s13 =	spop (v2sf);
	(v2sf) =	vpush v18, $0xF  }
0x1ff: {  	s10 =	smul.f32 s10, s11;
	s14 =	spop (v2sf);
	(v2sf) =	vpush v19, $0x0  }
0x200: {  	[smem:$0x130] =	sst s13;
	s15 =	spop (v2sf);
	(v2sf) =	vpush v19, $0x1  }
0x201: {  	[smem:$0x131] =	sst s14;
	s16 =	spop (v2sf);
	(v2sf) =	vpush v19, $0x2  }
0x202: {  	[smem:$0x132] =	sst s15;
	s17 =	spop (v2sf);
	(v2sf) =	vpush v19, $0x3  }
0x203: {  	[smem:$0x133] =	sst s16;
	s18 =	spop (v2sf)  }
0x204: {  	(v2sf) =	vpush v19, $0x4;
	[smem:$0x134] =	sst s17;
	s20 =	spop (v2sf)  }
0x205: {  	(v2sf) =	vpush v19, $0x5;
	[smem:$0x135] =	sst s18;
	s21 =	spop (v2sf)  }
0x206: {  	(v2sf) =	vpush v19, $0x6;
	[smem:$0x136] =	sst s20;
	s23 =	spop (v2sf)  }
0x207: {  	(v2sf) =	vpush v19, $0x7;
	[smem:$0x137] =	sst s21;
	s24 =	spop (v2sf)  }
0x208: {  	s25 =	smov.u32 s29;
	(v2sf) =	vpush v19, $0x8;
	[smem:$0x138] =	sst s23;
	s29 =	spop (v2sf)  }
0x209: {  	s26 =	smov.u32 s30;
	[smem:$0x139] =	sst s24;
	(v2sf) =	vpush v19, $0x9;
	s30 =	spop (v2sf)  }
0x20a: {  	[smem:$0x13A] =	sst s29;
	s18 =	spop (v2sf)  }
0x20b: {  	[smem:$0x13B] =	sst s30;
	s20 =	spop (v2sf)  }
0x20c: {  	[smem:$0x13C] =	sst s18;
	s21 =	spop (v2sf)  }
0x20d: {  	[smem:$0x13D] =	sst s20;
	s23 =	spop (v2sf)  }
0x20e: {  	[smem:$0x13E] =	sst s21;
	s24 =	spop (v2sf)  }
0x20f: {  	[smem:$0x13F] =	sst s23;
	s29 =	spop (v2sf)  }
0x210: {  	[smem:$0x140] =	sst s24;
	s30 =	spop (v2sf)  }
0x211: {  	[smem:$0x141] =	sst s29;
	s18 =	spop (v2sf)  }
0x212: {  	[smem:$0x142] =	sst s30;
	s30 =	smul.f32 s12, s9  }
0x213: {  	s20 =	spop (v2sf);
	[smem:$0x143] =	sst s18  }
0x214: {  	s21 =	spop (v2sf);
	[smem:$0x144] =	sst s20  }
0x215: {  	s23 =	spop (v2sf);
	[smem:$0x145] =	sst s21  }
0x216: {  	s24 =	spop (v2sf);
	[smem:$0x146] =	sst s23  }
0x217: {  	v10 =	vmul.f32 v13, v10;
	v60 =	vmul.f32 v15, v14;
	s29 =	spop (v2sf);
	[smem:$0x147] =	sst s24  }
0x218: {  	v11 =	vmul.f32 v12, v11;
	v61 =	vmul.f32 v17, v16;
	[smem:$0x148] =	sst s29;
	s8 =	spop (v2sf)  }
0x219: {  	v10 =	vmul.f32 s5, v10;
	v12 =	vmul.f32 s6, v60;
	v62 =	vld [tilespmem:$0x8420];
	[smem:$0x149] =	sst s8  }
0x21a: {  	v11 =	vmul.f32 s10, v11;
	v63 =	vld [tilespmem:$0x8430];
	v13 =	vmul.f32 s30, v61;
	s9 =	sld [smem:$0x3]  }
0x21b: {  	v9 =	vadd.f32 v10, v9;
	v7 =	vadd.f32 v12, v7;
	s10 =	sld [smem:$0x2]  }
0x21c: {  	v6 =	vadd.f32 v11, v6;
	v8 =	vadd.f32 v13, v8;
	s12 =	sld [smem:$0x0]  }
0x21d: {  	s4 =	simm.s32 $0x10;
	s14 =	sand.u32 $0xE, s1;
	s7 =	sld [smem:$0x1]  }
0x21e: {  	v7 =	vadd.f32 v7, v9;
	v6 =	vadd.f32 v8, v6;
	s15 =	sshra.s32 s9, $0x1F;
	p0 =	slt.s32 s9, $0x1;
	s5 =	sand.u32 $0x1F, s9  }
0x21f: {  	s16 =	sshra.s32 s10, $0x1F;
	s17 =	sshrl.u32 s15, $0x1B;
	p2 =	slt.s32 s10, $0x1  }
0x220: {  	v6 =	vadd.f32 v7, v6;
	s6 =	sshrl.u32 s16, $0x1B;
	s15 =	sadd.s32 s17, s9;
	s16 =	sand.u32 $0x1F, s10  }
0x221: {  	s20 =	sshra.s32 s12, $0x1F;
	p3 =	slt.s32 s12, $0x1;
	s8 =	sand.u32 $0x1F, s12  }
0x222: {  	v7 =	vperm.xlane v6, v0;
	s18 =	sadd.s32 s6, s10;
	s11 =	sand.u32 $0xFFFFFFE0, s15;
	s6 =	sld [smem:s16+$0x130]  }
0x223: {  	s13 =	sshrl.u32 s20, $0x1B;
	s24 =	sshra.s32 s7, $0x1F;
	s20 =	simm.s32 $0x1  }
0x224: {  	v6 =	vadd.f32 v7, v6;
	p5 =	slt.s32 s7, $0x1;
	s21 =	sand.u32 $0xFFFFFFE0, s18;
	p1 =	sne.s32 s9, s11  }
0x225: {  	s13 =	sadd.s32 s13, s12;
	s11 =	sshll.u32 s8, $0x4;
	s9 =	simm.s32 $0x1  }
0x226: {  	v7 =	vperm.xlane v6, v1;
	s29 =	sshra.s32 s18, $0x5;
	s17 =	sshrl.u32 s24, $0x1B;
	p4 =	sne.s32 s10, s21  }
0x227: {  	s23 =	sand.u32 $0xFFFFFFE0, s13;
	s10 =	sshll.u32 s8, $0x9;
	s13 =	sshra.s32 s13, $0x5  }
0x228: {  	v6 =	vadd.f32 v7, v6;
	s21 =	sadd.s32 s17, s7;
	p0 =	por !p0, !p1;
	p2 =	por !p2, !p4  }
0x229: {  	p6 =	sne.s32 s12, s23;
	s12 =	sshll.u32 s16, $0x9;
	s24 =	sand.u32 $0xFFFFFFE0, s21  }
0x22a: {  	s16 =	sshll.u32 s16, $0x4;
	p2 =	por !p2, !p2;
	p3 =	por !p3, !p6;
	v7 =	vperm.xlane v6, v2  }
0x22b: {  	p6 =	sne.s32 s7, s24;
	s9 =	simm.s32 @!p2 $0x0;
	p2 =	por !p3, !p3  }
0x22c: {  	p0 =	por !p0, !p0;
	p1 =	por !p5, !p6;
	s20 =	simm.s32 @!p2 $0x0;
	v6 =	vadd.f32 v7, v6  }
0x22d: {  	s18 =	ssub.s32 s29, s9;
	s29 =	sshra.s32 s15, $0x5;
	s13 =	ssub.s32 s13, s20  }
0x22e: {  	s9 =	sld [smem:s18+$0x130];
	s23 =	sshll.u32 s18, $0xB;
	s30 =	sshll.u32 s13, $0xB;
	v7 =	vperm.xlane v6, v3  }
0x22f: {  	s20 =	sshra.s32 s23, $0x2;
	s23 =	sshll.u32 s13, $0x6;
	s17 =	sshra.s32 s30, $0x2  }
0x230: {  	s30 =	sshll.u32 s18, $0x6;
	s16 =	sor.u32 s16, s20;
	s18 =	simm.s32 $0x1;
	v6 =	vadd.f32 v7, v6;
	v7 =	vmov s14  }
0x231: {  	v9 =	vmul.f32 v63, v19;
	v8 =	vmul.f32 v62, v18;
	s15 =	sshra.s32 s30, $0x2;
	s18 =	simm.s32 @!p0 $0x0;
	s14 =	sshra.s32 s21, $0x5;
	vm0 =	veq.s32 v7, v4  }
0x232: {  	p0 =	por !p1, !p1;
	s21 =	simm.s32 $0x1;
	s24 =	ssub.s32 s29, s18;
	v7 =	vimm.f32 $0.0e+00;
	v5 =	vsel vm0, v6, v5  }
0x233: {  	s21 =	simm.s32 @!p0 $0x0;
	v6 =	vadd.f32 v9, v8;
	s20 =	sshll.u32 s24, $0xB;
	s18 =	sshll.u32 s24, $0x6;
	v8 =	vimm.f32 $0.0e+00;
	v9 =	vimm.f32 $0.0e+00  }
.LBB2_10:
0x234: {  	s11 =	sor.u32 s11, s17  }
0x235: {  	s17 =	sshra.s32 s23, $0x2;
	v10 =	vld [tilespmem:s16+$0x5200];
	s16 =	sld [smem:s24+$0x130];
	s23 =	smov.u32 s4  }
0x236: {  	s7 =	sand.u32 $0x1F, s7;
	v11 =	vld [tilespmem:s11+$0x5200];
	s10 =	sadd.s32 s17, s10;
	s11 =	sld [smem:s13+$0x130]  }
0x237: {  	s12 =	sadd.s32 s15, s12;
	s13 =	sshll.u32 s7, $0x9;
	v12 =	vld [tilespmem:s10+$0x5200];
	s10 =	sshll.u32 s7, $0x4  }
0x238: {  	s14 =	ssub.s32 s14, s21;
	s8 =	sld [smem:s8+$0x130];
	v13 =	vld [tilespmem:s12+$0x5200];
	s12 =	sshll.u32 s5, $0x9  }
0x239: {  	s15 =	sshra.s32 s20, $0x2;
	s18 =	sshra.s32 s18, $0x2;
	s17 =	sshll.u32 s5, $0x4  }
0x23a: {  	s20 =	sshll.u32 s14, $0xB;
	s15 =	sor.u32 s17, s15;
	s12 =	sadd.s32 s18, s12  }
0x23b: {  	s17 =	sshra.s32 s20, $0x2;
	s18 =	sshll.u32 s14, $0x6;
	s14 =	sld [smem:s14+$0x130];
	v14 =	vld [tilespmem:s15+$0x5200]  }
0x23c: {  	s10 =	sor.u32 s10, s17;
	s8 =	smul.f32 s8, s11;
	s11 =	sshra.s32 s18, $0x2;
	v11 =	vmul.f32 v12, v11;
	v12 =	vld [tilespmem:s12+$0x5200]  }
0x23d: {  	s6 =	smul.f32 s6, s9;
	v15 =	vld [tilespmem:s10+$0x5200];
	s10 =	sadd.s32 s11, s13;
	v10 =	vmul.f32 v13, v10;
	s5 =	sld [smem:s5+$0x130]  }
0x23e: {  	p0 =	sne.s32 s4, $0x4A0;
	s4 =	sadd.s32 $0x10, s4;
	v11 =	vmul.f32 s8, v11;
	v13 =	vld [tilespmem:s10+$0x5200];
	s7 =	sld [smem:s7+$0x130]  }
0x23f: {  	s8 =	sshra.s32 s23, $0x2;
	v10 =	vmul.f32 s6, v10  }
0x240: {  	s9 =	sld [smem:s8+$0x3];
	v6 =	vadd.f32 v11, v6;
	s6 =	smul.f32 s5, s16  }
0x241: {  	s10 =	sld [smem:s8+$0x2];
	s11 =	smul.f32 s7, s14;
	v7 =	vadd.f32 v10, v7  }
0x242: {  	s17 =	simm.s32 $0x1;
	s18 =	simm.s32 $0x1;
	v10 =	vmul.f32 v12, v14;
	s12 =	sld [smem:s8+$0x0]  }
0x243: {  	s7 =	sld [smem:s8+$0x1];
	s5 =	sshra.s32 s9, $0x1F;
	p1 =	slt.s32 s9, $0x1  }
0x244: {  	v11 =	vmul.f32 v13, v15;
	s8 =	sshra.s32 s10, $0x1F;
	s13 =	sshrl.u32 s5, $0x1B;
	s5 =	sand.u32 $0x1F, s9  }
0x245: {  	v10 =	vmul.f32 s6, v10;
	p3 =	slt.s32 s10, $0x1;
	s15 =	sand.u32 $0x1F, s10;
	s6 =	sshrl.u32 s8, $0x1B  }
0x246: {  	s14 =	sadd.s32 s13, s9;
	v11 =	vmul.f32 s11, v11;
	s11 =	sshra.s32 s12, $0x1F;
	p4 =	slt.s32 s12, $0x1  }
0x247: {  	v8 =	vadd.f32 v10, v8;
	s13 =	sadd.s32 s6, s10;
	s8 =	sand.u32 $0xFFFFFFE0, s14;
	s11 =	sshrl.u32 s11, $0x1B  }
0x248: {  	s24 =	sshra.s32 s14, $0x5;
	s16 =	sand.u32 $0xFFFFFFE0, s13;
	s6 =	sld [smem:s15+$0x130];
	v9 =	vadd.f32 v11, v9  }
0x249: {  	p2 =	sne.s32 s9, s8;
	s9 =	sadd.s32 s11, s12;
	s8 =	sand.u32 $0x1F, s12  }
0x24a: {  	s13 =	sshra.s32 s13, $0x5;
	p5 =	sne.s32 s10, s16;
	s10 =	sand.u32 $0xFFFFFFE0, s9  }
0x24b: {  	s11 =	sshll.u32 s8, $0x4;
	s16 =	sshra.s32 s7, $0x1F;
	p3 =	por !p3, !p5  }
0x24c: {  	p5 =	sne.s32 s12, s10;
	s10 =	sshll.u32 s8, $0x9;
	p3 =	por !p3, !p3  }
0x24d: {  	s9 =	sshra.s32 s9, $0x5;
	p4 =	por !p4, !p5;
	s17 =	simm.s32 @!p3 $0x0  }
0x24e: {  	p1 =	por !p1, !p2;
	s12 =	sshll.u32 s15, $0x9;
	p3 =	por !p4, !p4  }
0x24f: {  	s16 =	sshrl.u32 s16, $0x1B;
	s18 =	simm.s32 @!p3 $0x0;
	p3 =	slt.s32 s7, $0x1  }
0x250: {  	s15 =	sshll.u32 s15, $0x4;
	s20 =	sadd.s32 s16, s7;
	s21 =	ssub.s32 s13, s17  }
0x251: {  	p1 =	por !p1, !p1;
	s13 =	ssub.s32 s9, s18;
	s9 =	sld [smem:s21+$0x130]  }
0x252: {  	s18 =	sand.u32 $0xFFFFFFE0, s20;
	s17 =	sshll.u32 s21, $0xB;
	s16 =	sshll.u32 s13, $0xB  }
0x253: {  	s14 =	sshll.u32 s21, $0x6;
	s23 =	sshra.s32 s17, $0x2;
	p2 =	sne.s32 s7, s18  }
.Ltmp7:
0x254: {  	s17 =	sshra.s32 s16, $0x2;
	s16 =	sor.u32 s15, s23;
	(pc) =	sbr.rel @p0 .LBB2_10-.Ltmp7, $4  }
0x255: {  	s18 =	simm.s32 $0x1;
	s15 =	sshra.s32 s14, $0x2;
	s23 =	sshll.u32 s13, $0x6  }
0x256: {  	p2 =	por !p3, !p2;
	s18 =	simm.s32 @!p1 $0x0;
	s14 =	sshra.s32 s20, $0x5  }
0x257: {  	p1 =	por !p2, !p2;
	s24 =	ssub.s32 s24, s18;
	s21 =	simm.s32 $0x1  }
0x258: {  	s21 =	simm.s32 @!p1 $0x0;
	s20 =	sshll.u32 s24, $0xB;
	s18 =	sshll.u32 s24, $0x6  }
0x259: {  	s4 =	sor.u32 s11, s17;
	s30 =	sshra.s32 s23, $0x2;
	s17 =	sld [smem:s24+$0x130]  }
0x25a: {  	v10 =	vld [tilespmem:s16+$0x5200];
	s11 =	sld [smem:s13+$0x130];
	s7 =	sand.u32 $0x1F, s7;
	s12 =	sadd.s32 s15, s12  }
0x25b: {  	s13 =	ssub.s32 s14, s21;
	s21 =	sshll.u32 s5, $0x9;
	s23 =	sshra.s32 s20, $0x2;
	v11 =	vld [tilespmem:s4+$0x5200]  }
0x25c: {  	s24 =	sshll.u32 s5, $0x4;
	s29 =	sshra.s32 s18, $0x2;
	s10 =	sadd.s32 s30, s10;
	v13 =	vld [tilespmem:s12+$0x5200]  }
0x25d: {  	s4 =	sshll.u32 s7, $0x4;
	s30 =	sshll.u32 s13, $0xB;
	s14 =	sor.u32 s24, s23;
	v12 =	vld [tilespmem:s10+$0x5200]  }
0x25e: {  	s16 =	sshll.u32 s13, $0x6;
	s10 =	sadd.s32 s29, s21;
	s15 =	sshra.s32 s30, $0x2;
	v14 =	vld [tilespmem:s14+$0x5200]  }
0x25f: {  	s18 =	sshll.u32 s7, $0x9;
	s20 =	sshra.s32 s16, $0x2;
	s4 =	sor.u32 s4, s15;
	v15 =	vld [tilespmem:s10+$0x5200]  }
0x260: {  	s8 =	sld [smem:s8+$0x130];
	s21 =	sadd.s32 s20, s18;
	v16 =	vld [tilespmem:s4+$0x5200]  }
0x261: {  	s23 =	sld [smem:s13+$0x130];
	v17 =	vld [tilespmem:s21+$0x5200]  }
0x262: {  	s24 =	sld [smem:s5+$0x130]  }
0x263: {  	s6 =	smul.f32 s6, s9;
	s7 =	sld [smem:s7+$0x130]  }
0x264: {  	s29 =	smul.f32 s8, s11  }
0x265: {  	s4 =	smul.f32 s24, s17;
	v10 =	vmul.f32 v13, v10;
	v11 =	vmul.f32 v12, v11  }
0x266: {  	s7 =	smul.f32 s7, s23;
	v62 =	vmul.f32 v15, v14;
	v63 =	vmul.f32 v17, v16  }
0x267: {  	v10 =	vmul.f32 s6, v10;
	v11 =	vmul.f32 s29, v11  }
0x268: {  	v12 =	vmul.f32 s4, v62;
	v13 =	vmul.f32 s7, v63  }
0x269: {  	v7 =	vadd.f32 v10, v7;
	v6 =	vadd.f32 v11, v6  }
0x26a: {  	v8 =	vadd.f32 v12, v8;
	v9 =	vadd.f32 v13, v9;
	_ =	sdelay $0x1  }
0x26b: {  	v7 =	vadd.f32 v8, v7;
	v6 =	vadd.f32 v9, v6;
	_ =	sdelay $0x1  }
0x26c: {  	v6 =	vadd.f32 v7, v6;
	_ =	sdelay $0x1  }
0x26d: {  	v7 =	vperm.xlane v6, v0;
	_ =	sdelay $0x1  }
0x26e: {  	v6 =	vadd.f32 v7, v6;
	_ =	sdelay $0x1  }
0x26f: {  	v7 =	vperm.xlane v6, v1;
	_ =	sdelay $0x1  }
0x270: {  	v6 =	vadd.f32 v7, v6;
	_ =	sdelay $0x1  }
0x271: {  	v7 =	vperm.xlane v6, v2;
	_ =	sdelay $0x1  }
0x272: {  	v6 =	vadd.f32 v7, v6  }
0x273: {  	s22 =	sadd.s32 $0x1, s22  }
0x274: {  	p1 =	sne.s32 s22, $0x40;
	v7 =	vperm.xlane v6, v3  }
.Ltmp8:
0x275: {  	s30 =	sand.u32 $0xF, s28;
	(pc) =	sbr.rel @p1 .LBB2_7-.Ltmp8, $4  }
0x276: {  	v6 =	vadd.f32 v7, v6;
	v7 =	vmov s30  }
0x277: {  	vm0 =	veq.s32 v7, v4  }
0x278: {  	p0 =	sne.s32 s30, $0xF;
	v5 =	vsel vm0, v6, v5  }
0x279: {  	[tilespmem:s1+$0x8432] =	vst @!p0 v5;
	v5 =	vpsel !p0, $0x0, v5  }
0x27a: {  	v5 =	vld [tilespmem:$0x8440];
	_ =	sdelay $0x4  }
0x27b: {  	v5 =	vsub.f32 $0.0e+00, v5;
	_ =	sdelay $0x1  }
0x27c: {  	v5 =	vmul.f32 $1.442695020e+00, v5;
	_ =	sdelay $0x1  }
0x27d: {  	(erf) = vpow2.f32 v5;
	_ =	sdelay $0x3  }
0x27e: {  	v5 =	vld [tilespmem:$0x8450];
	_ =	sdelay $0x4  }
0x27f: {  	v5 =	vsub.f32 $0.0e+00, v5;
	v6 =	vpop (erf)  }
0x280: {  	v6 =	vadd.f32 $1.000000000e+00, v6  }
0x281: {  	v5 =	vmul.f32 $1.442695020e+00, v5  }
0x282: {  	(erf) = vrcp.f32 v6  }
0x283: {  	(erf) = vpow2.f32 v5;
	_ =	sdelay $0x3  }
0x284: {  	v5 =	vld [tilespmem:$0x8460];
	_ =	sdelay $0x3  }
0x285: {  	v6 =	vpop (erf)  }
0x286: {  	v5 =	vsub.f32 $0.0e+00, v5;
	v7 =	vpop (erf)  }
0x287: {  	v7 =	vadd.f32 $1.000000000e+00, v7  }
0x288: {  	v5 =	vmul.f32 $1.442695020e+00, v5  }
0x289: {  	(erf) = vrcp.f32 v7  }
0x28a: {  	(erf) = vpow2.f32 v5;
	_ =	sdelay $0x3  }
0x28b: {  	v5 =	vld [tilespmem:$0x8470];
	_ =	sdelay $0x3  }
0x28c: {  	v7 =	vpop (erf)  }
0x28d: {  	v5 =	vsub.f32 $0.0e+00, v5;
	v8 =	vpop (erf)  }
0x28e: {  	v8 =	vadd.f32 $1.000000000e+00, v8  }
0x28f: {  	v5 =	vmul.f32 $1.442695020e+00, v5  }
0x290: {  	(erf) = vrcp.f32 v8  }
0x291: {  	(erf) = vpow2.f32 v5;
	_ =	sdelay $0x3  }
0x292: {  	v5 =	vld [tilespmem:$0x8480];
	_ =	sdelay $0x3  }
0x293: {  	v8 =	vpop (erf)  }
0x294: {  	v5 =	vsub.f32 $0.0e+00, v5;
	v9 =	vpop (erf)  }
0x295: {  	v9 =	vadd.f32 $1.000000000e+00, v9  }
0x296: {  	v5 =	vmul.f32 $1.442695020e+00, v5  }
0x297: {  	(erf) = vrcp.f32 v9  }
0x298: {  	(erf) = vpow2.f32 v5;
	_ =	sdelay $0x3  }
0x299: {  	v5 =	vld [tilespmem:$0x8490];
	_ =	sdelay $0x3  }
0x29a: {  	v9 =	vpop (erf)  }
0x29b: {  	v5 =	vsub.f32 $0.0e+00, v5;
	v10 =	vpop (erf)  }
0x29c: {  	v10 =	vadd.f32 $1.000000000e+00, v10  }
0x29d: {  	v5 =	vmul.f32 $1.442695020e+00, v5  }
0x29e: {  	(erf) = vrcp.f32 v10  }
0x29f: {  	(erf) = vpow2.f32 v5;
	_ =	sdelay $0x3  }
0x2a0: {  	v5 =	vld [tilespmem:$0x84A0];
	_ =	sdelay $0x3  }
0x2a1: {  	v10 =	vpop (erf)  }
0x2a2: {  	v5 =	vsub.f32 $0.0e+00, v5;
	v11 =	vpop (erf)  }
0x2a3: {  	v11 =	vadd.f32 $1.000000000e+00, v11  }
0x2a4: {  	v5 =	vmul.f32 $1.442695020e+00, v5  }
0x2a5: {  	(erf) = vrcp.f32 v11  }
0x2a6: {  	(erf) = vpow2.f32 v5;
	_ =	sdelay $0x3  }
0x2a7: {  	v5 =	vld [tilespmem:$0x84B0];
	_ =	sdelay $0x3  }
0x2a8: {  	v11 =	vpop (erf)  }
0x2a9: {  	v5 =	vsub.f32 $0.0e+00, v5;
	v12 =	vpop (erf)  }
0x2aa: {  	v12 =	vadd.f32 $1.000000000e+00, v12  }
0x2ab: {  	v5 =	vmul.f32 $1.442695020e+00, v5  }
0x2ac: {  	(erf) = vrcp.f32 v12  }
0x2ad: {  	(erf) = vpow2.f32 v5;
	_ =	sdelay $0x7  }
0x2ae: {  	v5 =	vpop (erf)  }
0x2af: {  	v63 =	vpop (erf)  }
0x2b0: {  	v12 =	vadd.f32 $1.000000000e+00, v63;
	_ =	sdelay $0x1  }
0x2b1: {  	(erf) = vrcp.f32 v12;
	_ =	sdelay $0x2  }
0x2b2: {  	[tilespmem:$0x8440] =	vst v6  }
0x2b3: {  	[tilespmem:$0x8450] =	vst v7  }
0x2b4: {  	[tilespmem:$0x8460] =	vst v8  }
0x2b5: {  	[tilespmem:$0x8470] =	vst v9  }
0x2b6: {  	[tilespmem:$0x8480] =	vst v10  }
0x2b7: {  	[tilespmem:$0x8490] =	vst v11  }
0x2b8: {  	s7 =	simm.s32 $0x0;
	[tilespmem:$0x84A0] =	vst v5;
	v5 =	vpop (erf)  }
0x2b9: {  	s1 =	rddreg [dreg:$0x1c];
	s4 =	simm.s32 $0x8440;
	s5 =	simm.s32 $0x3;
	[tilespmem:$0x84B0] =	vst v5  }
0x2ba: {  	[hbm4b:s1+s7] =	stream.linear.scatter [tilespmem:s4], [sflag:$0x3], $0x80, $0x38;
	[tilespmem:$0x84C0] =	vst v63  }
0x2bb: {  	_ =	swait.ge [sflag:s5], $0x80  }
0x2bc: {  	s29 =	sld [smem:$0x7FD];
	_ =	sdelay $0x2  }
0x2bd: {  	s30 =	rddreg [dreg:$0x1f];
	s4 =	sadd.s32 $0x1, s29  }
0x2be: {  	p0 =	sne.s32 s4, s30  }
.Ltmp9:
0x2bf: {  	_ = 	snop;
	(pc) =	sbr.rel @p0 .LBB2_1-.Ltmp9, $3  }
0x2c0: {  	_ =	sdelay $0x1  }
0x2c1: {  	[sflag:s5] =	ssyncset.done $0x0  }
0x2c2: {  	[sflag:s5] =	ssyncadd.s32 $0xFFFFFF80  }
0x2c3: {  	_ =	sfence.sel $0x180000  }
0x2c4: {  	[bflag:$0x0] =	sbarrier.arrive $0xFFFF  }
0x2c5: {  	_ =	strace $0x90000047  }
0x2c6: {  	s0 =	stileid.u32;
	[bflag:$0x2] =	sbarrier.arrive $0xFFFF  }
0x2c7: {  	p0 =	sne.s32 s0, $0x0;
	s0 =	rddreg [dreg:$0x5]  }
0x2c8: {  	s0 =	sadd.s32 @!p0 $0x100000, s0  }
0x2c9: {  	[sflag:s0] =	ssyncadd.tile.s32 @!p0 $0x1;
	_ =	shalt  }
.Lfunc_end2:
_tile_overlayer_lowered:
.L_overlay_start_2:
0x2ca: {  	(tag) =	ssettag $0x2  }
0x2cb: {  	s0 =	rddreg [dreg:$0x0];
	s2 =	stileid.u32  }
0x2cc: {  	s1 =	rddreg [dreg:$0x1];
	p0 =	sne.s32 s2, $0x0  }
0x2cd: {  	s3 =	rddreg [dreg:$0x2];
	[bflag:$0x3] =	sbarrier.arrive $0xFFFF;
	s2 =	simm.s32 @!p0 $0x1C03  }
0x2ce: {  	[timem:s3], [sflag:s2] =	dma.local @!p0 [hbm:s0], s1  }
0x2cf: {  	s0 =	simm.s32 @!p0 $0x3  }
0x2d0: {  	_ =	swait.ge @!p0 [sflag:s0], s1  }
0x2d1: {  	s1 =	ssub.s32 @!p0 $0x0, s1;
	[sflag:s0] =	ssyncset.done @!p0 $0x0  }
0x2d2: {  	[sflag:s0] =	ssyncadd.s32 @!p0 s1  }
0x2d3: {  	[bflag:$0x3] =	sbarrier.arrive $0xFFFF  }
0x2d4: {  	_ =	shalt  }

</sc_bundles>
